<compile_context>
chip_gen: v7x
topology: tpu7x:2x2x1
jax: 0.10.2.dev20260603
libtpu: 0.0.44.dev20260713+nightly
codegen_flags: <defaults>
</compile_context>

<pallas_src>
import dataclasses
import functools

import jax
import jax.numpy as jnp
from jax import lax
from jax.experimental import pallas as pl
from jax.experimental.pallas import tpu as pltpu
from jax.experimental.pallas import tpu_sc as plsc

N = 10000
E = 320000
D = 128
HEADS = 8
OC = 16
ETE = 10
EAE = 50
STEPS = 6
NEG = 0.2

NC = 2
NS = 16
NW = NC * NS
NPT = 320
NPL = 20
NPAD = NW * NPT
W = 32
L = 16
WB = W * L

SLOT = 21
NPS = L * SLOT

NEGBIG = -3.0e38


def _full(v):
    return jnp.full((L,), v, dtype=jnp.int32)


def _edge_kernel_body(nf32_hbm, nf8t_hbm, dst_hbm, src_hbm, et_hbm, ea_hbm,
                      lest_hbm, lcnt_hbm, tab_hbm, out_hbm,
                      lest_v, lcnt_v, tab_v, ai8_v, amax_v, den_v, acc_v,
                      ibuf, dst_b, src_b, et_b, ea_b, g2_c):
    wid = lax.axis_index("s") * NC + lax.axis_index("c")
    pltpu.sync_copy(lest_hbm, lest_v)
    pltpu.sync_copy(lcnt_hbm, lcnt_v)
    pltpu.sync_copy(tab_hbm, tab_v)
    lanes = lax.iota(jnp.int32, L)
    lo_v = lest_v[pl.ds(wid * L, L)]
    cnt = lcnt_v[pl.ds(wid * L, L)]
    maxcnt = jnp.max(cnt)
    nwin = (maxcnt + W - 1) // W
    cvec = tab_v[pl.ds(24, L)]
    dpvec = tab_v[pl.ds(40, L)]
    dnvec = tab_v[pl.ds(56, L)]
    n_lo = wid * NPT
    pltpu.sync_copy(nf8t_hbm.at[wid], ai8_v)

    zf = jnp.zeros((L,), jnp.float32)
    negbig = jnp.full((L,), NEGBIG, jnp.float32)

    @pl.loop(0, NPS * 8 // L)
    def _(i):
        amax_v[pl.ds(i * L, L)] = negbig
        den_v[pl.ds(i * L, L)] = zf

    @pl.loop(0, NPS * 128 // L)
    def _(i):
        acc_v[pl.ds(i * L, L)] = zf

    def stage_window(w):
        @pl.loop(0, W)
        def _(i):
            p = jnp.clip(lo_v + (w * W + i), 0, E - 1)
            ibuf[pl.ds(i * L, L)] = p
        pltpu.sync_copy(dst_hbm.at[ibuf], dst_b)
        pltpu.sync_copy(src_hbm.at[ibuf], src_b)
        pltpu.sync_copy(et_hbm.at[ibuf], et_b)
        pltpu.sync_copy(ea_hbm.at[ibuf], ea_b)
        pltpu.sync_copy(nf32_hbm.at[src_b], g2_c)

    def edge_fields(w, i):
        k = w * W + i
        active = k < cnt
        r = i * L + lanes
        d = dst_b[pl.ds(i * L, L)]
        et_v = et_b[pl.ds(i * L, L)]
        ea_v = ea_b[pl.ds(i * L, L)]
        dlc = jnp.clip(d - n_lo, 0, NPT - 1) + lanes
        sa = ea_v >= 0.0
        return active, r, d, et_v, ea_v, dlc, sa

    def pre_h(h, dlc, r, et8, ea_v, sa):
        a_i = plsc.load_gather(ai8_v, [h * NPS + dlc])
        a_j = plsc.load_gather(g2_c, [r, _full(8 + h)])
        th = plsc.load_gather(tab_v, [et8 + h])
        cs = jnp.where(sa, cvec[h], cvec[8 + h])
        p = a_i + a_j + th + ea_v * cs
        return jnp.where(p >= 0.0, p, NEG * p)

    def p1_win(w, carry):
        stage_window(w)

        def p1_it(i, carry):
            prev_d = carry[0]
            ms = carry[1:]
            active, r, d, et_v, ea_v, dlc, sa = edge_fields(w, i)
            d_eff = jnp.where(active, d, prev_d)
            chg = d_eff != prev_d
            fl = chg & (prev_d >= 0)
            pdlc = jnp.clip(prev_d - n_lo, 0, NPT - 1) + lanes
            et8 = et_v * 8
            new_ms = []
            for h in range(8):
                plsc.store_scatter(amax_v, [h * NPS + pdlc], ms[h], mask=fl)
                p = pre_h(h, dlc, r, et8, ea_v, sa)
                p = jnp.where(active, p, NEGBIG)
                base = jnp.where(chg, negbig, ms[h])
                new_ms.append(jnp.maximum(base, p))
            return (d_eff,) + tuple(new_ms)

        return lax.fori_loop(0, W, p1_it, carry)

    carry0 = (jnp.full((L,), -1, jnp.int32),) + tuple(negbig for _ in range(8))
    carry = lax.fori_loop(0, nwin, p1_win, carry0)
    prev_d = carry[0]
    fl = prev_d >= 0
    pdlc = jnp.clip(prev_d - n_lo, 0, NPT - 1) + lanes
    for h in range(8):
        plsc.store_scatter(amax_v, [h * NPS + pdlc], carry[1 + h], mask=fl)

    def p2_win(w, carry):
        stage_window(w)

        def p2_it(i, carry):
            active, r, d, et_v, ea_v, dlc, sa = edge_fields(w, i)
            et8 = et_v * 8
            exs = []
            for h in range(8):
                p = pre_h(h, dlc, r, et8, ea_v, sa)
                ch = plsc.load_gather(amax_v, [h * NPS + dlc])
                ex = jnp.exp(p - ch)
                ex = jnp.where(active, ex, 0.0)
                plsc.addupdate_scatter(den_v, [h * NPS + dlc], ex)
                exs.append(ex)
            bidx = dlc
            for o in range(16):
                mcol = plsc.load_gather(g2_c, [r, _full(16 + o)])
                ds_ = jnp.where(sa, dpvec[o], dnvec[o])
                msg = mcol + ea_v * ds_
                for h in range(8):
                    plsc.addupdate_scatter(acc_v, [bidx + (h * 16 + o) * NPS],
                                           exs[h] * msg)
            return carry

        return lax.fori_loop(0, W, p2_it, carry)

    lax.fori_loop(0, nwin, p2_win, 0)

    @pl.loop(0, NPS * 8 // L)
    def _(i):
        den_v[pl.ds(i * L, L)] = 1.0 / (den_v[pl.ds(i * L, L)] + 1e-16)

    @pl.loop(0, 128)
    def _(ho):
        h = ho // 16
        for k in range(SLOT):
            ia = ho * NPS + k * L
            ib = h * NPS + k * L
            acc_v[pl.ds(ia, L)] = acc_v[pl.ds(ia, L)] * den_v[pl.ds(ib, L)]

    pltpu.sync_copy(acc_v, out_hbm.at[pl.ds(wid * (128 * NPS), 128 * NPS)])


@jax.jit
def _edge_phase(nf32, nf8t, dst_s, src_s, et_s, ea_s, lest, lcnt, tab):
    mesh = plsc.VectorSubcoreMesh(core_axis_name="c", subcore_axis_name="s")
    cp = pltpu.CompilerParams()
    if "needs_layout_passes" in pltpu.CompilerParams.__dataclass_fields__:
        cp = dataclasses.replace(cp, needs_layout_passes=False)
    if "use_tc_tiling_on_sc" in pltpu.CompilerParams.__dataclass_fields__:
        cp = dataclasses.replace(cp, use_tc_tiling_on_sc=False)
    if "disable_bounds_checks" in pltpu.CompilerParams.__dataclass_fields__:
        cp = dataclasses.replace(cp, disable_bounds_checks=True)
    f = pl.kernel(
        _edge_kernel_body,
        out_type=jax.ShapeDtypeStruct((NW * 128 * NPS,), jnp.float32),
        mesh=mesh,
        compiler_params=cp,
        scratch_types=[
            pltpu.VMEM((NW * L + 16,), jnp.int32),
            pltpu.VMEM((NW * L + 16,), jnp.int32),
            pltpu.VMEM((80,), jnp.float32),
            pltpu.VMEM((8 * NPS,), jnp.float32),
            pltpu.VMEM((8 * NPS + L,), jnp.float32),
            pltpu.VMEM((8 * NPS + L,), jnp.float32),
            pltpu.VMEM((128 * NPS,), jnp.float32),
            pltpu.VMEM((WB,), jnp.int32),
            pltpu.VMEM((WB,), jnp.int32),
            pltpu.VMEM((WB,), jnp.int32),
            pltpu.VMEM((WB,), jnp.int32),
            pltpu.VMEM((WB,), jnp.float32),
            pltpu.VMEM((WB, 32), jnp.float32),
        ],
    )
    return f(nf32, nf8t, dst_s, src_s, et_s, ea_s, lest, lcnt, tab)


def _layer_norm(h, g, b):
    mu = jnp.mean(h, axis=-1, keepdims=True)
    var = jnp.mean((h - mu) ** 2, axis=-1, keepdims=True)
    return (h - mu) / jnp.sqrt(var + 1e-5) * g + b


def kernel(x, edge_index, edge_attr, node_type, edge_type, params):
    p = params
    src = edge_index[0].astype(jnp.int32)
    dst = edge_index[1].astype(jnp.int32)
    et = edge_type.astype(jnp.int32)
    nt = node_type.astype(jnp.int32)
    ea = edge_attr.astype(jnp.float32)

    order = jnp.argsort(dst)
    dst_s = dst[order]
    src_s = src[order]
    et_s = et[order]
    ea_s = ea[order]
    lest0 = jnp.searchsorted(
        dst_s, jnp.arange(NW * L + 1, dtype=jnp.int32) * NPL).astype(jnp.int32)
    lcnt = jnp.pad(lest0[1:] - lest0[:-1], (0, 16), constant_values=0)
    lest = jnp.pad(lest0[:-1], (0, 16), constant_values=E)

    Wi = p['att_W'][:OC]
    Wj = p['att_W'][OC:2 * OC]
    We = p['att_W'][2 * OC:2 * OC + ETE]
    Wa = p['att_W'][2 * OC + ETE:]
    Lx = p['lin_W'][:OC]
    Le = p['lin_W'][OC:]
    aW = p['edge_attr_W'][0]

    T = jnp.where(p['edge_type_emb'] >= 0, p['edge_type_emb'],
                  NEG * p['edge_type_emb']) @ We
    cpos = jnp.where(aW >= 0, aW, NEG * aW) @ Wa
    cneg = jnp.where(aW <= 0, aW, NEG * aW) @ Wa
    dpos = jnp.where(aW >= 0, aW, NEG * aW) @ Le
    dneg = jnp.where(aW <= 0, aW, NEG * aW) @ Le
    tab = jnp.concatenate([T.reshape(-1), cpos, cneg, dpos, dneg,
                           jnp.zeros((8,), jnp.float32)])

    M = jnp.concatenate([Wi, Wj, Lx], axis=1)
    G = jnp.einsum('tdo,oc->tdc', p['hetero_W'], M)
    gb = p['hetero_b'] @ M

    nt_pad = jnp.pad(nt, (0, NPAD - N))
    G_n = G[nt_pad]
    gb_n = gb[nt_pad]

    m = jnp.pad(x, ((0, NPAD - N), (0, 0)))
    for i in range(STEPS):
        nf32 = jnp.einsum('nd,ndc->nc', m, G_n) + gb_n
        a8 = nf32[:, :8].reshape(NW, L, NPL, 8)
        a8 = jnp.pad(a8, ((0, 0), (0, 0), (0, 1), (0, 0)))
        nf8t = a8.transpose(0, 3, 1, 2).reshape(NW, 8 * NPS)
        h1 = _edge_phase(nf32, nf8t, dst_s, src_s, et_s, ea_s,
                         lest, lcnt, tab)
        h = h1.reshape(NW, 128, L, SLOT)[:, :, :, :NPL]
        h = h.transpose(0, 2, 3, 1).reshape(NPAD, 128)
        m = _layer_norm(h + m, p['ln1_g'][i], p['ln1_b'][i])
        f = jnp.maximum(m @ p['ffn_W1'][i] + p['ffn_b1'][i], 0.0) \
            @ p['ffn_W2'][i] + p['ffn_b2'][i]
        m = _layer_norm(f + m, p['ln2_g'][i], p['ln2_b'][i])
    return m[:N]

# --- scband reference (transcript-rebuilt; emitter-appended) ---
"""Pipeline reference for scband-hgat-9036611190940 (READ-ONLY COPY).

The authoritative reference and input builder live on the scoring server;
editing this copy changes nothing except your own understanding.
"""

import jax, jax.numpy as jnp
import numpy as np

N = 10000
E = 320000
D = 128
HEADS = 8
OC = D // HEADS
ETE = 10
EAE = 50
STEPS = 6
NEG = 0.2


def leaky_relu(v):
    return jnp.where(v >= 0, v, NEG * v)


def layer_norm(h, g, b):
    mu = jnp.mean(h, axis=-1, keepdims=True)
    var = jnp.mean((h - mu) ** 2, axis=-1, keepdims=True)
    return (h - mu) / jnp.sqrt(var + 1e-5) * g + b


def setup_inputs(seed: int = 0):
    key = jax.random.key(seed)
    ks = jax.random.split(key, 16)
    s = 0.05
    x = jax.random.normal(ks[0], (N, D), dtype=jnp.float32)
    edge_index = jax.random.randint(ks[1], (2, E), 0, N, dtype=jnp.int32).astype(jnp.int64)
    edge_attr = jax.random.normal(ks[2], (E,), dtype=jnp.float32)
    node_type = jax.random.randint(ks[3], (N,), 0, 2, dtype=jnp.int32).astype(jnp.int64)
    edge_type = jax.random.randint(ks[4], (E,), 0, 3, dtype=jnp.int32).astype(jnp.int64)
    params = {
        'hetero_W': jax.random.normal(ks[5], (2, D, OC), dtype=jnp.float32) * s,
        'hetero_b': jnp.zeros((2, OC), dtype=jnp.float32),
        'edge_type_emb': jax.random.normal(ks[6], (3, ETE), dtype=jnp.float32) * s,
        'edge_attr_W': jax.random.normal(ks[7], (1, EAE), dtype=jnp.float32) * s,
        'att_W': jax.random.normal(ks[8], (2 * OC + ETE + EAE, HEADS), dtype=jnp.float32) * s,
        'lin_W': jax.random.normal(ks[9], (OC + EAE, OC), dtype=jnp.float32) * s,
        'ffn_W1': jax.random.normal(ks[10], (STEPS, D, 4 * D), dtype=jnp.float32) * s,
        'ffn_b1': jnp.zeros((STEPS, 4 * D), dtype=jnp.float32),
        'ffn_W2': jax.random.normal(ks[11], (STEPS, 4 * D, D), dtype=jnp.float32) * s,
        'ffn_b2': jnp.zeros((STEPS, D), dtype=jnp.float32),
        'ln1_g': jnp.ones((STEPS, D), dtype=jnp.float32),
        'ln1_b': jnp.zeros((STEPS, D), dtype=jnp.float32),
        'ln2_g': jnp.ones((STEPS, D), dtype=jnp.float32),
        'ln2_b': jnp.zeros((STEPS, D), dtype=jnp.float32),
    }
    return {'x': x, 'edge_index': edge_index, 'edge_attr': edge_attr,
            'node_type': node_type, 'edge_type': edge_type, 'params': params}


def heat_conv(m, edge_index, edge_attr, node_type, edge_type, p):
    src = edge_index[0]
    dst = edge_index[1]
    # HeteroLinear: per-node-type projection D -> OC
    xh = jnp.einsum('nd,ndo->no', m, p['hetero_W'][node_type]) + p['hetero_b'][node_type]
    ete = leaky_relu(p['edge_type_emb'][edge_type])
    eae = leaky_relu(edge_attr.reshape(-1, 1) @ p['edge_attr_W'])
    x_i = xh[dst]
    x_j = xh[src]
    alpha = leaky_relu(jnp.concatenate([x_i, x_j, ete, eae], axis=-1) @ p['att_W'])
    amax = jax.lax.stop_gradient(jax.ops.segment_max(alpha, dst, num_segments=N))
    amax = jnp.where(jnp.isfinite(amax), amax, 0.0)
    ex = jnp.exp(alpha - amax[dst])
    denom = jax.ops.segment_sum(ex, dst, num_segments=N)
    alpha = ex / (denom[dst] + 1e-16)
    msg = jnp.concatenate([x_j, eae], axis=-1) @ p['lin_W']
    out = msg[:, None, :] * alpha[:, :, None]
    return jax.ops.segment_sum(out.reshape(E, HEADS * OC), dst, num_segments=N)


def reference(x, edge_index, edge_attr, node_type, edge_type, params):
    m = x
    for i in range(STEPS):
        h = heat_conv(m, edge_index, edge_attr, node_type, edge_type, params)
        m = layer_norm(h + m, params['ln1_g'][i], params['ln1_b'][i])
        f = jnp.maximum(m @ params['ffn_W1'][i] + params['ffn_b1'][i], 0.0) @ params['ffn_W2'][i] + params['ffn_b2'][i]
        m = layer_norm(f + m, params['ln2_g'][i], params['ln2_b'][i])
    return m

if __name__ == "__main__":
    import jax
    _d = setup_inputs()
    print(jax.jit(kernel)(*tuple(_d.values())))

</pallas_src>

<mosaic_0001>
#map = affine_map<(d0, d1) -> (0, 0)>
#map1 = affine_map<(d0, d1) -> (0)>
module attributes {stable_mosaic.version = 14 : i64} {
  func.func @_edge_kernel_body(%arg0: i32, %arg1: i32, %arg2: memref<10240x32xf32, #tpu.memory_space<hbm>>, %arg3: memref<32x2688xf32, #tpu.memory_space<hbm>>, %arg4: memref<320000xi32, #tpu.memory_space<hbm>>, %arg5: memref<320000xi32, #tpu.memory_space<hbm>>, %arg6: memref<320000xi32, #tpu.memory_space<hbm>>, %arg7: memref<320000xf32, #tpu.memory_space<hbm>>, %arg8: memref<528xi32, #tpu.memory_space<hbm>>, %arg9: memref<528xi32, #tpu.memory_space<hbm>>, %arg10: memref<80xf32, #tpu.memory_space<hbm>>, %arg11: memref<1376256xf32, #tpu.memory_space<hbm>>, %arg12: memref<528xi32, #tpu.memory_space<vmem>>, %arg13: memref<528xi32, #tpu.memory_space<vmem>>, %arg14: memref<80xf32, #tpu.memory_space<vmem>>, %arg15: memref<2688xf32, #tpu.memory_space<vmem>>, %arg16: memref<2704xf32, #tpu.memory_space<vmem>>, %arg17: memref<2704xf32, #tpu.memory_space<vmem>>, %arg18: memref<43008xf32, #tpu.memory_space<vmem>>, %arg19: memref<512xi32, #tpu.memory_space<vmem>>, %arg20: memref<512xi32, #tpu.memory_space<vmem>>, %arg21: memref<512xi32, #tpu.memory_space<vmem>>, %arg22: memref<512xi32, #tpu.memory_space<vmem>>, %arg23: memref<512xf32, #tpu.memory_space<vmem>>, %arg24: memref<512x32xf32, #tpu.memory_space<vmem>>) attributes {dimension_semantics = [#tpu.dimension_semantics<core_parallel>, #tpu.dimension_semantics<subcore_parallel>], iteration_bounds = array<i64: 2, 16>, scalar_prefetch = 0 : i64, scratch_operands = 13 : i64, tpu.core_type = #tpu.core_type<sc_vector_subcore>, window_params = [{transform_indices = #map}, {transform_indices = #map}, {transform_indices = #map1}, {transform_indices = #map1}, {transform_indices = #map1}, {transform_indices = #map1}, {transform_indices = #map1}, {transform_indices = #map1}, {transform_indices = #map1}, {transform_indices = #map1}]} {
    %mul3A = arith.constant 2 : i32
    %mul3A_0 = arith.muli %arg1, %mul3A : i32
    %add3A = arith.addi %mul3A_0, %arg0 : i32
    "tpu.region"() ({
      %run_scoped3A = tpu.sem_alloc : memref<!tpu.dma_semaphore, #tpu.memory_space<semaphore_mem>>
      tpu.enqueue_dma source(%arg8 : memref<528xi32, #tpu.memory_space<hbm>>) target(%arg12 : memref<528xi32, #tpu.memory_space<vmem>>) target_semaphore(%run_scoped3A : memref<!tpu.dma_semaphore, #tpu.memory_space<semaphore_mem>>)
      tpu.wait_dma2 semaphore(%run_scoped3A : memref<!tpu.dma_semaphore, #tpu.memory_space<semaphore_mem>>) src(%arg8 : memref<528xi32, #tpu.memory_space<hbm>>) dst(%arg12 : memref<528xi32, #tpu.memory_space<vmem>>)
      tpu.yield
    }) : () -> ()
    "tpu.region"() ({
      %run_scoped3A = tpu.sem_alloc : memref<!tpu.dma_semaphore, #tpu.memory_space<semaphore_mem>>
      tpu.enqueue_dma source(%arg9 : memref<528xi32, #tpu.memory_space<hbm>>) target(%arg13 : memref<528xi32, #tpu.memory_space<vmem>>) target_semaphore(%run_scoped3A : memref<!tpu.dma_semaphore, #tpu.memory_space<semaphore_mem>>)
      tpu.wait_dma2 semaphore(%run_scoped3A : memref<!tpu.dma_semaphore, #tpu.memory_space<semaphore_mem>>) src(%arg9 : memref<528xi32, #tpu.memory_space<hbm>>) dst(%arg13 : memref<528xi32, #tpu.memory_space<vmem>>)
      tpu.yield
    }) : () -> ()
    "tpu.region"() ({
      %run_scoped3A = tpu.sem_alloc : memref<!tpu.dma_semaphore, #tpu.memory_space<semaphore_mem>>
      tpu.enqueue_dma source(%arg10 : memref<80xf32, #tpu.memory_space<hbm>>) target(%arg14 : memref<80xf32, #tpu.memory_space<vmem>>) target_semaphore(%run_scoped3A : memref<!tpu.dma_semaphore, #tpu.memory_space<semaphore_mem>>)
      tpu.wait_dma2 semaphore(%run_scoped3A : memref<!tpu.dma_semaphore, #tpu.memory_space<semaphore_mem>>) src(%arg10 : memref<80xf32, #tpu.memory_space<hbm>>) dst(%arg14 : memref<80xf32, #tpu.memory_space<vmem>>)
      tpu.yield
    }) : () -> ()
    %iota3A = tpu.iota {dimensions = array<i32: 0>} : vector<16xi32>
    %mul3A_1 = arith.constant 16 : i32
    %mul3A_2 = arith.muli %add3A, %mul3A_1 : i32
    %get3A = arith.index_cast %mul3A_2 : i32 to index
    %get3A_3 = tpu.vector_load %arg12[%get3A] {strides = array<i32>} : memref<528xi32, #tpu.memory_space<vmem>>, vector<16xi32>,
    %mul3A_4 = arith.constant 16 : i32
    %mul3A_5 = arith.muli %add3A, %mul3A_4 : i32
    %get3A_6 = arith.index_cast %mul3A_5 : i32 to index
    %get3A_7 = tpu.vector_load %arg13[%get3A_6] {strides = array<i32>} : memref<528xi32, #tpu.memory_space<vmem>>, vector<16xi32>,
    %reduce_max3A = arith.constant true
    %reduce_max3A_8 = vector.broadcast %reduce_max3A : i1 to vector<16xi1>
    %reduce_max3A_9 = arith.constant -2147483648 : i32
    %reduce_max3A_10 = vector.broadcast %reduce_max3A_9 : i32 to vector<16xi32>
    %reduce_max3A_11 = arith.xori %get3A_7, %reduce_max3A_10 : vector<16xi32>
    %reduce_max3A_12 = tpu.scan <max>, %reduce_max3A_11 masked %reduce_max3A_8 : vector<16xi32>, vector<16xi1> -> vector<16xi32>
    %reduce_max3A_13 = arith.xori %reduce_max3A_12, %reduce_max3A_10 : vector<16xi32>
    %reduce_max3A_14 = vector.extract %reduce_max3A_13[15] : i32 from vector<16xi32>
    %add3A_15 = arith.constant 32 : i32
    %add3A_16 = arith.addi %reduce_max3A_14, %add3A_15 : i32
    %sub3A = arith.constant 1 : i32
    %sub3A_17 = arith.subi %add3A_16, %sub3A : i32
    %jit3A = arith.constant 32 : i32
    %div3A = arith.divsi %sub3A_17, %jit3A : i32
    %sign3A = arith.constant 0 : i32
    %sign3A_18 = arith.cmpi sgt, %sub3A_17, %sign3A : i32
    %sign3A_19 = arith.extui %sign3A_18 : i1 to i32
    %sign3A_20 = arith.constant 0 : i32
    %sign3A_21 = arith.cmpi slt, %sub3A_17, %sign3A_20 : i32
    %sign3A_22 = arith.extui %sign3A_21 : i1 to i32
    %sign3A_23 = arith.subi %sign3A_19, %sign3A_22 : i32
    %sign3A_24 = arith.constant 0 : i32
    %sign3A_25 = arith.cmpi sgt, %jit3A, %sign3A_24 : i32
    %sign3A_26 = arith.extui %sign3A_25 : i1 to i32
    %sign3A_27 = arith.constant 0 : i32
    %sign3A_28 = arith.cmpi slt, %jit3A, %sign3A_27 : i32
    %sign3A_29 = arith.extui %sign3A_28 : i1 to i32
    %sign3A_30 = arith.subi %sign3A_26, %sign3A_29 : i32
    %ne3A = arith.cmpi ne, %sign3A_23, %sign3A_30 : i32
    %rem3A = arith.remsi %sub3A_17, %jit3A : i32
    %ne3A_31 = arith.constant 0 : i32
    %ne3A_32 = arith.cmpi ne, %rem3A, %ne3A_31 : i32
    %and3A = arith.andi %ne3A, %ne3A_32 : i1
    %sub3A_33 = arith.constant 1 : i32
    %sub3A_34 = arith.subi %div3A, %sub3A_33 : i32
    %select_n3A = arith.select %and3A, %sub3A_34, %div3A : i32
    %get3A_35 = arith.constant 24 : index
    %get3A_36 = tpu.vector_load %arg14[%get3A_35] {strides = array<i32>} : memref<80xf32, #tpu.memory_space<vmem>>, vector<16xf32>,
    %get3A_37 = arith.constant 40 : index
    %get3A_38 = tpu.vector_load %arg14[%get3A_37] {strides = array<i32>} : memref<80xf32, #tpu.memory_space<vmem>>, vector<16xf32>,
    %get3A_39 = arith.constant 56 : index
    %get3A_40 = tpu.vector_load %arg14[%get3A_39] {strides = array<i32>} : memref<80xf32, #tpu.memory_space<vmem>>, vector<16xf32>,
    %mul3A_41 = arith.constant 320 : i32
    %mul3A_42 = arith.muli %add3A, %mul3A_41 : i32
    "tpu.region"() ({
      %run_scoped3A = tpu.sem_alloc : memref<!tpu.dma_semaphore, #tpu.memory_space<semaphore_mem>>
      %dma_start3A = arith.constant 0 : i32
      %dma_start3A_122 = tpu.memref_slice %arg3[%add3A, %dma_start3A] : memref<32x2688xf32, #tpu.memory_space<hbm>> -> memref<1x2688xf32, #tpu.memory_space<hbm>>
      %dma_start3A_123 = tpu.memref_squeeze %dma_start3A_122 : memref<1x2688xf32, #tpu.memory_space<hbm>> -> memref<2688xf32, #tpu.memory_space<hbm>>
      %dma_start3A_124 = arith.constant 0 : i32
      %dma_start3A_125 = tpu.memref_slice %arg3[%add3A, %dma_start3A_124] : memref<32x2688xf32, #tpu.memory_space<hbm>> -> memref<1x2688xf32, #tpu.memory_space<hbm>>
      %dma_start3A_126 = tpu.memref_squeeze %dma_start3A_125 : memref<1x2688xf32, #tpu.memory_space<hbm>> -> memref<2688xf32, #tpu.memory_space<hbm>>
      tpu.enqueue_dma source(%dma_start3A_126 : memref<2688xf32, #tpu.memory_space<hbm>>) target(%arg15 : memref<2688xf32, #tpu.memory_space<vmem>>) target_semaphore(%run_scoped3A : memref<!tpu.dma_semaphore, #tpu.memory_space<semaphore_mem>>)
      %dma_wait3A = arith.constant 0 : i32
      %dma_wait3A_127 = tpu.memref_slice %arg3[%add3A, %dma_wait3A] : memref<32x2688xf32, #tpu.memory_space<hbm>> -> memref<1x2688xf32, #tpu.memory_space<hbm>>
      %dma_wait3A_128 = tpu.memref_squeeze %dma_wait3A_127 : memref<1x2688xf32, #tpu.memory_space<hbm>> -> memref<2688xf32, #tpu.memory_space<hbm>>
      %dma_wait3A_129 = arith.constant 0 : i32
      %dma_wait3A_130 = tpu.memref_slice %arg3[%add3A, %dma_wait3A_129] : memref<32x2688xf32, #tpu.memory_space<hbm>> -> memref<1x2688xf32, #tpu.memory_space<hbm>>
      %dma_wait3A_131 = tpu.memref_squeeze %dma_wait3A_130 : memref<1x2688xf32, #tpu.memory_space<hbm>> -> memref<2688xf32, #tpu.memory_space<hbm>>
      tpu.wait_dma2 semaphore(%run_scoped3A : memref<!tpu.dma_semaphore, #tpu.memory_space<semaphore_mem>>) src(%dma_wait3A_131 : memref<2688xf32, #tpu.memory_space<hbm>>) dst(%arg15 : memref<2688xf32, #tpu.memory_space<vmem>>)
      tpu.yield
    }) : () -> ()
    %broadcast_in_dim3A = arith.constant 0.000000e+00 : f32
    %broadcast_in_dim3A_43 = vector.broadcast %broadcast_in_dim3A : f32 to vector<16xf32>
    %broadcast_in_dim3A_44 = arith.constant -3.000000e+38 : f32
    %broadcast_in_dim3A_45 = vector.broadcast %broadcast_in_dim3A_44 : f32 to vector<16xf32>
    %scan3A = arith.constant 0 : i32
    %scan3A_46 = arith.constant 168 : i32
    %scan3A_47 = arith.addi %scan3A, %scan3A_46 : i32
    %scan3A_48 = arith.constant 1 : i32
    scf.for %scan3A_122 = %scan3A to %scan3A_47 step %scan3A_48  : i32 {
      %mul3A_123 = arith.constant 1 : i32
      %mul3A_124 = arith.muli %scan3A_122, %mul3A_123 : i32
      %add3A_125 = arith.constant 0 : i32
      %add3A_126 = arith.addi %add3A_125, %mul3A_124 : i32
      %mul3A_127 = arith.constant 16 : i32
      %mul3A_128 = arith.muli %add3A_126, %mul3A_127 : i32
      %swap3A = arith.index_cast %mul3A_128 : i32 to index
      %swap3A_129 = tpu.vector_load %arg16[%swap3A] {strides = array<i32>} : memref<2704xf32, #tpu.memory_space<vmem>>, vector<16xf32>,
      tpu.vector_store %arg16[%swap3A], %broadcast_in_dim3A_45 {strides = array<i32>} : memref<2704xf32, #tpu.memory_space<vmem>>, vector<16xf32>,
      %mul3A_130 = arith.constant 16 : i32
      %mul3A_131 = arith.muli %add3A_126, %mul3A_130 : i32
      %swap3A_132 = arith.index_cast %mul3A_131 : i32 to index
      %swap3A_133 = tpu.vector_load %arg17[%swap3A_132] {strides = array<i32>} : memref<2704xf32, #tpu.memory_space<vmem>>, vector<16xf32>,
      tpu.vector_store %arg17[%swap3A_132], %broadcast_in_dim3A_43 {strides = array<i32>} : memref<2704xf32, #tpu.memory_space<vmem>>, vector<16xf32>,
    }
    %scan3A_49 = arith.constant 168 : i32
    %scan3A_50 = arith.constant 0 : i32
    %scan3A_51 = arith.constant 2688 : i32
    %scan3A_52 = arith.addi %scan3A_50, %scan3A_51 : i32
    %scan3A_53 = arith.constant 1 : i32
    scf.for %scan3A_122 = %scan3A_50 to %scan3A_52 step %scan3A_53  : i32 {
      %mul3A_123 = arith.constant 1 : i32
      %mul3A_124 = arith.muli %scan3A_122, %mul3A_123 : i32
      %add3A_125 = arith.constant 0 : i32
      %add3A_126 = arith.addi %add3A_125, %mul3A_124 : i32
      %mul3A_127 = arith.constant 16 : i32
      %mul3A_128 = arith.muli %add3A_126, %mul3A_127 : i32
      %swap3A = arith.index_cast %mul3A_128 : i32 to index
      %swap3A_129 = tpu.vector_load %arg18[%swap3A] {strides = array<i32>} : memref<43008xf32, #tpu.memory_space<vmem>>, vector<16xf32>,
      tpu.vector_store %arg18[%swap3A], %broadcast_in_dim3A_43 {strides = array<i32>} : memref<43008xf32, #tpu.memory_space<vmem>>, vector<16xf32>,
    }
    %scan3A_54 = arith.constant 2688 : i32
    %broadcast_in_dim3A_55 = arith.constant -1 : i32
    %broadcast_in_dim3A_56 = vector.broadcast %broadcast_in_dim3A_55 : i32 to vector<16xi32>
    %while3A = arith.constant 0 : i32
    %while3A_57 = arith.subi %select_n3A, %while3A : i32
    %while3A_58 = arith.addi %while3A, %while3A_57 : i32
    %while3A_59 = arith.constant 1 : i32
    %while3A_60 = arith.divsi %while3A_57, %while3A_59 : i32
    %while3A_61 = arith.muli %while3A_60, %while3A_59 : i32
    %while3A_62 = arith.addi %while3A, %while3A_61 : i32
    %while3A_63 = arith.constant 1 : i32
    %while3A_64:9 = scf.for %while3A_122 = %while3A to %while3A_62 step %while3A_63 iter_args(%while3A_123 = %broadcast_in_dim3A_56, %while3A_124 = %broadcast_in_dim3A_45, %while3A_125 = %broadcast_in_dim3A_45, %while3A_126 = %broadcast_in_dim3A_45, %while3A_127 = %broadcast_in_dim3A_45, %while3A_128 = %broadcast_in_dim3A_45, %while3A_129 = %broadcast_in_dim3A_45, %while3A_130 = %broadcast_in_dim3A_45, %while3A_131 = %broadcast_in_dim3A_45) -> (vector<16xi32>, vector<16xf32>, vector<16xf32>, vector<16xf32>, vector<16xf32>, vector<16xf32>, vector<16xf32>, vector<16xf32>, vector<16xf32>)  : i32 {
      %scan3A_132 = arith.constant 0 : i32
      %scan3A_133 = arith.constant 32 : i32
      %scan3A_134 = arith.addi %scan3A_132, %scan3A_133 : i32
      %scan3A_135 = arith.constant 1 : i32
      scf.for %scan3A_143 = %scan3A_132 to %scan3A_134 step %scan3A_135  : i32 {
        %mul3A_144 = arith.constant 1 : i32
        %mul3A_145 = arith.muli %scan3A_143, %mul3A_144 : i32
        %add3A_146 = arith.constant 0 : i32
        %add3A_147 = arith.addi %add3A_146, %mul3A_145 : i32
        %mul3A_148 = arith.constant 32 : i32
        %mul3A_149 = arith.muli %while3A_122, %mul3A_148 : i32
        %add3A_150 = arith.addi %mul3A_149, %add3A_147 : i32
        %add3A_151 = vector.broadcast %add3A_150 : i32 to vector<16xi32>
        %add3A_152 = arith.addi %get3A_3, %add3A_151 : vector<16xi32>
        %jit3A_153 = arith.constant 0 : i32
        %jit3A_154 = arith.constant 319999 : i32
        %max3A_155 = vector.broadcast %jit3A_153 : i32 to vector<16xi32>
        %max3A_156 = arith.maxsi %max3A_155, %add3A_152 : vector<16xi32>
        %min3A_157 = vector.broadcast %jit3A_154 : i32 to vector<16xi32>
        %min3A_158 = arith.minsi %min3A_157, %max3A_156 : vector<16xi32>
        %mul3A_159 = arith.constant 16 : i32
        %mul3A_160 = arith.muli %add3A_147, %mul3A_159 : i32
        %swap3A = arith.index_cast %mul3A_160 : i32 to index
        %swap3A_161 = tpu.vector_load %arg19[%swap3A] {strides = array<i32>} : memref<512xi32, #tpu.memory_space<vmem>>, vector<16xi32>,
        tpu.vector_store %arg19[%swap3A], %min3A_158 {strides = array<i32>} : memref<512xi32, #tpu.memory_space<vmem>>, vector<16xi32>,
      }
      %scan3A_136 = arith.constant 32 : i32
      "tpu.region"() ({
        %run_scoped3A = tpu.sem_alloc : memref<!tpu.dma_semaphore, #tpu.memory_space<semaphore_mem>>
        %dma_start3A = arith.constant 0 : i32
        %dma_start3A_143 = tpu.memref_slice %arg4[%dma_start3A] : memref<320000xi32, #tpu.memory_space<hbm>> -> memref<320000xi32, #tpu.memory_space<hbm>>
        tpu.enqueue_indirect_dma source(%dma_start3A_143 : memref<320000xi32, #tpu.memory_space<hbm>>) target(%arg20 : memref<512xi32, #tpu.memory_space<vmem>>) offsets(%arg19 : memref<512xi32, #tpu.memory_space<vmem>>) semaphore(%run_scoped3A : memref<!tpu.dma_semaphore, #tpu.memory_space<semaphore_mem>>)
        %dma_wait3A = arith.constant 0 : i32
        %dma_wait3A_144 = tpu.memref_slice %arg4[%dma_wait3A] : memref<320000xi32, #tpu.memory_space<hbm>> -> memref<320000xi32, #tpu.memory_space<hbm>>
        tpu.wait_indirect_dma semaphore(%run_scoped3A : memref<!tpu.dma_semaphore, #tpu.memory_space<semaphore_mem>>) src(%dma_wait3A_144 : memref<320000xi32, #tpu.memory_space<hbm>>) dst(%arg20 : memref<512xi32, #tpu.memory_space<vmem>>)
        tpu.yield
      }) : () -> ()
      "tpu.region"() ({
        %run_scoped3A = tpu.sem_alloc : memref<!tpu.dma_semaphore, #tpu.memory_space<semaphore_mem>>
        %dma_start3A = arith.constant 0 : i32
        %dma_start3A_143 = tpu.memref_slice %arg5[%dma_start3A] : memref<320000xi32, #tpu.memory_space<hbm>> -> memref<320000xi32, #tpu.memory_space<hbm>>
        tpu.enqueue_indirect_dma source(%dma_start3A_143 : memref<320000xi32, #tpu.memory_space<hbm>>) target(%arg21 : memref<512xi32, #tpu.memory_space<vmem>>) offsets(%arg19 : memref<512xi32, #tpu.memory_space<vmem>>) semaphore(%run_scoped3A : memref<!tpu.dma_semaphore, #tpu.memory_space<semaphore_mem>>)
        %dma_wait3A = arith.constant 0 : i32
        %dma_wait3A_144 = tpu.memref_slice %arg5[%dma_wait3A] : memref<320000xi32, #tpu.memory_space<hbm>> -> memref<320000xi32, #tpu.memory_space<hbm>>
        tpu.wait_indirect_dma semaphore(%run_scoped3A : memref<!tpu.dma_semaphore, #tpu.memory_space<semaphore_mem>>) src(%dma_wait3A_144 : memref<320000xi32, #tpu.memory_space<hbm>>) dst(%arg21 : memref<512xi32, #tpu.memory_space<vmem>>)
        tpu.yield
      }) : () -> ()
      "tpu.region"() ({
        %run_scoped3A = tpu.sem_alloc : memref<!tpu.dma_semaphore, #tpu.memory_space<semaphore_mem>>
        %dma_start3A = arith.constant 0 : i32
        %dma_start3A_143 = tpu.memref_slice %arg6[%dma_start3A] : memref<320000xi32, #tpu.memory_space<hbm>> -> memref<320000xi32, #tpu.memory_space<hbm>>
        tpu.enqueue_indirect_dma source(%dma_start3A_143 : memref<320000xi32, #tpu.memory_space<hbm>>) target(%arg22 : memref<512xi32, #tpu.memory_space<vmem>>) offsets(%arg19 : memref<512xi32, #tpu.memory_space<vmem>>) semaphore(%run_scoped3A : memref<!tpu.dma_semaphore, #tpu.memory_space<semaphore_mem>>)
        %dma_wait3A = arith.constant 0 : i32
        %dma_wait3A_144 = tpu.memref_slice %arg6[%dma_wait3A] : memref<320000xi32, #tpu.memory_space<hbm>> -> memref<320000xi32, #tpu.memory_space<hbm>>
        tpu.wait_indirect_dma semaphore(%run_scoped3A : memref<!tpu.dma_semaphore, #tpu.memory_space<semaphore_mem>>) src(%dma_wait3A_144 : memref<320000xi32, #tpu.memory_space<hbm>>) dst(%arg22 : memref<512xi32, #tpu.memory_space<vmem>>)
        tpu.yield
      }) : () -> ()
      "tpu.region"() ({
        %run_scoped3A = tpu.sem_alloc : memref<!tpu.dma_semaphore, #tpu.memory_space<semaphore_mem>>
        %dma_start3A = arith.constant 0 : i32
        %dma_start3A_143 = tpu.memref_slice %arg7[%dma_start3A] : memref<320000xf32, #tpu.memory_space<hbm>> -> memref<320000xf32, #tpu.memory_space<hbm>>
        tpu.enqueue_indirect_dma source(%dma_start3A_143 : memref<320000xf32, #tpu.memory_space<hbm>>) target(%arg23 : memref<512xf32, #tpu.memory_space<vmem>>) offsets(%arg19 : memref<512xi32, #tpu.memory_space<vmem>>) semaphore(%run_scoped3A : memref<!tpu.dma_semaphore, #tpu.memory_space<semaphore_mem>>)
        %dma_wait3A = arith.constant 0 : i32
        %dma_wait3A_144 = tpu.memref_slice %arg7[%dma_wait3A] : memref<320000xf32, #tpu.memory_space<hbm>> -> memref<320000xf32, #tpu.memory_space<hbm>>
        tpu.wait_indirect_dma semaphore(%run_scoped3A : memref<!tpu.dma_semaphore, #tpu.memory_space<semaphore_mem>>) src(%dma_wait3A_144 : memref<320000xf32, #tpu.memory_space<hbm>>) dst(%arg23 : memref<512xf32, #tpu.memory_space<vmem>>)
        tpu.yield
      }) : () -> ()
      "tpu.region"() ({
        %run_scoped3A = tpu.sem_alloc : memref<!tpu.dma_semaphore, #tpu.memory_space<semaphore_mem>>
        %dma_start3A = arith.constant 0 : i32
        %dma_start3A_143 = arith.constant 0 : i32
        %dma_start3A_144 = tpu.memref_slice %arg2[%dma_start3A, %dma_start3A_143] : memref<10240x32xf32, #tpu.memory_space<hbm>> -> memref<10240x32xf32, #tpu.memory_space<hbm>>
        tpu.enqueue_indirect_dma source(%dma_start3A_144 : memref<10240x32xf32, #tpu.memory_space<hbm>>) target(%arg24 : memref<512x32xf32, #tpu.memory_space<vmem>>) offsets(%arg21 : memref<512xi32, #tpu.memory_space<vmem>>) semaphore(%run_scoped3A : memref<!tpu.dma_semaphore, #tpu.memory_space<semaphore_mem>>)
        %dma_wait3A = arith.constant 0 : i32
        %dma_wait3A_145 = arith.constant 0 : i32
        %dma_wait3A_146 = tpu.memref_slice %arg2[%dma_wait3A, %dma_wait3A_145] : memref<10240x32xf32, #tpu.memory_space<hbm>> -> memref<10240x32xf32, #tpu.memory_space<hbm>>
        tpu.wait_indirect_dma semaphore(%run_scoped3A : memref<!tpu.dma_semaphore, #tpu.memory_space<semaphore_mem>>) src(%dma_wait3A_146 : memref<10240x32xf32, #tpu.memory_space<hbm>>) dst(%arg24 : memref<512x32xf32, #tpu.memory_space<vmem>>)
        tpu.yield
      }) : () -> ()
      %scan3A_137 = arith.constant 0 : i32
      %scan3A_138 = arith.constant 32 : i32
      %scan3A_139 = arith.addi %scan3A_137, %scan3A_138 : i32
      %scan3A_140 = arith.constant 1 : i32
      %scan3A_141:9 = scf.for %scan3A_143 = %scan3A_137 to %scan3A_139 step %scan3A_140 iter_args(%scan3A_144 = %while3A_123, %scan3A_145 = %while3A_124, %scan3A_146 = %while3A_125, %scan3A_147 = %while3A_126, %scan3A_148 = %while3A_127, %scan3A_149 = %while3A_128, %scan3A_150 = %while3A_129, %scan3A_151 = %while3A_130, %scan3A_152 = %while3A_131) -> (vector<16xi32>, vector<16xf32>, vector<16xf32>, vector<16xf32>, vector<16xf32>, vector<16xf32>, vector<16xf32>, vector<16xf32>, vector<16xf32>)  : i32 {
        %mul3A_153 = arith.constant 32 : i32
        %mul3A_154 = arith.muli %while3A_122, %mul3A_153 : i32
        %add3A_155 = arith.addi %mul3A_154, %scan3A_143 : i32
        %lt3A = vector.broadcast %add3A_155 : i32 to vector<16xi32>
        %lt3A_156 = arith.cmpi slt, %lt3A, %get3A_7 : vector<16xi32>
        %mul3A_157 = arith.constant 16 : i32
        %mul3A_158 = arith.muli %scan3A_143, %mul3A_157 : i32
        %add3A_159 = vector.broadcast %mul3A_158 : i32 to vector<16xi32>
        %add3A_160 = arith.addi %add3A_159, %iota3A : vector<16xi32>
        %mul3A_161 = arith.constant 16 : i32
        %mul3A_162 = arith.muli %scan3A_143, %mul3A_161 : i32
        %get3A_163 = arith.index_cast %mul3A_162 : i32 to index
        %get3A_164 = tpu.vector_load %arg20[%get3A_163] {strides = array<i32>} : memref<512xi32, #tpu.memory_space<vmem>>, vector<16xi32>,
        %mul3A_165 = arith.constant 16 : i32
        %mul3A_166 = arith.muli %scan3A_143, %mul3A_165 : i32
        %get3A_167 = arith.index_cast %mul3A_166 : i32 to index
        %get3A_168 = tpu.vector_load %arg22[%get3A_167] {strides = array<i32>} : memref<512xi32, #tpu.memory_space<vmem>>, vector<16xi32>,
        %mul3A_169 = arith.constant 16 : i32
        %mul3A_170 = arith.muli %scan3A_143, %mul3A_169 : i32
        %get3A_171 = arith.index_cast %mul3A_170 : i32 to index
        %get3A_172 = tpu.vector_load %arg23[%get3A_171] {strides = array<i32>} : memref<512xf32, #tpu.memory_space<vmem>>, vector<16xf32>,
        %sub3A_173 = vector.broadcast %mul3A_42 : i32 to vector<16xi32>
        %sub3A_174 = arith.subi %get3A_164, %sub3A_173 : vector<16xi32>
        %jit3A_175 = arith.constant 0 : i32
        %jit3A_176 = arith.constant 319 : i32
        %max3A_177 = vector.broadcast %jit3A_175 : i32 to vector<16xi32>
        %max3A_178 = arith.maxsi %max3A_177, %sub3A_174 : vector<16xi32>
        %min3A_179 = vector.broadcast %jit3A_176 : i32 to vector<16xi32>
        %min3A_180 = arith.minsi %min3A_179, %max3A_178 : vector<16xi32>
        %add3A_181 = arith.addi %min3A_180, %iota3A : vector<16xi32>
        %ge3A_182 = arith.constant 0.000000e+00 : f32
        %ge3A_183 = vector.broadcast %ge3A_182 : f32 to vector<16xf32>
        %ge3A_184 = arith.cmpf oge, %get3A_172, %ge3A_183 : vector<16xf32>
        %select_n3A_185 = arith.select %lt3A_156, %get3A_164, %scan3A_144 : vector<16xi1>, vector<16xi32>
        %ne3A_186 = arith.cmpi ne, %select_n3A_185, %scan3A_144 : vector<16xi32>
        %ge3A_187 = arith.constant 0 : i32
        %ge3A_188 = vector.broadcast %ge3A_187 : i32 to vector<16xi32>
        %ge3A_189 = arith.cmpi sge, %scan3A_144, %ge3A_188 : vector<16xi32>
        %and3A_190 = arith.andi %ne3A_186, %ge3A_189 : vector<16xi1>
        %sub3A_191 = vector.broadcast %mul3A_42 : i32 to vector<16xi32>
        %sub3A_192 = arith.subi %scan3A_144, %sub3A_191 : vector<16xi32>
        %jit3A_193 = arith.constant 0 : i32
        %jit3A_194 = arith.constant 319 : i32
        %max3A_195 = vector.broadcast %jit3A_193 : i32 to vector<16xi32>
        %max3A_196 = arith.maxsi %max3A_195, %sub3A_192 : vector<16xi32>
        %min3A_197 = vector.broadcast %jit3A_194 : i32 to vector<16xi32>
        %min3A_198 = arith.minsi %min3A_197, %max3A_196 : vector<16xi32>
        %add3A_199 = arith.addi %min3A_198, %iota3A : vector<16xi32>
        %mul3A_200 = arith.constant 8 : i32
        %mul3A_201 = vector.broadcast %mul3A_200 : i32 to vector<16xi32>
        %mul3A_202 = arith.muli %get3A_168, %mul3A_201 : vector<16xi32>
        %add3A_203 = arith.constant 0 : i32
        %add3A_204 = vector.broadcast %add3A_203 : i32 to vector<16xi32>
        %add3A_205 = arith.addi %add3A_204, %add3A_199 : vector<16xi32>
        tpu.vector_store_idx %arg16[%add3A_205], %scan3A_145 masked %and3A_190 : memref<2704xf32, #tpu.memory_space<vmem>>[vector<16xi32>], vector<16xf32>, vector<16xi1>
        %add3A_206 = arith.constant 0 : i32
        %add3A_207 = vector.broadcast %add3A_206 : i32 to vector<16xi32>
        %add3A_208 = arith.addi %add3A_207, %add3A_181 : vector<16xi32>
        %gather3A = tpu.vector_load_idx %arg15[%add3A_208] : memref<2688xf32, #tpu.memory_space<vmem>>[vector<16xi32>], vector<16xf32>,
        %broadcast_in_dim3A_209 = arith.constant 8 : i32
        %broadcast_in_dim3A_210 = vector.broadcast %broadcast_in_dim3A_209 : i32 to vector<16xi32>
        %gather3A_211 = tpu.vector_load_idx %arg24[%add3A_160, %broadcast_in_dim3A_210] : memref<512x32xf32, #tpu.memory_space<vmem>>[vector<16xi32>, vector<16xi32>], vector<16xf32>,
        %add3A_212 = arith.constant 0 : i32
        %add3A_213 = vector.broadcast %add3A_212 : i32 to vector<16xi32>
        %add3A_214 = arith.addi %mul3A_202, %add3A_213 : vector<16xi32>
        %gather3A_215 = tpu.vector_load_idx %arg14[%add3A_214] : memref<80xf32, #tpu.memory_space<vmem>>[vector<16xi32>], vector<16xf32>,
        %slice3A = vector.extract_strided_slice %get3A_36 {offsets = [0], sizes = [1], strides = [1]} : vector<16xf32> to vector<1xf32>
        %squeeze3A = vector.extract %slice3A[0] : f32 from vector<1xf32>
        %slice3A_216 = vector.extract_strided_slice %get3A_36 {offsets = [8], sizes = [1], strides = [1]} : vector<16xf32> to vector<1xf32>
        %squeeze3A_217 = vector.extract %slice3A_216[0] : f32 from vector<1xf32>
        %broadcast_in_dim3A_218 = vector.broadcast %squeeze3A : f32 to vector<16xf32>
        %broadcast_in_dim3A_219 = vector.broadcast %squeeze3A_217 : f32 to vector<16xf32>
        %select_n3A_220 = arith.select %ge3A_184, %broadcast_in_dim3A_218, %broadcast_in_dim3A_219 : vector<16xi1>, vector<16xf32>
        %add3A_221 = arith.addf %gather3A, %gather3A_211 : vector<16xf32>
        %add3A_222 = arith.addf %add3A_221, %gather3A_215 : vector<16xf32>
        %mul3A_223 = arith.mulf %get3A_172, %select_n3A_220 : vector<16xf32>
        %add3A_224 = arith.addf %add3A_222, %mul3A_223 : vector<16xf32>
        %ge3A_225 = arith.constant 0.000000e+00 : f32
        %ge3A_226 = vector.broadcast %ge3A_225 : f32 to vector<16xf32>
        %ge3A_227 = arith.cmpf oge, %add3A_224, %ge3A_226 : vector<16xf32>
        %mul3A_228 = arith.constant 2.000000e-01 : f32
        %mul3A_229 = vector.broadcast %mul3A_228 : f32 to vector<16xf32>
        %mul3A_230 = arith.mulf %mul3A_229, %add3A_224 : vector<16xf32>
        %select_n3A_231 = arith.select %ge3A_227, %add3A_224, %mul3A_230 : vector<16xi1>, vector<16xf32>
        %jit3A_232 = arith.constant -3.000000e+38 : f32
        %broadcast_in_dim3A_233 = vector.broadcast %jit3A_232 : f32 to vector<16xf32>
        %select_n3A_234 = arith.select %lt3A_156, %select_n3A_231, %broadcast_in_dim3A_233 : vector<16xi1>, vector<16xf32>
        %select_n3A_235 = arith.select %ne3A_186, %broadcast_in_dim3A_45, %scan3A_145 : vector<16xi1>, vector<16xf32>
        %max3A_236 = arith.maximumf %select_n3A_235, %select_n3A_234 : vector<16xf32>
        %add3A_237 = arith.constant 336 : i32
        %add3A_238 = vector.broadcast %add3A_237 : i32 to vector<16xi32>
        %add3A_239 = arith.addi %add3A_238, %add3A_199 : vector<16xi32>
        tpu.vector_store_idx %arg16[%add3A_239], %scan3A_146 masked %and3A_190 : memref<2704xf32, #tpu.memory_space<vmem>>[vector<16xi32>], vector<16xf32>, vector<16xi1>
        %add3A_240 = arith.constant 336 : i32
        %add3A_241 = vector.broadcast %add3A_240 : i32 to vector<16xi32>
        %add3A_242 = arith.addi %add3A_241, %add3A_181 : vector<16xi32>
        %gather3A_243 = tpu.vector_load_idx %arg15[%add3A_242] : memref<2688xf32, #tpu.memory_space<vmem>>[vector<16xi32>], vector<16xf32>,
        %broadcast_in_dim3A_244 = arith.constant 9 : i32
        %broadcast_in_dim3A_245 = vector.broadcast %broadcast_in_dim3A_244 : i32 to vector<16xi32>
        %gather3A_246 = tpu.vector_load_idx %arg24[%add3A_160, %broadcast_in_dim3A_245] : memref<512x32xf32, #tpu.memory_space<vmem>>[vector<16xi32>, vector<16xi32>], vector<16xf32>,
        %add3A_247 = arith.constant 1 : i32
        %add3A_248 = vector.broadcast %add3A_247 : i32 to vector<16xi32>
        %add3A_249 = arith.addi %mul3A_202, %add3A_248 : vector<16xi32>
        %gather3A_250 = tpu.vector_load_idx %arg14[%add3A_249] : memref<80xf32, #tpu.memory_space<vmem>>[vector<16xi32>], vector<16xf32>,
        %slice3A_251 = vector.extract_strided_slice %get3A_36 {offsets = [1], sizes = [1], strides = [1]} : vector<16xf32> to vector<1xf32>
        %squeeze3A_252 = vector.extract %slice3A_251[0] : f32 from vector<1xf32>
        %slice3A_253 = vector.extract_strided_slice %get3A_36 {offsets = [9], sizes = [1], strides = [1]} : vector<16xf32> to vector<1xf32>
        %squeeze3A_254 = vector.extract %slice3A_253[0] : f32 from vector<1xf32>
        %broadcast_in_dim3A_255 = vector.broadcast %squeeze3A_252 : f32 to vector<16xf32>
        %broadcast_in_dim3A_256 = vector.broadcast %squeeze3A_254 : f32 to vector<16xf32>
        %select_n3A_257 = arith.select %ge3A_184, %broadcast_in_dim3A_255, %broadcast_in_dim3A_256 : vector<16xi1>, vector<16xf32>
        %add3A_258 = arith.addf %gather3A_243, %gather3A_246 : vector<16xf32>
        %add3A_259 = arith.addf %add3A_258, %gather3A_250 : vector<16xf32>
        %mul3A_260 = arith.mulf %get3A_172, %select_n3A_257 : vector<16xf32>
        %add3A_261 = arith.addf %add3A_259, %mul3A_260 : vector<16xf32>
        %ge3A_262 = arith.constant 0.000000e+00 : f32
        %ge3A_263 = vector.broadcast %ge3A_262 : f32 to vector<16xf32>
        %ge3A_264 = arith.cmpf oge, %add3A_261, %ge3A_263 : vector<16xf32>
        %mul3A_265 = arith.constant 2.000000e-01 : f32
        %mul3A_266 = vector.broadcast %mul3A_265 : f32 to vector<16xf32>
        %mul3A_267 = arith.mulf %mul3A_266, %add3A_261 : vector<16xf32>
        %select_n3A_268 = arith.select %ge3A_264, %add3A_261, %mul3A_267 : vector<16xi1>, vector<16xf32>
        %jit3A_269 = arith.constant -3.000000e+38 : f32
        %broadcast_in_dim3A_270 = vector.broadcast %jit3A_269 : f32 to vector<16xf32>
        %select_n3A_271 = arith.select %lt3A_156, %select_n3A_268, %broadcast_in_dim3A_270 : vector<16xi1>, vector<16xf32>
        %select_n3A_272 = arith.select %ne3A_186, %broadcast_in_dim3A_45, %scan3A_146 : vector<16xi1>, vector<16xf32>
        %max3A_273 = arith.maximumf %select_n3A_272, %select_n3A_271 : vector<16xf32>
        %add3A_274 = arith.constant 672 : i32
        %add3A_275 = vector.broadcast %add3A_274 : i32 to vector<16xi32>
        %add3A_276 = arith.addi %add3A_275, %add3A_199 : vector<16xi32>
        tpu.vector_store_idx %arg16[%add3A_276], %scan3A_147 masked %and3A_190 : memref<2704xf32, #tpu.memory_space<vmem>>[vector<16xi32>], vector<16xf32>, vector<16xi1>
        %add3A_277 = arith.constant 672 : i32
        %add3A_278 = vector.broadcast %add3A_277 : i32 to vector<16xi32>
        %add3A_279 = arith.addi %add3A_278, %add3A_181 : vector<16xi32>
        %gather3A_280 = tpu.vector_load_idx %arg15[%add3A_279] : memref<2688xf32, #tpu.memory_space<vmem>>[vector<16xi32>], vector<16xf32>,
        %broadcast_in_dim3A_281 = arith.constant 10 : i32
        %broadcast_in_dim3A_282 = vector.broadcast %broadcast_in_dim3A_281 : i32 to vector<16xi32>
        %gather3A_283 = tpu.vector_load_idx %arg24[%add3A_160, %broadcast_in_dim3A_282] : memref<512x32xf32, #tpu.memory_space<vmem>>[vector<16xi32>, vector<16xi32>], vector<16xf32>,
        %add3A_284 = arith.constant 2 : i32
        %add3A_285 = vector.broadcast %add3A_284 : i32 to vector<16xi32>
        %add3A_286 = arith.addi %mul3A_202, %add3A_285 : vector<16xi32>
        %gather3A_287 = tpu.vector_load_idx %arg14[%add3A_286] : memref<80xf32, #tpu.memory_space<vmem>>[vector<16xi32>], vector<16xf32>,
        %slice3A_288 = vector.extract_strided_slice %get3A_36 {offsets = [2], sizes = [1], strides = [1]} : vector<16xf32> to vector<1xf32>
        %squeeze3A_289 = vector.extract %slice3A_288[0] : f32 from vector<1xf32>
        %slice3A_290 = vector.extract_strided_slice %get3A_36 {offsets = [10], sizes = [1], strides = [1]} : vector<16xf32> to vector<1xf32>
        %squeeze3A_291 = vector.extract %slice3A_290[0] : f32 from vector<1xf32>
        %broadcast_in_dim3A_292 = vector.broadcast %squeeze3A_289 : f32 to vector<16xf32>
        %broadcast_in_dim3A_293 = vector.broadcast %squeeze3A_291 : f32 to vector<16xf32>
        %select_n3A_294 = arith.select %ge3A_184, %broadcast_in_dim3A_292, %broadcast_in_dim3A_293 : vector<16xi1>, vector<16xf32>
        %add3A_295 = arith.addf %gather3A_280, %gather3A_283 : vector<16xf32>
        %add3A_296 = arith.addf %add3A_295, %gather3A_287 : vector<16xf32>
        %mul3A_297 = arith.mulf %get3A_172, %select_n3A_294 : vector<16xf32>
        %add3A_298 = arith.addf %add3A_296, %mul3A_297 : vector<16xf32>
        %ge3A_299 = arith.constant 0.000000e+00 : f32
        %ge3A_300 = vector.broadcast %ge3A_299 : f32 to vector<16xf32>
        %ge3A_301 = arith.cmpf oge, %add3A_298, %ge3A_300 : vector<16xf32>
        %mul3A_302 = arith.constant 2.000000e-01 : f32
        %mul3A_303 = vector.broadcast %mul3A_302 : f32 to vector<16xf32>
        %mul3A_304 = arith.mulf %mul3A_303, %add3A_298 : vector<16xf32>
        %select_n3A_305 = arith.select %ge3A_301, %add3A_298, %mul3A_304 : vector<16xi1>, vector<16xf32>
        %jit3A_306 = arith.constant -3.000000e+38 : f32
        %broadcast_in_dim3A_307 = vector.broadcast %jit3A_306 : f32 to vector<16xf32>
        %select_n3A_308 = arith.select %lt3A_156, %select_n3A_305, %broadcast_in_dim3A_307 : vector<16xi1>, vector<16xf32>
        %select_n3A_309 = arith.select %ne3A_186, %broadcast_in_dim3A_45, %scan3A_147 : vector<16xi1>, vector<16xf32>
        %max3A_310 = arith.maximumf %select_n3A_309, %select_n3A_308 : vector<16xf32>
        %add3A_311 = arith.constant 1008 : i32
        %add3A_312 = vector.broadcast %add3A_311 : i32 to vector<16xi32>
        %add3A_313 = arith.addi %add3A_312, %add3A_199 : vector<16xi32>
        tpu.vector_store_idx %arg16[%add3A_313], %scan3A_148 masked %and3A_190 : memref<2704xf32, #tpu.memory_space<vmem>>[vector<16xi32>], vector<16xf32>, vector<16xi1>
        %add3A_314 = arith.constant 1008 : i32
        %add3A_315 = vector.broadcast %add3A_314 : i32 to vector<16xi32>
        %add3A_316 = arith.addi %add3A_315, %add3A_181 : vector<16xi32>
        %gather3A_317 = tpu.vector_load_idx %arg15[%add3A_316] : memref<2688xf32, #tpu.memory_space<vmem>>[vector<16xi32>], vector<16xf32>,
        %broadcast_in_dim3A_318 = arith.constant 11 : i32
        %broadcast_in_dim3A_319 = vector.broadcast %broadcast_in_dim3A_318 : i32 to vector<16xi32>
        %gather3A_320 = tpu.vector_load_idx %arg24[%add3A_160, %broadcast_in_dim3A_319] : memref<512x32xf32, #tpu.memory_space<vmem>>[vector<16xi32>, vector<16xi32>], vector<16xf32>,
        %add3A_321 = arith.constant 3 : i32
        %add3A_322 = vector.broadcast %add3A_321 : i32 to vector<16xi32>
        %add3A_323 = arith.addi %mul3A_202, %add3A_322 : vector<16xi32>
        %gather3A_324 = tpu.vector_load_idx %arg14[%add3A_323] : memref<80xf32, #tpu.memory_space<vmem>>[vector<16xi32>], vector<16xf32>,
        %slice3A_325 = vector.extract_strided_slice %get3A_36 {offsets = [3], sizes = [1], strides = [1]} : vector<16xf32> to vector<1xf32>
        %squeeze3A_326 = vector.extract %slice3A_325[0] : f32 from vector<1xf32>
        %slice3A_327 = vector.extract_strided_slice %get3A_36 {offsets = [11], sizes = [1], strides = [1]} : vector<16xf32> to vector<1xf32>
        %squeeze3A_328 = vector.extract %slice3A_327[0] : f32 from vector<1xf32>
        %broadcast_in_dim3A_329 = vector.broadcast %squeeze3A_326 : f32 to vector<16xf32>
        %broadcast_in_dim3A_330 = vector.broadcast %squeeze3A_328 : f32 to vector<16xf32>
        %select_n3A_331 = arith.select %ge3A_184, %broadcast_in_dim3A_329, %broadcast_in_dim3A_330 : vector<16xi1>, vector<16xf32>
        %add3A_332 = arith.addf %gather3A_317, %gather3A_320 : vector<16xf32>
        %add3A_333 = arith.addf %add3A_332, %gather3A_324 : vector<16xf32>
        %mul3A_334 = arith.mulf %get3A_172, %select_n3A_331 : vector<16xf32>
        %add3A_335 = arith.addf %add3A_333, %mul3A_334 : vector<16xf32>
        %ge3A_336 = arith.constant 0.000000e+00 : f32
        %ge3A_337 = vector.broadcast %ge3A_336 : f32 to vector<16xf32>
        %ge3A_338 = arith.cmpf oge, %add3A_335, %ge3A_337 : vector<16xf32>
        %mul3A_339 = arith.constant 2.000000e-01 : f32
        %mul3A_340 = vector.broadcast %mul3A_339 : f32 to vector<16xf32>
        %mul3A_341 = arith.mulf %mul3A_340, %add3A_335 : vector<16xf32>
        %select_n3A_342 = arith.select %ge3A_338, %add3A_335, %mul3A_341 : vector<16xi1>, vector<16xf32>
        %jit3A_343 = arith.constant -3.000000e+38 : f32
        %broadcast_in_dim3A_344 = vector.broadcast %jit3A_343 : f32 to vector<16xf32>
        %select_n3A_345 = arith.select %lt3A_156, %select_n3A_342, %broadcast_in_dim3A_344 : vector<16xi1>, vector<16xf32>
        %select_n3A_346 = arith.select %ne3A_186, %broadcast_in_dim3A_45, %scan3A_148 : vector<16xi1>, vector<16xf32>
        %max3A_347 = arith.maximumf %select_n3A_346, %select_n3A_345 : vector<16xf32>
        %add3A_348 = arith.constant 1344 : i32
        %add3A_349 = vector.broadcast %add3A_348 : i32 to vector<16xi32>
        %add3A_350 = arith.addi %add3A_349, %add3A_199 : vector<16xi32>
        tpu.vector_store_idx %arg16[%add3A_350], %scan3A_149 masked %and3A_190 : memref<2704xf32, #tpu.memory_space<vmem>>[vector<16xi32>], vector<16xf32>, vector<16xi1>
        %add3A_351 = arith.constant 1344 : i32
        %add3A_352 = vector.broadcast %add3A_351 : i32 to vector<16xi32>
        %add3A_353 = arith.addi %add3A_352, %add3A_181 : vector<16xi32>
        %gather3A_354 = tpu.vector_load_idx %arg15[%add3A_353] : memref<2688xf32, #tpu.memory_space<vmem>>[vector<16xi32>], vector<16xf32>,
        %broadcast_in_dim3A_355 = arith.constant 12 : i32
        %broadcast_in_dim3A_356 = vector.broadcast %broadcast_in_dim3A_355 : i32 to vector<16xi32>
        %gather3A_357 = tpu.vector_load_idx %arg24[%add3A_160, %broadcast_in_dim3A_356] : memref<512x32xf32, #tpu.memory_space<vmem>>[vector<16xi32>, vector<16xi32>], vector<16xf32>,
        %add3A_358 = arith.constant 4 : i32
        %add3A_359 = vector.broadcast %add3A_358 : i32 to vector<16xi32>
        %add3A_360 = arith.addi %mul3A_202, %add3A_359 : vector<16xi32>
        %gather3A_361 = tpu.vector_load_idx %arg14[%add3A_360] : memref<80xf32, #tpu.memory_space<vmem>>[vector<16xi32>], vector<16xf32>,
        %slice3A_362 = vector.extract_strided_slice %get3A_36 {offsets = [4], sizes = [1], strides = [1]} : vector<16xf32> to vector<1xf32>
        %squeeze3A_363 = vector.extract %slice3A_362[0] : f32 from vector<1xf32>
        %slice3A_364 = vector.extract_strided_slice %get3A_36 {offsets = [12], sizes = [1], strides = [1]} : vector<16xf32> to vector<1xf32>
        %squeeze3A_365 = vector.extract %slice3A_364[0] : f32 from vector<1xf32>
        %broadcast_in_dim3A_366 = vector.broadcast %squeeze3A_363 : f32 to vector<16xf32>
        %broadcast_in_dim3A_367 = vector.broadcast %squeeze3A_365 : f32 to vector<16xf32>
        %select_n3A_368 = arith.select %ge3A_184, %broadcast_in_dim3A_366, %broadcast_in_dim3A_367 : vector<16xi1>, vector<16xf32>
        %add3A_369 = arith.addf %gather3A_354, %gather3A_357 : vector<16xf32>
        %add3A_370 = arith.addf %add3A_369, %gather3A_361 : vector<16xf32>
        %mul3A_371 = arith.mulf %get3A_172, %select_n3A_368 : vector<16xf32>
        %add3A_372 = arith.addf %add3A_370, %mul3A_371 : vector<16xf32>
        %ge3A_373 = arith.constant 0.000000e+00 : f32
        %ge3A_374 = vector.broadcast %ge3A_373 : f32 to vector<16xf32>
        %ge3A_375 = arith.cmpf oge, %add3A_372, %ge3A_374 : vector<16xf32>
        %mul3A_376 = arith.constant 2.000000e-01 : f32
        %mul3A_377 = vector.broadcast %mul3A_376 : f32 to vector<16xf32>
        %mul3A_378 = arith.mulf %mul3A_377, %add3A_372 : vector<16xf32>
        %select_n3A_379 = arith.select %ge3A_375, %add3A_372, %mul3A_378 : vector<16xi1>, vector<16xf32>
        %jit3A_380 = arith.constant -3.000000e+38 : f32
        %broadcast_in_dim3A_381 = vector.broadcast %jit3A_380 : f32 to vector<16xf32>
        %select_n3A_382 = arith.select %lt3A_156, %select_n3A_379, %broadcast_in_dim3A_381 : vector<16xi1>, vector<16xf32>
        %select_n3A_383 = arith.select %ne3A_186, %broadcast_in_dim3A_45, %scan3A_149 : vector<16xi1>, vector<16xf32>
        %max3A_384 = arith.maximumf %select_n3A_383, %select_n3A_382 : vector<16xf32>
        %add3A_385 = arith.constant 1680 : i32
        %add3A_386 = vector.broadcast %add3A_385 : i32 to vector<16xi32>
        %add3A_387 = arith.addi %add3A_386, %add3A_199 : vector<16xi32>
        tpu.vector_store_idx %arg16[%add3A_387], %scan3A_150 masked %and3A_190 : memref<2704xf32, #tpu.memory_space<vmem>>[vector<16xi32>], vector<16xf32>, vector<16xi1>
        %add3A_388 = arith.constant 1680 : i32
        %add3A_389 = vector.broadcast %add3A_388 : i32 to vector<16xi32>
        %add3A_390 = arith.addi %add3A_389, %add3A_181 : vector<16xi32>
        %gather3A_391 = tpu.vector_load_idx %arg15[%add3A_390] : memref<2688xf32, #tpu.memory_space<vmem>>[vector<16xi32>], vector<16xf32>,
        %broadcast_in_dim3A_392 = arith.constant 13 : i32
        %broadcast_in_dim3A_393 = vector.broadcast %broadcast_in_dim3A_392 : i32 to vector<16xi32>
        %gather3A_394 = tpu.vector_load_idx %arg24[%add3A_160, %broadcast_in_dim3A_393] : memref<512x32xf32, #tpu.memory_space<vmem>>[vector<16xi32>, vector<16xi32>], vector<16xf32>,
        %add3A_395 = arith.constant 5 : i32
        %add3A_396 = vector.broadcast %add3A_395 : i32 to vector<16xi32>
        %add3A_397 = arith.addi %mul3A_202, %add3A_396 : vector<16xi32>
        %gather3A_398 = tpu.vector_load_idx %arg14[%add3A_397] : memref<80xf32, #tpu.memory_space<vmem>>[vector<16xi32>], vector<16xf32>,
        %slice3A_399 = vector.extract_strided_slice %get3A_36 {offsets = [5], sizes = [1], strides = [1]} : vector<16xf32> to vector<1xf32>
        %squeeze3A_400 = vector.extract %slice3A_399[0] : f32 from vector<1xf32>
        %slice3A_401 = vector.extract_strided_slice %get3A_36 {offsets = [13], sizes = [1], strides = [1]} : vector<16xf32> to vector<1xf32>
        %squeeze3A_402 = vector.extract %slice3A_401[0] : f32 from vector<1xf32>
        %broadcast_in_dim3A_403 = vector.broadcast %squeeze3A_400 : f32 to vector<16xf32>
        %broadcast_in_dim3A_404 = vector.broadcast %squeeze3A_402 : f32 to vector<16xf32>
        %select_n3A_405 = arith.select %ge3A_184, %broadcast_in_dim3A_403, %broadcast_in_dim3A_404 : vector<16xi1>, vector<16xf32>
        %add3A_406 = arith.addf %gather3A_391, %gather3A_394 : vector<16xf32>
        %add3A_407 = arith.addf %add3A_406, %gather3A_398 : vector<16xf32>
        %mul3A_408 = arith.mulf %get3A_172, %select_n3A_405 : vector<16xf32>
        %add3A_409 = arith.addf %add3A_407, %mul3A_408 : vector<16xf32>
        %ge3A_410 = arith.constant 0.000000e+00 : f32
        %ge3A_411 = vector.broadcast %ge3A_410 : f32 to vector<16xf32>
        %ge3A_412 = arith.cmpf oge, %add3A_409, %ge3A_411 : vector<16xf32>
        %mul3A_413 = arith.constant 2.000000e-01 : f32
        %mul3A_414 = vector.broadcast %mul3A_413 : f32 to vector<16xf32>
        %mul3A_415 = arith.mulf %mul3A_414, %add3A_409 : vector<16xf32>
        %select_n3A_416 = arith.select %ge3A_412, %add3A_409, %mul3A_415 : vector<16xi1>, vector<16xf32>
        %jit3A_417 = arith.constant -3.000000e+38 : f32
        %broadcast_in_dim3A_418 = vector.broadcast %jit3A_417 : f32 to vector<16xf32>
        %select_n3A_419 = arith.select %lt3A_156, %select_n3A_416, %broadcast_in_dim3A_418 : vector<16xi1>, vector<16xf32>
        %select_n3A_420 = arith.select %ne3A_186, %broadcast_in_dim3A_45, %scan3A_150 : vector<16xi1>, vector<16xf32>
        %max3A_421 = arith.maximumf %select_n3A_420, %select_n3A_419 : vector<16xf32>
        %add3A_422 = arith.constant 2016 : i32
        %add3A_423 = vector.broadcast %add3A_422 : i32 to vector<16xi32>
        %add3A_424 = arith.addi %add3A_423, %add3A_199 : vector<16xi32>
        tpu.vector_store_idx %arg16[%add3A_424], %scan3A_151 masked %and3A_190 : memref<2704xf32, #tpu.memory_space<vmem>>[vector<16xi32>], vector<16xf32>, vector<16xi1>
        %add3A_425 = arith.constant 2016 : i32
        %add3A_426 = vector.broadcast %add3A_425 : i32 to vector<16xi32>
        %add3A_427 = arith.addi %add3A_426, %add3A_181 : vector<16xi32>
        %gather3A_428 = tpu.vector_load_idx %arg15[%add3A_427] : memref<2688xf32, #tpu.memory_space<vmem>>[vector<16xi32>], vector<16xf32>,
        %broadcast_in_dim3A_429 = arith.constant 14 : i32
        %broadcast_in_dim3A_430 = vector.broadcast %broadcast_in_dim3A_429 : i32 to vector<16xi32>
        %gather3A_431 = tpu.vector_load_idx %arg24[%add3A_160, %broadcast_in_dim3A_430] : memref<512x32xf32, #tpu.memory_space<vmem>>[vector<16xi32>, vector<16xi32>], vector<16xf32>,
        %add3A_432 = arith.constant 6 : i32
        %add3A_433 = vector.broadcast %add3A_432 : i32 to vector<16xi32>
        %add3A_434 = arith.addi %mul3A_202, %add3A_433 : vector<16xi32>
        %gather3A_435 = tpu.vector_load_idx %arg14[%add3A_434] : memref<80xf32, #tpu.memory_space<vmem>>[vector<16xi32>], vector<16xf32>,
        %slice3A_436 = vector.extract_strided_slice %get3A_36 {offsets = [6], sizes = [1], strides = [1]} : vector<16xf32> to vector<1xf32>
        %squeeze3A_437 = vector.extract %slice3A_436[0] : f32 from vector<1xf32>
        %slice3A_438 = vector.extract_strided_slice %get3A_36 {offsets = [14], sizes = [1], strides = [1]} : vector<16xf32> to vector<1xf32>
        %squeeze3A_439 = vector.extract %slice3A_438[0] : f32 from vector<1xf32>
        %broadcast_in_dim3A_440 = vector.broadcast %squeeze3A_437 : f32 to vector<16xf32>
        %broadcast_in_dim3A_441 = vector.broadcast %squeeze3A_439 : f32 to vector<16xf32>
        %select_n3A_442 = arith.select %ge3A_184, %broadcast_in_dim3A_440, %broadcast_in_dim3A_441 : vector<16xi1>, vector<16xf32>
        %add3A_443 = arith.addf %gather3A_428, %gather3A_431 : vector<16xf32>
        %add3A_444 = arith.addf %add3A_443, %gather3A_435 : vector<16xf32>
        %mul3A_445 = arith.mulf %get3A_172, %select_n3A_442 : vector<16xf32>
        %add3A_446 = arith.addf %add3A_444, %mul3A_445 : vector<16xf32>
        %ge3A_447 = arith.constant 0.000000e+00 : f32
        %ge3A_448 = vector.broadcast %ge3A_447 : f32 to vector<16xf32>
        %ge3A_449 = arith.cmpf oge, %add3A_446, %ge3A_448 : vector<16xf32>
        %mul3A_450 = arith.constant 2.000000e-01 : f32
        %mul3A_451 = vector.broadcast %mul3A_450 : f32 to vector<16xf32>
        %mul3A_452 = arith.mulf %mul3A_451, %add3A_446 : vector<16xf32>
        %select_n3A_453 = arith.select %ge3A_449, %add3A_446, %mul3A_452 : vector<16xi1>, vector<16xf32>
        %jit3A_454 = arith.constant -3.000000e+38 : f32
        %broadcast_in_dim3A_455 = vector.broadcast %jit3A_454 : f32 to vector<16xf32>
        %select_n3A_456 = arith.select %lt3A_156, %select_n3A_453, %broadcast_in_dim3A_455 : vector<16xi1>, vector<16xf32>
        %select_n3A_457 = arith.select %ne3A_186, %broadcast_in_dim3A_45, %scan3A_151 : vector<16xi1>, vector<16xf32>
        %max3A_458 = arith.maximumf %select_n3A_457, %select_n3A_456 : vector<16xf32>
        %add3A_459 = arith.constant 2352 : i32
        %add3A_460 = vector.broadcast %add3A_459 : i32 to vector<16xi32>
        %add3A_461 = arith.addi %add3A_460, %add3A_199 : vector<16xi32>
        tpu.vector_store_idx %arg16[%add3A_461], %scan3A_152 masked %and3A_190 : memref<2704xf32, #tpu.memory_space<vmem>>[vector<16xi32>], vector<16xf32>, vector<16xi1>
        %add3A_462 = arith.constant 2352 : i32
        %add3A_463 = vector.broadcast %add3A_462 : i32 to vector<16xi32>
        %add3A_464 = arith.addi %add3A_463, %add3A_181 : vector<16xi32>
        %gather3A_465 = tpu.vector_load_idx %arg15[%add3A_464] : memref<2688xf32, #tpu.memory_space<vmem>>[vector<16xi32>], vector<16xf32>,
        %broadcast_in_dim3A_466 = arith.constant 15 : i32
        %broadcast_in_dim3A_467 = vector.broadcast %broadcast_in_dim3A_466 : i32 to vector<16xi32>
        %gather3A_468 = tpu.vector_load_idx %arg24[%add3A_160, %broadcast_in_dim3A_467] : memref<512x32xf32, #tpu.memory_space<vmem>>[vector<16xi32>, vector<16xi32>], vector<16xf32>,
        %add3A_469 = arith.constant 7 : i32
        %add3A_470 = vector.broadcast %add3A_469 : i32 to vector<16xi32>
        %add3A_471 = arith.addi %mul3A_202, %add3A_470 : vector<16xi32>
        %gather3A_472 = tpu.vector_load_idx %arg14[%add3A_471] : memref<80xf32, #tpu.memory_space<vmem>>[vector<16xi32>], vector<16xf32>,
        %slice3A_473 = vector.extract_strided_slice %get3A_36 {offsets = [7], sizes = [1], strides = [1]} : vector<16xf32> to vector<1xf32>
        %squeeze3A_474 = vector.extract %slice3A_473[0] : f32 from vector<1xf32>
        %slice3A_475 = vector.extract_strided_slice %get3A_36 {offsets = [15], sizes = [1], strides = [1]} : vector<16xf32> to vector<1xf32>
        %squeeze3A_476 = vector.extract %slice3A_475[0] : f32 from vector<1xf32>
        %broadcast_in_dim3A_477 = vector.broadcast %squeeze3A_474 : f32 to vector<16xf32>
        %broadcast_in_dim3A_478 = vector.broadcast %squeeze3A_476 : f32 to vector<16xf32>
        %select_n3A_479 = arith.select %ge3A_184, %broadcast_in_dim3A_477, %broadcast_in_dim3A_478 : vector<16xi1>, vector<16xf32>
        %add3A_480 = arith.addf %gather3A_465, %gather3A_468 : vector<16xf32>
        %add3A_481 = arith.addf %add3A_480, %gather3A_472 : vector<16xf32>
        %mul3A_482 = arith.mulf %get3A_172, %select_n3A_479 : vector<16xf32>
        %add3A_483 = arith.addf %add3A_481, %mul3A_482 : vector<16xf32>
        %ge3A_484 = arith.constant 0.000000e+00 : f32
        %ge3A_485 = vector.broadcast %ge3A_484 : f32 to vector<16xf32>
        %ge3A_486 = arith.cmpf oge, %add3A_483, %ge3A_485 : vector<16xf32>
        %mul3A_487 = arith.constant 2.000000e-01 : f32
        %mul3A_488 = vector.broadcast %mul3A_487 : f32 to vector<16xf32>
        %mul3A_489 = arith.mulf %mul3A_488, %add3A_483 : vector<16xf32>
        %select_n3A_490 = arith.select %ge3A_486, %add3A_483, %mul3A_489 : vector<16xi1>, vector<16xf32>
        %jit3A_491 = arith.constant -3.000000e+38 : f32
        %broadcast_in_dim3A_492 = vector.broadcast %jit3A_491 : f32 to vector<16xf32>
        %select_n3A_493 = arith.select %lt3A_156, %select_n3A_490, %broadcast_in_dim3A_492 : vector<16xi1>, vector<16xf32>
        %select_n3A_494 = arith.select %ne3A_186, %broadcast_in_dim3A_45, %scan3A_152 : vector<16xi1>, vector<16xf32>
        %max3A_495 = arith.maximumf %select_n3A_494, %select_n3A_493 : vector<16xf32>
        scf.yield %select_n3A_185, %max3A_236, %max3A_273, %max3A_310, %max3A_347, %max3A_384, %max3A_421, %max3A_458, %max3A_495 : vector<16xi32>, vector<16xf32>, vector<16xf32>, vector<16xf32>, vector<16xf32>, vector<16xf32>, vector<16xf32>, vector<16xf32>, vector<16xf32>
      }
      %scan3A_142 = arith.constant 32 : i32
      scf.yield %scan3A_141#0, %scan3A_141#1, %scan3A_141#2, %scan3A_141#3, %scan3A_141#4, %scan3A_141#5, %scan3A_141#6, %scan3A_141#7, %scan3A_141#8 : vector<16xi32>, vector<16xf32>, vector<16xf32>, vector<16xf32>, vector<16xf32>, vector<16xf32>, vector<16xf32>, vector<16xf32>, vector<16xf32>
    }
    %while3A_65 = arith.constant 1 : i32
    %while3A_66:9 = scf.for %while3A_122 = %while3A_62 to %while3A_58 step %while3A_65 iter_args(%while3A_123 = %while3A_64#0, %while3A_124 = %while3A_64#1, %while3A_125 = %while3A_64#2, %while3A_126 = %while3A_64#3, %while3A_127 = %while3A_64#4, %while3A_128 = %while3A_64#5, %while3A_129 = %while3A_64#6, %while3A_130 = %while3A_64#7, %while3A_131 = %while3A_64#8) -> (vector<16xi32>, vector<16xf32>, vector<16xf32>, vector<16xf32>, vector<16xf32>, vector<16xf32>, vector<16xf32>, vector<16xf32>, vector<16xf32>)  : i32 {
      %scan3A_132 = arith.constant 0 : i32
      %scan3A_133 = arith.constant 32 : i32
      %scan3A_134 = arith.addi %scan3A_132, %scan3A_133 : i32
      %scan3A_135 = arith.constant 1 : i32
      scf.for %scan3A_143 = %scan3A_132 to %scan3A_134 step %scan3A_135  : i32 {
        %mul3A_144 = arith.constant 1 : i32
        %mul3A_145 = arith.muli %scan3A_143, %mul3A_144 : i32
        %add3A_146 = arith.constant 0 : i32
        %add3A_147 = arith.addi %add3A_146, %mul3A_145 : i32
        %mul3A_148 = arith.constant 32 : i32
        %mul3A_149 = arith.muli %while3A_122, %mul3A_148 : i32
        %add3A_150 = arith.addi %mul3A_149, %add3A_147 : i32
        %add3A_151 = vector.broadcast %add3A_150 : i32 to vector<16xi32>
        %add3A_152 = arith.addi %get3A_3, %add3A_151 : vector<16xi32>
        %jit3A_153 = arith.constant 0 : i32
        %jit3A_154 = arith.constant 319999 : i32
        %max3A_155 = vector.broadcast %jit3A_153 : i32 to vector<16xi32>
        %max3A_156 = arith.maxsi %max3A_155, %add3A_152 : vector<16xi32>
        %min3A_157 = vector.broadcast %jit3A_154 : i32 to vector<16xi32>
        %min3A_158 = arith.minsi %min3A_157, %max3A_156 : vector<16xi32>
        %mul3A_159 = arith.constant 16 : i32
        %mul3A_160 = arith.muli %add3A_147, %mul3A_159 : i32
        %swap3A = arith.index_cast %mul3A_160 : i32 to index
        %swap3A_161 = tpu.vector_load %arg19[%swap3A] {strides = array<i32>} : memref<512xi32, #tpu.memory_space<vmem>>, vector<16xi32>,
        tpu.vector_store %arg19[%swap3A], %min3A_158 {strides = array<i32>} : memref<512xi32, #tpu.memory_space<vmem>>, vector<16xi32>,
      }
      %scan3A_136 = arith.constant 32 : i32
      "tpu.region"() ({
        %run_scoped3A = tpu.sem_alloc : memref<!tpu.dma_semaphore, #tpu.memory_space<semaphore_mem>>
        %dma_start3A = arith.constant 0 : i32
        %dma_start3A_143 = tpu.memref_slice %arg4[%dma_start3A] : memref<320000xi32, #tpu.memory_space<hbm>> -> memref<320000xi32, #tpu.memory_space<hbm>>
        tpu.enqueue_indirect_dma source(%dma_start3A_143 : memref<320000xi32, #tpu.memory_space<hbm>>) target(%arg20 : memref<512xi32, #tpu.memory_space<vmem>>) offsets(%arg19 : memref<512xi32, #tpu.memory_space<vmem>>) semaphore(%run_scoped3A : memref<!tpu.dma_semaphore, #tpu.memory_space<semaphore_mem>>)
        %dma_wait3A = arith.constant 0 : i32
        %dma_wait3A_144 = tpu.memref_slice %arg4[%dma_wait3A] : memref<320000xi32, #tpu.memory_space<hbm>> -> memref<320000xi32, #tpu.memory_space<hbm>>
        tpu.wait_indirect_dma semaphore(%run_scoped3A : memref<!tpu.dma_semaphore, #tpu.memory_space<semaphore_mem>>) src(%dma_wait3A_144 : memref<320000xi32, #tpu.memory_space<hbm>>) dst(%arg20 : memref<512xi32, #tpu.memory_space<vmem>>)
        tpu.yield
      }) : () -> ()
      "tpu.region"() ({
        %run_scoped3A = tpu.sem_alloc : memref<!tpu.dma_semaphore, #tpu.memory_space<semaphore_mem>>
        %dma_start3A = arith.constant 0 : i32
        %dma_start3A_143 = tpu.memref_slice %arg5[%dma_start3A] : memref<320000xi32, #tpu.memory_space<hbm>> -> memref<320000xi32, #tpu.memory_space<hbm>>
        tpu.enqueue_indirect_dma source(%dma_start3A_143 : memref<320000xi32, #tpu.memory_space<hbm>>) target(%arg21 : memref<512xi32, #tpu.memory_space<vmem>>) offsets(%arg19 : memref<512xi32, #tpu.memory_space<vmem>>) semaphore(%run_scoped3A : memref<!tpu.dma_semaphore, #tpu.memory_space<semaphore_mem>>)
        %dma_wait3A = arith.constant 0 : i32
        %dma_wait3A_144 = tpu.memref_slice %arg5[%dma_wait3A] : memref<320000xi32, #tpu.memory_space<hbm>> -> memref<320000xi32, #tpu.memory_space<hbm>>
        tpu.wait_indirect_dma semaphore(%run_scoped3A : memref<!tpu.dma_semaphore, #tpu.memory_space<semaphore_mem>>) src(%dma_wait3A_144 : memref<320000xi32, #tpu.memory_space<hbm>>) dst(%arg21 : memref<512xi32, #tpu.memory_space<vmem>>)
        tpu.yield
      }) : () -> ()
      "tpu.region"() ({
        %run_scoped3A = tpu.sem_alloc : memref<!tpu.dma_semaphore, #tpu.memory_space<semaphore_mem>>
        %dma_start3A = arith.constant 0 : i32
        %dma_start3A_143 = tpu.memref_slice %arg6[%dma_start3A] : memref<320000xi32, #tpu.memory_space<hbm>> -> memref<320000xi32, #tpu.memory_space<hbm>>
        tpu.enqueue_indirect_dma source(%dma_start3A_143 : memref<320000xi32, #tpu.memory_space<hbm>>) target(%arg22 : memref<512xi32, #tpu.memory_space<vmem>>) offsets(%arg19 : memref<512xi32, #tpu.memory_space<vmem>>) semaphore(%run_scoped3A : memref<!tpu.dma_semaphore, #tpu.memory_space<semaphore_mem>>)
        %dma_wait3A = arith.constant 0 : i32
        %dma_wait3A_144 = tpu.memref_slice %arg6[%dma_wait3A] : memref<320000xi32, #tpu.memory_space<hbm>> -> memref<320000xi32, #tpu.memory_space<hbm>>
        tpu.wait_indirect_dma semaphore(%run_scoped3A : memref<!tpu.dma_semaphore, #tpu.memory_space<semaphore_mem>>) src(%dma_wait3A_144 : memref<320000xi32, #tpu.memory_space<hbm>>) dst(%arg22 : memref<512xi32, #tpu.memory_space<vmem>>)
        tpu.yield
      }) : () -> ()
      "tpu.region"() ({
        %run_scoped3A = tpu.sem_alloc : memref<!tpu.dma_semaphore, #tpu.memory_space<semaphore_mem>>
        %dma_start3A = arith.constant 0 : i32
        %dma_start3A_143 = tpu.memref_slice %arg7[%dma_start3A] : memref<320000xf32, #tpu.memory_space<hbm>> -> memref<320000xf32, #tpu.memory_space<hbm>>
        tpu.enqueue_indirect_dma source(%dma_start3A_143 : memref<320000xf32, #tpu.memory_space<hbm>>) target(%arg23 : memref<512xf32, #tpu.memory_space<vmem>>) offsets(%arg19 : memref<512xi32, #tpu.memory_space<vmem>>) semaphore(%run_scoped3A : memref<!tpu.dma_semaphore, #tpu.memory_space<semaphore_mem>>)
        %dma_wait3A = arith.constant 0 : i32
        %dma_wait3A_144 = tpu.memref_slice %arg7[%dma_wait3A] : memref<320000xf32, #tpu.memory_space<hbm>> -> memref<320000xf32, #tpu.memory_space<hbm>>
        tpu.wait_indirect_dma semaphore(%run_scoped3A : memref<!tpu.dma_semaphore, #tpu.memory_space<semaphore_mem>>) src(%dma_wait3A_144 : memref<320000xf32, #tpu.memory_space<hbm>>) dst(%arg23 : memref<512xf32, #tpu.memory_space<vmem>>)
        tpu.yield
      }) : () -> ()
      "tpu.region"() ({
        %run_scoped3A = tpu.sem_alloc : memref<!tpu.dma_semaphore, #tpu.memory_space<semaphore_mem>>
        %dma_start3A = arith.constant 0 : i32
        %dma_start3A_143 = arith.constant 0 : i32
        %dma_start3A_144 = tpu.memref_slice %arg2[%dma_start3A, %dma_start3A_143] : memref<10240x32xf32, #tpu.memory_space<hbm>> -> memref<10240x32xf32, #tpu.memory_space<hbm>>
        tpu.enqueue_indirect_dma source(%dma_start3A_144 : memref<10240x32xf32, #tpu.memory_space<hbm>>) target(%arg24 : memref<512x32xf32, #tpu.memory_space<vmem>>) offsets(%arg21 : memref<512xi32, #tpu.memory_space<vmem>>) semaphore(%run_scoped3A : memref<!tpu.dma_semaphore, #tpu.memory_space<semaphore_mem>>)
        %dma_wait3A = arith.constant 0 : i32
        %dma_wait3A_145 = arith.constant 0 : i32
        %dma_wait3A_146 = tpu.memref_slice %arg2[%dma_wait3A, %dma_wait3A_145] : memref<10240x32xf32, #tpu.memory_space<hbm>> -> memref<10240x32xf32, #tpu.memory_space<hbm>>
        tpu.wait_indirect_dma semaphore(%run_scoped3A : memref<!tpu.dma_semaphore, #tpu.memory_space<semaphore_mem>>) src(%dma_wait3A_146 : memref<10240x32xf32, #tpu.memory_space<hbm>>) dst(%arg24 : memref<512x32xf32, #tpu.memory_space<vmem>>)
        tpu.yield
      }) : () -> ()
      %scan3A_137 = arith.constant 0 : i32
      %scan3A_138 = arith.constant 32 : i32
      %scan3A_139 = arith.addi %scan3A_137, %scan3A_138 : i32
      %scan3A_140 = arith.constant 1 : i32
      %scan3A_141:9 = scf.for %scan3A_143 = %scan3A_137 to %scan3A_139 step %scan3A_140 iter_args(%scan3A_144 = %while3A_123, %scan3A_145 = %while3A_124, %scan3A_146 = %while3A_125, %scan3A_147 = %while3A_126, %scan3A_148 = %while3A_127, %scan3A_149 = %while3A_128, %scan3A_150 = %while3A_129, %scan3A_151 = %while3A_130, %scan3A_152 = %while3A_131) -> (vector<16xi32>, vector<16xf32>, vector<16xf32>, vector<16xf32>, vector<16xf32>, vector<16xf32>, vector<16xf32>, vector<16xf32>, vector<16xf32>)  : i32 {
        %mul3A_153 = arith.constant 32 : i32
        %mul3A_154 = arith.muli %while3A_122, %mul3A_153 : i32
        %add3A_155 = arith.addi %mul3A_154, %scan3A_143 : i32
        %lt3A = vector.broadcast %add3A_155 : i32 to vector<16xi32>
        %lt3A_156 = arith.cmpi slt, %lt3A, %get3A_7 : vector<16xi32>
        %mul3A_157 = arith.constant 16 : i32
        %mul3A_158 = arith.muli %scan3A_143, %mul3A_157 : i32
        %add3A_159 = vector.broadcast %mul3A_158 : i32 to vector<16xi32>
        %add3A_160 = arith.addi %add3A_159, %iota3A : vector<16xi32>
        %mul3A_161 = arith.constant 16 : i32
        %mul3A_162 = arith.muli %scan3A_143, %mul3A_161 : i32
        %get3A_163 = arith.index_cast %mul3A_162 : i32 to index
        %get3A_164 = tpu.vector_load %arg20[%get3A_163] {strides = array<i32>} : memref<512xi32, #tpu.memory_space<vmem>>, vector<16xi32>,
        %mul3A_165 = arith.constant 16 : i32
        %mul3A_166 = arith.muli %scan3A_143, %mul3A_165 : i32
        %get3A_167 = arith.index_cast %mul3A_166 : i32 to index
        %get3A_168 = tpu.vector_load %arg22[%get3A_167] {strides = array<i32>} : memref<512xi32, #tpu.memory_space<vmem>>, vector<16xi32>,
        %mul3A_169 = arith.constant 16 : i32
        %mul3A_170 = arith.muli %scan3A_143, %mul3A_169 : i32
        %get3A_171 = arith.index_cast %mul3A_170 : i32 to index
        %get3A_172 = tpu.vector_load %arg23[%get3A_171] {strides = array<i32>} : memref<512xf32, #tpu.memory_space<vmem>>, vector<16xf32>,
        %sub3A_173 = vector.broadcast %mul3A_42 : i32 to vector<16xi32>
        %sub3A_174 = arith.subi %get3A_164, %sub3A_173 : vector<16xi32>
        %jit3A_175 = arith.constant 0 : i32
        %jit3A_176 = arith.constant 319 : i32
        %max3A_177 = vector.broadcast %jit3A_175 : i32 to vector<16xi32>
        %max3A_178 = arith.maxsi %max3A_177, %sub3A_174 : vector<16xi32>
        %min3A_179 = vector.broadcast %jit3A_176 : i32 to vector<16xi32>
        %min3A_180 = arith.minsi %min3A_179, %max3A_178 : vector<16xi32>
        %add3A_181 = arith.addi %min3A_180, %iota3A : vector<16xi32>
        %ge3A_182 = arith.constant 0.000000e+00 : f32
        %ge3A_183 = vector.broadcast %ge3A_182 : f32 to vector<16xf32>
        %ge3A_184 = arith.cmpf oge, %get3A_172, %ge3A_183 : vector<16xf32>
        %select_n3A_185 = arith.select %lt3A_156, %get3A_164, %scan3A_144 : vector<16xi1>, vector<16xi32>
        %ne3A_186 = arith.cmpi ne, %select_n3A_185, %scan3A_144 : vector<16xi32>
        %ge3A_187 = arith.constant 0 : i32
        %ge3A_188 = vector.broadcast %ge3A_187 : i32 to vector<16xi32>
        %ge3A_189 = arith.cmpi sge, %scan3A_144, %ge3A_188 : vector<16xi32>
        %and3A_190 = arith.andi %ne3A_186, %ge3A_189 : vector<16xi1>
        %sub3A_191 = vector.broadcast %mul3A_42 : i32 to vector<16xi32>
        %sub3A_192 = arith.subi %scan3A_144, %sub3A_191 : vector<16xi32>
        %jit3A_193 = arith.constant 0 : i32
        %jit3A_194 = arith.constant 319 : i32
        %max3A_195 = vector.broadcast %jit3A_193 : i32 to vector<16xi32>
        %max3A_196 = arith.maxsi %max3A_195, %sub3A_192 : vector<16xi32>
        %min3A_197 = vector.broadcast %jit3A_194 : i32 to vector<16xi32>
        %min3A_198 = arith.minsi %min3A_197, %max3A_196 : vector<16xi32>
        %add3A_199 = arith.addi %min3A_198, %iota3A : vector<16xi32>
        %mul3A_200 = arith.constant 8 : i32
        %mul3A_201 = vector.broadcast %mul3A_200 : i32 to vector<16xi32>
        %mul3A_202 = arith.muli %get3A_168, %mul3A_201 : vector<16xi32>
        %add3A_203 = arith.constant 0 : i32
        %add3A_204 = vector.broadcast %add3A_203 : i32 to vector<16xi32>
        %add3A_205 = arith.addi %add3A_204, %add3A_199 : vector<16xi32>
        tpu.vector_store_idx %arg16[%add3A_205], %scan3A_145 masked %and3A_190 : memref<2704xf32, #tpu.memory_space<vmem>>[vector<16xi32>], vector<16xf32>, vector<16xi1>
        %add3A_206 = arith.constant 0 : i32
        %add3A_207 = vector.broadcast %add3A_206 : i32 to vector<16xi32>
        %add3A_208 = arith.addi %add3A_207, %add3A_181 : vector<16xi32>
        %gather3A = tpu.vector_load_idx %arg15[%add3A_208] : memref<2688xf32, #tpu.memory_space<vmem>>[vector<16xi32>], vector<16xf32>,
        %broadcast_in_dim3A_209 = arith.constant 8 : i32
        %broadcast_in_dim3A_210 = vector.broadcast %broadcast_in_dim3A_209 : i32 to vector<16xi32>
        %gather3A_211 = tpu.vector_load_idx %arg24[%add3A_160, %broadcast_in_dim3A_210] : memref<512x32xf32, #tpu.memory_space<vmem>>[vector<16xi32>, vector<16xi32>], vector<16xf32>,
        %add3A_212 = arith.constant 0 : i32
        %add3A_213 = vector.broadcast %add3A_212 : i32 to vector<16xi32>
        %add3A_214 = arith.addi %mul3A_202, %add3A_213 : vector<16xi32>
        %gather3A_215 = tpu.vector_load_idx %arg14[%add3A_214] : memref<80xf32, #tpu.memory_space<vmem>>[vector<16xi32>], vector<16xf32>,
        %slice3A = vector.extract_strided_slice %get3A_36 {offsets = [0], sizes = [1], strides = [1]} : vector<16xf32> to vector<1xf32>
        %squeeze3A = vector.extract %slice3A[0] : f32 from vector<1xf32>
        %slice3A_216 = vector.extract_strided_slice %get3A_36 {offsets = [8], sizes = [1], strides = [1]} : vector<16xf32> to vector<1xf32>
        %squeeze3A_217 = vector.extract %slice3A_216[0] : f32 from vector<1xf32>
        %broadcast_in_dim3A_218 = vector.broadcast %squeeze3A : f32 to vector<16xf32>
        %broadcast_in_dim3A_219 = vector.broadcast %squeeze3A_217 : f32 to vector<16xf32>
        %select_n3A_220 = arith.select %ge3A_184, %broadcast_in_dim3A_218, %broadcast_in_dim3A_219 : vector<16xi1>, vector<16xf32>
        %add3A_221 = arith.addf %gather3A, %gather3A_211 : vector<16xf32>
        %add3A_222 = arith.addf %add3A_221, %gather3A_215 : vector<16xf32>
        %mul3A_223 = arith.mulf %get3A_172, %select_n3A_220 : vector<16xf32>
        %add3A_224 = arith.addf %add3A_222, %mul3A_223 : vector<16xf32>
        %ge3A_225 = arith.constant 0.000000e+00 : f32
        %ge3A_226 = vector.broadcast %ge3A_225 : f32 to vector<16xf32>
        %ge3A_227 = arith.cmpf oge, %add3A_224, %ge3A_226 : vector<16xf32>
        %mul3A_228 = arith.constant 2.000000e-01 : f32
        %mul3A_229 = vector.broadcast %mul3A_228 : f32 to vector<16xf32>
        %mul3A_230 = arith.mulf %mul3A_229, %add3A_224 : vector<16xf32>
        %select_n3A_231 = arith.select %ge3A_227, %add3A_224, %mul3A_230 : vector<16xi1>, vector<16xf32>
        %jit3A_232 = arith.constant -3.000000e+38 : f32
        %broadcast_in_dim3A_233 = vector.broadcast %jit3A_232 : f32 to vector<16xf32>
        %select_n3A_234 = arith.select %lt3A_156, %select_n3A_231, %broadcast_in_dim3A_233 : vector<16xi1>, vector<16xf32>
        %select_n3A_235 = arith.select %ne3A_186, %broadcast_in_dim3A_45, %scan3A_145 : vector<16xi1>, vector<16xf32>
        %max3A_236 = arith.maximumf %select_n3A_235, %select_n3A_234 : vector<16xf32>
        %add3A_237 = arith.constant 336 : i32
        %add3A_238 = vector.broadcast %add3A_237 : i32 to vector<16xi32>
        %add3A_239 = arith.addi %add3A_238, %add3A_199 : vector<16xi32>
        tpu.vector_store_idx %arg16[%add3A_239], %scan3A_146 masked %and3A_190 : memref<2704xf32, #tpu.memory_space<vmem>>[vector<16xi32>], vector<16xf32>, vector<16xi1>
        %add3A_240 = arith.constant 336 : i32
        %add3A_241 = vector.broadcast %add3A_240 : i32 to vector<16xi32>
        %add3A_242 = arith.addi %add3A_241, %add3A_181 : vector<16xi32>
        %gather3A_243 = tpu.vector_load_idx %arg15[%add3A_242] : memref<2688xf32, #tpu.memory_space<vmem>>[vector<16xi32>], vector<16xf32>,
        %broadcast_in_dim3A_244 = arith.constant 9 : i32
        %broadcast_in_dim3A_245 = vector.broadcast %broadcast_in_dim3A_244 : i32 to vector<16xi32>
        %gather3A_246 = tpu.vector_load_idx %arg24[%add3A_160, %broadcast_in_dim3A_245] : memref<512x32xf32, #tpu.memory_space<vmem>>[vector<16xi32>, vector<16xi32>], vector<16xf32>,
        %add3A_247 = arith.constant 1 : i32
        %add3A_248 = vector.broadcast %add3A_247 : i32 to vector<16xi32>
        %add3A_249 = arith.addi %mul3A_202, %add3A_248 : vector<16xi32>
        %gather3A_250 = tpu.vector_load_idx %arg14[%add3A_249] : memref<80xf32, #tpu.memory_space<vmem>>[vector<16xi32>], vector<16xf32>,
        %slice3A_251 = vector.extract_strided_slice %get3A_36 {offsets = [1], sizes = [1], strides = [1]} : vector<16xf32> to vector<1xf32>
        %squeeze3A_252 = vector.extract %slice3A_251[0] : f32 from vector<1xf32>
        %slice3A_253 = vector.extract_strided_slice %get3A_36 {offsets = [9], sizes = [1], strides = [1]} : vector<16xf32> to vector<1xf32>
        %squeeze3A_254 = vector.extract %slice3A_253[0] : f32 from vector<1xf32>
        %broadcast_in_dim3A_255 = vector.broadcast %squeeze3A_252 : f32 to vector<16xf32>
        %broadcast_in_dim3A_256 = vector.broadcast %squeeze3A_254 : f32 to vector<16xf32>
        %select_n3A_257 = arith.select %ge3A_184, %broadcast_in_dim3A_255, %broadcast_in_dim3A_256 : vector<16xi1>, vector<16xf32>
        %add3A_258 = arith.addf %gather3A_243, %gather3A_246 : vector<16xf32>
        %add3A_259 = arith.addf %add3A_258, %gather3A_250 : vector<16xf32>
        %mul3A_260 = arith.mulf %get3A_172, %select_n3A_257 : vector<16xf32>
        %add3A_261 = arith.addf %add3A_259, %mul3A_260 : vector<16xf32>
        %ge3A_262 = arith.constant 0.000000e+00 : f32
        %ge3A_263 = vector.broadcast %ge3A_262 : f32 to vector<16xf32>
        %ge3A_264 = arith.cmpf oge, %add3A_261, %ge3A_263 : vector<16xf32>
        %mul3A_265 = arith.constant 2.000000e-01 : f32
        %mul3A_266 = vector.broadcast %mul3A_265 : f32 to vector<16xf32>
        %mul3A_267 = arith.mulf %mul3A_266, %add3A_261 : vector<16xf32>
        %select_n3A_268 = arith.select %ge3A_264, %add3A_261, %mul3A_267 : vector<16xi1>, vector<16xf32>
        %jit3A_269 = arith.constant -3.000000e+38 : f32
        %broadcast_in_dim3A_270 = vector.broadcast %jit3A_269 : f32 to vector<16xf32>
        %select_n3A_271 = arith.select %lt3A_156, %select_n3A_268, %broadcast_in_dim3A_270 : vector<16xi1>, vector<16xf32>
        %select_n3A_272 = arith.select %ne3A_186, %broadcast_in_dim3A_45, %scan3A_146 : vector<16xi1>, vector<16xf32>
        %max3A_273 = arith.maximumf %select_n3A_272, %select_n3A_271 : vector<16xf32>
        %add3A_274 = arith.constant 672 : i32
        %add3A_275 = vector.broadcast %add3A_274 : i32 to vector<16xi32>
        %add3A_276 = arith.addi %add3A_275, %add3A_199 : vector<16xi32>
        tpu.vector_store_idx %arg16[%add3A_276], %scan3A_147 masked %and3A_190 : memref<2704xf32, #tpu.memory_space<vmem>>[vector<16xi32>], vector<16xf32>, vector<16xi1>
        %add3A_277 = arith.constant 672 : i32
        %add3A_278 = vector.broadcast %add3A_277 : i32 to vector<16xi32>
        %add3A_279 = arith.addi %add3A_278, %add3A_181 : vector<16xi32>
        %gather3A_280 = tpu.vector_load_idx %arg15[%add3A_279] : memref<2688xf32, #tpu.memory_space<vmem>>[vector<16xi32>], vector<16xf32>,
        %broadcast_in_dim3A_281 = arith.constant 10 : i32
        %broadcast_in_dim3A_282 = vector.broadcast %broadcast_in_dim3A_281 : i32 to vector<16xi32>
        %gather3A_283 = tpu.vector_load_idx %arg24[%add3A_160, %broadcast_in_dim3A_282] : memref<512x32xf32, #tpu.memory_space<vmem>>[vector<16xi32>, vector<16xi32>], vector<16xf32>,
        %add3A_284 = arith.constant 2 : i32
        %add3A_285 = vector.broadcast %add3A_284 : i32 to vector<16xi32>
        %add3A_286 = arith.addi %mul3A_202, %add3A_285 : vector<16xi32>
        %gather3A_287 = tpu.vector_load_idx %arg14[%add3A_286] : memref<80xf32, #tpu.memory_space<vmem>>[vector<16xi32>], vector<16xf32>,
        %slice3A_288 = vector.extract_strided_slice %get3A_36 {offsets = [2], sizes = [1], strides = [1]} : vector<16xf32> to vector<1xf32>
        %squeeze3A_289 = vector.extract %slice3A_288[0] : f32 from vector<1xf32>
        %slice3A_290 = vector.extract_strided_slice %get3A_36 {offsets = [10], sizes = [1], strides = [1]} : vector<16xf32> to vector<1xf32>
        %squeeze3A_291 = vector.extract %slice3A_290[0] : f32 from vector<1xf32>
        %broadcast_in_dim3A_292 = vector.broadcast %squeeze3A_289 : f32 to vector<16xf32>
        %broadcast_in_dim3A_293 = vector.broadcast %squeeze3A_291 : f32 to vector<16xf32>
        %select_n3A_294 = arith.select %ge3A_184, %broadcast_in_dim3A_292, %broadcast_in_dim3A_293 : vector<16xi1>, vector<16xf32>
        %add3A_295 = arith.addf %gather3A_280, %gather3A_283 : vector<16xf32>
        %add3A_296 = arith.addf %add3A_295, %gather3A_287 : vector<16xf32>
        %mul3A_297 = arith.mulf %get3A_172, %select_n3A_294 : vector<16xf32>
        %add3A_298 = arith.addf %add3A_296, %mul3A_297 : vector<16xf32>
        %ge3A_299 = arith.constant 0.000000e+00 : f32
        %ge3A_300 = vector.broadcast %ge3A_299 : f32 to vector<16xf32>
        %ge3A_301 = arith.cmpf oge, %add3A_298, %ge3A_300 : vector<16xf32>
        %mul3A_302 = arith.constant 2.000000e-01 : f32
        %mul3A_303 = vector.broadcast %mul3A_302 : f32 to vector<16xf32>
        %mul3A_304 = arith.mulf %mul3A_303, %add3A_298 : vector<16xf32>
        %select_n3A_305 = arith.select %ge3A_301, %add3A_298, %mul3A_304 : vector<16xi1>, vector<16xf32>
        %jit3A_306 = arith.constant -3.000000e+38 : f32
        %broadcast_in_dim3A_307 = vector.broadcast %jit3A_306 : f32 to vector<16xf32>
        %select_n3A_308 = arith.select %lt3A_156, %select_n3A_305, %broadcast_in_dim3A_307 : vector<16xi1>, vector<16xf32>
        %select_n3A_309 = arith.select %ne3A_186, %broadcast_in_dim3A_45, %scan3A_147 : vector<16xi1>, vector<16xf32>
        %max3A_310 = arith.maximumf %select_n3A_309, %select_n3A_308 : vector<16xf32>
        %add3A_311 = arith.constant 1008 : i32
        %add3A_312 = vector.broadcast %add3A_311 : i32 to vector<16xi32>
        %add3A_313 = arith.addi %add3A_312, %add3A_199 : vector<16xi32>
        tpu.vector_store_idx %arg16[%add3A_313], %scan3A_148 masked %and3A_190 : memref<2704xf32, #tpu.memory_space<vmem>>[vector<16xi32>], vector<16xf32>, vector<16xi1>
        %add3A_314 = arith.constant 1008 : i32
        %add3A_315 = vector.broadcast %add3A_314 : i32 to vector<16xi32>
        %add3A_316 = arith.addi %add3A_315, %add3A_181 : vector<16xi32>
        %gather3A_317 = tpu.vector_load_idx %arg15[%add3A_316] : memref<2688xf32, #tpu.memory_space<vmem>>[vector<16xi32>], vector<16xf32>,
        %broadcast_in_dim3A_318 = arith.constant 11 : i32
        %broadcast_in_dim3A_319 = vector.broadcast %broadcast_in_dim3A_318 : i32 to vector<16xi32>
        %gather3A_320 = tpu.vector_load_idx %arg24[%add3A_160, %broadcast_in_dim3A_319] : memref<512x32xf32, #tpu.memory_space<vmem>>[vector<16xi32>, vector<16xi32>], vector<16xf32>,
        %add3A_321 = arith.constant 3 : i32
        %add3A_322 = vector.broadcast %add3A_321 : i32 to vector<16xi32>
        %add3A_323 = arith.addi %mul3A_202, %add3A_322 : vector<16xi32>
        %gather3A_324 = tpu.vector_load_idx %arg14[%add3A_323] : memref<80xf32, #tpu.memory_space<vmem>>[vector<16xi32>], vector<16xf32>,
        %slice3A_325 = vector.extract_strided_slice %get3A_36 {offsets = [3], sizes = [1], strides = [1]} : vector<16xf32> to vector<1xf32>
        %squeeze3A_326 = vector.extract %slice3A_325[0] : f32 from vector<1xf32>
        %slice3A_327 = vector.extract_strided_slice %get3A_36 {offsets = [11], sizes = [1], strides = [1]} : vector<16xf32> to vector<1xf32>
        %squeeze3A_328 = vector.extract %slice3A_327[0] : f32 from vector<1xf32>
        %broadcast_in_dim3A_329 = vector.broadcast %squeeze3A_326 : f32 to vector<16xf32>
        %broadcast_in_dim3A_330 = vector.broadcast %squeeze3A_328 : f32 to vector<16xf32>
        %select_n3A_331 = arith.select %ge3A_184, %broadcast_in_dim3A_329, %broadcast_in_dim3A_330 : vector<16xi1>, vector<16xf32>
        %add3A_332 = arith.addf %gather3A_317, %gather3A_320 : vector<16xf32>
        %add3A_333 = arith.addf %add3A_332, %gather3A_324 : vector<16xf32>
        %mul3A_334 = arith.mulf %get3A_172, %select_n3A_331 : vector<16xf32>
        %add3A_335 = arith.addf %add3A_333, %mul3A_334 : vector<16xf32>
        %ge3A_336 = arith.constant 0.000000e+00 : f32
        %ge3A_337 = vector.broadcast %ge3A_336 : f32 to vector<16xf32>
        %ge3A_338 = arith.cmpf oge, %add3A_335, %ge3A_337 : vector<16xf32>
        %mul3A_339 = arith.constant 2.000000e-01 : f32
        %mul3A_340 = vector.broadcast %mul3A_339 : f32 to vector<16xf32>
        %mul3A_341 = arith.mulf %mul3A_340, %add3A_335 : vector<16xf32>
        %select_n3A_342 = arith.select %ge3A_338, %add3A_335, %mul3A_341 : vector<16xi1>, vector<16xf32>
        %jit3A_343 = arith.constant -3.000000e+38 : f32
        %broadcast_in_dim3A_344 = vector.broadcast %jit3A_343 : f32 to vector<16xf32>
        %select_n3A_345 = arith.select %lt3A_156, %select_n3A_342, %broadcast_in_dim3A_344 : vector<16xi1>, vector<16xf32>
        %select_n3A_346 = arith.select %ne3A_186, %broadcast_in_dim3A_45, %scan3A_148 : vector<16xi1>, vector<16xf32>
        %max3A_347 = arith.maximumf %select_n3A_346, %select_n3A_345 : vector<16xf32>
        %add3A_348 = arith.constant 1344 : i32
        %add3A_349 = vector.broadcast %add3A_348 : i32 to vector<16xi32>
        %add3A_350 = arith.addi %add3A_349, %add3A_199 : vector<16xi32>
        tpu.vector_store_idx %arg16[%add3A_350], %scan3A_149 masked %and3A_190 : memref<2704xf32, #tpu.memory_space<vmem>>[vector<16xi32>], vector<16xf32>, vector<16xi1>
        %add3A_351 = arith.constant 1344 : i32
        %add3A_352 = vector.broadcast %add3A_351 : i32 to vector<16xi32>
        %add3A_353 = arith.addi %add3A_352, %add3A_181 : vector<16xi32>
        %gather3A_354 = tpu.vector_load_idx %arg15[%add3A_353] : memref<2688xf32, #tpu.memory_space<vmem>>[vector<16xi32>], vector<16xf32>,
        %broadcast_in_dim3A_355 = arith.constant 12 : i32
        %broadcast_in_dim3A_356 = vector.broadcast %broadcast_in_dim3A_355 : i32 to vector<16xi32>
        %gather3A_357 = tpu.vector_load_idx %arg24[%add3A_160, %broadcast_in_dim3A_356] : memref<512x32xf32, #tpu.memory_space<vmem>>[vector<16xi32>, vector<16xi32>], vector<16xf32>,
        %add3A_358 = arith.constant 4 : i32
        %add3A_359 = vector.broadcast %add3A_358 : i32 to vector<16xi32>
        %add3A_360 = arith.addi %mul3A_202, %add3A_359 : vector<16xi32>
        %gather3A_361 = tpu.vector_load_idx %arg14[%add3A_360] : memref<80xf32, #tpu.memory_space<vmem>>[vector<16xi32>], vector<16xf32>,
        %slice3A_362 = vector.extract_strided_slice %get3A_36 {offsets = [4], sizes = [1], strides = [1]} : vector<16xf32> to vector<1xf32>
        %squeeze3A_363 = vector.extract %slice3A_362[0] : f32 from vector<1xf32>
        %slice3A_364 = vector.extract_strided_slice %get3A_36 {offsets = [12], sizes = [1], strides = [1]} : vector<16xf32> to vector<1xf32>
        %squeeze3A_365 = vector.extract %slice3A_364[0] : f32 from vector<1xf32>
        %broadcast_in_dim3A_366 = vector.broadcast %squeeze3A_363 : f32 to vector<16xf32>
        %broadcast_in_dim3A_367 = vector.broadcast %squeeze3A_365 : f32 to vector<16xf32>
        %select_n3A_368 = arith.select %ge3A_184, %broadcast_in_dim3A_366, %broadcast_in_dim3A_367 : vector<16xi1>, vector<16xf32>
        %add3A_369 = arith.addf %gather3A_354, %gather3A_357 : vector<16xf32>
        %add3A_370 = arith.addf %add3A_369, %gather3A_361 : vector<16xf32>
        %mul3A_371 = arith.mulf %get3A_172, %select_n3A_368 : vector<16xf32>
        %add3A_372 = arith.addf %add3A_370, %mul3A_371 : vector<16xf32>
        %ge3A_373 = arith.constant 0.000000e+00 : f32
        %ge3A_374 = vector.broadcast %ge3A_373 : f32 to vector<16xf32>
        %ge3A_375 = arith.cmpf oge, %add3A_372, %ge3A_374 : vector<16xf32>
        %mul3A_376 = arith.constant 2.000000e-01 : f32
        %mul3A_377 = vector.broadcast %mul3A_376 : f32 to vector<16xf32>
        %mul3A_378 = arith.mulf %mul3A_377, %add3A_372 : vector<16xf32>
        %select_n3A_379 = arith.select %ge3A_375, %add3A_372, %mul3A_378 : vector<16xi1>, vector<16xf32>
        %jit3A_380 = arith.constant -3.000000e+38 : f32
        %broadcast_in_dim3A_381 = vector.broadcast %jit3A_380 : f32 to vector<16xf32>
        %select_n3A_382 = arith.select %lt3A_156, %select_n3A_379, %broadcast_in_dim3A_381 : vector<16xi1>, vector<16xf32>
        %select_n3A_383 = arith.select %ne3A_186, %broadcast_in_dim3A_45, %scan3A_149 : vector<16xi1>, vector<16xf32>
        %max3A_384 = arith.maximumf %select_n3A_383, %select_n3A_382 : vector<16xf32>
        %add3A_385 = arith.constant 1680 : i32
        %add3A_386 = vector.broadcast %add3A_385 : i32 to vector<16xi32>
        %add3A_387 = arith.addi %add3A_386, %add3A_199 : vector<16xi32>
        tpu.vector_store_idx %arg16[%add3A_387], %scan3A_150 masked %and3A_190 : memref<2704xf32, #tpu.memory_space<vmem>>[vector<16xi32>], vector<16xf32>, vector<16xi1>
        %add3A_388 = arith.constant 1680 : i32
        %add3A_389 = vector.broadcast %add3A_388 : i32 to vector<16xi32>
        %add3A_390 = arith.addi %add3A_389, %add3A_181 : vector<16xi32>
        %gather3A_391 = tpu.vector_load_idx %arg15[%add3A_390] : memref<2688xf32, #tpu.memory_space<vmem>>[vector<16xi32>], vector<16xf32>,
        %broadcast_in_dim3A_392 = arith.constant 13 : i32
        %broadcast_in_dim3A_393 = vector.broadcast %broadcast_in_dim3A_392 : i32 to vector<16xi32>
        %gather3A_394 = tpu.vector_load_idx %arg24[%add3A_160, %broadcast_in_dim3A_393] : memref<512x32xf32, #tpu.memory_space<vmem>>[vector<16xi32>, vector<16xi32>], vector<16xf32>,
        %add3A_395 = arith.constant 5 : i32
        %add3A_396 = vector.broadcast %add3A_395 : i32 to vector<16xi32>
        %add3A_397 = arith.addi %mul3A_202, %add3A_396 : vector<16xi32>
        %gather3A_398 = tpu.vector_load_idx %arg14[%add3A_397] : memref<80xf32, #tpu.memory_space<vmem>>[vector<16xi32>], vector<16xf32>,
        %slice3A_399 = vector.extract_strided_slice %get3A_36 {offsets = [5], sizes = [1], strides = [1]} : vector<16xf32> to vector<1xf32>
        %squeeze3A_400 = vector.extract %slice3A_399[0] : f32 from vector<1xf32>
        %slice3A_401 = vector.extract_strided_slice %get3A_36 {offsets = [13], sizes = [1], strides = [1]} : vector<16xf32> to vector<1xf32>
        %squeeze3A_402 = vector.extract %slice3A_401[0] : f32 from vector<1xf32>
        %broadcast_in_dim3A_403 = vector.broadcast %squeeze3A_400 : f32 to vector<16xf32>
        %broadcast_in_dim3A_404 = vector.broadcast %squeeze3A_402 : f32 to vector<16xf32>
        %select_n3A_405 = arith.select %ge3A_184, %broadcast_in_dim3A_403, %broadcast_in_dim3A_404 : vector<16xi1>, vector<16xf32>
        %add3A_406 = arith.addf %gather3A_391, %gather3A_394 : vector<16xf32>
        %add3A_407 = arith.addf %add3A_406, %gather3A_398 : vector<16xf32>
        %mul3A_408 = arith.mulf %get3A_172, %select_n3A_405 : vector<16xf32>
        %add3A_409 = arith.addf %add3A_407, %mul3A_408 : vector<16xf32>
        %ge3A_410 = arith.constant 0.000000e+00 : f32
        %ge3A_411 = vector.broadcast %ge3A_410 : f32 to vector<16xf32>
        %ge3A_412 = arith.cmpf oge, %add3A_409, %ge3A_411 : vector<16xf32>
        %mul3A_413 = arith.constant 2.000000e-01 : f32
        %mul3A_414 = vector.broadcast %mul3A_413 : f32 to vector<16xf32>
        %mul3A_415 = arith.mulf %mul3A_414, %add3A_409 : vector<16xf32>
        %select_n3A_416 = arith.select %ge3A_412, %add3A_409, %mul3A_415 : vector<16xi1>, vector<16xf32>
        %jit3A_417 = arith.constant -3.000000e+38 : f32
        %broadcast_in_dim3A_418 = vector.broadcast %jit3A_417 : f32 to vector<16xf32>
        %select_n3A_419 = arith.select %lt3A_156, %select_n3A_416, %broadcast_in_dim3A_418 : vector<16xi1>, vector<16xf32>
        %select_n3A_420 = arith.select %ne3A_186, %broadcast_in_dim3A_45, %scan3A_150 : vector<16xi1>, vector<16xf32>
        %max3A_421 = arith.maximumf %select_n3A_420, %select_n3A_419 : vector<16xf32>
        %add3A_422 = arith.constant 2016 : i32
        %add3A_423 = vector.broadcast %add3A_422 : i32 to vector<16xi32>
        %add3A_424 = arith.addi %add3A_423, %add3A_199 : vector<16xi32>
        tpu.vector_store_idx %arg16[%add3A_424], %scan3A_151 masked %and3A_190 : memref<2704xf32, #tpu.memory_space<vmem>>[vector<16xi32>], vector<16xf32>, vector<16xi1>
        %add3A_425 = arith.constant 2016 : i32
        %add3A_426 = vector.broadcast %add3A_425 : i32 to vector<16xi32>
        %add3A_427 = arith.addi %add3A_426, %add3A_181 : vector<16xi32>
        %gather3A_428 = tpu.vector_load_idx %arg15[%add3A_427] : memref<2688xf32, #tpu.memory_space<vmem>>[vector<16xi32>], vector<16xf32>,
        %broadcast_in_dim3A_429 = arith.constant 14 : i32
        %broadcast_in_dim3A_430 = vector.broadcast %broadcast_in_dim3A_429 : i32 to vector<16xi32>
        %gather3A_431 = tpu.vector_load_idx %arg24[%add3A_160, %broadcast_in_dim3A_430] : memref<512x32xf32, #tpu.memory_space<vmem>>[vector<16xi32>, vector<16xi32>], vector<16xf32>,
        %add3A_432 = arith.constant 6 : i32
        %add3A_433 = vector.broadcast %add3A_432 : i32 to vector<16xi32>
        %add3A_434 = arith.addi %mul3A_202, %add3A_433 : vector<16xi32>
        %gather3A_435 = tpu.vector_load_idx %arg14[%add3A_434] : memref<80xf32, #tpu.memory_space<vmem>>[vector<16xi32>], vector<16xf32>,
        %slice3A_436 = vector.extract_strided_slice %get3A_36 {offsets = [6], sizes = [1], strides = [1]} : vector<16xf32> to vector<1xf32>
        %squeeze3A_437 = vector.extract %slice3A_436[0] : f32 from vector<1xf32>
        %slice3A_438 = vector.extract_strided_slice %get3A_36 {offsets = [14], sizes = [1], strides = [1]} : vector<16xf32> to vector<1xf32>
        %squeeze3A_439 = vector.extract %slice3A_438[0] : f32 from vector<1xf32>
        %broadcast_in_dim3A_440 = vector.broadcast %squeeze3A_437 : f32 to vector<16xf32>
        %broadcast_in_dim3A_441 = vector.broadcast %squeeze3A_439 : f32 to vector<16xf32>
        %select_n3A_442 = arith.select %ge3A_184, %broadcast_in_dim3A_440, %broadcast_in_dim3A_441 : vector<16xi1>, vector<16xf32>
        %add3A_443 = arith.addf %gather3A_428, %gather3A_431 : vector<16xf32>
        %add3A_444 = arith.addf %add3A_443, %gather3A_435 : vector<16xf32>
        %mul3A_445 = arith.mulf %get3A_172, %select_n3A_442 : vector<16xf32>
        %add3A_446 = arith.addf %add3A_444, %mul3A_445 : vector<16xf32>
        %ge3A_447 = arith.constant 0.000000e+00 : f32
        %ge3A_448 = vector.broadcast %ge3A_447 : f32 to vector<16xf32>
        %ge3A_449 = arith.cmpf oge, %add3A_446, %ge3A_448 : vector<16xf32>
        %mul3A_450 = arith.constant 2.000000e-01 : f32
        %mul3A_451 = vector.broadcast %mul3A_450 : f32 to vector<16xf32>
        %mul3A_452 = arith.mulf %mul3A_451, %add3A_446 : vector<16xf32>
        %select_n3A_453 = arith.select %ge3A_449, %add3A_446, %mul3A_452 : vector<16xi1>, vector<16xf32>
        %jit3A_454 = arith.constant -3.000000e+38 : f32
        %broadcast_in_dim3A_455 = vector.broadcast %jit3A_454 : f32 to vector<16xf32>
        %select_n3A_456 = arith.select %lt3A_156, %select_n3A_453, %broadcast_in_dim3A_455 : vector<16xi1>, vector<16xf32>
        %select_n3A_457 = arith.select %ne3A_186, %broadcast_in_dim3A_45, %scan3A_151 : vector<16xi1>, vector<16xf32>
        %max3A_458 = arith.maximumf %select_n3A_457, %select_n3A_456 : vector<16xf32>
        %add3A_459 = arith.constant 2352 : i32
        %add3A_460 = vector.broadcast %add3A_459 : i32 to vector<16xi32>
        %add3A_461 = arith.addi %add3A_460, %add3A_199 : vector<16xi32>
        tpu.vector_store_idx %arg16[%add3A_461], %scan3A_152 masked %and3A_190 : memref<2704xf32, #tpu.memory_space<vmem>>[vector<16xi32>], vector<16xf32>, vector<16xi1>
        %add3A_462 = arith.constant 2352 : i32
        %add3A_463 = vector.broadcast %add3A_462 : i32 to vector<16xi32>
        %add3A_464 = arith.addi %add3A_463, %add3A_181 : vector<16xi32>
        %gather3A_465 = tpu.vector_load_idx %arg15[%add3A_464] : memref<2688xf32, #tpu.memory_space<vmem>>[vector<16xi32>], vector<16xf32>,
        %broadcast_in_dim3A_466 = arith.constant 15 : i32
        %broadcast_in_dim3A_467 = vector.broadcast %broadcast_in_dim3A_466 : i32 to vector<16xi32>
        %gather3A_468 = tpu.vector_load_idx %arg24[%add3A_160, %broadcast_in_dim3A_467] : memref<512x32xf32, #tpu.memory_space<vmem>>[vector<16xi32>, vector<16xi32>], vector<16xf32>,
        %add3A_469 = arith.constant 7 : i32
        %add3A_470 = vector.broadcast %add3A_469 : i32 to vector<16xi32>
        %add3A_471 = arith.addi %mul3A_202, %add3A_470 : vector<16xi32>
        %gather3A_472 = tpu.vector_load_idx %arg14[%add3A_471] : memref<80xf32, #tpu.memory_space<vmem>>[vector<16xi32>], vector<16xf32>,
        %slice3A_473 = vector.extract_strided_slice %get3A_36 {offsets = [7], sizes = [1], strides = [1]} : vector<16xf32> to vector<1xf32>
        %squeeze3A_474 = vector.extract %slice3A_473[0] : f32 from vector<1xf32>
        %slice3A_475 = vector.extract_strided_slice %get3A_36 {offsets = [15], sizes = [1], strides = [1]} : vector<16xf32> to vector<1xf32>
        %squeeze3A_476 = vector.extract %slice3A_475[0] : f32 from vector<1xf32>
        %broadcast_in_dim3A_477 = vector.broadcast %squeeze3A_474 : f32 to vector<16xf32>
        %broadcast_in_dim3A_478 = vector.broadcast %squeeze3A_476 : f32 to vector<16xf32>
        %select_n3A_479 = arith.select %ge3A_184, %broadcast_in_dim3A_477, %broadcast_in_dim3A_478 : vector<16xi1>, vector<16xf32>
        %add3A_480 = arith.addf %gather3A_465, %gather3A_468 : vector<16xf32>
        %add3A_481 = arith.addf %add3A_480, %gather3A_472 : vector<16xf32>
        %mul3A_482 = arith.mulf %get3A_172, %select_n3A_479 : vector<16xf32>
        %add3A_483 = arith.addf %add3A_481, %mul3A_482 : vector<16xf32>
        %ge3A_484 = arith.constant 0.000000e+00 : f32
        %ge3A_485 = vector.broadcast %ge3A_484 : f32 to vector<16xf32>
        %ge3A_486 = arith.cmpf oge, %add3A_483, %ge3A_485 : vector<16xf32>
        %mul3A_487 = arith.constant 2.000000e-01 : f32
        %mul3A_488 = vector.broadcast %mul3A_487 : f32 to vector<16xf32>
        %mul3A_489 = arith.mulf %mul3A_488, %add3A_483 : vector<16xf32>
        %select_n3A_490 = arith.select %ge3A_486, %add3A_483, %mul3A_489 : vector<16xi1>, vector<16xf32>
        %jit3A_491 = arith.constant -3.000000e+38 : f32
        %broadcast_in_dim3A_492 = vector.broadcast %jit3A_491 : f32 to vector<16xf32>
        %select_n3A_493 = arith.select %lt3A_156, %select_n3A_490, %broadcast_in_dim3A_492 : vector<16xi1>, vector<16xf32>
        %select_n3A_494 = arith.select %ne3A_186, %broadcast_in_dim3A_45, %scan3A_152 : vector<16xi1>, vector<16xf32>
        %max3A_495 = arith.maximumf %select_n3A_494, %select_n3A_493 : vector<16xf32>
        scf.yield %select_n3A_185, %max3A_236, %max3A_273, %max3A_310, %max3A_347, %max3A_384, %max3A_421, %max3A_458, %max3A_495 : vector<16xi32>, vector<16xf32>, vector<16xf32>, vector<16xf32>, vector<16xf32>, vector<16xf32>, vector<16xf32>, vector<16xf32>, vector<16xf32>
      }
      %scan3A_142 = arith.constant 32 : i32
      scf.yield %scan3A_141#0, %scan3A_141#1, %scan3A_141#2, %scan3A_141#3, %scan3A_141#4, %scan3A_141#5, %scan3A_141#6, %scan3A_141#7, %scan3A_141#8 : vector<16xi32>, vector<16xf32>, vector<16xf32>, vector<16xf32>, vector<16xf32>, vector<16xf32>, vector<16xf32>, vector<16xf32>, vector<16xf32>
    }
    %ge3A = arith.constant 0 : i32
    %ge3A_67 = vector.broadcast %ge3A : i32 to vector<16xi32>
    %ge3A_68 = arith.cmpi sge, %while3A_66#0, %ge3A_67 : vector<16xi32>
    %sub3A_69 = vector.broadcast %mul3A_42 : i32 to vector<16xi32>
    %sub3A_70 = arith.subi %while3A_66#0, %sub3A_69 : vector<16xi32>
    %jit3A_71 = arith.constant 0 : i32
    %jit3A_72 = arith.constant 319 : i32
    %max3A = vector.broadcast %jit3A_71 : i32 to vector<16xi32>
    %max3A_73 = arith.maxsi %max3A, %sub3A_70 : vector<16xi32>
    %min3A = vector.broadcast %jit3A_72 : i32 to vector<16xi32>
    %min3A_74 = arith.minsi %min3A, %max3A_73 : vector<16xi32>
    %add3A_75 = arith.addi %min3A_74, %iota3A : vector<16xi32>
    %add3A_76 = arith.constant 0 : i32
    %add3A_77 = vector.broadcast %add3A_76 : i32 to vector<16xi32>
    %add3A_78 = arith.addi %add3A_77, %add3A_75 : vector<16xi32>
    tpu.vector_store_idx %arg16[%add3A_78], %while3A_66#1 masked %ge3A_68 : memref<2704xf32, #tpu.memory_space<vmem>>[vector<16xi32>], vector<16xf32>, vector<16xi1>
    %add3A_79 = arith.constant 336 : i32
    %add3A_80 = vector.broadcast %add3A_79 : i32 to vector<16xi32>
    %add3A_81 = arith.addi %add3A_80, %add3A_75 : vector<16xi32>
    tpu.vector_store_idx %arg16[%add3A_81], %while3A_66#2 masked %ge3A_68 : memref<2704xf32, #tpu.memory_space<vmem>>[vector<16xi32>], vector<16xf32>, vector<16xi1>
    %add3A_82 = arith.constant 672 : i32
    %add3A_83 = vector.broadcast %add3A_82 : i32 to vector<16xi32>
    %add3A_84 = arith.addi %add3A_83, %add3A_75 : vector<16xi32>
    tpu.vector_store_idx %arg16[%add3A_84], %while3A_66#3 masked %ge3A_68 : memref<2704xf32, #tpu.memory_space<vmem>>[vector<16xi32>], vector<16xf32>, vector<16xi1>
    %add3A_85 = arith.constant 1008 : i32
    %add3A_86 = vector.broadcast %add3A_85 : i32 to vector<16xi32>
    %add3A_87 = arith.addi %add3A_86, %add3A_75 : vector<16xi32>
    tpu.vector_store_idx %arg16[%add3A_87], %while3A_66#4 masked %ge3A_68 : memref<2704xf32, #tpu.memory_space<vmem>>[vector<16xi32>], vector<16xf32>, vector<16xi1>
    %add3A_88 = arith.constant 1344 : i32
    %add3A_89 = vector.broadcast %add3A_88 : i32 to vector<16xi32>
    %add3A_90 = arith.addi %add3A_89, %add3A_75 : vector<16xi32>
    tpu.vector_store_idx %arg16[%add3A_90], %while3A_66#5 masked %ge3A_68 : memref<2704xf32, #tpu.memory_space<vmem>>[vector<16xi32>], vector<16xf32>, vector<16xi1>
    %add3A_91 = arith.constant 1680 : i32
    %add3A_92 = vector.broadcast %add3A_91 : i32 to vector<16xi32>
    %add3A_93 = arith.addi %add3A_92, %add3A_75 : vector<16xi32>
    tpu.vector_store_idx %arg16[%add3A_93], %while3A_66#6 masked %ge3A_68 : memref<2704xf32, #tpu.memory_space<vmem>>[vector<16xi32>], vector<16xf32>, vector<16xi1>
    %add3A_94 = arith.constant 2016 : i32
    %add3A_95 = vector.broadcast %add3A_94 : i32 to vector<16xi32>
    %add3A_96 = arith.addi %add3A_95, %add3A_75 : vector<16xi32>
    tpu.vector_store_idx %arg16[%add3A_96], %while3A_66#7 masked %ge3A_68 : memref<2704xf32, #tpu.memory_space<vmem>>[vector<16xi32>], vector<16xf32>, vector<16xi1>
    %add3A_97 = arith.constant 2352 : i32
    %add3A_98 = vector.broadcast %add3A_97 : i32 to vector<16xi32>
    %add3A_99 = arith.addi %add3A_98, %add3A_75 : vector<16xi32>
    tpu.vector_store_idx %arg16[%add3A_99], %while3A_66#8 masked %ge3A_68 : memref<2704xf32, #tpu.memory_space<vmem>>[vector<16xi32>], vector<16xf32>, vector<16xi1>
    %while3A_100 = arith.constant 0 : i32
    %while3A_101 = arith.constant 0 : i32
    %while3A_102 = arith.subi %select_n3A, %while3A_101 : i32
    %while3A_103 = arith.addi %while3A_101, %while3A_102 : i32
    %while3A_104 = arith.constant 1 : i32
    %while3A_105 = arith.divsi %while3A_102, %while3A_104 : i32
    %while3A_106 = arith.muli %while3A_105, %while3A_104 : i32
    %while3A_107 = arith.addi %while3A_101, %while3A_106 : i32
    %while3A_108 = arith.constant 1 : i32
    scf.for %while3A_122 = %while3A_101 to %while3A_107 step %while3A_108  : i32 {
      %scan3A_123 = arith.constant 0 : i32
      %scan3A_124 = arith.constant 32 : i32
      %scan3A_125 = arith.addi %scan3A_123, %scan3A_124 : i32
      %scan3A_126 = arith.constant 1 : i32
      scf.for %scan3A_133 = %scan3A_123 to %scan3A_125 step %scan3A_126  : i32 {
        %mul3A_134 = arith.constant 1 : i32
        %mul3A_135 = arith.muli %scan3A_133, %mul3A_134 : i32
        %add3A_136 = arith.constant 0 : i32
        %add3A_137 = arith.addi %add3A_136, %mul3A_135 : i32
        %mul3A_138 = arith.constant 32 : i32
        %mul3A_139 = arith.muli %while3A_122, %mul3A_138 : i32
        %add3A_140 = arith.addi %mul3A_139, %add3A_137 : i32
        %add3A_141 = vector.broadcast %add3A_140 : i32 to vector<16xi32>
        %add3A_142 = arith.addi %get3A_3, %add3A_141 : vector<16xi32>
        %jit3A_143 = arith.constant 0 : i32
        %jit3A_144 = arith.constant 319999 : i32
        %max3A_145 = vector.broadcast %jit3A_143 : i32 to vector<16xi32>
        %max3A_146 = arith.maxsi %max3A_145, %add3A_142 : vector<16xi32>
        %min3A_147 = vector.broadcast %jit3A_144 : i32 to vector<16xi32>
        %min3A_148 = arith.minsi %min3A_147, %max3A_146 : vector<16xi32>
        %mul3A_149 = arith.constant 16 : i32
        %mul3A_150 = arith.muli %add3A_137, %mul3A_149 : i32
        %swap3A = arith.index_cast %mul3A_150 : i32 to index
        %swap3A_151 = tpu.vector_load %arg19[%swap3A] {strides = array<i32>} : memref<512xi32, #tpu.memory_space<vmem>>, vector<16xi32>,
        tpu.vector_store %arg19[%swap3A], %min3A_148 {strides = array<i32>} : memref<512xi32, #tpu.memory_space<vmem>>, vector<16xi32>,
      }
      %scan3A_127 = arith.constant 32 : i32
      "tpu.region"() ({
        %run_scoped3A = tpu.sem_alloc : memref<!tpu.dma_semaphore, #tpu.memory_space<semaphore_mem>>
        %dma_start3A = arith.constant 0 : i32
        %dma_start3A_133 = tpu.memref_slice %arg4[%dma_start3A] : memref<320000xi32, #tpu.memory_space<hbm>> -> memref<320000xi32, #tpu.memory_space<hbm>>
        tpu.enqueue_indirect_dma source(%dma_start3A_133 : memref<320000xi32, #tpu.memory_space<hbm>>) target(%arg20 : memref<512xi32, #tpu.memory_space<vmem>>) offsets(%arg19 : memref<512xi32, #tpu.memory_space<vmem>>) semaphore(%run_scoped3A : memref<!tpu.dma_semaphore, #tpu.memory_space<semaphore_mem>>)
        %dma_wait3A = arith.constant 0 : i32
        %dma_wait3A_134 = tpu.memref_slice %arg4[%dma_wait3A] : memref<320000xi32, #tpu.memory_space<hbm>> -> memref<320000xi32, #tpu.memory_space<hbm>>
        tpu.wait_indirect_dma semaphore(%run_scoped3A : memref<!tpu.dma_semaphore, #tpu.memory_space<semaphore_mem>>) src(%dma_wait3A_134 : memref<320000xi32, #tpu.memory_space<hbm>>) dst(%arg20 : memref<512xi32, #tpu.memory_space<vmem>>)
        tpu.yield
      }) : () -> ()
      "tpu.region"() ({
        %run_scoped3A = tpu.sem_alloc : memref<!tpu.dma_semaphore, #tpu.memory_space<semaphore_mem>>
        %dma_start3A = arith.constant 0 : i32
        %dma_start3A_133 = tpu.memref_slice %arg5[%dma_start3A] : memref<320000xi32, #tpu.memory_space<hbm>> -> memref<320000xi32, #tpu.memory_space<hbm>>
        tpu.enqueue_indirect_dma source(%dma_start3A_133 : memref<320000xi32, #tpu.memory_space<hbm>>) target(%arg21 : memref<512xi32, #tpu.memory_space<vmem>>) offsets(%arg19 : memref<512xi32, #tpu.memory_space<vmem>>) semaphore(%run_scoped3A : memref<!tpu.dma_semaphore, #tpu.memory_space<semaphore_mem>>)
        %dma_wait3A = arith.constant 0 : i32
        %dma_wait3A_134 = tpu.memref_slice %arg5[%dma_wait3A] : memref<320000xi32, #tpu.memory_space<hbm>> -> memref<320000xi32, #tpu.memory_space<hbm>>
        tpu.wait_indirect_dma semaphore(%run_scoped3A : memref<!tpu.dma_semaphore, #tpu.memory_space<semaphore_mem>>) src(%dma_wait3A_134 : memref<320000xi32, #tpu.memory_space<hbm>>) dst(%arg21 : memref<512xi32, #tpu.memory_space<vmem>>)
        tpu.yield
      }) : () -> ()
      "tpu.region"() ({
        %run_scoped3A = tpu.sem_alloc : memref<!tpu.dma_semaphore, #tpu.memory_space<semaphore_mem>>
        %dma_start3A = arith.constant 0 : i32
        %dma_start3A_133 = tpu.memref_slice %arg6[%dma_start3A] : memref<320000xi32, #tpu.memory_space<hbm>> -> memref<320000xi32, #tpu.memory_space<hbm>>
        tpu.enqueue_indirect_dma source(%dma_start3A_133 : memref<320000xi32, #tpu.memory_space<hbm>>) target(%arg22 : memref<512xi32, #tpu.memory_space<vmem>>) offsets(%arg19 : memref<512xi32, #tpu.memory_space<vmem>>) semaphore(%run_scoped3A : memref<!tpu.dma_semaphore, #tpu.memory_space<semaphore_mem>>)
        %dma_wait3A = arith.constant 0 : i32
        %dma_wait3A_134 = tpu.memref_slice %arg6[%dma_wait3A] : memref<320000xi32, #tpu.memory_space<hbm>> -> memref<320000xi32, #tpu.memory_space<hbm>>
        tpu.wait_indirect_dma semaphore(%run_scoped3A : memref<!tpu.dma_semaphore, #tpu.memory_space<semaphore_mem>>) src(%dma_wait3A_134 : memref<320000xi32, #tpu.memory_space<hbm>>) dst(%arg22 : memref<512xi32, #tpu.memory_space<vmem>>)
        tpu.yield
      }) : () -> ()
      "tpu.region"() ({
        %run_scoped3A = tpu.sem_alloc : memref<!tpu.dma_semaphore, #tpu.memory_space<semaphore_mem>>
        %dma_start3A = arith.constant 0 : i32
        %dma_start3A_133 = tpu.memref_slice %arg7[%dma_start3A] : memref<320000xf32, #tpu.memory_space<hbm>> -> memref<320000xf32, #tpu.memory_space<hbm>>
        tpu.enqueue_indirect_dma source(%dma_start3A_133 : memref<320000xf32, #tpu.memory_space<hbm>>) target(%arg23 : memref<512xf32, #tpu.memory_space<vmem>>) offsets(%arg19 : memref<512xi32, #tpu.memory_space<vmem>>) semaphore(%run_scoped3A : memref<!tpu.dma_semaphore, #tpu.memory_space<semaphore_mem>>)
        %dma_wait3A = arith.constant 0 : i32
        %dma_wait3A_134 = tpu.memref_slice %arg7[%dma_wait3A] : memref<320000xf32, #tpu.memory_space<hbm>> -> memref<320000xf32, #tpu.memory_space<hbm>>
        tpu.wait_indirect_dma semaphore(%run_scoped3A : memref<!tpu.dma_semaphore, #tpu.memory_space<semaphore_mem>>) src(%dma_wait3A_134 : memref<320000xf32, #tpu.memory_space<hbm>>) dst(%arg23 : memref<512xf32, #tpu.memory_space<vmem>>)
        tpu.yield
      }) : () -> ()
      "tpu.region"() ({
        %run_scoped3A = tpu.sem_alloc : memref<!tpu.dma_semaphore, #tpu.memory_space<semaphore_mem>>
        %dma_start3A = arith.constant 0 : i32
        %dma_start3A_133 = arith.constant 0 : i32
        %dma_start3A_134 = tpu.memref_slice %arg2[%dma_start3A, %dma_start3A_133] : memref<10240x32xf32, #tpu.memory_space<hbm>> -> memref<10240x32xf32, #tpu.memory_space<hbm>>
        tpu.enqueue_indirect_dma source(%dma_start3A_134 : memref<10240x32xf32, #tpu.memory_space<hbm>>) target(%arg24 : memref<512x32xf32, #tpu.memory_space<vmem>>) offsets(%arg21 : memref<512xi32, #tpu.memory_space<vmem>>) semaphore(%run_scoped3A : memref<!tpu.dma_semaphore, #tpu.memory_space<semaphore_mem>>)
        %dma_wait3A = arith.constant 0 : i32
        %dma_wait3A_135 = arith.constant 0 : i32
        %dma_wait3A_136 = tpu.memref_slice %arg2[%dma_wait3A, %dma_wait3A_135] : memref<10240x32xf32, #tpu.memory_space<hbm>> -> memref<10240x32xf32, #tpu.memory_space<hbm>>
        tpu.wait_indirect_dma semaphore(%run_scoped3A : memref<!tpu.dma_semaphore, #tpu.memory_space<semaphore_mem>>) src(%dma_wait3A_136 : memref<10240x32xf32, #tpu.memory_space<hbm>>) dst(%arg24 : memref<512x32xf32, #tpu.memory_space<vmem>>)
        tpu.yield
      }) : () -> ()
      %scan3A_128 = arith.constant 0 : i32
      %scan3A_129 = arith.constant 32 : i32
      %scan3A_130 = arith.addi %scan3A_128, %scan3A_129 : i32
      %scan3A_131 = arith.constant 1 : i32
      scf.for %scan3A_133 = %scan3A_128 to %scan3A_130 step %scan3A_131  : i32 {
        %mul3A_134 = arith.constant 32 : i32
        %mul3A_135 = arith.muli %while3A_122, %mul3A_134 : i32
        %add3A_136 = arith.addi %mul3A_135, %scan3A_133 : i32
        %lt3A = vector.broadcast %add3A_136 : i32 to vector<16xi32>
        %lt3A_137 = arith.cmpi slt, %lt3A, %get3A_7 : vector<16xi32>
        %mul3A_138 = arith.constant 16 : i32
        %mul3A_139 = arith.muli %scan3A_133, %mul3A_138 : i32
        %add3A_140 = vector.broadcast %mul3A_139 : i32 to vector<16xi32>
        %add3A_141 = arith.addi %add3A_140, %iota3A : vector<16xi32>
        %mul3A_142 = arith.constant 16 : i32
        %mul3A_143 = arith.muli %scan3A_133, %mul3A_142 : i32
        %get3A_144 = arith.index_cast %mul3A_143 : i32 to index
        %get3A_145 = tpu.vector_load %arg20[%get3A_144] {strides = array<i32>} : memref<512xi32, #tpu.memory_space<vmem>>, vector<16xi32>,
        %mul3A_146 = arith.constant 16 : i32
        %mul3A_147 = arith.muli %scan3A_133, %mul3A_146 : i32
        %get3A_148 = arith.index_cast %mul3A_147 : i32 to index
        %get3A_149 = tpu.vector_load %arg22[%get3A_148] {strides = array<i32>} : memref<512xi32, #tpu.memory_space<vmem>>, vector<16xi32>,
        %mul3A_150 = arith.constant 16 : i32
        %mul3A_151 = arith.muli %scan3A_133, %mul3A_150 : i32
        %get3A_152 = arith.index_cast %mul3A_151 : i32 to index
        %get3A_153 = tpu.vector_load %arg23[%get3A_152] {strides = array<i32>} : memref<512xf32, #tpu.memory_space<vmem>>, vector<16xf32>,
        %sub3A_154 = vector.broadcast %mul3A_42 : i32 to vector<16xi32>
        %sub3A_155 = arith.subi %get3A_145, %sub3A_154 : vector<16xi32>
        %jit3A_156 = arith.constant 0 : i32
        %jit3A_157 = arith.constant 319 : i32
        %max3A_158 = vector.broadcast %jit3A_156 : i32 to vector<16xi32>
        %max3A_159 = arith.maxsi %max3A_158, %sub3A_155 : vector<16xi32>
        %min3A_160 = vector.broadcast %jit3A_157 : i32 to vector<16xi32>
        %min3A_161 = arith.minsi %min3A_160, %max3A_159 : vector<16xi32>
        %add3A_162 = arith.addi %min3A_161, %iota3A : vector<16xi32>
        %ge3A_163 = arith.constant 0.000000e+00 : f32
        %ge3A_164 = vector.broadcast %ge3A_163 : f32 to vector<16xf32>
        %ge3A_165 = arith.cmpf oge, %get3A_153, %ge3A_164 : vector<16xf32>
        %mul3A_166 = arith.constant 8 : i32
        %mul3A_167 = vector.broadcast %mul3A_166 : i32 to vector<16xi32>
        %mul3A_168 = arith.muli %get3A_149, %mul3A_167 : vector<16xi32>
        %add3A_169 = arith.constant 0 : i32
        %add3A_170 = vector.broadcast %add3A_169 : i32 to vector<16xi32>
        %add3A_171 = arith.addi %add3A_170, %add3A_162 : vector<16xi32>
        %gather3A = tpu.vector_load_idx %arg15[%add3A_171] : memref<2688xf32, #tpu.memory_space<vmem>>[vector<16xi32>], vector<16xf32>,
        %broadcast_in_dim3A_172 = arith.constant 8 : i32
        %broadcast_in_dim3A_173 = vector.broadcast %broadcast_in_dim3A_172 : i32 to vector<16xi32>
        %gather3A_174 = tpu.vector_load_idx %arg24[%add3A_141, %broadcast_in_dim3A_173] : memref<512x32xf32, #tpu.memory_space<vmem>>[vector<16xi32>, vector<16xi32>], vector<16xf32>,
        %add3A_175 = arith.constant 0 : i32
        %add3A_176 = vector.broadcast %add3A_175 : i32 to vector<16xi32>
        %add3A_177 = arith.addi %mul3A_168, %add3A_176 : vector<16xi32>
        %gather3A_178 = tpu.vector_load_idx %arg14[%add3A_177] : memref<80xf32, #tpu.memory_space<vmem>>[vector<16xi32>], vector<16xf32>,
        %slice3A = vector.extract_strided_slice %get3A_36 {offsets = [0], sizes = [1], strides = [1]} : vector<16xf32> to vector<1xf32>
        %squeeze3A = vector.extract %slice3A[0] : f32 from vector<1xf32>
        %slice3A_179 = vector.extract_strided_slice %get3A_36 {offsets = [8], sizes = [1], strides = [1]} : vector<16xf32> to vector<1xf32>
        %squeeze3A_180 = vector.extract %slice3A_179[0] : f32 from vector<1xf32>
        %broadcast_in_dim3A_181 = vector.broadcast %squeeze3A : f32 to vector<16xf32>
        %broadcast_in_dim3A_182 = vector.broadcast %squeeze3A_180 : f32 to vector<16xf32>
        %select_n3A_183 = arith.select %ge3A_165, %broadcast_in_dim3A_181, %broadcast_in_dim3A_182 : vector<16xi1>, vector<16xf32>
        %add3A_184 = arith.addf %gather3A, %gather3A_174 : vector<16xf32>
        %add3A_185 = arith.addf %add3A_184, %gather3A_178 : vector<16xf32>
        %mul3A_186 = arith.mulf %get3A_153, %select_n3A_183 : vector<16xf32>
        %add3A_187 = arith.addf %add3A_185, %mul3A_186 : vector<16xf32>
        %ge3A_188 = arith.constant 0.000000e+00 : f32
        %ge3A_189 = vector.broadcast %ge3A_188 : f32 to vector<16xf32>
        %ge3A_190 = arith.cmpf oge, %add3A_187, %ge3A_189 : vector<16xf32>
        %mul3A_191 = arith.constant 2.000000e-01 : f32
        %mul3A_192 = vector.broadcast %mul3A_191 : f32 to vector<16xf32>
        %mul3A_193 = arith.mulf %mul3A_192, %add3A_187 : vector<16xf32>
        %select_n3A_194 = arith.select %ge3A_190, %add3A_187, %mul3A_193 : vector<16xi1>, vector<16xf32>
        %add3A_195 = arith.constant 0 : i32
        %add3A_196 = vector.broadcast %add3A_195 : i32 to vector<16xi32>
        %add3A_197 = arith.addi %add3A_196, %add3A_162 : vector<16xi32>
        %gather3A_198 = tpu.vector_load_idx %arg16[%add3A_197] : memref<2704xf32, #tpu.memory_space<vmem>>[vector<16xi32>], vector<16xf32>,
        %sub3A_199 = arith.subf %select_n3A_194, %gather3A_198 : vector<16xf32>
        %exp3A = math.exp %sub3A_199 : vector<16xf32>
        %jit3A_200 = arith.constant 0.000000e+00 : f32
        %broadcast_in_dim3A_201 = vector.broadcast %jit3A_200 : f32 to vector<16xf32>
        %select_n3A_202 = arith.select %lt3A_137, %exp3A, %broadcast_in_dim3A_201 : vector<16xi1>, vector<16xf32>
        %add3A_203 = arith.constant 0 : i32
        %add3A_204 = vector.broadcast %add3A_203 : i32 to vector<16xi32>
        %add3A_205 = arith.addi %add3A_204, %add3A_162 : vector<16xi32>
        tpu.vector_store_idx %arg17[%add3A_205], %select_n3A_202 {add = true} : memref<2704xf32, #tpu.memory_space<vmem>>[vector<16xi32>], vector<16xf32>,
        %add3A_206 = arith.constant 336 : i32
        %add3A_207 = vector.broadcast %add3A_206 : i32 to vector<16xi32>
        %add3A_208 = arith.addi %add3A_207, %add3A_162 : vector<16xi32>
        %gather3A_209 = tpu.vector_load_idx %arg15[%add3A_208] : memref<2688xf32, #tpu.memory_space<vmem>>[vector<16xi32>], vector<16xf32>,
        %broadcast_in_dim3A_210 = arith.constant 9 : i32
        %broadcast_in_dim3A_211 = vector.broadcast %broadcast_in_dim3A_210 : i32 to vector<16xi32>
        %gather3A_212 = tpu.vector_load_idx %arg24[%add3A_141, %broadcast_in_dim3A_211] : memref<512x32xf32, #tpu.memory_space<vmem>>[vector<16xi32>, vector<16xi32>], vector<16xf32>,
        %add3A_213 = arith.constant 1 : i32
        %add3A_214 = vector.broadcast %add3A_213 : i32 to vector<16xi32>
        %add3A_215 = arith.addi %mul3A_168, %add3A_214 : vector<16xi32>
        %gather3A_216 = tpu.vector_load_idx %arg14[%add3A_215] : memref<80xf32, #tpu.memory_space<vmem>>[vector<16xi32>], vector<16xf32>,
        %slice3A_217 = vector.extract_strided_slice %get3A_36 {offsets = [1], sizes = [1], strides = [1]} : vector<16xf32> to vector<1xf32>
        %squeeze3A_218 = vector.extract %slice3A_217[0] : f32 from vector<1xf32>
        %slice3A_219 = vector.extract_strided_slice %get3A_36 {offsets = [9], sizes = [1], strides = [1]} : vector<16xf32> to vector<1xf32>
        %squeeze3A_220 = vector.extract %slice3A_219[0] : f32 from vector<1xf32>
        %broadcast_in_dim3A_221 = vector.broadcast %squeeze3A_218 : f32 to vector<16xf32>
        %broadcast_in_dim3A_222 = vector.broadcast %squeeze3A_220 : f32 to vector<16xf32>
        %select_n3A_223 = arith.select %ge3A_165, %broadcast_in_dim3A_221, %broadcast_in_dim3A_222 : vector<16xi1>, vector<16xf32>
        %add3A_224 = arith.addf %gather3A_209, %gather3A_212 : vector<16xf32>
        %add3A_225 = arith.addf %add3A_224, %gather3A_216 : vector<16xf32>
        %mul3A_226 = arith.mulf %get3A_153, %select_n3A_223 : vector<16xf32>
        %add3A_227 = arith.addf %add3A_225, %mul3A_226 : vector<16xf32>
        %ge3A_228 = arith.constant 0.000000e+00 : f32
        %ge3A_229 = vector.broadcast %ge3A_228 : f32 to vector<16xf32>
        %ge3A_230 = arith.cmpf oge, %add3A_227, %ge3A_229 : vector<16xf32>
        %mul3A_231 = arith.constant 2.000000e-01 : f32
        %mul3A_232 = vector.broadcast %mul3A_231 : f32 to vector<16xf32>
        %mul3A_233 = arith.mulf %mul3A_232, %add3A_227 : vector<16xf32>
        %select_n3A_234 = arith.select %ge3A_230, %add3A_227, %mul3A_233 : vector<16xi1>, vector<16xf32>
        %add3A_235 = arith.constant 336 : i32
        %add3A_236 = vector.broadcast %add3A_235 : i32 to vector<16xi32>
        %add3A_237 = arith.addi %add3A_236, %add3A_162 : vector<16xi32>
        %gather3A_238 = tpu.vector_load_idx %arg16[%add3A_237] : memref<2704xf32, #tpu.memory_space<vmem>>[vector<16xi32>], vector<16xf32>,
        %sub3A_239 = arith.subf %select_n3A_234, %gather3A_238 : vector<16xf32>
        %exp3A_240 = math.exp %sub3A_239 : vector<16xf32>
        %jit3A_241 = arith.constant 0.000000e+00 : f32
        %broadcast_in_dim3A_242 = vector.broadcast %jit3A_241 : f32 to vector<16xf32>
        %select_n3A_243 = arith.select %lt3A_137, %exp3A_240, %broadcast_in_dim3A_242 : vector<16xi1>, vector<16xf32>
        %add3A_244 = arith.constant 336 : i32
        %add3A_245 = vector.broadcast %add3A_244 : i32 to vector<16xi32>
        %add3A_246 = arith.addi %add3A_245, %add3A_162 : vector<16xi32>
        tpu.vector_store_idx %arg17[%add3A_246], %select_n3A_243 {add = true} : memref<2704xf32, #tpu.memory_space<vmem>>[vector<16xi32>], vector<16xf32>,
        %add3A_247 = arith.constant 672 : i32
        %add3A_248 = vector.broadcast %add3A_247 : i32 to vector<16xi32>
        %add3A_249 = arith.addi %add3A_248, %add3A_162 : vector<16xi32>
        %gather3A_250 = tpu.vector_load_idx %arg15[%add3A_249] : memref<2688xf32, #tpu.memory_space<vmem>>[vector<16xi32>], vector<16xf32>,
        %broadcast_in_dim3A_251 = arith.constant 10 : i32
        %broadcast_in_dim3A_252 = vector.broadcast %broadcast_in_dim3A_251 : i32 to vector<16xi32>
        %gather3A_253 = tpu.vector_load_idx %arg24[%add3A_141, %broadcast_in_dim3A_252] : memref<512x32xf32, #tpu.memory_space<vmem>>[vector<16xi32>, vector<16xi32>], vector<16xf32>,
        %add3A_254 = arith.constant 2 : i32
        %add3A_255 = vector.broadcast %add3A_254 : i32 to vector<16xi32>
        %add3A_256 = arith.addi %mul3A_168, %add3A_255 : vector<16xi32>
        %gather3A_257 = tpu.vector_load_idx %arg14[%add3A_256] : memref<80xf32, #tpu.memory_space<vmem>>[vector<16xi32>], vector<16xf32>,
        %slice3A_258 = vector.extract_strided_slice %get3A_36 {offsets = [2], sizes = [1], strides = [1]} : vector<16xf32> to vector<1xf32>
        %squeeze3A_259 = vector.extract %slice3A_258[0] : f32 from vector<1xf32>
        %slice3A_260 = vector.extract_strided_slice %get3A_36 {offsets = [10], sizes = [1], strides = [1]} : vector<16xf32> to vector<1xf32>
        %squeeze3A_261 = vector.extract %slice3A_260[0] : f32 from vector<1xf32>
        %broadcast_in_dim3A_262 = vector.broadcast %squeeze3A_259 : f32 to vector<16xf32>
        %broadcast_in_dim3A_263 = vector.broadcast %squeeze3A_261 : f32 to vector<16xf32>
        %select_n3A_264 = arith.select %ge3A_165, %broadcast_in_dim3A_262, %broadcast_in_dim3A_263 : vector<16xi1>, vector<16xf32>
        %add3A_265 = arith.addf %gather3A_250, %gather3A_253 : vector<16xf32>
        %add3A_266 = arith.addf %add3A_265, %gather3A_257 : vector<16xf32>
        %mul3A_267 = arith.mulf %get3A_153, %select_n3A_264 : vector<16xf32>
        %add3A_268 = arith.addf %add3A_266, %mul3A_267 : vector<16xf32>
        %ge3A_269 = arith.constant 0.000000e+00 : f32
        %ge3A_270 = vector.broadcast %ge3A_269 : f32 to vector<16xf32>
        %ge3A_271 = arith.cmpf oge, %add3A_268, %ge3A_270 : vector<16xf32>
        %mul3A_272 = arith.constant 2.000000e-01 : f32
        %mul3A_273 = vector.broadcast %mul3A_272 : f32 to vector<16xf32>
        %mul3A_274 = arith.mulf %mul3A_273, %add3A_268 : vector<16xf32>
        %select_n3A_275 = arith.select %ge3A_271, %add3A_268, %mul3A_274 : vector<16xi1>, vector<16xf32>
        %add3A_276 = arith.constant 672 : i32
        %add3A_277 = vector.broadcast %add3A_276 : i32 to vector<16xi32>
        %add3A_278 = arith.addi %add3A_277, %add3A_162 : vector<16xi32>
        %gather3A_279 = tpu.vector_load_idx %arg16[%add3A_278] : memref<2704xf32, #tpu.memory_space<vmem>>[vector<16xi32>], vector<16xf32>,
        %sub3A_280 = arith.subf %select_n3A_275, %gather3A_279 : vector<16xf32>
        %exp3A_281 = math.exp %sub3A_280 : vector<16xf32>
        %jit3A_282 = arith.constant 0.000000e+00 : f32
        %broadcast_in_dim3A_283 = vector.broadcast %jit3A_282 : f32 to vector<16xf32>
        %select_n3A_284 = arith.select %lt3A_137, %exp3A_281, %broadcast_in_dim3A_283 : vector<16xi1>, vector<16xf32>
        %add3A_285 = arith.constant 672 : i32
        %add3A_286 = vector.broadcast %add3A_285 : i32 to vector<16xi32>
        %add3A_287 = arith.addi %add3A_286, %add3A_162 : vector<16xi32>
        tpu.vector_store_idx %arg17[%add3A_287], %select_n3A_284 {add = true} : memref<2704xf32, #tpu.memory_space<vmem>>[vector<16xi32>], vector<16xf32>,
        %add3A_288 = arith.constant 1008 : i32
        %add3A_289 = vector.broadcast %add3A_288 : i32 to vector<16xi32>
        %add3A_290 = arith.addi %add3A_289, %add3A_162 : vector<16xi32>
        %gather3A_291 = tpu.vector_load_idx %arg15[%add3A_290] : memref<2688xf32, #tpu.memory_space<vmem>>[vector<16xi32>], vector<16xf32>,
        %broadcast_in_dim3A_292 = arith.constant 11 : i32
        %broadcast_in_dim3A_293 = vector.broadcast %broadcast_in_dim3A_292 : i32 to vector<16xi32>
        %gather3A_294 = tpu.vector_load_idx %arg24[%add3A_141, %broadcast_in_dim3A_293] : memref<512x32xf32, #tpu.memory_space<vmem>>[vector<16xi32>, vector<16xi32>], vector<16xf32>,
        %add3A_295 = arith.constant 3 : i32
        %add3A_296 = vector.broadcast %add3A_295 : i32 to vector<16xi32>
        %add3A_297 = arith.addi %mul3A_168, %add3A_296 : vector<16xi32>
        %gather3A_298 = tpu.vector_load_idx %arg14[%add3A_297] : memref<80xf32, #tpu.memory_space<vmem>>[vector<16xi32>], vector<16xf32>,
        %slice3A_299 = vector.extract_strided_slice %get3A_36 {offsets = [3], sizes = [1], strides = [1]} : vector<16xf32> to vector<1xf32>
        %squeeze3A_300 = vector.extract %slice3A_299[0] : f32 from vector<1xf32>
        %slice3A_301 = vector.extract_strided_slice %get3A_36 {offsets = [11], sizes = [1], strides = [1]} : vector<16xf32> to vector<1xf32>
        %squeeze3A_302 = vector.extract %slice3A_301[0] : f32 from vector<1xf32>
        %broadcast_in_dim3A_303 = vector.broadcast %squeeze3A_300 : f32 to vector<16xf32>
        %broadcast_in_dim3A_304 = vector.broadcast %squeeze3A_302 : f32 to vector<16xf32>
        %select_n3A_305 = arith.select %ge3A_165, %broadcast_in_dim3A_303, %broadcast_in_dim3A_304 : vector<16xi1>, vector<16xf32>
        %add3A_306 = arith.addf %gather3A_291, %gather3A_294 : vector<16xf32>
        %add3A_307 = arith.addf %add3A_306, %gather3A_298 : vector<16xf32>
        %mul3A_308 = arith.mulf %get3A_153, %select_n3A_305 : vector<16xf32>
        %add3A_309 = arith.addf %add3A_307, %mul3A_308 : vector<16xf32>
        %ge3A_310 = arith.constant 0.000000e+00 : f32
        %ge3A_311 = vector.broadcast %ge3A_310 : f32 to vector<16xf32>
        %ge3A_312 = arith.cmpf oge, %add3A_309, %ge3A_311 : vector<16xf32>
        %mul3A_313 = arith.constant 2.000000e-01 : f32
        %mul3A_314 = vector.broadcast %mul3A_313 : f32 to vector<16xf32>
        %mul3A_315 = arith.mulf %mul3A_314, %add3A_309 : vector<16xf32>
        %select_n3A_316 = arith.select %ge3A_312, %add3A_309, %mul3A_315 : vector<16xi1>, vector<16xf32>
        %add3A_317 = arith.constant 1008 : i32
        %add3A_318 = vector.broadcast %add3A_317 : i32 to vector<16xi32>
        %add3A_319 = arith.addi %add3A_318, %add3A_162 : vector<16xi32>
        %gather3A_320 = tpu.vector_load_idx %arg16[%add3A_319] : memref<2704xf32, #tpu.memory_space<vmem>>[vector<16xi32>], vector<16xf32>,
        %sub3A_321 = arith.subf %select_n3A_316, %gather3A_320 : vector<16xf32>
        %exp3A_322 = math.exp %sub3A_321 : vector<16xf32>
        %jit3A_323 = arith.constant 0.000000e+00 : f32
        %broadcast_in_dim3A_324 = vector.broadcast %jit3A_323 : f32 to vector<16xf32>
        %select_n3A_325 = arith.select %lt3A_137, %exp3A_322, %broadcast_in_dim3A_324 : vector<16xi1>, vector<16xf32>
        %add3A_326 = arith.constant 1008 : i32
        %add3A_327 = vector.broadcast %add3A_326 : i32 to vector<16xi32>
        %add3A_328 = arith.addi %add3A_327, %add3A_162 : vector<16xi32>
        tpu.vector_store_idx %arg17[%add3A_328], %select_n3A_325 {add = true} : memref<2704xf32, #tpu.memory_space<vmem>>[vector<16xi32>], vector<16xf32>,
        %add3A_329 = arith.constant 1344 : i32
        %add3A_330 = vector.broadcast %add3A_329 : i32 to vector<16xi32>
        %add3A_331 = arith.addi %add3A_330, %add3A_162 : vector<16xi32>
        %gather3A_332 = tpu.vector_load_idx %arg15[%add3A_331] : memref<2688xf32, #tpu.memory_space<vmem>>[vector<16xi32>], vector<16xf32>,
        %broadcast_in_dim3A_333 = arith.constant 12 : i32
        %broadcast_in_dim3A_334 = vector.broadcast %broadcast_in_dim3A_333 : i32 to vector<16xi32>
        %gather3A_335 = tpu.vector_load_idx %arg24[%add3A_141, %broadcast_in_dim3A_334] : memref<512x32xf32, #tpu.memory_space<vmem>>[vector<16xi32>, vector<16xi32>], vector<16xf32>,
        %add3A_336 = arith.constant 4 : i32
        %add3A_337 = vector.broadcast %add3A_336 : i32 to vector<16xi32>
        %add3A_338 = arith.addi %mul3A_168, %add3A_337 : vector<16xi32>
        %gather3A_339 = tpu.vector_load_idx %arg14[%add3A_338] : memref<80xf32, #tpu.memory_space<vmem>>[vector<16xi32>], vector<16xf32>,
        %slice3A_340 = vector.extract_strided_slice %get3A_36 {offsets = [4], sizes = [1], strides = [1]} : vector<16xf32> to vector<1xf32>
        %squeeze3A_341 = vector.extract %slice3A_340[0] : f32 from vector<1xf32>
        %slice3A_342 = vector.extract_strided_slice %get3A_36 {offsets = [12], sizes = [1], strides = [1]} : vector<16xf32> to vector<1xf32>
        %squeeze3A_343 = vector.extract %slice3A_342[0] : f32 from vector<1xf32>
        %broadcast_in_dim3A_344 = vector.broadcast %squeeze3A_341 : f32 to vector<16xf32>
        %broadcast_in_dim3A_345 = vector.broadcast %squeeze3A_343 : f32 to vector<16xf32>
        %select_n3A_346 = arith.select %ge3A_165, %broadcast_in_dim3A_344, %broadcast_in_dim3A_345 : vector<16xi1>, vector<16xf32>
        %add3A_347 = arith.addf %gather3A_332, %gather3A_335 : vector<16xf32>
        %add3A_348 = arith.addf %add3A_347, %gather3A_339 : vector<16xf32>
        %mul3A_349 = arith.mulf %get3A_153, %select_n3A_346 : vector<16xf32>
        %add3A_350 = arith.addf %add3A_348, %mul3A_349 : vector<16xf32>
        %ge3A_351 = arith.constant 0.000000e+00 : f32
        %ge3A_352 = vector.broadcast %ge3A_351 : f32 to vector<16xf32>
        %ge3A_353 = arith.cmpf oge, %add3A_350, %ge3A_352 : vector<16xf32>
        %mul3A_354 = arith.constant 2.000000e-01 : f32
        %mul3A_355 = vector.broadcast %mul3A_354 : f32 to vector<16xf32>
        %mul3A_356 = arith.mulf %mul3A_355, %add3A_350 : vector<16xf32>
        %select_n3A_357 = arith.select %ge3A_353, %add3A_350, %mul3A_356 : vector<16xi1>, vector<16xf32>
        %add3A_358 = arith.constant 1344 : i32
        %add3A_359 = vector.broadcast %add3A_358 : i32 to vector<16xi32>
        %add3A_360 = arith.addi %add3A_359, %add3A_162 : vector<16xi32>
        %gather3A_361 = tpu.vector_load_idx %arg16[%add3A_360] : memref<2704xf32, #tpu.memory_space<vmem>>[vector<16xi32>], vector<16xf32>,
        %sub3A_362 = arith.subf %select_n3A_357, %gather3A_361 : vector<16xf32>
        %exp3A_363 = math.exp %sub3A_362 : vector<16xf32>
        %jit3A_364 = arith.constant 0.000000e+00 : f32
        %broadcast_in_dim3A_365 = vector.broadcast %jit3A_364 : f32 to vector<16xf32>
        %select_n3A_366 = arith.select %lt3A_137, %exp3A_363, %broadcast_in_dim3A_365 : vector<16xi1>, vector<16xf32>
        %add3A_367 = arith.constant 1344 : i32
        %add3A_368 = vector.broadcast %add3A_367 : i32 to vector<16xi32>
        %add3A_369 = arith.addi %add3A_368, %add3A_162 : vector<16xi32>
        tpu.vector_store_idx %arg17[%add3A_369], %select_n3A_366 {add = true} : memref<2704xf32, #tpu.memory_space<vmem>>[vector<16xi32>], vector<16xf32>,
        %add3A_370 = arith.constant 1680 : i32
        %add3A_371 = vector.broadcast %add3A_370 : i32 to vector<16xi32>
        %add3A_372 = arith.addi %add3A_371, %add3A_162 : vector<16xi32>
        %gather3A_373 = tpu.vector_load_idx %arg15[%add3A_372] : memref<2688xf32, #tpu.memory_space<vmem>>[vector<16xi32>], vector<16xf32>,
        %broadcast_in_dim3A_374 = arith.constant 13 : i32
        %broadcast_in_dim3A_375 = vector.broadcast %broadcast_in_dim3A_374 : i32 to vector<16xi32>
        %gather3A_376 = tpu.vector_load_idx %arg24[%add3A_141, %broadcast_in_dim3A_375] : memref<512x32xf32, #tpu.memory_space<vmem>>[vector<16xi32>, vector<16xi32>], vector<16xf32>,
        %add3A_377 = arith.constant 5 : i32
        %add3A_378 = vector.broadcast %add3A_377 : i32 to vector<16xi32>
        %add3A_379 = arith.addi %mul3A_168, %add3A_378 : vector<16xi32>
        %gather3A_380 = tpu.vector_load_idx %arg14[%add3A_379] : memref<80xf32, #tpu.memory_space<vmem>>[vector<16xi32>], vector<16xf32>,
        %slice3A_381 = vector.extract_strided_slice %get3A_36 {offsets = [5], sizes = [1], strides = [1]} : vector<16xf32> to vector<1xf32>
        %squeeze3A_382 = vector.extract %slice3A_381[0] : f32 from vector<1xf32>
        %slice3A_383 = vector.extract_strided_slice %get3A_36 {offsets = [13], sizes = [1], strides = [1]} : vector<16xf32> to vector<1xf32>
        %squeeze3A_384 = vector.extract %slice3A_383[0] : f32 from vector<1xf32>
        %broadcast_in_dim3A_385 = vector.broadcast %squeeze3A_382 : f32 to vector<16xf32>
        %broadcast_in_dim3A_386 = vector.broadcast %squeeze3A_384 : f32 to vector<16xf32>
        %select_n3A_387 = arith.select %ge3A_165, %broadcast_in_dim3A_385, %broadcast_in_dim3A_386 : vector<16xi1>, vector<16xf32>
        %add3A_388 = arith.addf %gather3A_373, %gather3A_376 : vector<16xf32>
        %add3A_389 = arith.addf %add3A_388, %gather3A_380 : vector<16xf32>
        %mul3A_390 = arith.mulf %get3A_153, %select_n3A_387 : vector<16xf32>
        %add3A_391 = arith.addf %add3A_389, %mul3A_390 : vector<16xf32>
        %ge3A_392 = arith.constant 0.000000e+00 : f32
        %ge3A_393 = vector.broadcast %ge3A_392 : f32 to vector<16xf32>
        %ge3A_394 = arith.cmpf oge, %add3A_391, %ge3A_393 : vector<16xf32>
        %mul3A_395 = arith.constant 2.000000e-01 : f32
        %mul3A_396 = vector.broadcast %mul3A_395 : f32 to vector<16xf32>
        %mul3A_397 = arith.mulf %mul3A_396, %add3A_391 : vector<16xf32>
        %select_n3A_398 = arith.select %ge3A_394, %add3A_391, %mul3A_397 : vector<16xi1>, vector<16xf32>
        %add3A_399 = arith.constant 1680 : i32
        %add3A_400 = vector.broadcast %add3A_399 : i32 to vector<16xi32>
        %add3A_401 = arith.addi %add3A_400, %add3A_162 : vector<16xi32>
        %gather3A_402 = tpu.vector_load_idx %arg16[%add3A_401] : memref<2704xf32, #tpu.memory_space<vmem>>[vector<16xi32>], vector<16xf32>,
        %sub3A_403 = arith.subf %select_n3A_398, %gather3A_402 : vector<16xf32>
        %exp3A_404 = math.exp %sub3A_403 : vector<16xf32>
        %jit3A_405 = arith.constant 0.000000e+00 : f32
        %broadcast_in_dim3A_406 = vector.broadcast %jit3A_405 : f32 to vector<16xf32>
        %select_n3A_407 = arith.select %lt3A_137, %exp3A_404, %broadcast_in_dim3A_406 : vector<16xi1>, vector<16xf32>
        %add3A_408 = arith.constant 1680 : i32
        %add3A_409 = vector.broadcast %add3A_408 : i32 to vector<16xi32>
        %add3A_410 = arith.addi %add3A_409, %add3A_162 : vector<16xi32>
        tpu.vector_store_idx %arg17[%add3A_410], %select_n3A_407 {add = true} : memref<2704xf32, #tpu.memory_space<vmem>>[vector<16xi32>], vector<16xf32>,
        %add3A_411 = arith.constant 2016 : i32
        %add3A_412 = vector.broadcast %add3A_411 : i32 to vector<16xi32>
        %add3A_413 = arith.addi %add3A_412, %add3A_162 : vector<16xi32>
        %gather3A_414 = tpu.vector_load_idx %arg15[%add3A_413] : memref<2688xf32, #tpu.memory_space<vmem>>[vector<16xi32>], vector<16xf32>,
        %broadcast_in_dim3A_415 = arith.constant 14 : i32
        %broadcast_in_dim3A_416 = vector.broadcast %broadcast_in_dim3A_415 : i32 to vector<16xi32>
        %gather3A_417 = tpu.vector_load_idx %arg24[%add3A_141, %broadcast_in_dim3A_416] : memref<512x32xf32, #tpu.memory_space<vmem>>[vector<16xi32>, vector<16xi32>], vector<16xf32>,
        %add3A_418 = arith.constant 6 : i32
        %add3A_419 = vector.broadcast %add3A_418 : i32 to vector<16xi32>
        %add3A_420 = arith.addi %mul3A_168, %add3A_419 : vector<16xi32>
        %gather3A_421 = tpu.vector_load_idx %arg14[%add3A_420] : memref<80xf32, #tpu.memory_space<vmem>>[vector<16xi32>], vector<16xf32>,
        %slice3A_422 = vector.extract_strided_slice %get3A_36 {offsets = [6], sizes = [1], strides = [1]} : vector<16xf32> to vector<1xf32>
        %squeeze3A_423 = vector.extract %slice3A_422[0] : f32 from vector<1xf32>
        %slice3A_424 = vector.extract_strided_slice %get3A_36 {offsets = [14], sizes = [1], strides = [1]} : vector<16xf32> to vector<1xf32>
        %squeeze3A_425 = vector.extract %slice3A_424[0] : f32 from vector<1xf32>
        %broadcast_in_dim3A_426 = vector.broadcast %squeeze3A_423 : f32 to vector<16xf32>
        %broadcast_in_dim3A_427 = vector.broadcast %squeeze3A_425 : f32 to vector<16xf32>
        %select_n3A_428 = arith.select %ge3A_165, %broadcast_in_dim3A_426, %broadcast_in_dim3A_427 : vector<16xi1>, vector<16xf32>
        %add3A_429 = arith.addf %gather3A_414, %gather3A_417 : vector<16xf32>
        %add3A_430 = arith.addf %add3A_429, %gather3A_421 : vector<16xf32>
        %mul3A_431 = arith.mulf %get3A_153, %select_n3A_428 : vector<16xf32>
        %add3A_432 = arith.addf %add3A_430, %mul3A_431 : vector<16xf32>
        %ge3A_433 = arith.constant 0.000000e+00 : f32
        %ge3A_434 = vector.broadcast %ge3A_433 : f32 to vector<16xf32>
        %ge3A_435 = arith.cmpf oge, %add3A_432, %ge3A_434 : vector<16xf32>
        %mul3A_436 = arith.constant 2.000000e-01 : f32
        %mul3A_437 = vector.broadcast %mul3A_436 : f32 to vector<16xf32>
        %mul3A_438 = arith.mulf %mul3A_437, %add3A_432 : vector<16xf32>
        %select_n3A_439 = arith.select %ge3A_435, %add3A_432, %mul3A_438 : vector<16xi1>, vector<16xf32>
        %add3A_440 = arith.constant 2016 : i32
        %add3A_441 = vector.broadcast %add3A_440 : i32 to vector<16xi32>
        %add3A_442 = arith.addi %add3A_441, %add3A_162 : vector<16xi32>
        %gather3A_443 = tpu.vector_load_idx %arg16[%add3A_442] : memref<2704xf32, #tpu.memory_space<vmem>>[vector<16xi32>], vector<16xf32>,
        %sub3A_444 = arith.subf %select_n3A_439, %gather3A_443 : vector<16xf32>
        %exp3A_445 = math.exp %sub3A_444 : vector<16xf32>
        %jit3A_446 = arith.constant 0.000000e+00 : f32
        %broadcast_in_dim3A_447 = vector.broadcast %jit3A_446 : f32 to vector<16xf32>
        %select_n3A_448 = arith.select %lt3A_137, %exp3A_445, %broadcast_in_dim3A_447 : vector<16xi1>, vector<16xf32>
        %add3A_449 = arith.constant 2016 : i32
        %add3A_450 = vector.broadcast %add3A_449 : i32 to vector<16xi32>
        %add3A_451 = arith.addi %add3A_450, %add3A_162 : vector<16xi32>
        tpu.vector_store_idx %arg17[%add3A_451], %select_n3A_448 {add = true} : memref<2704xf32, #tpu.memory_space<vmem>>[vector<16xi32>], vector<16xf32>,
        %add3A_452 = arith.constant 2352 : i32
        %add3A_453 = vector.broadcast %add3A_452 : i32 to vector<16xi32>
        %add3A_454 = arith.addi %add3A_453, %add3A_162 : vector<16xi32>
        %gather3A_455 = tpu.vector_load_idx %arg15[%add3A_454] : memref<2688xf32, #tpu.memory_space<vmem>>[vector<16xi32>], vector<16xf32>,
        %broadcast_in_dim3A_456 = arith.constant 15 : i32
        %broadcast_in_dim3A_457 = vector.broadcast %broadcast_in_dim3A_456 : i32 to vector<16xi32>
        %gather3A_458 = tpu.vector_load_idx %arg24[%add3A_141, %broadcast_in_dim3A_457] : memref<512x32xf32, #tpu.memory_space<vmem>>[vector<16xi32>, vector<16xi32>], vector<16xf32>,
        %add3A_459 = arith.constant 7 : i32
        %add3A_460 = vector.broadcast %add3A_459 : i32 to vector<16xi32>
        %add3A_461 = arith.addi %mul3A_168, %add3A_460 : vector<16xi32>
        %gather3A_462 = tpu.vector_load_idx %arg14[%add3A_461] : memref<80xf32, #tpu.memory_space<vmem>>[vector<16xi32>], vector<16xf32>,
        %slice3A_463 = vector.extract_strided_slice %get3A_36 {offsets = [7], sizes = [1], strides = [1]} : vector<16xf32> to vector<1xf32>
        %squeeze3A_464 = vector.extract %slice3A_463[0] : f32 from vector<1xf32>
        %slice3A_465 = vector.extract_strided_slice %get3A_36 {offsets = [15], sizes = [1], strides = [1]} : vector<16xf32> to vector<1xf32>
        %squeeze3A_466 = vector.extract %slice3A_465[0] : f32 from vector<1xf32>
        %broadcast_in_dim3A_467 = vector.broadcast %squeeze3A_464 : f32 to vector<16xf32>
        %broadcast_in_dim3A_468 = vector.broadcast %squeeze3A_466 : f32 to vector<16xf32>
        %select_n3A_469 = arith.select %ge3A_165, %broadcast_in_dim3A_467, %broadcast_in_dim3A_468 : vector<16xi1>, vector<16xf32>
        %add3A_470 = arith.addf %gather3A_455, %gather3A_458 : vector<16xf32>
        %add3A_471 = arith.addf %add3A_470, %gather3A_462 : vector<16xf32>
        %mul3A_472 = arith.mulf %get3A_153, %select_n3A_469 : vector<16xf32>
        %add3A_473 = arith.addf %add3A_471, %mul3A_472 : vector<16xf32>
        %ge3A_474 = arith.constant 0.000000e+00 : f32
        %ge3A_475 = vector.broadcast %ge3A_474 : f32 to vector<16xf32>
        %ge3A_476 = arith.cmpf oge, %add3A_473, %ge3A_475 : vector<16xf32>
        %mul3A_477 = arith.constant 2.000000e-01 : f32
        %mul3A_478 = vector.broadcast %mul3A_477 : f32 to vector<16xf32>
        %mul3A_479 = arith.mulf %mul3A_478, %add3A_473 : vector<16xf32>
        %select_n3A_480 = arith.select %ge3A_476, %add3A_473, %mul3A_479 : vector<16xi1>, vector<16xf32>
        %add3A_481 = arith.constant 2352 : i32
        %add3A_482 = vector.broadcast %add3A_481 : i32 to vector<16xi32>
        %add3A_483 = arith.addi %add3A_482, %add3A_162 : vector<16xi32>
        %gather3A_484 = tpu.vector_load_idx %arg16[%add3A_483] : memref<2704xf32, #tpu.memory_space<vmem>>[vector<16xi32>], vector<16xf32>,
        %sub3A_485 = arith.subf %select_n3A_480, %gather3A_484 : vector<16xf32>
        %exp3A_486 = math.exp %sub3A_485 : vector<16xf32>
        %jit3A_487 = arith.constant 0.000000e+00 : f32
        %broadcast_in_dim3A_488 = vector.broadcast %jit3A_487 : f32 to vector<16xf32>
        %select_n3A_489 = arith.select %lt3A_137, %exp3A_486, %broadcast_in_dim3A_488 : vector<16xi1>, vector<16xf32>
        %add3A_490 = arith.constant 2352 : i32
        %add3A_491 = vector.broadcast %add3A_490 : i32 to vector<16xi32>
        %add3A_492 = arith.addi %add3A_491, %add3A_162 : vector<16xi32>
        tpu.vector_store_idx %arg17[%add3A_492], %select_n3A_489 {add = true} : memref<2704xf32, #tpu.memory_space<vmem>>[vector<16xi32>], vector<16xf32>,
        %broadcast_in_dim3A_493 = arith.constant 16 : i32
        %broadcast_in_dim3A_494 = vector.broadcast %broadcast_in_dim3A_493 : i32 to vector<16xi32>
        %gather3A_495 = tpu.vector_load_idx %arg24[%add3A_141, %broadcast_in_dim3A_494] : memref<512x32xf32, #tpu.memory_space<vmem>>[vector<16xi32>, vector<16xi32>], vector<16xf32>,
        %slice3A_496 = vector.extract_strided_slice %get3A_38 {offsets = [0], sizes = [1], strides = [1]} : vector<16xf32> to vector<1xf32>
        %squeeze3A_497 = vector.extract %slice3A_496[0] : f32 from vector<1xf32>
        %slice3A_498 = vector.extract_strided_slice %get3A_40 {offsets = [0], sizes = [1], strides = [1]} : vector<16xf32> to vector<1xf32>
        %squeeze3A_499 = vector.extract %slice3A_498[0] : f32 from vector<1xf32>
        %broadcast_in_dim3A_500 = vector.broadcast %squeeze3A_497 : f32 to vector<16xf32>
        %broadcast_in_dim3A_501 = vector.broadcast %squeeze3A_499 : f32 to vector<16xf32>
        %select_n3A_502 = arith.select %ge3A_165, %broadcast_in_dim3A_500, %broadcast_in_dim3A_501 : vector<16xi1>, vector<16xf32>
        %mul3A_503 = arith.mulf %get3A_153, %select_n3A_502 : vector<16xf32>
        %add3A_504 = arith.addf %gather3A_495, %mul3A_503 : vector<16xf32>
        %add3A_505 = arith.constant 0 : i32
        %add3A_506 = vector.broadcast %add3A_505 : i32 to vector<16xi32>
        %add3A_507 = arith.addi %add3A_162, %add3A_506 : vector<16xi32>
        %mul3A_508 = arith.mulf %select_n3A_202, %add3A_504 : vector<16xf32>
        tpu.vector_store_idx %arg18[%add3A_507], %mul3A_508 {add = true} : memref<43008xf32, #tpu.memory_space<vmem>>[vector<16xi32>], vector<16xf32>,
        %add3A_509 = arith.constant 5376 : i32
        %add3A_510 = vector.broadcast %add3A_509 : i32 to vector<16xi32>
        %add3A_511 = arith.addi %add3A_162, %add3A_510 : vector<16xi32>
        %mul3A_512 = arith.mulf %select_n3A_243, %add3A_504 : vector<16xf32>
        tpu.vector_store_idx %arg18[%add3A_511], %mul3A_512 {add = true} : memref<43008xf32, #tpu.memory_space<vmem>>[vector<16xi32>], vector<16xf32>,
        %add3A_513 = arith.constant 10752 : i32
        %add3A_514 = vector.broadcast %add3A_513 : i32 to vector<16xi32>
        %add3A_515 = arith.addi %add3A_162, %add3A_514 : vector<16xi32>
        %mul3A_516 = arith.mulf %select_n3A_284, %add3A_504 : vector<16xf32>
        tpu.vector_store_idx %arg18[%add3A_515], %mul3A_516 {add = true} : memref<43008xf32, #tpu.memory_space<vmem>>[vector<16xi32>], vector<16xf32>,
        %add3A_517 = arith.constant 16128 : i32
        %add3A_518 = vector.broadcast %add3A_517 : i32 to vector<16xi32>
        %add3A_519 = arith.addi %add3A_162, %add3A_518 : vector<16xi32>
        %mul3A_520 = arith.mulf %select_n3A_325, %add3A_504 : vector<16xf32>
        tpu.vector_store_idx %arg18[%add3A_519], %mul3A_520 {add = true} : memref<43008xf32, #tpu.memory_space<vmem>>[vector<16xi32>], vector<16xf32>,
        %add3A_521 = arith.constant 21504 : i32
        %add3A_522 = vector.broadcast %add3A_521 : i32 to vector<16xi32>
        %add3A_523 = arith.addi %add3A_162, %add3A_522 : vector<16xi32>
        %mul3A_524 = arith.mulf %select_n3A_366, %add3A_504 : vector<16xf32>
        tpu.vector_store_idx %arg18[%add3A_523], %mul3A_524 {add = true} : memref<43008xf32, #tpu.memory_space<vmem>>[vector<16xi32>], vector<16xf32>,
        %add3A_525 = arith.constant 26880 : i32
        %add3A_526 = vector.broadcast %add3A_525 : i32 to vector<16xi32>
        %add3A_527 = arith.addi %add3A_162, %add3A_526 : vector<16xi32>
        %mul3A_528 = arith.mulf %select_n3A_407, %add3A_504 : vector<16xf32>
        tpu.vector_store_idx %arg18[%add3A_527], %mul3A_528 {add = true} : memref<43008xf32, #tpu.memory_space<vmem>>[vector<16xi32>], vector<16xf32>,
        %add3A_529 = arith.constant 32256 : i32
        %add3A_530 = vector.broadcast %add3A_529 : i32 to vector<16xi32>
        %add3A_531 = arith.addi %add3A_162, %add3A_530 : vector<16xi32>
        %mul3A_532 = arith.mulf %select_n3A_448, %add3A_504 : vector<16xf32>
        tpu.vector_store_idx %arg18[%add3A_531], %mul3A_532 {add = true} : memref<43008xf32, #tpu.memory_space<vmem>>[vector<16xi32>], vector<16xf32>,
        %add3A_533 = arith.constant 37632 : i32
        %add3A_534 = vector.broadcast %add3A_533 : i32 to vector<16xi32>
        %add3A_535 = arith.addi %add3A_162, %add3A_534 : vector<16xi32>
        %mul3A_536 = arith.mulf %select_n3A_489, %add3A_504 : vector<16xf32>
        tpu.vector_store_idx %arg18[%add3A_535], %mul3A_536 {add = true} : memref<43008xf32, #tpu.memory_space<vmem>>[vector<16xi32>], vector<16xf32>,
        %broadcast_in_dim3A_537 = arith.constant 17 : i32
        %broadcast_in_dim3A_538 = vector.broadcast %broadcast_in_dim3A_537 : i32 to vector<16xi32>
        %gather3A_539 = tpu.vector_load_idx %arg24[%add3A_141, %broadcast_in_dim3A_538] : memref<512x32xf32, #tpu.memory_space<vmem>>[vector<16xi32>, vector<16xi32>], vector<16xf32>,
        %slice3A_540 = vector.extract_strided_slice %get3A_38 {offsets = [1], sizes = [1], strides = [1]} : vector<16xf32> to vector<1xf32>
        %squeeze3A_541 = vector.extract %slice3A_540[0] : f32 from vector<1xf32>
        %slice3A_542 = vector.extract_strided_slice %get3A_40 {offsets = [1], sizes = [1], strides = [1]} : vector<16xf32> to vector<1xf32>
        %squeeze3A_543 = vector.extract %slice3A_542[0] : f32 from vector<1xf32>
        %broadcast_in_dim3A_544 = vector.broadcast %squeeze3A_541 : f32 to vector<16xf32>
        %broadcast_in_dim3A_545 = vector.broadcast %squeeze3A_543 : f32 to vector<16xf32>
        %select_n3A_546 = arith.select %ge3A_165, %broadcast_in_dim3A_544, %broadcast_in_dim3A_545 : vector<16xi1>, vector<16xf32>
        %mul3A_547 = arith.mulf %get3A_153, %select_n3A_546 : vector<16xf32>
        %add3A_548 = arith.addf %gather3A_539, %mul3A_547 : vector<16xf32>
        %add3A_549 = arith.constant 336 : i32
        %add3A_550 = vector.broadcast %add3A_549 : i32 to vector<16xi32>
        %add3A_551 = arith.addi %add3A_162, %add3A_550 : vector<16xi32>
        %mul3A_552 = arith.mulf %select_n3A_202, %add3A_548 : vector<16xf32>
        tpu.vector_store_idx %arg18[%add3A_551], %mul3A_552 {add = true} : memref<43008xf32, #tpu.memory_space<vmem>>[vector<16xi32>], vector<16xf32>,
        %add3A_553 = arith.constant 5712 : i32
        %add3A_554 = vector.broadcast %add3A_553 : i32 to vector<16xi32>
        %add3A_555 = arith.addi %add3A_162, %add3A_554 : vector<16xi32>
        %mul3A_556 = arith.mulf %select_n3A_243, %add3A_548 : vector<16xf32>
        tpu.vector_store_idx %arg18[%add3A_555], %mul3A_556 {add = true} : memref<43008xf32, #tpu.memory_space<vmem>>[vector<16xi32>], vector<16xf32>,
        %add3A_557 = arith.constant 11088 : i32
        %add3A_558 = vector.broadcast %add3A_557 : i32 to vector<16xi32>
        %add3A_559 = arith.addi %add3A_162, %add3A_558 : vector<16xi32>
        %mul3A_560 = arith.mulf %select_n3A_284, %add3A_548 : vector<16xf32>
        tpu.vector_store_idx %arg18[%add3A_559], %mul3A_560 {add = true} : memref<43008xf32, #tpu.memory_space<vmem>>[vector<16xi32>], vector<16xf32>,
        %add3A_561 = arith.constant 16464 : i32
        %add3A_562 = vector.broadcast %add3A_561 : i32 to vector<16xi32>
        %add3A_563 = arith.addi %add3A_162, %add3A_562 : vector<16xi32>
        %mul3A_564 = arith.mulf %select_n3A_325, %add3A_548 : vector<16xf32>
        tpu.vector_store_idx %arg18[%add3A_563], %mul3A_564 {add = true} : memref<43008xf32, #tpu.memory_space<vmem>>[vector<16xi32>], vector<16xf32>,
        %add3A_565 = arith.constant 21840 : i32
        %add3A_566 = vector.broadcast %add3A_565 : i32 to vector<16xi32>
        %add3A_567 = arith.addi %add3A_162, %add3A_566 : vector<16xi32>
        %mul3A_568 = arith.mulf %select_n3A_366, %add3A_548 : vector<16xf32>
        tpu.vector_store_idx %arg18[%add3A_567], %mul3A_568 {add = true} : memref<43008xf32, #tpu.memory_space<vmem>>[vector<16xi32>], vector<16xf32>,
        %add3A_569 = arith.constant 27216 : i32
        %add3A_570 = vector.broadcast %add3A_569 : i32 to vector<16xi32>
        %add3A_571 = arith.addi %add3A_162, %add3A_570 : vector<16xi32>
        %mul3A_572 = arith.mulf %select_n3A_407, %add3A_548 : vector<16xf32>
        tpu.vector_store_idx %arg18[%add3A_571], %mul3A_572 {add = true} : memref<43008xf32, #tpu.memory_space<vmem>>[vector<16xi32>], vector<16xf32>,
        %add3A_573 = arith.constant 32592 : i32
        %add3A_574 = vector.broadcast %add3A_573 : i32 to vector<16xi32>
        %add3A_575 = arith.addi %add3A_162, %add3A_574 : vector<16xi32>
        %mul3A_576 = arith.mulf %select_n3A_448, %add3A_548 : vector<16xf32>
        tpu.vector_store_idx %arg18[%add3A_575], %mul3A_576 {add = true} : memref<43008xf32, #tpu.memory_space<vmem>>[vector<16xi32>], vector<16xf32>,
        %add3A_577 = arith.constant 37968 : i32
        %add3A_578 = vector.broadcast %add3A_577 : i32 to vector<16xi32>
        %add3A_579 = arith.addi %add3A_162, %add3A_578 : vector<16xi32>
        %mul3A_580 = arith.mulf %select_n3A_489, %add3A_548 : vector<16xf32>
        tpu.vector_store_idx %arg18[%add3A_579], %mul3A_580 {add = true} : memref<43008xf32, #tpu.memory_space<vmem>>[vector<16xi32>], vector<16xf32>,
        %broadcast_in_dim3A_581 = arith.constant 18 : i32
        %broadcast_in_dim3A_582 = vector.broadcast %broadcast_in_dim3A_581 : i32 to vector<16xi32>
        %gather3A_583 = tpu.vector_load_idx %arg24[%add3A_141, %broadcast_in_dim3A_582] : memref<512x32xf32, #tpu.memory_space<vmem>>[vector<16xi32>, vector<16xi32>], vector<16xf32>,
        %slice3A_584 = vector.extract_strided_slice %get3A_38 {offsets = [2], sizes = [1], strides = [1]} : vector<16xf32> to vector<1xf32>
        %squeeze3A_585 = vector.extract %slice3A_584[0] : f32 from vector<1xf32>
        %slice3A_586 = vector.extract_strided_slice %get3A_40 {offsets = [2], sizes = [1], strides = [1]} : vector<16xf32> to vector<1xf32>
        %squeeze3A_587 = vector.extract %slice3A_586[0] : f32 from vector<1xf32>
        %broadcast_in_dim3A_588 = vector.broadcast %squeeze3A_585 : f32 to vector<16xf32>
        %broadcast_in_dim3A_589 = vector.broadcast %squeeze3A_587 : f32 to vector<16xf32>
        %select_n3A_590 = arith.select %ge3A_165, %broadcast_in_dim3A_588, %broadcast_in_dim3A_589 : vector<16xi1>, vector<16xf32>
        %mul3A_591 = arith.mulf %get3A_153, %select_n3A_590 : vector<16xf32>
        %add3A_592 = arith.addf %gather3A_583, %mul3A_591 : vector<16xf32>
        %add3A_593 = arith.constant 672 : i32
        %add3A_594 = vector.broadcast %add3A_593 : i32 to vector<16xi32>
        %add3A_595 = arith.addi %add3A_162, %add3A_594 : vector<16xi32>
        %mul3A_596 = arith.mulf %select_n3A_202, %add3A_592 : vector<16xf32>
        tpu.vector_store_idx %arg18[%add3A_595], %mul3A_596 {add = true} : memref<43008xf32, #tpu.memory_space<vmem>>[vector<16xi32>], vector<16xf32>,
        %add3A_597 = arith.constant 6048 : i32
        %add3A_598 = vector.broadcast %add3A_597 : i32 to vector<16xi32>
        %add3A_599 = arith.addi %add3A_162, %add3A_598 : vector<16xi32>
        %mul3A_600 = arith.mulf %select_n3A_243, %add3A_592 : vector<16xf32>
        tpu.vector_store_idx %arg18[%add3A_599], %mul3A_600 {add = true} : memref<43008xf32, #tpu.memory_space<vmem>>[vector<16xi32>], vector<16xf32>,
        %add3A_601 = arith.constant 11424 : i32
        %add3A_602 = vector.broadcast %add3A_601 : i32 to vector<16xi32>
        %add3A_603 = arith.addi %add3A_162, %add3A_602 : vector<16xi32>
        %mul3A_604 = arith.mulf %select_n3A_284, %add3A_592 : vector<16xf32>
        tpu.vector_store_idx %arg18[%add3A_603], %mul3A_604 {add = true} : memref<43008xf32, #tpu.memory_space<vmem>>[vector<16xi32>], vector<16xf32>,
        %add3A_605 = arith.constant 16800 : i32
        %add3A_606 = vector.broadcast %add3A_605 : i32 to vector<16xi32>
        %add3A_607 = arith.addi %add3A_162, %add3A_606 : vector<16xi32>
        %mul3A_608 = arith.mulf %select_n3A_325, %add3A_592 : vector<16xf32>
        tpu.vector_store_idx %arg18[%add3A_607], %mul3A_608 {add = true} : memref<43008xf32, #tpu.memory_space<vmem>>[vector<16xi32>], vector<16xf32>,
        %add3A_609 = arith.constant 22176 : i32
        %add3A_610 = vector.broadcast %add3A_609 : i32 to vector<16xi32>
        %add3A_611 = arith.addi %add3A_162, %add3A_610 : vector<16xi32>
        %mul3A_612 = arith.mulf %select_n3A_366, %add3A_592 : vector<16xf32>
        tpu.vector_store_idx %arg18[%add3A_611], %mul3A_612 {add = true} : memref<43008xf32, #tpu.memory_space<vmem>>[vector<16xi32>], vector<16xf32>,
        %add3A_613 = arith.constant 27552 : i32
        %add3A_614 = vector.broadcast %add3A_613 : i32 to vector<16xi32>
        %add3A_615 = arith.addi %add3A_162, %add3A_614 : vector<16xi32>
        %mul3A_616 = arith.mulf %select_n3A_407, %add3A_592 : vector<16xf32>
        tpu.vector_store_idx %arg18[%add3A_615], %mul3A_616 {add = true} : memref<43008xf32, #tpu.memory_space<vmem>>[vector<16xi32>], vector<16xf32>,
        %add3A_617 = arith.constant 32928 : i32
        %add3A_618 = vector.broadcast %add3A_617 : i32 to vector<16xi32>
        %add3A_619 = arith.addi %add3A_162, %add3A_618 : vector<16xi32>
        %mul3A_620 = arith.mulf %select_n3A_448, %add3A_592 : vector<16xf32>
        tpu.vector_store_idx %arg18[%add3A_619], %mul3A_620 {add = true} : memref<43008xf32, #tpu.memory_space<vmem>>[vector<16xi32>], vector<16xf32>,
        %add3A_621 = arith.constant 38304 : i32
        %add3A_622 = vector.broadcast %add3A_621 : i32 to vector<16xi32>
        %add3A_623 = arith.addi %add3A_162, %add3A_622 : vector<16xi32>
        %mul3A_624 = arith.mulf %select_n3A_489, %add3A_592 : vector<16xf32>
        tpu.vector_store_idx %arg18[%add3A_623], %mul3A_624 {add = true} : memref<43008xf32, #tpu.memory_space<vmem>>[vector<16xi32>], vector<16xf32>,
        %broadcast_in_dim3A_625 = arith.constant 19 : i32
        %broadcast_in_dim3A_626 = vector.broadcast %broadcast_in_dim3A_625 : i32 to vector<16xi32>
        %gather3A_627 = tpu.vector_load_idx %arg24[%add3A_141, %broadcast_in_dim3A_626] : memref<512x32xf32, #tpu.memory_space<vmem>>[vector<16xi32>, vector<16xi32>], vector<16xf32>,
        %slice3A_628 = vector.extract_strided_slice %get3A_38 {offsets = [3], sizes = [1], strides = [1]} : vector<16xf32> to vector<1xf32>
        %squeeze3A_629 = vector.extract %slice3A_628[0] : f32 from vector<1xf32>
        %slice3A_630 = vector.extract_strided_slice %get3A_40 {offsets = [3], sizes = [1], strides = [1]} : vector<16xf32> to vector<1xf32>
        %squeeze3A_631 = vector.extract %slice3A_630[0] : f32 from vector<1xf32>
        %broadcast_in_dim3A_632 = vector.broadcast %squeeze3A_629 : f32 to vector<16xf32>
        %broadcast_in_dim3A_633 = vector.broadcast %squeeze3A_631 : f32 to vector<16xf32>
        %select_n3A_634 = arith.select %ge3A_165, %broadcast_in_dim3A_632, %broadcast_in_dim3A_633 : vector<16xi1>, vector<16xf32>
        %mul3A_635 = arith.mulf %get3A_153, %select_n3A_634 : vector<16xf32>
        %add3A_636 = arith.addf %gather3A_627, %mul3A_635 : vector<16xf32>
        %add3A_637 = arith.constant 1008 : i32
        %add3A_638 = vector.broadcast %add3A_637 : i32 to vector<16xi32>
        %add3A_639 = arith.addi %add3A_162, %add3A_638 : vector<16xi32>
        %mul3A_640 = arith.mulf %select_n3A_202, %add3A_636 : vector<16xf32>
        tpu.vector_store_idx %arg18[%add3A_639], %mul3A_640 {add = true} : memref<43008xf32, #tpu.memory_space<vmem>>[vector<16xi32>], vector<16xf32>,
        %add3A_641 = arith.constant 6384 : i32
        %add3A_642 = vector.broadcast %add3A_641 : i32 to vector<16xi32>
        %add3A_643 = arith.addi %add3A_162, %add3A_642 : vector<16xi32>
        %mul3A_644 = arith.mulf %select_n3A_243, %add3A_636 : vector<16xf32>
        tpu.vector_store_idx %arg18[%add3A_643], %mul3A_644 {add = true} : memref<43008xf32, #tpu.memory_space<vmem>>[vector<16xi32>], vector<16xf32>,
        %add3A_645 = arith.constant 11760 : i32
        %add3A_646 = vector.broadcast %add3A_645 : i32 to vector<16xi32>
        %add3A_647 = arith.addi %add3A_162, %add3A_646 : vector<16xi32>
        %mul3A_648 = arith.mulf %select_n3A_284, %add3A_636 : vector<16xf32>
        tpu.vector_store_idx %arg18[%add3A_647], %mul3A_648 {add = true} : memref<43008xf32, #tpu.memory_space<vmem>>[vector<16xi32>], vector<16xf32>,
        %add3A_649 = arith.constant 17136 : i32
        %add3A_650 = vector.broadcast %add3A_649 : i32 to vector<16xi32>
        %add3A_651 = arith.addi %add3A_162, %add3A_650 : vector<16xi32>
        %mul3A_652 = arith.mulf %select_n3A_325, %add3A_636 : vector<16xf32>
        tpu.vector_store_idx %arg18[%add3A_651], %mul3A_652 {add = true} : memref<43008xf32, #tpu.memory_space<vmem>>[vector<16xi32>], vector<16xf32>,
        %add3A_653 = arith.constant 22512 : i32
        %add3A_654 = vector.broadcast %add3A_653 : i32 to vector<16xi32>
        %add3A_655 = arith.addi %add3A_162, %add3A_654 : vector<16xi32>
        %mul3A_656 = arith.mulf %select_n3A_366, %add3A_636 : vector<16xf32>
        tpu.vector_store_idx %arg18[%add3A_655], %mul3A_656 {add = true} : memref<43008xf32, #tpu.memory_space<vmem>>[vector<16xi32>], vector<16xf32>,
        %add3A_657 = arith.constant 27888 : i32
        %add3A_658 = vector.broadcast %add3A_657 : i32 to vector<16xi32>
        %add3A_659 = arith.addi %add3A_162, %add3A_658 : vector<16xi32>
        %mul3A_660 = arith.mulf %select_n3A_407, %add3A_636 : vector<16xf32>
        tpu.vector_store_idx %arg18[%add3A_659], %mul3A_660 {add = true} : memref<43008xf32, #tpu.memory_space<vmem>>[vector<16xi32>], vector<16xf32>,
        %add3A_661 = arith.constant 33264 : i32
        %add3A_662 = vector.broadcast %add3A_661 : i32 to vector<16xi32>
        %add3A_663 = arith.addi %add3A_162, %add3A_662 : vector<16xi32>
        %mul3A_664 = arith.mulf %select_n3A_448, %add3A_636 : vector<16xf32>
        tpu.vector_store_idx %arg18[%add3A_663], %mul3A_664 {add = true} : memref<43008xf32, #tpu.memory_space<vmem>>[vector<16xi32>], vector<16xf32>,
        %add3A_665 = arith.constant 38640 : i32
        %add3A_666 = vector.broadcast %add3A_665 : i32 to vector<16xi32>
        %add3A_667 = arith.addi %add3A_162, %add3A_666 : vector<16xi32>
        %mul3A_668 = arith.mulf %select_n3A_489, %add3A_636 : vector<16xf32>
        tpu.vector_store_idx %arg18[%add3A_667], %mul3A_668 {add = true} : memref<43008xf32, #tpu.memory_space<vmem>>[vector<16xi32>], vector<16xf32>,
        %broadcast_in_dim3A_669 = arith.constant 20 : i32
        %broadcast_in_dim3A_670 = vector.broadcast %broadcast_in_dim3A_669 : i32 to vector<16xi32>
        %gather3A_671 = tpu.vector_load_idx %arg24[%add3A_141, %broadcast_in_dim3A_670] : memref<512x32xf32, #tpu.memory_space<vmem>>[vector<16xi32>, vector<16xi32>], vector<16xf32>,
        %slice3A_672 = vector.extract_strided_slice %get3A_38 {offsets = [4], sizes = [1], strides = [1]} : vector<16xf32> to vector<1xf32>
        %squeeze3A_673 = vector.extract %slice3A_672[0] : f32 from vector<1xf32>
        %slice3A_674 = vector.extract_strided_slice %get3A_40 {offsets = [4], sizes = [1], strides = [1]} : vector<16xf32> to vector<1xf32>
        %squeeze3A_675 = vector.extract %slice3A_674[0] : f32 from vector<1xf32>
        %broadcast_in_dim3A_676 = vector.broadcast %squeeze3A_673 : f32 to vector<16xf32>
        %broadcast_in_dim3A_677 = vector.broadcast %squeeze3A_675 : f32 to vector<16xf32>
        %select_n3A_678 = arith.select %ge3A_165, %broadcast_in_dim3A_676, %broadcast_in_dim3A_677 : vector<16xi1>, vector<16xf32>
        %mul3A_679 = arith.mulf %get3A_153, %select_n3A_678 : vector<16xf32>
        %add3A_680 = arith.addf %gather3A_671, %mul3A_679 : vector<16xf32>
        %add3A_681 = arith.constant 1344 : i32
        %add3A_682 = vector.broadcast %add3A_681 : i32 to vector<16xi32>
        %add3A_683 = arith.addi %add3A_162, %add3A_682 : vector<16xi32>
        %mul3A_684 = arith.mulf %select_n3A_202, %add3A_680 : vector<16xf32>
        tpu.vector_store_idx %arg18[%add3A_683], %mul3A_684 {add = true} : memref<43008xf32, #tpu.memory_space<vmem>>[vector<16xi32>], vector<16xf32>,
        %add3A_685 = arith.constant 6720 : i32
        %add3A_686 = vector.broadcast %add3A_685 : i32 to vector<16xi32>
        %add3A_687 = arith.addi %add3A_162, %add3A_686 : vector<16xi32>
        %mul3A_688 = arith.mulf %select_n3A_243, %add3A_680 : vector<16xf32>
        tpu.vector_store_idx %arg18[%add3A_687], %mul3A_688 {add = true} : memref<43008xf32, #tpu.memory_space<vmem>>[vector<16xi32>], vector<16xf32>,
        %add3A_689 = arith.constant 12096 : i32
        %add3A_690 = vector.broadcast %add3A_689 : i32 to vector<16xi32>
        %add3A_691 = arith.addi %add3A_162, %add3A_690 : vector<16xi32>
        %mul3A_692 = arith.mulf %select_n3A_284, %add3A_680 : vector<16xf32>
        tpu.vector_store_idx %arg18[%add3A_691], %mul3A_692 {add = true} : memref<43008xf32, #tpu.memory_space<vmem>>[vector<16xi32>], vector<16xf32>,
        %add3A_693 = arith.constant 17472 : i32
        %add3A_694 = vector.broadcast %add3A_693 : i32 to vector<16xi32>
        %add3A_695 = arith.addi %add3A_162, %add3A_694 : vector<16xi32>
        %mul3A_696 = arith.mulf %select_n3A_325, %add3A_680 : vector<16xf32>
        tpu.vector_store_idx %arg18[%add3A_695], %mul3A_696 {add = true} : memref<43008xf32, #tpu.memory_space<vmem>>[vector<16xi32>], vector<16xf32>,
        %add3A_697 = arith.constant 22848 : i32
        %add3A_698 = vector.broadcast %add3A_697 : i32 to vector<16xi32>
        %add3A_699 = arith.addi %add3A_162, %add3A_698 : vector<16xi32>
        %mul3A_700 = arith.mulf %select_n3A_366, %add3A_680 : vector<16xf32>
        tpu.vector_store_idx %arg18[%add3A_699], %mul3A_700 {add = true} : memref<43008xf32, #tpu.memory_space<vmem>>[vector<16xi32>], vector<16xf32>,
        %add3A_701 = arith.constant 28224 : i32
        %add3A_702 = vector.broadcast %add3A_701 : i32 to vector<16xi32>
        %add3A_703 = arith.addi %add3A_162, %add3A_702 : vector<16xi32>
        %mul3A_704 = arith.mulf %select_n3A_407, %add3A_680 : vector<16xf32>
        tpu.vector_store_idx %arg18[%add3A_703], %mul3A_704 {add = true} : memref<43008xf32, #tpu.memory_space<vmem>>[vector<16xi32>], vector<16xf32>,
        %add3A_705 = arith.constant 33600 : i32
        %add3A_706 = vector.broadcast %add3A_705 : i32 to vector<16xi32>
        %add3A_707 = arith.addi %add3A_162, %add3A_706 : vector<16xi32>
        %mul3A_708 = arith.mulf %select_n3A_448, %add3A_680 : vector<16xf32>
        tpu.vector_store_idx %arg18[%add3A_707], %mul3A_708 {add = true} : memref<43008xf32, #tpu.memory_space<vmem>>[vector<16xi32>], vector<16xf32>,
        %add3A_709 = arith.constant 38976 : i32
        %add3A_710 = vector.broadcast %add3A_709 : i32 to vector<16xi32>
        %add3A_711 = arith.addi %add3A_162, %add3A_710 : vector<16xi32>
        %mul3A_712 = arith.mulf %select_n3A_489, %add3A_680 : vector<16xf32>
        tpu.vector_store_idx %arg18[%add3A_711], %mul3A_712 {add = true} : memref<43008xf32, #tpu.memory_space<vmem>>[vector<16xi32>], vector<16xf32>,
        %broadcast_in_dim3A_713 = arith.constant 21 : i32
        %broadcast_in_dim3A_714 = vector.broadcast %broadcast_in_dim3A_713 : i32 to vector<16xi32>
        %gather3A_715 = tpu.vector_load_idx %arg24[%add3A_141, %broadcast_in_dim3A_714] : memref<512x32xf32, #tpu.memory_space<vmem>>[vector<16xi32>, vector<16xi32>], vector<16xf32>,
        %slice3A_716 = vector.extract_strided_slice %get3A_38 {offsets = [5], sizes = [1], strides = [1]} : vector<16xf32> to vector<1xf32>
        %squeeze3A_717 = vector.extract %slice3A_716[0] : f32 from vector<1xf32>
        %slice3A_718 = vector.extract_strided_slice %get3A_40 {offsets = [5], sizes = [1], strides = [1]} : vector<16xf32> to vector<1xf32>
        %squeeze3A_719 = vector.extract %slice3A_718[0] : f32 from vector<1xf32>
        %broadcast_in_dim3A_720 = vector.broadcast %squeeze3A_717 : f32 to vector<16xf32>
        %broadcast_in_dim3A_721 = vector.broadcast %squeeze3A_719 : f32 to vector<16xf32>
        %select_n3A_722 = arith.select %ge3A_165, %broadcast_in_dim3A_720, %broadcast_in_dim3A_721 : vector<16xi1>, vector<16xf32>
        %mul3A_723 = arith.mulf %get3A_153, %select_n3A_722 : vector<16xf32>
        %add3A_724 = arith.addf %gather3A_715, %mul3A_723 : vector<16xf32>
        %add3A_725 = arith.constant 1680 : i32
        %add3A_726 = vector.broadcast %add3A_725 : i32 to vector<16xi32>
        %add3A_727 = arith.addi %add3A_162, %add3A_726 : vector<16xi32>
        %mul3A_728 = arith.mulf %select_n3A_202, %add3A_724 : vector<16xf32>
        tpu.vector_store_idx %arg18[%add3A_727], %mul3A_728 {add = true} : memref<43008xf32, #tpu.memory_space<vmem>>[vector<16xi32>], vector<16xf32>,
        %add3A_729 = arith.constant 7056 : i32
        %add3A_730 = vector.broadcast %add3A_729 : i32 to vector<16xi32>
        %add3A_731 = arith.addi %add3A_162, %add3A_730 : vector<16xi32>
        %mul3A_732 = arith.mulf %select_n3A_243, %add3A_724 : vector<16xf32>
        tpu.vector_store_idx %arg18[%add3A_731], %mul3A_732 {add = true} : memref<43008xf32, #tpu.memory_space<vmem>>[vector<16xi32>], vector<16xf32>,
        %add3A_733 = arith.constant 12432 : i32
        %add3A_734 = vector.broadcast %add3A_733 : i32 to vector<16xi32>
        %add3A_735 = arith.addi %add3A_162, %add3A_734 : vector<16xi32>
        %mul3A_736 = arith.mulf %select_n3A_284, %add3A_724 : vector<16xf32>
        tpu.vector_store_idx %arg18[%add3A_735], %mul3A_736 {add = true} : memref<43008xf32, #tpu.memory_space<vmem>>[vector<16xi32>], vector<16xf32>,
        %add3A_737 = arith.constant 17808 : i32
        %add3A_738 = vector.broadcast %add3A_737 : i32 to vector<16xi32>
        %add3A_739 = arith.addi %add3A_162, %add3A_738 : vector<16xi32>
        %mul3A_740 = arith.mulf %select_n3A_325, %add3A_724 : vector<16xf32>
        tpu.vector_store_idx %arg18[%add3A_739], %mul3A_740 {add = true} : memref<43008xf32, #tpu.memory_space<vmem>>[vector<16xi32>], vector<16xf32>,
        %add3A_741 = arith.constant 23184 : i32
        %add3A_742 = vector.broadcast %add3A_741 : i32 to vector<16xi32>
        %add3A_743 = arith.addi %add3A_162, %add3A_742 : vector<16xi32>
        %mul3A_744 = arith.mulf %select_n3A_366, %add3A_724 : vector<16xf32>
        tpu.vector_store_idx %arg18[%add3A_743], %mul3A_744 {add = true} : memref<43008xf32, #tpu.memory_space<vmem>>[vector<16xi32>], vector<16xf32>,
        %add3A_745 = arith.constant 28560 : i32
        %add3A_746 = vector.broadcast %add3A_745 : i32 to vector<16xi32>
        %add3A_747 = arith.addi %add3A_162, %add3A_746 : vector<16xi32>
        %mul3A_748 = arith.mulf %select_n3A_407, %add3A_724 : vector<16xf32>
        tpu.vector_store_idx %arg18[%add3A_747], %mul3A_748 {add = true} : memref<43008xf32, #tpu.memory_space<vmem>>[vector<16xi32>], vector<16xf32>,
        %add3A_749 = arith.constant 33936 : i32
        %add3A_750 = vector.broadcast %add3A_749 : i32 to vector<16xi32>
        %add3A_751 = arith.addi %add3A_162, %add3A_750 : vector<16xi32>
        %mul3A_752 = arith.mulf %select_n3A_448, %add3A_724 : vector<16xf32>
        tpu.vector_store_idx %arg18[%add3A_751], %mul3A_752 {add = true} : memref<43008xf32, #tpu.memory_space<vmem>>[vector<16xi32>], vector<16xf32>,
        %add3A_753 = arith.constant 39312 : i32
        %add3A_754 = vector.broadcast %add3A_753 : i32 to vector<16xi32>
        %add3A_755 = arith.addi %add3A_162, %add3A_754 : vector<16xi32>
        %mul3A_756 = arith.mulf %select_n3A_489, %add3A_724 : vector<16xf32>
        tpu.vector_store_idx %arg18[%add3A_755], %mul3A_756 {add = true} : memref<43008xf32, #tpu.memory_space<vmem>>[vector<16xi32>], vector<16xf32>,
        %broadcast_in_dim3A_757 = arith.constant 22 : i32
        %broadcast_in_dim3A_758 = vector.broadcast %broadcast_in_dim3A_757 : i32 to vector<16xi32>
        %gather3A_759 = tpu.vector_load_idx %arg24[%add3A_141, %broadcast_in_dim3A_758] : memref<512x32xf32, #tpu.memory_space<vmem>>[vector<16xi32>, vector<16xi32>], vector<16xf32>,
        %slice3A_760 = vector.extract_strided_slice %get3A_38 {offsets = [6], sizes = [1], strides = [1]} : vector<16xf32> to vector<1xf32>
        %squeeze3A_761 = vector.extract %slice3A_760[0] : f32 from vector<1xf32>
        %slice3A_762 = vector.extract_strided_slice %get3A_40 {offsets = [6], sizes = [1], strides = [1]} : vector<16xf32> to vector<1xf32>
        %squeeze3A_763 = vector.extract %slice3A_762[0] : f32 from vector<1xf32>
        %broadcast_in_dim3A_764 = vector.broadcast %squeeze3A_761 : f32 to vector<16xf32>
        %broadcast_in_dim3A_765 = vector.broadcast %squeeze3A_763 : f32 to vector<16xf32>
        %select_n3A_766 = arith.select %ge3A_165, %broadcast_in_dim3A_764, %broadcast_in_dim3A_765 : vector<16xi1>, vector<16xf32>
        %mul3A_767 = arith.mulf %get3A_153, %select_n3A_766 : vector<16xf32>
        %add3A_768 = arith.addf %gather3A_759, %mul3A_767 : vector<16xf32>
        %add3A_769 = arith.constant 2016 : i32
        %add3A_770 = vector.broadcast %add3A_769 : i32 to vector<16xi32>
        %add3A_771 = arith.addi %add3A_162, %add3A_770 : vector<16xi32>
        %mul3A_772 = arith.mulf %select_n3A_202, %add3A_768 : vector<16xf32>
        tpu.vector_store_idx %arg18[%add3A_771], %mul3A_772 {add = true} : memref<43008xf32, #tpu.memory_space<vmem>>[vector<16xi32>], vector<16xf32>,
        %add3A_773 = arith.constant 7392 : i32
        %add3A_774 = vector.broadcast %add3A_773 : i32 to vector<16xi32>
        %add3A_775 = arith.addi %add3A_162, %add3A_774 : vector<16xi32>
        %mul3A_776 = arith.mulf %select_n3A_243, %add3A_768 : vector<16xf32>
        tpu.vector_store_idx %arg18[%add3A_775], %mul3A_776 {add = true} : memref<43008xf32, #tpu.memory_space<vmem>>[vector<16xi32>], vector<16xf32>,
        %add3A_777 = arith.constant 12768 : i32
        %add3A_778 = vector.broadcast %add3A_777 : i32 to vector<16xi32>
        %add3A_779 = arith.addi %add3A_162, %add3A_778 : vector<16xi32>
        %mul3A_780 = arith.mulf %select_n3A_284, %add3A_768 : vector<16xf32>
        tpu.vector_store_idx %arg18[%add3A_779], %mul3A_780 {add = true} : memref<43008xf32, #tpu.memory_space<vmem>>[vector<16xi32>], vector<16xf32>,
        %add3A_781 = arith.constant 18144 : i32
        %add3A_782 = vector.broadcast %add3A_781 : i32 to vector<16xi32>
        %add3A_783 = arith.addi %add3A_162, %add3A_782 : vector<16xi32>
        %mul3A_784 = arith.mulf %select_n3A_325, %add3A_768 : vector<16xf32>
        tpu.vector_store_idx %arg18[%add3A_783], %mul3A_784 {add = true} : memref<43008xf32, #tpu.memory_space<vmem>>[vector<16xi32>], vector<16xf32>,
        %add3A_785 = arith.constant 23520 : i32
        %add3A_786 = vector.broadcast %add3A_785 : i32 to vector<16xi32>
        %add3A_787 = arith.addi %add3A_162, %add3A_786 : vector<16xi32>
        %mul3A_788 = arith.mulf %select_n3A_366, %add3A_768 : vector<16xf32>
        tpu.vector_store_idx %arg18[%add3A_787], %mul3A_788 {add = true} : memref<43008xf32, #tpu.memory_space<vmem>>[vector<16xi32>], vector<16xf32>,
        %add3A_789 = arith.constant 28896 : i32
        %add3A_790 = vector.broadcast %add3A_789 : i32 to vector<16xi32>
        %add3A_791 = arith.addi %add3A_162, %add3A_790 : vector<16xi32>
        %mul3A_792 = arith.mulf %select_n3A_407, %add3A_768 : vector<16xf32>
        tpu.vector_store_idx %arg18[%add3A_791], %mul3A_792 {add = true} : memref<43008xf32, #tpu.memory_space<vmem>>[vector<16xi32>], vector<16xf32>,
        %add3A_793 = arith.constant 34272 : i32
        %add3A_794 = vector.broadcast %add3A_793 : i32 to vector<16xi32>
        %add3A_795 = arith.addi %add3A_162, %add3A_794 : vector<16xi32>
        %mul3A_796 = arith.mulf %select_n3A_448, %add3A_768 : vector<16xf32>
        tpu.vector_store_idx %arg18[%add3A_795], %mul3A_796 {add = true} : memref<43008xf32, #tpu.memory_space<vmem>>[vector<16xi32>], vector<16xf32>,
        %add3A_797 = arith.constant 39648 : i32
        %add3A_798 = vector.broadcast %add3A_797 : i32 to vector<16xi32>
        %add3A_799 = arith.addi %add3A_162, %add3A_798 : vector<16xi32>
        %mul3A_800 = arith.mulf %select_n3A_489, %add3A_768 : vector<16xf32>
        tpu.vector_store_idx %arg18[%add3A_799], %mul3A_800 {add = true} : memref<43008xf32, #tpu.memory_space<vmem>>[vector<16xi32>], vector<16xf32>,
        %broadcast_in_dim3A_801 = arith.constant 23 : i32
        %broadcast_in_dim3A_802 = vector.broadcast %broadcast_in_dim3A_801 : i32 to vector<16xi32>
        %gather3A_803 = tpu.vector_load_idx %arg24[%add3A_141, %broadcast_in_dim3A_802] : memref<512x32xf32, #tpu.memory_space<vmem>>[vector<16xi32>, vector<16xi32>], vector<16xf32>,
        %slice3A_804 = vector.extract_strided_slice %get3A_38 {offsets = [7], sizes = [1], strides = [1]} : vector<16xf32> to vector<1xf32>
        %squeeze3A_805 = vector.extract %slice3A_804[0] : f32 from vector<1xf32>
        %slice3A_806 = vector.extract_strided_slice %get3A_40 {offsets = [7], sizes = [1], strides = [1]} : vector<16xf32> to vector<1xf32>
        %squeeze3A_807 = vector.extract %slice3A_806[0] : f32 from vector<1xf32>
        %broadcast_in_dim3A_808 = vector.broadcast %squeeze3A_805 : f32 to vector<16xf32>
        %broadcast_in_dim3A_809 = vector.broadcast %squeeze3A_807 : f32 to vector<16xf32>
        %select_n3A_810 = arith.select %ge3A_165, %broadcast_in_dim3A_808, %broadcast_in_dim3A_809 : vector<16xi1>, vector<16xf32>
        %mul3A_811 = arith.mulf %get3A_153, %select_n3A_810 : vector<16xf32>
        %add3A_812 = arith.addf %gather3A_803, %mul3A_811 : vector<16xf32>
        %add3A_813 = arith.constant 2352 : i32
        %add3A_814 = vector.broadcast %add3A_813 : i32 to vector<16xi32>
        %add3A_815 = arith.addi %add3A_162, %add3A_814 : vector<16xi32>
        %mul3A_816 = arith.mulf %select_n3A_202, %add3A_812 : vector<16xf32>
        tpu.vector_store_idx %arg18[%add3A_815], %mul3A_816 {add = true} : memref<43008xf32, #tpu.memory_space<vmem>>[vector<16xi32>], vector<16xf32>,
        %add3A_817 = arith.constant 7728 : i32
        %add3A_818 = vector.broadcast %add3A_817 : i32 to vector<16xi32>
        %add3A_819 = arith.addi %add3A_162, %add3A_818 : vector<16xi32>
        %mul3A_820 = arith.mulf %select_n3A_243, %add3A_812 : vector<16xf32>
        tpu.vector_store_idx %arg18[%add3A_819], %mul3A_820 {add = true} : memref<43008xf32, #tpu.memory_space<vmem>>[vector<16xi32>], vector<16xf32>,
        %add3A_821 = arith.constant 13104 : i32
        %add3A_822 = vector.broadcast %add3A_821 : i32 to vector<16xi32>
        %add3A_823 = arith.addi %add3A_162, %add3A_822 : vector<16xi32>
        %mul3A_824 = arith.mulf %select_n3A_284, %add3A_812 : vector<16xf32>
        tpu.vector_store_idx %arg18[%add3A_823], %mul3A_824 {add = true} : memref<43008xf32, #tpu.memory_space<vmem>>[vector<16xi32>], vector<16xf32>,
        %add3A_825 = arith.constant 18480 : i32
        %add3A_826 = vector.broadcast %add3A_825 : i32 to vector<16xi32>
        %add3A_827 = arith.addi %add3A_162, %add3A_826 : vector<16xi32>
        %mul3A_828 = arith.mulf %select_n3A_325, %add3A_812 : vector<16xf32>
        tpu.vector_store_idx %arg18[%add3A_827], %mul3A_828 {add = true} : memref<43008xf32, #tpu.memory_space<vmem>>[vector<16xi32>], vector<16xf32>,
        %add3A_829 = arith.constant 23856 : i32
        %add3A_830 = vector.broadcast %add3A_829 : i32 to vector<16xi32>
        %add3A_831 = arith.addi %add3A_162, %add3A_830 : vector<16xi32>
        %mul3A_832 = arith.mulf %select_n3A_366, %add3A_812 : vector<16xf32>
        tpu.vector_store_idx %arg18[%add3A_831], %mul3A_832 {add = true} : memref<43008xf32, #tpu.memory_space<vmem>>[vector<16xi32>], vector<16xf32>,
        %add3A_833 = arith.constant 29232 : i32
        %add3A_834 = vector.broadcast %add3A_833 : i32 to vector<16xi32>
        %add3A_835 = arith.addi %add3A_162, %add3A_834 : vector<16xi32>
        %mul3A_836 = arith.mulf %select_n3A_407, %add3A_812 : vector<16xf32>
        tpu.vector_store_idx %arg18[%add3A_835], %mul3A_836 {add = true} : memref<43008xf32, #tpu.memory_space<vmem>>[vector<16xi32>], vector<16xf32>,
        %add3A_837 = arith.constant 34608 : i32
        %add3A_838 = vector.broadcast %add3A_837 : i32 to vector<16xi32>
        %add3A_839 = arith.addi %add3A_162, %add3A_838 : vector<16xi32>
        %mul3A_840 = arith.mulf %select_n3A_448, %add3A_812 : vector<16xf32>
        tpu.vector_store_idx %arg18[%add3A_839], %mul3A_840 {add = true} : memref<43008xf32, #tpu.memory_space<vmem>>[vector<16xi32>], vector<16xf32>,
        %add3A_841 = arith.constant 39984 : i32
        %add3A_842 = vector.broadcast %add3A_841 : i32 to vector<16xi32>
        %add3A_843 = arith.addi %add3A_162, %add3A_842 : vector<16xi32>
        %mul3A_844 = arith.mulf %select_n3A_489, %add3A_812 : vector<16xf32>
        tpu.vector_store_idx %arg18[%add3A_843], %mul3A_844 {add = true} : memref<43008xf32, #tpu.memory_space<vmem>>[vector<16xi32>], vector<16xf32>,
        %broadcast_in_dim3A_845 = arith.constant 24 : i32
        %broadcast_in_dim3A_846 = vector.broadcast %broadcast_in_dim3A_845 : i32 to vector<16xi32>
        %gather3A_847 = tpu.vector_load_idx %arg24[%add3A_141, %broadcast_in_dim3A_846] : memref<512x32xf32, #tpu.memory_space<vmem>>[vector<16xi32>, vector<16xi32>], vector<16xf32>,
        %slice3A_848 = vector.extract_strided_slice %get3A_38 {offsets = [8], sizes = [1], strides = [1]} : vector<16xf32> to vector<1xf32>
        %squeeze3A_849 = vector.extract %slice3A_848[0] : f32 from vector<1xf32>
        %slice3A_850 = vector.extract_strided_slice %get3A_40 {offsets = [8], sizes = [1], strides = [1]} : vector<16xf32> to vector<1xf32>
        %squeeze3A_851 = vector.extract %slice3A_850[0] : f32 from vector<1xf32>
        %broadcast_in_dim3A_852 = vector.broadcast %squeeze3A_849 : f32 to vector<16xf32>
        %broadcast_in_dim3A_853 = vector.broadcast %squeeze3A_851 : f32 to vector<16xf32>
        %select_n3A_854 = arith.select %ge3A_165, %broadcast_in_dim3A_852, %broadcast_in_dim3A_853 : vector<16xi1>, vector<16xf32>
        %mul3A_855 = arith.mulf %get3A_153, %select_n3A_854 : vector<16xf32>
        %add3A_856 = arith.addf %gather3A_847, %mul3A_855 : vector<16xf32>
        %add3A_857 = arith.constant 2688 : i32
        %add3A_858 = vector.broadcast %add3A_857 : i32 to vector<16xi32>
        %add3A_859 = arith.addi %add3A_162, %add3A_858 : vector<16xi32>
        %mul3A_860 = arith.mulf %select_n3A_202, %add3A_856 : vector<16xf32>
        tpu.vector_store_idx %arg18[%add3A_859], %mul3A_860 {add = true} : memref<43008xf32, #tpu.memory_space<vmem>>[vector<16xi32>], vector<16xf32>,
        %add3A_861 = arith.constant 8064 : i32
        %add3A_862 = vector.broadcast %add3A_861 : i32 to vector<16xi32>
        %add3A_863 = arith.addi %add3A_162, %add3A_862 : vector<16xi32>
        %mul3A_864 = arith.mulf %select_n3A_243, %add3A_856 : vector<16xf32>
        tpu.vector_store_idx %arg18[%add3A_863], %mul3A_864 {add = true} : memref<43008xf32, #tpu.memory_space<vmem>>[vector<16xi32>], vector<16xf32>,
        %add3A_865 = arith.constant 13440 : i32
        %add3A_866 = vector.broadcast %add3A_865 : i32 to vector<16xi32>
        %add3A_867 = arith.addi %add3A_162, %add3A_866 : vector<16xi32>
        %mul3A_868 = arith.mulf %select_n3A_284, %add3A_856 : vector<16xf32>
        tpu.vector_store_idx %arg18[%add3A_867], %mul3A_868 {add = true} : memref<43008xf32, #tpu.memory_space<vmem>>[vector<16xi32>], vector<16xf32>,
        %add3A_869 = arith.constant 18816 : i32
        %add3A_870 = vector.broadcast %add3A_869 : i32 to vector<16xi32>
        %add3A_871 = arith.addi %add3A_162, %add3A_870 : vector<16xi32>
        %mul3A_872 = arith.mulf %select_n3A_325, %add3A_856 : vector<16xf32>
        tpu.vector_store_idx %arg18[%add3A_871], %mul3A_872 {add = true} : memref<43008xf32, #tpu.memory_space<vmem>>[vector<16xi32>], vector<16xf32>,
        %add3A_873 = arith.constant 24192 : i32
        %add3A_874 = vector.broadcast %add3A_873 : i32 to vector<16xi32>
        %add3A_875 = arith.addi %add3A_162, %add3A_874 : vector<16xi32>
        %mul3A_876 = arith.mulf %select_n3A_366, %add3A_856 : vector<16xf32>
        tpu.vector_store_idx %arg18[%add3A_875], %mul3A_876 {add = true} : memref<43008xf32, #tpu.memory_space<vmem>>[vector<16xi32>], vector<16xf32>,
        %add3A_877 = arith.constant 29568 : i32
        %add3A_878 = vector.broadcast %add3A_877 : i32 to vector<16xi32>
        %add3A_879 = arith.addi %add3A_162, %add3A_878 : vector<16xi32>
        %mul3A_880 = arith.mulf %select_n3A_407, %add3A_856 : vector<16xf32>
        tpu.vector_store_idx %arg18[%add3A_879], %mul3A_880 {add = true} : memref<43008xf32, #tpu.memory_space<vmem>>[vector<16xi32>], vector<16xf32>,
        %add3A_881 = arith.constant 34944 : i32
        %add3A_882 = vector.broadcast %add3A_881 : i32 to vector<16xi32>
        %add3A_883 = arith.addi %add3A_162, %add3A_882 : vector<16xi32>
        %mul3A_884 = arith.mulf %select_n3A_448, %add3A_856 : vector<16xf32>
        tpu.vector_store_idx %arg18[%add3A_883], %mul3A_884 {add = true} : memref<43008xf32, #tpu.memory_space<vmem>>[vector<16xi32>], vector<16xf32>,
        %add3A_885 = arith.constant 40320 : i32
        %add3A_886 = vector.broadcast %add3A_885 : i32 to vector<16xi32>
        %add3A_887 = arith.addi %add3A_162, %add3A_886 : vector<16xi32>
        %mul3A_888 = arith.mulf %select_n3A_489, %add3A_856 : vector<16xf32>
        tpu.vector_store_idx %arg18[%add3A_887], %mul3A_888 {add = true} : memref<43008xf32, #tpu.memory_space<vmem>>[vector<16xi32>], vector<16xf32>,
        %broadcast_in_dim3A_889 = arith.constant 25 : i32
        %broadcast_in_dim3A_890 = vector.broadcast %broadcast_in_dim3A_889 : i32 to vector<16xi32>
        %gather3A_891 = tpu.vector_load_idx %arg24[%add3A_141, %broadcast_in_dim3A_890] : memref<512x32xf32, #tpu.memory_space<vmem>>[vector<16xi32>, vector<16xi32>], vector<16xf32>,
        %slice3A_892 = vector.extract_strided_slice %get3A_38 {offsets = [9], sizes = [1], strides = [1]} : vector<16xf32> to vector<1xf32>
        %squeeze3A_893 = vector.extract %slice3A_892[0] : f32 from vector<1xf32>
        %slice3A_894 = vector.extract_strided_slice %get3A_40 {offsets = [9], sizes = [1], strides = [1]} : vector<16xf32> to vector<1xf32>
        %squeeze3A_895 = vector.extract %slice3A_894[0] : f32 from vector<1xf32>
        %broadcast_in_dim3A_896 = vector.broadcast %squeeze3A_893 : f32 to vector<16xf32>
        %broadcast_in_dim3A_897 = vector.broadcast %squeeze3A_895 : f32 to vector<16xf32>
        %select_n3A_898 = arith.select %ge3A_165, %broadcast_in_dim3A_896, %broadcast_in_dim3A_897 : vector<16xi1>, vector<16xf32>
        %mul3A_899 = arith.mulf %get3A_153, %select_n3A_898 : vector<16xf32>
        %add3A_900 = arith.addf %gather3A_891, %mul3A_899 : vector<16xf32>
        %add3A_901 = arith.constant 3024 : i32
        %add3A_902 = vector.broadcast %add3A_901 : i32 to vector<16xi32>
        %add3A_903 = arith.addi %add3A_162, %add3A_902 : vector<16xi32>
        %mul3A_904 = arith.mulf %select_n3A_202, %add3A_900 : vector<16xf32>
        tpu.vector_store_idx %arg18[%add3A_903], %mul3A_904 {add = true} : memref<43008xf32, #tpu.memory_space<vmem>>[vector<16xi32>], vector<16xf32>,
        %add3A_905 = arith.constant 8400 : i32
        %add3A_906 = vector.broadcast %add3A_905 : i32 to vector<16xi32>
        %add3A_907 = arith.addi %add3A_162, %add3A_906 : vector<16xi32>
        %mul3A_908 = arith.mulf %select_n3A_243, %add3A_900 : vector<16xf32>
        tpu.vector_store_idx %arg18[%add3A_907], %mul3A_908 {add = true} : memref<43008xf32, #tpu.memory_space<vmem>>[vector<16xi32>], vector<16xf32>,
        %add3A_909 = arith.constant 13776 : i32
        %add3A_910 = vector.broadcast %add3A_909 : i32 to vector<16xi32>
        %add3A_911 = arith.addi %add3A_162, %add3A_910 : vector<16xi32>
        %mul3A_912 = arith.mulf %select_n3A_284, %add3A_900 : vector<16xf32>
        tpu.vector_store_idx %arg18[%add3A_911], %mul3A_912 {add = true} : memref<43008xf32, #tpu.memory_space<vmem>>[vector<16xi32>], vector<16xf32>,
        %add3A_913 = arith.constant 19152 : i32
        %add3A_914 = vector.broadcast %add3A_913 : i32 to vector<16xi32>
        %add3A_915 = arith.addi %add3A_162, %add3A_914 : vector<16xi32>
        %mul3A_916 = arith.mulf %select_n3A_325, %add3A_900 : vector<16xf32>
        tpu.vector_store_idx %arg18[%add3A_915], %mul3A_916 {add = true} : memref<43008xf32, #tpu.memory_space<vmem>>[vector<16xi32>], vector<16xf32>,
        %add3A_917 = arith.constant 24528 : i32
        %add3A_918 = vector.broadcast %add3A_917 : i32 to vector<16xi32>
        %add3A_919 = arith.addi %add3A_162, %add3A_918 : vector<16xi32>
        %mul3A_920 = arith.mulf %select_n3A_366, %add3A_900 : vector<16xf32>
        tpu.vector_store_idx %arg18[%add3A_919], %mul3A_920 {add = true} : memref<43008xf32, #tpu.memory_space<vmem>>[vector<16xi32>], vector<16xf32>,
        %add3A_921 = arith.constant 29904 : i32
        %add3A_922 = vector.broadcast %add3A_921 : i32 to vector<16xi32>
        %add3A_923 = arith.addi %add3A_162, %add3A_922 : vector<16xi32>
        %mul3A_924 = arith.mulf %select_n3A_407, %add3A_900 : vector<16xf32>
        tpu.vector_store_idx %arg18[%add3A_923], %mul3A_924 {add = true} : memref<43008xf32, #tpu.memory_space<vmem>>[vector<16xi32>], vector<16xf32>,
        %add3A_925 = arith.constant 35280 : i32
        %add3A_926 = vector.broadcast %add3A_925 : i32 to vector<16xi32>
        %add3A_927 = arith.addi %add3A_162, %add3A_926 : vector<16xi32>
        %mul3A_928 = arith.mulf %select_n3A_448, %add3A_900 : vector<16xf32>
        tpu.vector_store_idx %arg18[%add3A_927], %mul3A_928 {add = true} : memref<43008xf32, #tpu.memory_space<vmem>>[vector<16xi32>], vector<16xf32>,
        %add3A_929 = arith.constant 40656 : i32
        %add3A_930 = vector.broadcast %add3A_929 : i32 to vector<16xi32>
        %add3A_931 = arith.addi %add3A_162, %add3A_930 : vector<16xi32>
        %mul3A_932 = arith.mulf %select_n3A_489, %add3A_900 : vector<16xf32>
        tpu.vector_store_idx %arg18[%add3A_931], %mul3A_932 {add = true} : memref<43008xf32, #tpu.memory_space<vmem>>[vector<16xi32>], vector<16xf32>,
        %broadcast_in_dim3A_933 = arith.constant 26 : i32
        %broadcast_in_dim3A_934 = vector.broadcast %broadcast_in_dim3A_933 : i32 to vector<16xi32>
        %gather3A_935 = tpu.vector_load_idx %arg24[%add3A_141, %broadcast_in_dim3A_934] : memref<512x32xf32, #tpu.memory_space<vmem>>[vector<16xi32>, vector<16xi32>], vector<16xf32>,
        %slice3A_936 = vector.extract_strided_slice %get3A_38 {offsets = [10], sizes = [1], strides = [1]} : vector<16xf32> to vector<1xf32>
        %squeeze3A_937 = vector.extract %slice3A_936[0] : f32 from vector<1xf32>
        %slice3A_938 = vector.extract_strided_slice %get3A_40 {offsets = [10], sizes = [1], strides = [1]} : vector<16xf32> to vector<1xf32>
        %squeeze3A_939 = vector.extract %slice3A_938[0] : f32 from vector<1xf32>
        %broadcast_in_dim3A_940 = vector.broadcast %squeeze3A_937 : f32 to vector<16xf32>
        %broadcast_in_dim3A_941 = vector.broadcast %squeeze3A_939 : f32 to vector<16xf32>
        %select_n3A_942 = arith.select %ge3A_165, %broadcast_in_dim3A_940, %broadcast_in_dim3A_941 : vector<16xi1>, vector<16xf32>
        %mul3A_943 = arith.mulf %get3A_153, %select_n3A_942 : vector<16xf32>
        %add3A_944 = arith.addf %gather3A_935, %mul3A_943 : vector<16xf32>
        %add3A_945 = arith.constant 3360 : i32
        %add3A_946 = vector.broadcast %add3A_945 : i32 to vector<16xi32>
        %add3A_947 = arith.addi %add3A_162, %add3A_946 : vector<16xi32>
        %mul3A_948 = arith.mulf %select_n3A_202, %add3A_944 : vector<16xf32>
        tpu.vector_store_idx %arg18[%add3A_947], %mul3A_948 {add = true} : memref<43008xf32, #tpu.memory_space<vmem>>[vector<16xi32>], vector<16xf32>,
        %add3A_949 = arith.constant 8736 : i32
        %add3A_950 = vector.broadcast %add3A_949 : i32 to vector<16xi32>
        %add3A_951 = arith.addi %add3A_162, %add3A_950 : vector<16xi32>
        %mul3A_952 = arith.mulf %select_n3A_243, %add3A_944 : vector<16xf32>
        tpu.vector_store_idx %arg18[%add3A_951], %mul3A_952 {add = true} : memref<43008xf32, #tpu.memory_space<vmem>>[vector<16xi32>], vector<16xf32>,
        %add3A_953 = arith.constant 14112 : i32
        %add3A_954 = vector.broadcast %add3A_953 : i32 to vector<16xi32>
        %add3A_955 = arith.addi %add3A_162, %add3A_954 : vector<16xi32>
        %mul3A_956 = arith.mulf %select_n3A_284, %add3A_944 : vector<16xf32>
        tpu.vector_store_idx %arg18[%add3A_955], %mul3A_956 {add = true} : memref<43008xf32, #tpu.memory_space<vmem>>[vector<16xi32>], vector<16xf32>,
        %add3A_957 = arith.constant 19488 : i32
        %add3A_958 = vector.broadcast %add3A_957 : i32 to vector<16xi32>
        %add3A_959 = arith.addi %add3A_162, %add3A_958 : vector<16xi32>
        %mul3A_960 = arith.mulf %select_n3A_325, %add3A_944 : vector<16xf32>
        tpu.vector_store_idx %arg18[%add3A_959], %mul3A_960 {add = true} : memref<43008xf32, #tpu.memory_space<vmem>>[vector<16xi32>], vector<16xf32>,
        %add3A_961 = arith.constant 24864 : i32
        %add3A_962 = vector.broadcast %add3A_961 : i32 to vector<16xi32>
        %add3A_963 = arith.addi %add3A_162, %add3A_962 : vector<16xi32>
        %mul3A_964 = arith.mulf %select_n3A_366, %add3A_944 : vector<16xf32>
        tpu.vector_store_idx %arg18[%add3A_963], %mul3A_964 {add = true} : memref<43008xf32, #tpu.memory_space<vmem>>[vector<16xi32>], vector<16xf32>,
        %add3A_965 = arith.constant 30240 : i32
        %add3A_966 = vector.broadcast %add3A_965 : i32 to vector<16xi32>
        %add3A_967 = arith.addi %add3A_162, %add3A_966 : vector<16xi32>
        %mul3A_968 = arith.mulf %select_n3A_407, %add3A_944 : vector<16xf32>
        tpu.vector_store_idx %arg18[%add3A_967], %mul3A_968 {add = true} : memref<43008xf32, #tpu.memory_space<vmem>>[vector<16xi32>], vector<16xf32>,
        %add3A_969 = arith.constant 35616 : i32
        %add3A_970 = vector.broadcast %add3A_969 : i32 to vector<16xi32>
        %add3A_971 = arith.addi %add3A_162, %add3A_970 : vector<16xi32>
        %mul3A_972 = arith.mulf %select_n3A_448, %add3A_944 : vector<16xf32>
        tpu.vector_store_idx %arg18[%add3A_971], %mul3A_972 {add = true} : memref<43008xf32, #tpu.memory_space<vmem>>[vector<16xi32>], vector<16xf32>,
        %add3A_973 = arith.constant 40992 : i32
        %add3A_974 = vector.broadcast %add3A_973 : i32 to vector<16xi32>
        %add3A_975 = arith.addi %add3A_162, %add3A_974 : vector<16xi32>
        %mul3A_976 = arith.mulf %select_n3A_489, %add3A_944 : vector<16xf32>
        tpu.vector_store_idx %arg18[%add3A_975], %mul3A_976 {add = true} : memref<43008xf32, #tpu.memory_space<vmem>>[vector<16xi32>], vector<16xf32>,
        %broadcast_in_dim3A_977 = arith.constant 27 : i32
        %broadcast_in_dim3A_978 = vector.broadcast %broadcast_in_dim3A_977 : i32 to vector<16xi32>
        %gather3A_979 = tpu.vector_load_idx %arg24[%add3A_141, %broadcast_in_dim3A_978] : memref<512x32xf32, #tpu.memory_space<vmem>>[vector<16xi32>, vector<16xi32>], vector<16xf32>,
        %slice3A_980 = vector.extract_strided_slice %get3A_38 {offsets = [11], sizes = [1], strides = [1]} : vector<16xf32> to vector<1xf32>
        %squeeze3A_981 = vector.extract %slice3A_980[0] : f32 from vector<1xf32>
        %slice3A_982 = vector.extract_strided_slice %get3A_40 {offsets = [11], sizes = [1], strides = [1]} : vector<16xf32> to vector<1xf32>
        %squeeze3A_983 = vector.extract %slice3A_982[0] : f32 from vector<1xf32>
        %broadcast_in_dim3A_984 = vector.broadcast %squeeze3A_981 : f32 to vector<16xf32>
        %broadcast_in_dim3A_985 = vector.broadcast %squeeze3A_983 : f32 to vector<16xf32>
        %select_n3A_986 = arith.select %ge3A_165, %broadcast_in_dim3A_984, %broadcast_in_dim3A_985 : vector<16xi1>, vector<16xf32>
        %mul3A_987 = arith.mulf %get3A_153, %select_n3A_986 : vector<16xf32>
        %add3A_988 = arith.addf %gather3A_979, %mul3A_987 : vector<16xf32>
        %add3A_989 = arith.constant 3696 : i32
        %add3A_990 = vector.broadcast %add3A_989 : i32 to vector<16xi32>
        %add3A_991 = arith.addi %add3A_162, %add3A_990 : vector<16xi32>
        %mul3A_992 = arith.mulf %select_n3A_202, %add3A_988 : vector<16xf32>
        tpu.vector_store_idx %arg18[%add3A_991], %mul3A_992 {add = true} : memref<43008xf32, #tpu.memory_space<vmem>>[vector<16xi32>], vector<16xf32>,
        %add3A_993 = arith.constant 9072 : i32
        %add3A_994 = vector.broadcast %add3A_993 : i32 to vector<16xi32>
        %add3A_995 = arith.addi %add3A_162, %add3A_994 : vector<16xi32>
        %mul3A_996 = arith.mulf %select_n3A_243, %add3A_988 : vector<16xf32>
        tpu.vector_store_idx %arg18[%add3A_995], %mul3A_996 {add = true} : memref<43008xf32, #tpu.memory_space<vmem>>[vector<16xi32>], vector<16xf32>,
        %add3A_997 = arith.constant 14448 : i32
        %add3A_998 = vector.broadcast %add3A_997 : i32 to vector<16xi32>
        %add3A_999 = arith.addi %add3A_162, %add3A_998 : vector<16xi32>
        %mul3A_1000 = arith.mulf %select_n3A_284, %add3A_988 : vector<16xf32>
        tpu.vector_store_idx %arg18[%add3A_999], %mul3A_1000 {add = true} : memref<43008xf32, #tpu.memory_space<vmem>>[vector<16xi32>], vector<16xf32>,
        %add3A_1001 = arith.constant 19824 : i32
        %add3A_1002 = vector.broadcast %add3A_1001 : i32 to vector<16xi32>
        %add3A_1003 = arith.addi %add3A_162, %add3A_1002 : vector<16xi32>
        %mul3A_1004 = arith.mulf %select_n3A_325, %add3A_988 : vector<16xf32>
        tpu.vector_store_idx %arg18[%add3A_1003], %mul3A_1004 {add = true} : memref<43008xf32, #tpu.memory_space<vmem>>[vector<16xi32>], vector<16xf32>,
        %add3A_1005 = arith.constant 25200 : i32
        %add3A_1006 = vector.broadcast %add3A_1005 : i32 to vector<16xi32>
        %add3A_1007 = arith.addi %add3A_162, %add3A_1006 : vector<16xi32>
        %mul3A_1008 = arith.mulf %select_n3A_366, %add3A_988 : vector<16xf32>
        tpu.vector_store_idx %arg18[%add3A_1007], %mul3A_1008 {add = true} : memref<43008xf32, #tpu.memory_space<vmem>>[vector<16xi32>], vector<16xf32>,
        %add3A_1009 = arith.constant 30576 : i32
        %add3A_1010 = vector.broadcast %add3A_1009 : i32 to vector<16xi32>
        %add3A_1011 = arith.addi %add3A_162, %add3A_1010 : vector<16xi32>
        %mul3A_1012 = arith.mulf %select_n3A_407, %add3A_988 : vector<16xf32>
        tpu.vector_store_idx %arg18[%add3A_1011], %mul3A_1012 {add = true} : memref<43008xf32, #tpu.memory_space<vmem>>[vector<16xi32>], vector<16xf32>,
        %add3A_1013 = arith.constant 35952 : i32
        %add3A_1014 = vector.broadcast %add3A_1013 : i32 to vector<16xi32>
        %add3A_1015 = arith.addi %add3A_162, %add3A_1014 : vector<16xi32>
        %mul3A_1016 = arith.mulf %select_n3A_448, %add3A_988 : vector<16xf32>
        tpu.vector_store_idx %arg18[%add3A_1015], %mul3A_1016 {add = true} : memref<43008xf32, #tpu.memory_space<vmem>>[vector<16xi32>], vector<16xf32>,
        %add3A_1017 = arith.constant 41328 : i32
        %add3A_1018 = vector.broadcast %add3A_1017 : i32 to vector<16xi32>
        %add3A_1019 = arith.addi %add3A_162, %add3A_1018 : vector<16xi32>
        %mul3A_1020 = arith.mulf %select_n3A_489, %add3A_988 : vector<16xf32>
        tpu.vector_store_idx %arg18[%add3A_1019], %mul3A_1020 {add = true} : memref<43008xf32, #tpu.memory_space<vmem>>[vector<16xi32>], vector<16xf32>,
        %broadcast_in_dim3A_1021 = arith.constant 28 : i32
        %broadcast_in_dim3A_1022 = vector.broadcast %broadcast_in_dim3A_1021 : i32 to vector<16xi32>
        %gather3A_1023 = tpu.vector_load_idx %arg24[%add3A_141, %broadcast_in_dim3A_1022] : memref<512x32xf32, #tpu.memory_space<vmem>>[vector<16xi32>, vector<16xi32>], vector<16xf32>,
        %slice3A_1024 = vector.extract_strided_slice %get3A_38 {offsets = [12], sizes = [1], strides = [1]} : vector<16xf32> to vector<1xf32>
        %squeeze3A_1025 = vector.extract %slice3A_1024[0] : f32 from vector<1xf32>
        %slice3A_1026 = vector.extract_strided_slice %get3A_40 {offsets = [12], sizes = [1], strides = [1]} : vector<16xf32> to vector<1xf32>
        %squeeze3A_1027 = vector.extract %slice3A_1026[0] : f32 from vector<1xf32>
        %broadcast_in_dim3A_1028 = vector.broadcast %squeeze3A_1025 : f32 to vector<16xf32>
        %broadcast_in_dim3A_1029 = vector.broadcast %squeeze3A_1027 : f32 to vector<16xf32>
        %select_n3A_1030 = arith.select %ge3A_165, %broadcast_in_dim3A_1028, %broadcast_in_dim3A_1029 : vector<16xi1>, vector<16xf32>
        %mul3A_1031 = arith.mulf %get3A_153, %select_n3A_1030 : vector<16xf32>
        %add3A_1032 = arith.addf %gather3A_1023, %mul3A_1031 : vector<16xf32>
        %add3A_1033 = arith.constant 4032 : i32
        %add3A_1034 = vector.broadcast %add3A_1033 : i32 to vector<16xi32>
        %add3A_1035 = arith.addi %add3A_162, %add3A_1034 : vector<16xi32>
        %mul3A_1036 = arith.mulf %select_n3A_202, %add3A_1032 : vector<16xf32>
        tpu.vector_store_idx %arg18[%add3A_1035], %mul3A_1036 {add = true} : memref<43008xf32, #tpu.memory_space<vmem>>[vector<16xi32>], vector<16xf32>,
        %add3A_1037 = arith.constant 9408 : i32
        %add3A_1038 = vector.broadcast %add3A_1037 : i32 to vector<16xi32>
        %add3A_1039 = arith.addi %add3A_162, %add3A_1038 : vector<16xi32>
        %mul3A_1040 = arith.mulf %select_n3A_243, %add3A_1032 : vector<16xf32>
        tpu.vector_store_idx %arg18[%add3A_1039], %mul3A_1040 {add = true} : memref<43008xf32, #tpu.memory_space<vmem>>[vector<16xi32>], vector<16xf32>,
        %add3A_1041 = arith.constant 14784 : i32
        %add3A_1042 = vector.broadcast %add3A_1041 : i32 to vector<16xi32>
        %add3A_1043 = arith.addi %add3A_162, %add3A_1042 : vector<16xi32>
        %mul3A_1044 = arith.mulf %select_n3A_284, %add3A_1032 : vector<16xf32>
        tpu.vector_store_idx %arg18[%add3A_1043], %mul3A_1044 {add = true} : memref<43008xf32, #tpu.memory_space<vmem>>[vector<16xi32>], vector<16xf32>,
        %add3A_1045 = arith.constant 20160 : i32
        %add3A_1046 = vector.broadcast %add3A_1045 : i32 to vector<16xi32>
        %add3A_1047 = arith.addi %add3A_162, %add3A_1046 : vector<16xi32>
        %mul3A_1048 = arith.mulf %select_n3A_325, %add3A_1032 : vector<16xf32>
        tpu.vector_store_idx %arg18[%add3A_1047], %mul3A_1048 {add = true} : memref<43008xf32, #tpu.memory_space<vmem>>[vector<16xi32>], vector<16xf32>,
        %add3A_1049 = arith.constant 25536 : i32
        %add3A_1050 = vector.broadcast %add3A_1049 : i32 to vector<16xi32>
        %add3A_1051 = arith.addi %add3A_162, %add3A_1050 : vector<16xi32>
        %mul3A_1052 = arith.mulf %select_n3A_366, %add3A_1032 : vector<16xf32>
        tpu.vector_store_idx %arg18[%add3A_1051], %mul3A_1052 {add = true} : memref<43008xf32, #tpu.memory_space<vmem>>[vector<16xi32>], vector<16xf32>,
        %add3A_1053 = arith.constant 30912 : i32
        %add3A_1054 = vector.broadcast %add3A_1053 : i32 to vector<16xi32>
        %add3A_1055 = arith.addi %add3A_162, %add3A_1054 : vector<16xi32>
        %mul3A_1056 = arith.mulf %select_n3A_407, %add3A_1032 : vector<16xf32>
        tpu.vector_store_idx %arg18[%add3A_1055], %mul3A_1056 {add = true} : memref<43008xf32, #tpu.memory_space<vmem>>[vector<16xi32>], vector<16xf32>,
        %add3A_1057 = arith.constant 36288 : i32
        %add3A_1058 = vector.broadcast %add3A_1057 : i32 to vector<16xi32>
        %add3A_1059 = arith.addi %add3A_162, %add3A_1058 : vector<16xi32>
        %mul3A_1060 = arith.mulf %select_n3A_448, %add3A_1032 : vector<16xf32>
        tpu.vector_store_idx %arg18[%add3A_1059], %mul3A_1060 {add = true} : memref<43008xf32, #tpu.memory_space<vmem>>[vector<16xi32>], vector<16xf32>,
        %add3A_1061 = arith.constant 41664 : i32
        %add3A_1062 = vector.broadcast %add3A_1061 : i32 to vector<16xi32>
        %add3A_1063 = arith.addi %add3A_162, %add3A_1062 : vector<16xi32>
        %mul3A_1064 = arith.mulf %select_n3A_489, %add3A_1032 : vector<16xf32>
        tpu.vector_store_idx %arg18[%add3A_1063], %mul3A_1064 {add = true} : memref<43008xf32, #tpu.memory_space<vmem>>[vector<16xi32>], vector<16xf32>,
        %broadcast_in_dim3A_1065 = arith.constant 29 : i32
        %broadcast_in_dim3A_1066 = vector.broadcast %broadcast_in_dim3A_1065 : i32 to vector<16xi32>
        %gather3A_1067 = tpu.vector_load_idx %arg24[%add3A_141, %broadcast_in_dim3A_1066] : memref<512x32xf32, #tpu.memory_space<vmem>>[vector<16xi32>, vector<16xi32>], vector<16xf32>,
        %slice3A_1068 = vector.extract_strided_slice %get3A_38 {offsets = [13], sizes = [1], strides = [1]} : vector<16xf32> to vector<1xf32>
        %squeeze3A_1069 = vector.extract %slice3A_1068[0] : f32 from vector<1xf32>
        %slice3A_1070 = vector.extract_strided_slice %get3A_40 {offsets = [13], sizes = [1], strides = [1]} : vector<16xf32> to vector<1xf32>
        %squeeze3A_1071 = vector.extract %slice3A_1070[0] : f32 from vector<1xf32>
        %broadcast_in_dim3A_1072 = vector.broadcast %squeeze3A_1069 : f32 to vector<16xf32>
        %broadcast_in_dim3A_1073 = vector.broadcast %squeeze3A_1071 : f32 to vector<16xf32>
        %select_n3A_1074 = arith.select %ge3A_165, %broadcast_in_dim3A_1072, %broadcast_in_dim3A_1073 : vector<16xi1>, vector<16xf32>
        %mul3A_1075 = arith.mulf %get3A_153, %select_n3A_1074 : vector<16xf32>
        %add3A_1076 = arith.addf %gather3A_1067, %mul3A_1075 : vector<16xf32>
        %add3A_1077 = arith.constant 4368 : i32
        %add3A_1078 = vector.broadcast %add3A_1077 : i32 to vector<16xi32>
        %add3A_1079 = arith.addi %add3A_162, %add3A_1078 : vector<16xi32>
        %mul3A_1080 = arith.mulf %select_n3A_202, %add3A_1076 : vector<16xf32>
        tpu.vector_store_idx %arg18[%add3A_1079], %mul3A_1080 {add = true} : memref<43008xf32, #tpu.memory_space<vmem>>[vector<16xi32>], vector<16xf32>,
        %add3A_1081 = arith.constant 9744 : i32
        %add3A_1082 = vector.broadcast %add3A_1081 : i32 to vector<16xi32>
        %add3A_1083 = arith.addi %add3A_162, %add3A_1082 : vector<16xi32>
        %mul3A_1084 = arith.mulf %select_n3A_243, %add3A_1076 : vector<16xf32>
        tpu.vector_store_idx %arg18[%add3A_1083], %mul3A_1084 {add = true} : memref<43008xf32, #tpu.memory_space<vmem>>[vector<16xi32>], vector<16xf32>,
        %add3A_1085 = arith.constant 15120 : i32
        %add3A_1086 = vector.broadcast %add3A_1085 : i32 to vector<16xi32>
        %add3A_1087 = arith.addi %add3A_162, %add3A_1086 : vector<16xi32>
        %mul3A_1088 = arith.mulf %select_n3A_284, %add3A_1076 : vector<16xf32>
        tpu.vector_store_idx %arg18[%add3A_1087], %mul3A_1088 {add = true} : memref<43008xf32, #tpu.memory_space<vmem>>[vector<16xi32>], vector<16xf32>,
        %add3A_1089 = arith.constant 20496 : i32
        %add3A_1090 = vector.broadcast %add3A_1089 : i32 to vector<16xi32>
        %add3A_1091 = arith.addi %add3A_162, %add3A_1090 : vector<16xi32>
        %mul3A_1092 = arith.mulf %select_n3A_325, %add3A_1076 : vector<16xf32>
        tpu.vector_store_idx %arg18[%add3A_1091], %mul3A_1092 {add = true} : memref<43008xf32, #tpu.memory_space<vmem>>[vector<16xi32>], vector<16xf32>,
        %add3A_1093 = arith.constant 25872 : i32
        %add3A_1094 = vector.broadcast %add3A_1093 : i32 to vector<16xi32>
        %add3A_1095 = arith.addi %add3A_162, %add3A_1094 : vector<16xi32>
        %mul3A_1096 = arith.mulf %select_n3A_366, %add3A_1076 : vector<16xf32>
        tpu.vector_store_idx %arg18[%add3A_1095], %mul3A_1096 {add = true} : memref<43008xf32, #tpu.memory_space<vmem>>[vector<16xi32>], vector<16xf32>,
        %add3A_1097 = arith.constant 31248 : i32
        %add3A_1098 = vector.broadcast %add3A_1097 : i32 to vector<16xi32>
        %add3A_1099 = arith.addi %add3A_162, %add3A_1098 : vector<16xi32>
        %mul3A_1100 = arith.mulf %select_n3A_407, %add3A_1076 : vector<16xf32>
        tpu.vector_store_idx %arg18[%add3A_1099], %mul3A_1100 {add = true} : memref<43008xf32, #tpu.memory_space<vmem>>[vector<16xi32>], vector<16xf32>,
        %add3A_1101 = arith.constant 36624 : i32
        %add3A_1102 = vector.broadcast %add3A_1101 : i32 to vector<16xi32>
        %add3A_1103 = arith.addi %add3A_162, %add3A_1102 : vector<16xi32>
        %mul3A_1104 = arith.mulf %select_n3A_448, %add3A_1076 : vector<16xf32>
        tpu.vector_store_idx %arg18[%add3A_1103], %mul3A_1104 {add = true} : memref<43008xf32, #tpu.memory_space<vmem>>[vector<16xi32>], vector<16xf32>,
        %add3A_1105 = arith.constant 42000 : i32
        %add3A_1106 = vector.broadcast %add3A_1105 : i32 to vector<16xi32>
        %add3A_1107 = arith.addi %add3A_162, %add3A_1106 : vector<16xi32>
        %mul3A_1108 = arith.mulf %select_n3A_489, %add3A_1076 : vector<16xf32>
        tpu.vector_store_idx %arg18[%add3A_1107], %mul3A_1108 {add = true} : memref<43008xf32, #tpu.memory_space<vmem>>[vector<16xi32>], vector<16xf32>,
        %broadcast_in_dim3A_1109 = arith.constant 30 : i32
        %broadcast_in_dim3A_1110 = vector.broadcast %broadcast_in_dim3A_1109 : i32 to vector<16xi32>
        %gather3A_1111 = tpu.vector_load_idx %arg24[%add3A_141, %broadcast_in_dim3A_1110] : memref<512x32xf32, #tpu.memory_space<vmem>>[vector<16xi32>, vector<16xi32>], vector<16xf32>,
        %slice3A_1112 = vector.extract_strided_slice %get3A_38 {offsets = [14], sizes = [1], strides = [1]} : vector<16xf32> to vector<1xf32>
        %squeeze3A_1113 = vector.extract %slice3A_1112[0] : f32 from vector<1xf32>
        %slice3A_1114 = vector.extract_strided_slice %get3A_40 {offsets = [14], sizes = [1], strides = [1]} : vector<16xf32> to vector<1xf32>
        %squeeze3A_1115 = vector.extract %slice3A_1114[0] : f32 from vector<1xf32>
        %broadcast_in_dim3A_1116 = vector.broadcast %squeeze3A_1113 : f32 to vector<16xf32>
        %broadcast_in_dim3A_1117 = vector.broadcast %squeeze3A_1115 : f32 to vector<16xf32>
        %select_n3A_1118 = arith.select %ge3A_165, %broadcast_in_dim3A_1116, %broadcast_in_dim3A_1117 : vector<16xi1>, vector<16xf32>
        %mul3A_1119 = arith.mulf %get3A_153, %select_n3A_1118 : vector<16xf32>
        %add3A_1120 = arith.addf %gather3A_1111, %mul3A_1119 : vector<16xf32>
        %add3A_1121 = arith.constant 4704 : i32
        %add3A_1122 = vector.broadcast %add3A_1121 : i32 to vector<16xi32>
        %add3A_1123 = arith.addi %add3A_162, %add3A_1122 : vector<16xi32>
        %mul3A_1124 = arith.mulf %select_n3A_202, %add3A_1120 : vector<16xf32>
        tpu.vector_store_idx %arg18[%add3A_1123], %mul3A_1124 {add = true} : memref<43008xf32, #tpu.memory_space<vmem>>[vector<16xi32>], vector<16xf32>,
        %add3A_1125 = arith.constant 10080 : i32
        %add3A_1126 = vector.broadcast %add3A_1125 : i32 to vector<16xi32>
        %add3A_1127 = arith.addi %add3A_162, %add3A_1126 : vector<16xi32>
        %mul3A_1128 = arith.mulf %select_n3A_243, %add3A_1120 : vector<16xf32>
        tpu.vector_store_idx %arg18[%add3A_1127], %mul3A_1128 {add = true} : memref<43008xf32, #tpu.memory_space<vmem>>[vector<16xi32>], vector<16xf32>,
        %add3A_1129 = arith.constant 15456 : i32
        %add3A_1130 = vector.broadcast %add3A_1129 : i32 to vector<16xi32>
        %add3A_1131 = arith.addi %add3A_162, %add3A_1130 : vector<16xi32>
        %mul3A_1132 = arith.mulf %select_n3A_284, %add3A_1120 : vector<16xf32>
        tpu.vector_store_idx %arg18[%add3A_1131], %mul3A_1132 {add = true} : memref<43008xf32, #tpu.memory_space<vmem>>[vector<16xi32>], vector<16xf32>,
        %add3A_1133 = arith.constant 20832 : i32
        %add3A_1134 = vector.broadcast %add3A_1133 : i32 to vector<16xi32>
        %add3A_1135 = arith.addi %add3A_162, %add3A_1134 : vector<16xi32>
        %mul3A_1136 = arith.mulf %select_n3A_325, %add3A_1120 : vector<16xf32>
        tpu.vector_store_idx %arg18[%add3A_1135], %mul3A_1136 {add = true} : memref<43008xf32, #tpu.memory_space<vmem>>[vector<16xi32>], vector<16xf32>,
        %add3A_1137 = arith.constant 26208 : i32
        %add3A_1138 = vector.broadcast %add3A_1137 : i32 to vector<16xi32>
        %add3A_1139 = arith.addi %add3A_162, %add3A_1138 : vector<16xi32>
        %mul3A_1140 = arith.mulf %select_n3A_366, %add3A_1120 : vector<16xf32>
        tpu.vector_store_idx %arg18[%add3A_1139], %mul3A_1140 {add = true} : memref<43008xf32, #tpu.memory_space<vmem>>[vector<16xi32>], vector<16xf32>,
        %add3A_1141 = arith.constant 31584 : i32
        %add3A_1142 = vector.broadcast %add3A_1141 : i32 to vector<16xi32>
        %add3A_1143 = arith.addi %add3A_162, %add3A_1142 : vector<16xi32>
        %mul3A_1144 = arith.mulf %select_n3A_407, %add3A_1120 : vector<16xf32>
        tpu.vector_store_idx %arg18[%add3A_1143], %mul3A_1144 {add = true} : memref<43008xf32, #tpu.memory_space<vmem>>[vector<16xi32>], vector<16xf32>,
        %add3A_1145 = arith.constant 36960 : i32
        %add3A_1146 = vector.broadcast %add3A_1145 : i32 to vector<16xi32>
        %add3A_1147 = arith.addi %add3A_162, %add3A_1146 : vector<16xi32>
        %mul3A_1148 = arith.mulf %select_n3A_448, %add3A_1120 : vector<16xf32>
        tpu.vector_store_idx %arg18[%add3A_1147], %mul3A_1148 {add = true} : memref<43008xf32, #tpu.memory_space<vmem>>[vector<16xi32>], vector<16xf32>,
        %add3A_1149 = arith.constant 42336 : i32
        %add3A_1150 = vector.broadcast %add3A_1149 : i32 to vector<16xi32>
        %add3A_1151 = arith.addi %add3A_162, %add3A_1150 : vector<16xi32>
        %mul3A_1152 = arith.mulf %select_n3A_489, %add3A_1120 : vector<16xf32>
        tpu.vector_store_idx %arg18[%add3A_1151], %mul3A_1152 {add = true} : memref<43008xf32, #tpu.memory_space<vmem>>[vector<16xi32>], vector<16xf32>,
        %broadcast_in_dim3A_1153 = arith.constant 31 : i32
        %broadcast_in_dim3A_1154 = vector.broadcast %broadcast_in_dim3A_1153 : i32 to vector<16xi32>
        %gather3A_1155 = tpu.vector_load_idx %arg24[%add3A_141, %broadcast_in_dim3A_1154] : memref<512x32xf32, #tpu.memory_space<vmem>>[vector<16xi32>, vector<16xi32>], vector<16xf32>,
        %slice3A_1156 = vector.extract_strided_slice %get3A_38 {offsets = [15], sizes = [1], strides = [1]} : vector<16xf32> to vector<1xf32>
        %squeeze3A_1157 = vector.extract %slice3A_1156[0] : f32 from vector<1xf32>
        %slice3A_1158 = vector.extract_strided_slice %get3A_40 {offsets = [15], sizes = [1], strides = [1]} : vector<16xf32> to vector<1xf32>
        %squeeze3A_1159 = vector.extract %slice3A_1158[0] : f32 from vector<1xf32>
        %broadcast_in_dim3A_1160 = vector.broadcast %squeeze3A_1157 : f32 to vector<16xf32>
        %broadcast_in_dim3A_1161 = vector.broadcast %squeeze3A_1159 : f32 to vector<16xf32>
        %select_n3A_1162 = arith.select %ge3A_165, %broadcast_in_dim3A_1160, %broadcast_in_dim3A_1161 : vector<16xi1>, vector<16xf32>
        %mul3A_1163 = arith.mulf %get3A_153, %select_n3A_1162 : vector<16xf32>
        %add3A_1164 = arith.addf %gather3A_1155, %mul3A_1163 : vector<16xf32>
        %add3A_1165 = arith.constant 5040 : i32
        %add3A_1166 = vector.broadcast %add3A_1165 : i32 to vector<16xi32>
        %add3A_1167 = arith.addi %add3A_162, %add3A_1166 : vector<16xi32>
        %mul3A_1168 = arith.mulf %select_n3A_202, %add3A_1164 : vector<16xf32>
        tpu.vector_store_idx %arg18[%add3A_1167], %mul3A_1168 {add = true} : memref<43008xf32, #tpu.memory_space<vmem>>[vector<16xi32>], vector<16xf32>,
        %add3A_1169 = arith.constant 10416 : i32
        %add3A_1170 = vector.broadcast %add3A_1169 : i32 to vector<16xi32>
        %add3A_1171 = arith.addi %add3A_162, %add3A_1170 : vector<16xi32>
        %mul3A_1172 = arith.mulf %select_n3A_243, %add3A_1164 : vector<16xf32>
        tpu.vector_store_idx %arg18[%add3A_1171], %mul3A_1172 {add = true} : memref<43008xf32, #tpu.memory_space<vmem>>[vector<16xi32>], vector<16xf32>,
        %add3A_1173 = arith.constant 15792 : i32
        %add3A_1174 = vector.broadcast %add3A_1173 : i32 to vector<16xi32>
        %add3A_1175 = arith.addi %add3A_162, %add3A_1174 : vector<16xi32>
        %mul3A_1176 = arith.mulf %select_n3A_284, %add3A_1164 : vector<16xf32>
        tpu.vector_store_idx %arg18[%add3A_1175], %mul3A_1176 {add = true} : memref<43008xf32, #tpu.memory_space<vmem>>[vector<16xi32>], vector<16xf32>,
        %add3A_1177 = arith.constant 21168 : i32
        %add3A_1178 = vector.broadcast %add3A_1177 : i32 to vector<16xi32>
        %add3A_1179 = arith.addi %add3A_162, %add3A_1178 : vector<16xi32>
        %mul3A_1180 = arith.mulf %select_n3A_325, %add3A_1164 : vector<16xf32>
        tpu.vector_store_idx %arg18[%add3A_1179], %mul3A_1180 {add = true} : memref<43008xf32, #tpu.memory_space<vmem>>[vector<16xi32>], vector<16xf32>,
        %add3A_1181 = arith.constant 26544 : i32
        %add3A_1182 = vector.broadcast %add3A_1181 : i32 to vector<16xi32>
        %add3A_1183 = arith.addi %add3A_162, %add3A_1182 : vector<16xi32>
        %mul3A_1184 = arith.mulf %select_n3A_366, %add3A_1164 : vector<16xf32>
        tpu.vector_store_idx %arg18[%add3A_1183], %mul3A_1184 {add = true} : memref<43008xf32, #tpu.memory_space<vmem>>[vector<16xi32>], vector<16xf32>,
        %add3A_1185 = arith.constant 31920 : i32
        %add3A_1186 = vector.broadcast %add3A_1185 : i32 to vector<16xi32>
        %add3A_1187 = arith.addi %add3A_162, %add3A_1186 : vector<16xi32>
        %mul3A_1188 = arith.mulf %select_n3A_407, %add3A_1164 : vector<16xf32>
        tpu.vector_store_idx %arg18[%add3A_1187], %mul3A_1188 {add = true} : memref<43008xf32, #tpu.memory_space<vmem>>[vector<16xi32>], vector<16xf32>,
        %add3A_1189 = arith.constant 37296 : i32
        %add3A_1190 = vector.broadcast %add3A_1189 : i32 to vector<16xi32>
        %add3A_1191 = arith.addi %add3A_162, %add3A_1190 : vector<16xi32>
        %mul3A_1192 = arith.mulf %select_n3A_448, %add3A_1164 : vector<16xf32>
        tpu.vector_store_idx %arg18[%add3A_1191], %mul3A_1192 {add = true} : memref<43008xf32, #tpu.memory_space<vmem>>[vector<16xi32>], vector<16xf32>,
        %add3A_1193 = arith.constant 42672 : i32
        %add3A_1194 = vector.broadcast %add3A_1193 : i32 to vector<16xi32>
        %add3A_1195 = arith.addi %add3A_162, %add3A_1194 : vector<16xi32>
        %mul3A_1196 = arith.mulf %select_n3A_489, %add3A_1164 : vector<16xf32>
        tpu.vector_store_idx %arg18[%add3A_1195], %mul3A_1196 {add = true} : memref<43008xf32, #tpu.memory_space<vmem>>[vector<16xi32>], vector<16xf32>,
      }
      %scan3A_132 = arith.constant 32 : i32
    }
    %while3A_109 = arith.constant 1 : i32
    scf.for %while3A_122 = %while3A_107 to %while3A_103 step %while3A_109  : i32 {
      %scan3A_123 = arith.constant 0 : i32
      %scan3A_124 = arith.constant 32 : i32
      %scan3A_125 = arith.addi %scan3A_123, %scan3A_124 : i32
      %scan3A_126 = arith.constant 1 : i32
      scf.for %scan3A_133 = %scan3A_123 to %scan3A_125 step %scan3A_126  : i32 {
        %mul3A_134 = arith.constant 1 : i32
        %mul3A_135 = arith.muli %scan3A_133, %mul3A_134 : i32
        %add3A_136 = arith.constant 0 : i32
        %add3A_137 = arith.addi %add3A_136, %mul3A_135 : i32
        %mul3A_138 = arith.constant 32 : i32
        %mul3A_139 = arith.muli %while3A_122, %mul3A_138 : i32
        %add3A_140 = arith.addi %mul3A_139, %add3A_137 : i32
        %add3A_141 = vector.broadcast %add3A_140 : i32 to vector<16xi32>
        %add3A_142 = arith.addi %get3A_3, %add3A_141 : vector<16xi32>
        %jit3A_143 = arith.constant 0 : i32
        %jit3A_144 = arith.constant 319999 : i32
        %max3A_145 = vector.broadcast %jit3A_143 : i32 to vector<16xi32>
        %max3A_146 = arith.maxsi %max3A_145, %add3A_142 : vector<16xi32>
        %min3A_147 = vector.broadcast %jit3A_144 : i32 to vector<16xi32>
        %min3A_148 = arith.minsi %min3A_147, %max3A_146 : vector<16xi32>
        %mul3A_149 = arith.constant 16 : i32
        %mul3A_150 = arith.muli %add3A_137, %mul3A_149 : i32
        %swap3A = arith.index_cast %mul3A_150 : i32 to index
        %swap3A_151 = tpu.vector_load %arg19[%swap3A] {strides = array<i32>} : memref<512xi32, #tpu.memory_space<vmem>>, vector<16xi32>,
        tpu.vector_store %arg19[%swap3A], %min3A_148 {strides = array<i32>} : memref<512xi32, #tpu.memory_space<vmem>>, vector<16xi32>,
      }
      %scan3A_127 = arith.constant 32 : i32
      "tpu.region"() ({
        %run_scoped3A = tpu.sem_alloc : memref<!tpu.dma_semaphore, #tpu.memory_space<semaphore_mem>>
        %dma_start3A = arith.constant 0 : i32
        %dma_start3A_133 = tpu.memref_slice %arg4[%dma_start3A] : memref<320000xi32, #tpu.memory_space<hbm>> -> memref<320000xi32, #tpu.memory_space<hbm>>
        tpu.enqueue_indirect_dma source(%dma_start3A_133 : memref<320000xi32, #tpu.memory_space<hbm>>) target(%arg20 : memref<512xi32, #tpu.memory_space<vmem>>) offsets(%arg19 : memref<512xi32, #tpu.memory_space<vmem>>) semaphore(%run_scoped3A : memref<!tpu.dma_semaphore, #tpu.memory_space<semaphore_mem>>)
        %dma_wait3A = arith.constant 0 : i32
        %dma_wait3A_134 = tpu.memref_slice %arg4[%dma_wait3A] : memref<320000xi32, #tpu.memory_space<hbm>> -> memref<320000xi32, #tpu.memory_space<hbm>>
        tpu.wait_indirect_dma semaphore(%run_scoped3A : memref<!tpu.dma_semaphore, #tpu.memory_space<semaphore_mem>>) src(%dma_wait3A_134 : memref<320000xi32, #tpu.memory_space<hbm>>) dst(%arg20 : memref<512xi32, #tpu.memory_space<vmem>>)
        tpu.yield
      }) : () -> ()
      "tpu.region"() ({
        %run_scoped3A = tpu.sem_alloc : memref<!tpu.dma_semaphore, #tpu.memory_space<semaphore_mem>>
        %dma_start3A = arith.constant 0 : i32
        %dma_start3A_133 = tpu.memref_slice %arg5[%dma_start3A] : memref<320000xi32, #tpu.memory_space<hbm>> -> memref<320000xi32, #tpu.memory_space<hbm>>
        tpu.enqueue_indirect_dma source(%dma_start3A_133 : memref<320000xi32, #tpu.memory_space<hbm>>) target(%arg21 : memref<512xi32, #tpu.memory_space<vmem>>) offsets(%arg19 : memref<512xi32, #tpu.memory_space<vmem>>) semaphore(%run_scoped3A : memref<!tpu.dma_semaphore, #tpu.memory_space<semaphore_mem>>)
        %dma_wait3A = arith.constant 0 : i32
        %dma_wait3A_134 = tpu.memref_slice %arg5[%dma_wait3A] : memref<320000xi32, #tpu.memory_space<hbm>> -> memref<320000xi32, #tpu.memory_space<hbm>>
        tpu.wait_indirect_dma semaphore(%run_scoped3A : memref<!tpu.dma_semaphore, #tpu.memory_space<semaphore_mem>>) src(%dma_wait3A_134 : memref<320000xi32, #tpu.memory_space<hbm>>) dst(%arg21 : memref<512xi32, #tpu.memory_space<vmem>>)
        tpu.yield
      }) : () -> ()
      "tpu.region"() ({
        %run_scoped3A = tpu.sem_alloc : memref<!tpu.dma_semaphore, #tpu.memory_space<semaphore_mem>>
        %dma_start3A = arith.constant 0 : i32
        %dma_start3A_133 = tpu.memref_slice %arg6[%dma_start3A] : memref<320000xi32, #tpu.memory_space<hbm>> -> memref<320000xi32, #tpu.memory_space<hbm>>
        tpu.enqueue_indirect_dma source(%dma_start3A_133 : memref<320000xi32, #tpu.memory_space<hbm>>) target(%arg22 : memref<512xi32, #tpu.memory_space<vmem>>) offsets(%arg19 : memref<512xi32, #tpu.memory_space<vmem>>) semaphore(%run_scoped3A : memref<!tpu.dma_semaphore, #tpu.memory_space<semaphore_mem>>)
        %dma_wait3A = arith.constant 0 : i32
        %dma_wait3A_134 = tpu.memref_slice %arg6[%dma_wait3A] : memref<320000xi32, #tpu.memory_space<hbm>> -> memref<320000xi32, #tpu.memory_space<hbm>>
        tpu.wait_indirect_dma semaphore(%run_scoped3A : memref<!tpu.dma_semaphore, #tpu.memory_space<semaphore_mem>>) src(%dma_wait3A_134 : memref<320000xi32, #tpu.memory_space<hbm>>) dst(%arg22 : memref<512xi32, #tpu.memory_space<vmem>>)
        tpu.yield
      }) : () -> ()
      "tpu.region"() ({
        %run_scoped3A = tpu.sem_alloc : memref<!tpu.dma_semaphore, #tpu.memory_space<semaphore_mem>>
        %dma_start3A = arith.constant 0 : i32
        %dma_start3A_133 = tpu.memref_slice %arg7[%dma_start3A] : memref<320000xf32, #tpu.memory_space<hbm>> -> memref<320000xf32, #tpu.memory_space<hbm>>
        tpu.enqueue_indirect_dma source(%dma_start3A_133 : memref<320000xf32, #tpu.memory_space<hbm>>) target(%arg23 : memref<512xf32, #tpu.memory_space<vmem>>) offsets(%arg19 : memref<512xi32, #tpu.memory_space<vmem>>) semaphore(%run_scoped3A : memref<!tpu.dma_semaphore, #tpu.memory_space<semaphore_mem>>)
        %dma_wait3A = arith.constant 0 : i32
        %dma_wait3A_134 = tpu.memref_slice %arg7[%dma_wait3A] : memref<320000xf32, #tpu.memory_space<hbm>> -> memref<320000xf32, #tpu.memory_space<hbm>>
        tpu.wait_indirect_dma semaphore(%run_scoped3A : memref<!tpu.dma_semaphore, #tpu.memory_space<semaphore_mem>>) src(%dma_wait3A_134 : memref<320000xf32, #tpu.memory_space<hbm>>) dst(%arg23 : memref<512xf32, #tpu.memory_space<vmem>>)
        tpu.yield
      }) : () -> ()
      "tpu.region"() ({
        %run_scoped3A = tpu.sem_alloc : memref<!tpu.dma_semaphore, #tpu.memory_space<semaphore_mem>>
        %dma_start3A = arith.constant 0 : i32
        %dma_start3A_133 = arith.constant 0 : i32
        %dma_start3A_134 = tpu.memref_slice %arg2[%dma_start3A, %dma_start3A_133] : memref<10240x32xf32, #tpu.memory_space<hbm>> -> memref<10240x32xf32, #tpu.memory_space<hbm>>
        tpu.enqueue_indirect_dma source(%dma_start3A_134 : memref<10240x32xf32, #tpu.memory_space<hbm>>) target(%arg24 : memref<512x32xf32, #tpu.memory_space<vmem>>) offsets(%arg21 : memref<512xi32, #tpu.memory_space<vmem>>) semaphore(%run_scoped3A : memref<!tpu.dma_semaphore, #tpu.memory_space<semaphore_mem>>)
        %dma_wait3A = arith.constant 0 : i32
        %dma_wait3A_135 = arith.constant 0 : i32
        %dma_wait3A_136 = tpu.memref_slice %arg2[%dma_wait3A, %dma_wait3A_135] : memref<10240x32xf32, #tpu.memory_space<hbm>> -> memref<10240x32xf32, #tpu.memory_space<hbm>>
        tpu.wait_indirect_dma semaphore(%run_scoped3A : memref<!tpu.dma_semaphore, #tpu.memory_space<semaphore_mem>>) src(%dma_wait3A_136 : memref<10240x32xf32, #tpu.memory_space<hbm>>) dst(%arg24 : memref<512x32xf32, #tpu.memory_space<vmem>>)
        tpu.yield
      }) : () -> ()
      %scan3A_128 = arith.constant 0 : i32
      %scan3A_129 = arith.constant 32 : i32
      %scan3A_130 = arith.addi %scan3A_128, %scan3A_129 : i32
      %scan3A_131 = arith.constant 1 : i32
      scf.for %scan3A_133 = %scan3A_128 to %scan3A_130 step %scan3A_131  : i32 {
        %mul3A_134 = arith.constant 32 : i32
        %mul3A_135 = arith.muli %while3A_122, %mul3A_134 : i32
        %add3A_136 = arith.addi %mul3A_135, %scan3A_133 : i32
        %lt3A = vector.broadcast %add3A_136 : i32 to vector<16xi32>
        %lt3A_137 = arith.cmpi slt, %lt3A, %get3A_7 : vector<16xi32>
        %mul3A_138 = arith.constant 16 : i32
        %mul3A_139 = arith.muli %scan3A_133, %mul3A_138 : i32
        %add3A_140 = vector.broadcast %mul3A_139 : i32 to vector<16xi32>
        %add3A_141 = arith.addi %add3A_140, %iota3A : vector<16xi32>
        %mul3A_142 = arith.constant 16 : i32
        %mul3A_143 = arith.muli %scan3A_133, %mul3A_142 : i32
        %get3A_144 = arith.index_cast %mul3A_143 : i32 to index
        %get3A_145 = tpu.vector_load %arg20[%get3A_144] {strides = array<i32>} : memref<512xi32, #tpu.memory_space<vmem>>, vector<16xi32>,
        %mul3A_146 = arith.constant 16 : i32
        %mul3A_147 = arith.muli %scan3A_133, %mul3A_146 : i32
        %get3A_148 = arith.index_cast %mul3A_147 : i32 to index
        %get3A_149 = tpu.vector_load %arg22[%get3A_148] {strides = array<i32>} : memref<512xi32, #tpu.memory_space<vmem>>, vector<16xi32>,
        %mul3A_150 = arith.constant 16 : i32
        %mul3A_151 = arith.muli %scan3A_133, %mul3A_150 : i32
        %get3A_152 = arith.index_cast %mul3A_151 : i32 to index
        %get3A_153 = tpu.vector_load %arg23[%get3A_152] {strides = array<i32>} : memref<512xf32, #tpu.memory_space<vmem>>, vector<16xf32>,
        %sub3A_154 = vector.broadcast %mul3A_42 : i32 to vector<16xi32>
        %sub3A_155 = arith.subi %get3A_145, %sub3A_154 : vector<16xi32>
        %jit3A_156 = arith.constant 0 : i32
        %jit3A_157 = arith.constant 319 : i32
        %max3A_158 = vector.broadcast %jit3A_156 : i32 to vector<16xi32>
        %max3A_159 = arith.maxsi %max3A_158, %sub3A_155 : vector<16xi32>
        %min3A_160 = vector.broadcast %jit3A_157 : i32 to vector<16xi32>
        %min3A_161 = arith.minsi %min3A_160, %max3A_159 : vector<16xi32>
        %add3A_162 = arith.addi %min3A_161, %iota3A : vector<16xi32>
        %ge3A_163 = arith.constant 0.000000e+00 : f32
        %ge3A_164 = vector.broadcast %ge3A_163 : f32 to vector<16xf32>
        %ge3A_165 = arith.cmpf oge, %get3A_153, %ge3A_164 : vector<16xf32>
        %mul3A_166 = arith.constant 8 : i32
        %mul3A_167 = vector.broadcast %mul3A_166 : i32 to vector<16xi32>
        %mul3A_168 = arith.muli %get3A_149, %mul3A_167 : vector<16xi32>
        %add3A_169 = arith.constant 0 : i32
        %add3A_170 = vector.broadcast %add3A_169 : i32 to vector<16xi32>
        %add3A_171 = arith.addi %add3A_170, %add3A_162 : vector<16xi32>
        %gather3A = tpu.vector_load_idx %arg15[%add3A_171] : memref<2688xf32, #tpu.memory_space<vmem>>[vector<16xi32>], vector<16xf32>,
        %broadcast_in_dim3A_172 = arith.constant 8 : i32
        %broadcast_in_dim3A_173 = vector.broadcast %broadcast_in_dim3A_172 : i32 to vector<16xi32>
        %gather3A_174 = tpu.vector_load_idx %arg24[%add3A_141, %broadcast_in_dim3A_173] : memref<512x32xf32, #tpu.memory_space<vmem>>[vector<16xi32>, vector<16xi32>], vector<16xf32>,
        %add3A_175 = arith.constant 0 : i32
        %add3A_176 = vector.broadcast %add3A_175 : i32 to vector<16xi32>
        %add3A_177 = arith.addi %mul3A_168, %add3A_176 : vector<16xi32>
        %gather3A_178 = tpu.vector_load_idx %arg14[%add3A_177] : memref<80xf32, #tpu.memory_space<vmem>>[vector<16xi32>], vector<16xf32>,
        %slice3A = vector.extract_strided_slice %get3A_36 {offsets = [0], sizes = [1], strides = [1]} : vector<16xf32> to vector<1xf32>
        %squeeze3A = vector.extract %slice3A[0] : f32 from vector<1xf32>
        %slice3A_179 = vector.extract_strided_slice %get3A_36 {offsets = [8], sizes = [1], strides = [1]} : vector<16xf32> to vector<1xf32>
        %squeeze3A_180 = vector.extract %slice3A_179[0] : f32 from vector<1xf32>
        %broadcast_in_dim3A_181 = vector.broadcast %squeeze3A : f32 to vector<16xf32>
        %broadcast_in_dim3A_182 = vector.broadcast %squeeze3A_180 : f32 to vector<16xf32>
        %select_n3A_183 = arith.select %ge3A_165, %broadcast_in_dim3A_181, %broadcast_in_dim3A_182 : vector<16xi1>, vector<16xf32>
        %add3A_184 = arith.addf %gather3A, %gather3A_174 : vector<16xf32>
        %add3A_185 = arith.addf %add3A_184, %gather3A_178 : vector<16xf32>
        %mul3A_186 = arith.mulf %get3A_153, %select_n3A_183 : vector<16xf32>
        %add3A_187 = arith.addf %add3A_185, %mul3A_186 : vector<16xf32>
        %ge3A_188 = arith.constant 0.000000e+00 : f32
        %ge3A_189 = vector.broadcast %ge3A_188 : f32 to vector<16xf32>
        %ge3A_190 = arith.cmpf oge, %add3A_187, %ge3A_189 : vector<16xf32>
        %mul3A_191 = arith.constant 2.000000e-01 : f32
        %mul3A_192 = vector.broadcast %mul3A_191 : f32 to vector<16xf32>
        %mul3A_193 = arith.mulf %mul3A_192, %add3A_187 : vector<16xf32>
        %select_n3A_194 = arith.select %ge3A_190, %add3A_187, %mul3A_193 : vector<16xi1>, vector<16xf32>
        %add3A_195 = arith.constant 0 : i32
        %add3A_196 = vector.broadcast %add3A_195 : i32 to vector<16xi32>
        %add3A_197 = arith.addi %add3A_196, %add3A_162 : vector<16xi32>
        %gather3A_198 = tpu.vector_load_idx %arg16[%add3A_197] : memref<2704xf32, #tpu.memory_space<vmem>>[vector<16xi32>], vector<16xf32>,
        %sub3A_199 = arith.subf %select_n3A_194, %gather3A_198 : vector<16xf32>
        %exp3A = math.exp %sub3A_199 : vector<16xf32>
        %jit3A_200 = arith.constant 0.000000e+00 : f32
        %broadcast_in_dim3A_201 = vector.broadcast %jit3A_200 : f32 to vector<16xf32>
        %select_n3A_202 = arith.select %lt3A_137, %exp3A, %broadcast_in_dim3A_201 : vector<16xi1>, vector<16xf32>
        %add3A_203 = arith.constant 0 : i32
        %add3A_204 = vector.broadcast %add3A_203 : i32 to vector<16xi32>
        %add3A_205 = arith.addi %add3A_204, %add3A_162 : vector<16xi32>
        tpu.vector_store_idx %arg17[%add3A_205], %select_n3A_202 {add = true} : memref<2704xf32, #tpu.memory_space<vmem>>[vector<16xi32>], vector<16xf32>,
        %add3A_206 = arith.constant 336 : i32
        %add3A_207 = vector.broadcast %add3A_206 : i32 to vector<16xi32>
        %add3A_208 = arith.addi %add3A_207, %add3A_162 : vector<16xi32>
        %gather3A_209 = tpu.vector_load_idx %arg15[%add3A_208] : memref<2688xf32, #tpu.memory_space<vmem>>[vector<16xi32>], vector<16xf32>,
        %broadcast_in_dim3A_210 = arith.constant 9 : i32
        %broadcast_in_dim3A_211 = vector.broadcast %broadcast_in_dim3A_210 : i32 to vector<16xi32>
        %gather3A_212 = tpu.vector_load_idx %arg24[%add3A_141, %broadcast_in_dim3A_211] : memref<512x32xf32, #tpu.memory_space<vmem>>[vector<16xi32>, vector<16xi32>], vector<16xf32>,
        %add3A_213 = arith.constant 1 : i32
        %add3A_214 = vector.broadcast %add3A_213 : i32 to vector<16xi32>
        %add3A_215 = arith.addi %mul3A_168, %add3A_214 : vector<16xi32>
        %gather3A_216 = tpu.vector_load_idx %arg14[%add3A_215] : memref<80xf32, #tpu.memory_space<vmem>>[vector<16xi32>], vector<16xf32>,
        %slice3A_217 = vector.extract_strided_slice %get3A_36 {offsets = [1], sizes = [1], strides = [1]} : vector<16xf32> to vector<1xf32>
        %squeeze3A_218 = vector.extract %slice3A_217[0] : f32 from vector<1xf32>
        %slice3A_219 = vector.extract_strided_slice %get3A_36 {offsets = [9], sizes = [1], strides = [1]} : vector<16xf32> to vector<1xf32>
        %squeeze3A_220 = vector.extract %slice3A_219[0] : f32 from vector<1xf32>
        %broadcast_in_dim3A_221 = vector.broadcast %squeeze3A_218 : f32 to vector<16xf32>
        %broadcast_in_dim3A_222 = vector.broadcast %squeeze3A_220 : f32 to vector<16xf32>
        %select_n3A_223 = arith.select %ge3A_165, %broadcast_in_dim3A_221, %broadcast_in_dim3A_222 : vector<16xi1>, vector<16xf32>
        %add3A_224 = arith.addf %gather3A_209, %gather3A_212 : vector<16xf32>
        %add3A_225 = arith.addf %add3A_224, %gather3A_216 : vector<16xf32>
        %mul3A_226 = arith.mulf %get3A_153, %select_n3A_223 : vector<16xf32>
        %add3A_227 = arith.addf %add3A_225, %mul3A_226 : vector<16xf32>
        %ge3A_228 = arith.constant 0.000000e+00 : f32
        %ge3A_229 = vector.broadcast %ge3A_228 : f32 to vector<16xf32>
        %ge3A_230 = arith.cmpf oge, %add3A_227, %ge3A_229 : vector<16xf32>
        %mul3A_231 = arith.constant 2.000000e-01 : f32
        %mul3A_232 = vector.broadcast %mul3A_231 : f32 to vector<16xf32>
        %mul3A_233 = arith.mulf %mul3A_232, %add3A_227 : vector<16xf32>
        %select_n3A_234 = arith.select %ge3A_230, %add3A_227, %mul3A_233 : vector<16xi1>, vector<16xf32>
        %add3A_235 = arith.constant 336 : i32
        %add3A_236 = vector.broadcast %add3A_235 : i32 to vector<16xi32>
        %add3A_237 = arith.addi %add3A_236, %add3A_162 : vector<16xi32>
        %gather3A_238 = tpu.vector_load_idx %arg16[%add3A_237] : memref<2704xf32, #tpu.memory_space<vmem>>[vector<16xi32>], vector<16xf32>,
        %sub3A_239 = arith.subf %select_n3A_234, %gather3A_238 : vector<16xf32>
        %exp3A_240 = math.exp %sub3A_239 : vector<16xf32>
        %jit3A_241 = arith.constant 0.000000e+00 : f32
        %broadcast_in_dim3A_242 = vector.broadcast %jit3A_241 : f32 to vector<16xf32>
        %select_n3A_243 = arith.select %lt3A_137, %exp3A_240, %broadcast_in_dim3A_242 : vector<16xi1>, vector<16xf32>
        %add3A_244 = arith.constant 336 : i32
        %add3A_245 = vector.broadcast %add3A_244 : i32 to vector<16xi32>
        %add3A_246 = arith.addi %add3A_245, %add3A_162 : vector<16xi32>
        tpu.vector_store_idx %arg17[%add3A_246], %select_n3A_243 {add = true} : memref<2704xf32, #tpu.memory_space<vmem>>[vector<16xi32>], vector<16xf32>,
        %add3A_247 = arith.constant 672 : i32
        %add3A_248 = vector.broadcast %add3A_247 : i32 to vector<16xi32>
        %add3A_249 = arith.addi %add3A_248, %add3A_162 : vector<16xi32>
        %gather3A_250 = tpu.vector_load_idx %arg15[%add3A_249] : memref<2688xf32, #tpu.memory_space<vmem>>[vector<16xi32>], vector<16xf32>,
        %broadcast_in_dim3A_251 = arith.constant 10 : i32
        %broadcast_in_dim3A_252 = vector.broadcast %broadcast_in_dim3A_251 : i32 to vector<16xi32>
        %gather3A_253 = tpu.vector_load_idx %arg24[%add3A_141, %broadcast_in_dim3A_252] : memref<512x32xf32, #tpu.memory_space<vmem>>[vector<16xi32>, vector<16xi32>], vector<16xf32>,
        %add3A_254 = arith.constant 2 : i32
        %add3A_255 = vector.broadcast %add3A_254 : i32 to vector<16xi32>
        %add3A_256 = arith.addi %mul3A_168, %add3A_255 : vector<16xi32>
        %gather3A_257 = tpu.vector_load_idx %arg14[%add3A_256] : memref<80xf32, #tpu.memory_space<vmem>>[vector<16xi32>], vector<16xf32>,
        %slice3A_258 = vector.extract_strided_slice %get3A_36 {offsets = [2], sizes = [1], strides = [1]} : vector<16xf32> to vector<1xf32>
        %squeeze3A_259 = vector.extract %slice3A_258[0] : f32 from vector<1xf32>
        %slice3A_260 = vector.extract_strided_slice %get3A_36 {offsets = [10], sizes = [1], strides = [1]} : vector<16xf32> to vector<1xf32>
        %squeeze3A_261 = vector.extract %slice3A_260[0] : f32 from vector<1xf32>
        %broadcast_in_dim3A_262 = vector.broadcast %squeeze3A_259 : f32 to vector<16xf32>
        %broadcast_in_dim3A_263 = vector.broadcast %squeeze3A_261 : f32 to vector<16xf32>
        %select_n3A_264 = arith.select %ge3A_165, %broadcast_in_dim3A_262, %broadcast_in_dim3A_263 : vector<16xi1>, vector<16xf32>
        %add3A_265 = arith.addf %gather3A_250, %gather3A_253 : vector<16xf32>
        %add3A_266 = arith.addf %add3A_265, %gather3A_257 : vector<16xf32>
        %mul3A_267 = arith.mulf %get3A_153, %select_n3A_264 : vector<16xf32>
        %add3A_268 = arith.addf %add3A_266, %mul3A_267 : vector<16xf32>
        %ge3A_269 = arith.constant 0.000000e+00 : f32
        %ge3A_270 = vector.broadcast %ge3A_269 : f32 to vector<16xf32>
        %ge3A_271 = arith.cmpf oge, %add3A_268, %ge3A_270 : vector<16xf32>
        %mul3A_272 = arith.constant 2.000000e-01 : f32
        %mul3A_273 = vector.broadcast %mul3A_272 : f32 to vector<16xf32>
        %mul3A_274 = arith.mulf %mul3A_273, %add3A_268 : vector<16xf32>
        %select_n3A_275 = arith.select %ge3A_271, %add3A_268, %mul3A_274 : vector<16xi1>, vector<16xf32>
        %add3A_276 = arith.constant 672 : i32
        %add3A_277 = vector.broadcast %add3A_276 : i32 to vector<16xi32>
        %add3A_278 = arith.addi %add3A_277, %add3A_162 : vector<16xi32>
        %gather3A_279 = tpu.vector_load_idx %arg16[%add3A_278] : memref<2704xf32, #tpu.memory_space<vmem>>[vector<16xi32>], vector<16xf32>,
        %sub3A_280 = arith.subf %select_n3A_275, %gather3A_279 : vector<16xf32>
        %exp3A_281 = math.exp %sub3A_280 : vector<16xf32>
        %jit3A_282 = arith.constant 0.000000e+00 : f32
        %broadcast_in_dim3A_283 = vector.broadcast %jit3A_282 : f32 to vector<16xf32>
        %select_n3A_284 = arith.select %lt3A_137, %exp3A_281, %broadcast_in_dim3A_283 : vector<16xi1>, vector<16xf32>
        %add3A_285 = arith.constant 672 : i32
        %add3A_286 = vector.broadcast %add3A_285 : i32 to vector<16xi32>
        %add3A_287 = arith.addi %add3A_286, %add3A_162 : vector<16xi32>
        tpu.vector_store_idx %arg17[%add3A_287], %select_n3A_284 {add = true} : memref<2704xf32, #tpu.memory_space<vmem>>[vector<16xi32>], vector<16xf32>,
        %add3A_288 = arith.constant 1008 : i32
        %add3A_289 = vector.broadcast %add3A_288 : i32 to vector<16xi32>
        %add3A_290 = arith.addi %add3A_289, %add3A_162 : vector<16xi32>
        %gather3A_291 = tpu.vector_load_idx %arg15[%add3A_290] : memref<2688xf32, #tpu.memory_space<vmem>>[vector<16xi32>], vector<16xf32>,
        %broadcast_in_dim3A_292 = arith.constant 11 : i32
        %broadcast_in_dim3A_293 = vector.broadcast %broadcast_in_dim3A_292 : i32 to vector<16xi32>
        %gather3A_294 = tpu.vector_load_idx %arg24[%add3A_141, %broadcast_in_dim3A_293] : memref<512x32xf32, #tpu.memory_space<vmem>>[vector<16xi32>, vector<16xi32>], vector<16xf32>,
        %add3A_295 = arith.constant 3 : i32
        %add3A_296 = vector.broadcast %add3A_295 : i32 to vector<16xi32>
        %add3A_297 = arith.addi %mul3A_168, %add3A_296 : vector<16xi32>
        %gather3A_298 = tpu.vector_load_idx %arg14[%add3A_297] : memref<80xf32, #tpu.memory_space<vmem>>[vector<16xi32>], vector<16xf32>,
        %slice3A_299 = vector.extract_strided_slice %get3A_36 {offsets = [3], sizes = [1], strides = [1]} : vector<16xf32> to vector<1xf32>
        %squeeze3A_300 = vector.extract %slice3A_299[0] : f32 from vector<1xf32>
        %slice3A_301 = vector.extract_strided_slice %get3A_36 {offsets = [11], sizes = [1], strides = [1]} : vector<16xf32> to vector<1xf32>
        %squeeze3A_302 = vector.extract %slice3A_301[0] : f32 from vector<1xf32>
        %broadcast_in_dim3A_303 = vector.broadcast %squeeze3A_300 : f32 to vector<16xf32>
        %broadcast_in_dim3A_304 = vector.broadcast %squeeze3A_302 : f32 to vector<16xf32>
        %select_n3A_305 = arith.select %ge3A_165, %broadcast_in_dim3A_303, %broadcast_in_dim3A_304 : vector<16xi1>, vector<16xf32>
        %add3A_306 = arith.addf %gather3A_291, %gather3A_294 : vector<16xf32>
        %add3A_307 = arith.addf %add3A_306, %gather3A_298 : vector<16xf32>
        %mul3A_308 = arith.mulf %get3A_153, %select_n3A_305 : vector<16xf32>
        %add3A_309 = arith.addf %add3A_307, %mul3A_308 : vector<16xf32>
        %ge3A_310 = arith.constant 0.000000e+00 : f32
        %ge3A_311 = vector.broadcast %ge3A_310 : f32 to vector<16xf32>
        %ge3A_312 = arith.cmpf oge, %add3A_309, %ge3A_311 : vector<16xf32>
        %mul3A_313 = arith.constant 2.000000e-01 : f32
        %mul3A_314 = vector.broadcast %mul3A_313 : f32 to vector<16xf32>
        %mul3A_315 = arith.mulf %mul3A_314, %add3A_309 : vector<16xf32>
        %select_n3A_316 = arith.select %ge3A_312, %add3A_309, %mul3A_315 : vector<16xi1>, vector<16xf32>
        %add3A_317 = arith.constant 1008 : i32
        %add3A_318 = vector.broadcast %add3A_317 : i32 to vector<16xi32>
        %add3A_319 = arith.addi %add3A_318, %add3A_162 : vector<16xi32>
        %gather3A_320 = tpu.vector_load_idx %arg16[%add3A_319] : memref<2704xf32, #tpu.memory_space<vmem>>[vector<16xi32>], vector<16xf32>,
        %sub3A_321 = arith.subf %select_n3A_316, %gather3A_320 : vector<16xf32>
        %exp3A_322 = math.exp %sub3A_321 : vector<16xf32>
        %jit3A_323 = arith.constant 0.000000e+00 : f32
        %broadcast_in_dim3A_324 = vector.broadcast %jit3A_323 : f32 to vector<16xf32>
        %select_n3A_325 = arith.select %lt3A_137, %exp3A_322, %broadcast_in_dim3A_324 : vector<16xi1>, vector<16xf32>
        %add3A_326 = arith.constant 1008 : i32
        %add3A_327 = vector.broadcast %add3A_326 : i32 to vector<16xi32>
        %add3A_328 = arith.addi %add3A_327, %add3A_162 : vector<16xi32>
        tpu.vector_store_idx %arg17[%add3A_328], %select_n3A_325 {add = true} : memref<2704xf32, #tpu.memory_space<vmem>>[vector<16xi32>], vector<16xf32>,
        %add3A_329 = arith.constant 1344 : i32
        %add3A_330 = vector.broadcast %add3A_329 : i32 to vector<16xi32>
        %add3A_331 = arith.addi %add3A_330, %add3A_162 : vector<16xi32>
        %gather3A_332 = tpu.vector_load_idx %arg15[%add3A_331] : memref<2688xf32, #tpu.memory_space<vmem>>[vector<16xi32>], vector<16xf32>,
        %broadcast_in_dim3A_333 = arith.constant 12 : i32
        %broadcast_in_dim3A_334 = vector.broadcast %broadcast_in_dim3A_333 : i32 to vector<16xi32>
        %gather3A_335 = tpu.vector_load_idx %arg24[%add3A_141, %broadcast_in_dim3A_334] : memref<512x32xf32, #tpu.memory_space<vmem>>[vector<16xi32>, vector<16xi32>], vector<16xf32>,
        %add3A_336 = arith.constant 4 : i32
        %add3A_337 = vector.broadcast %add3A_336 : i32 to vector<16xi32>
        %add3A_338 = arith.addi %mul3A_168, %add3A_337 : vector<16xi32>
        %gather3A_339 = tpu.vector_load_idx %arg14[%add3A_338] : memref<80xf32, #tpu.memory_space<vmem>>[vector<16xi32>], vector<16xf32>,
        %slice3A_340 = vector.extract_strided_slice %get3A_36 {offsets = [4], sizes = [1], strides = [1]} : vector<16xf32> to vector<1xf32>
        %squeeze3A_341 = vector.extract %slice3A_340[0] : f32 from vector<1xf32>
        %slice3A_342 = vector.extract_strided_slice %get3A_36 {offsets = [12], sizes = [1], strides = [1]} : vector<16xf32> to vector<1xf32>
        %squeeze3A_343 = vector.extract %slice3A_342[0] : f32 from vector<1xf32>
        %broadcast_in_dim3A_344 = vector.broadcast %squeeze3A_341 : f32 to vector<16xf32>
        %broadcast_in_dim3A_345 = vector.broadcast %squeeze3A_343 : f32 to vector<16xf32>
        %select_n3A_346 = arith.select %ge3A_165, %broadcast_in_dim3A_344, %broadcast_in_dim3A_345 : vector<16xi1>, vector<16xf32>
        %add3A_347 = arith.addf %gather3A_332, %gather3A_335 : vector<16xf32>
        %add3A_348 = arith.addf %add3A_347, %gather3A_339 : vector<16xf32>
        %mul3A_349 = arith.mulf %get3A_153, %select_n3A_346 : vector<16xf32>
        %add3A_350 = arith.addf %add3A_348, %mul3A_349 : vector<16xf32>
        %ge3A_351 = arith.constant 0.000000e+00 : f32
        %ge3A_352 = vector.broadcast %ge3A_351 : f32 to vector<16xf32>
        %ge3A_353 = arith.cmpf oge, %add3A_350, %ge3A_352 : vector<16xf32>
        %mul3A_354 = arith.constant 2.000000e-01 : f32
        %mul3A_355 = vector.broadcast %mul3A_354 : f32 to vector<16xf32>
        %mul3A_356 = arith.mulf %mul3A_355, %add3A_350 : vector<16xf32>
        %select_n3A_357 = arith.select %ge3A_353, %add3A_350, %mul3A_356 : vector<16xi1>, vector<16xf32>
        %add3A_358 = arith.constant 1344 : i32
        %add3A_359 = vector.broadcast %add3A_358 : i32 to vector<16xi32>
        %add3A_360 = arith.addi %add3A_359, %add3A_162 : vector<16xi32>
        %gather3A_361 = tpu.vector_load_idx %arg16[%add3A_360] : memref<2704xf32, #tpu.memory_space<vmem>>[vector<16xi32>], vector<16xf32>,
        %sub3A_362 = arith.subf %select_n3A_357, %gather3A_361 : vector<16xf32>
        %exp3A_363 = math.exp %sub3A_362 : vector<16xf32>
        %jit3A_364 = arith.constant 0.000000e+00 : f32
        %broadcast_in_dim3A_365 = vector.broadcast %jit3A_364 : f32 to vector<16xf32>
        %select_n3A_366 = arith.select %lt3A_137, %exp3A_363, %broadcast_in_dim3A_365 : vector<16xi1>, vector<16xf32>
        %add3A_367 = arith.constant 1344 : i32
        %add3A_368 = vector.broadcast %add3A_367 : i32 to vector<16xi32>
        %add3A_369 = arith.addi %add3A_368, %add3A_162 : vector<16xi32>
        tpu.vector_store_idx %arg17[%add3A_369], %select_n3A_366 {add = true} : memref<2704xf32, #tpu.memory_space<vmem>>[vector<16xi32>], vector<16xf32>,
        %add3A_370 = arith.constant 1680 : i32
        %add3A_371 = vector.broadcast %add3A_370 : i32 to vector<16xi32>
        %add3A_372 = arith.addi %add3A_371, %add3A_162 : vector<16xi32>
        %gather3A_373 = tpu.vector_load_idx %arg15[%add3A_372] : memref<2688xf32, #tpu.memory_space<vmem>>[vector<16xi32>], vector<16xf32>,
        %broadcast_in_dim3A_374 = arith.constant 13 : i32
        %broadcast_in_dim3A_375 = vector.broadcast %broadcast_in_dim3A_374 : i32 to vector<16xi32>
        %gather3A_376 = tpu.vector_load_idx %arg24[%add3A_141, %broadcast_in_dim3A_375] : memref<512x32xf32, #tpu.memory_space<vmem>>[vector<16xi32>, vector<16xi32>], vector<16xf32>,
        %add3A_377 = arith.constant 5 : i32
        %add3A_378 = vector.broadcast %add3A_377 : i32 to vector<16xi32>
        %add3A_379 = arith.addi %mul3A_168, %add3A_378 : vector<16xi32>
        %gather3A_380 = tpu.vector_load_idx %arg14[%add3A_379] : memref<80xf32, #tpu.memory_space<vmem>>[vector<16xi32>], vector<16xf32>,
        %slice3A_381 = vector.extract_strided_slice %get3A_36 {offsets = [5], sizes = [1], strides = [1]} : vector<16xf32> to vector<1xf32>
        %squeeze3A_382 = vector.extract %slice3A_381[0] : f32 from vector<1xf32>
        %slice3A_383 = vector.extract_strided_slice %get3A_36 {offsets = [13], sizes = [1], strides = [1]} : vector<16xf32> to vector<1xf32>
        %squeeze3A_384 = vector.extract %slice3A_383[0] : f32 from vector<1xf32>
        %broadcast_in_dim3A_385 = vector.broadcast %squeeze3A_382 : f32 to vector<16xf32>
        %broadcast_in_dim3A_386 = vector.broadcast %squeeze3A_384 : f32 to vector<16xf32>
        %select_n3A_387 = arith.select %ge3A_165, %broadcast_in_dim3A_385, %broadcast_in_dim3A_386 : vector<16xi1>, vector<16xf32>
        %add3A_388 = arith.addf %gather3A_373, %gather3A_376 : vector<16xf32>
        %add3A_389 = arith.addf %add3A_388, %gather3A_380 : vector<16xf32>
        %mul3A_390 = arith.mulf %get3A_153, %select_n3A_387 : vector<16xf32>
        %add3A_391 = arith.addf %add3A_389, %mul3A_390 : vector<16xf32>
        %ge3A_392 = arith.constant 0.000000e+00 : f32
        %ge3A_393 = vector.broadcast %ge3A_392 : f32 to vector<16xf32>
        %ge3A_394 = arith.cmpf oge, %add3A_391, %ge3A_393 : vector<16xf32>
        %mul3A_395 = arith.constant 2.000000e-01 : f32
        %mul3A_396 = vector.broadcast %mul3A_395 : f32 to vector<16xf32>
        %mul3A_397 = arith.mulf %mul3A_396, %add3A_391 : vector<16xf32>
        %select_n3A_398 = arith.select %ge3A_394, %add3A_391, %mul3A_397 : vector<16xi1>, vector<16xf32>
        %add3A_399 = arith.constant 1680 : i32
        %add3A_400 = vector.broadcast %add3A_399 : i32 to vector<16xi32>
        %add3A_401 = arith.addi %add3A_400, %add3A_162 : vector<16xi32>
        %gather3A_402 = tpu.vector_load_idx %arg16[%add3A_401] : memref<2704xf32, #tpu.memory_space<vmem>>[vector<16xi32>], vector<16xf32>,
        %sub3A_403 = arith.subf %select_n3A_398, %gather3A_402 : vector<16xf32>
        %exp3A_404 = math.exp %sub3A_403 : vector<16xf32>
        %jit3A_405 = arith.constant 0.000000e+00 : f32
        %broadcast_in_dim3A_406 = vector.broadcast %jit3A_405 : f32 to vector<16xf32>
        %select_n3A_407 = arith.select %lt3A_137, %exp3A_404, %broadcast_in_dim3A_406 : vector<16xi1>, vector<16xf32>
        %add3A_408 = arith.constant 1680 : i32
        %add3A_409 = vector.broadcast %add3A_408 : i32 to vector<16xi32>
        %add3A_410 = arith.addi %add3A_409, %add3A_162 : vector<16xi32>
        tpu.vector_store_idx %arg17[%add3A_410], %select_n3A_407 {add = true} : memref<2704xf32, #tpu.memory_space<vmem>>[vector<16xi32>], vector<16xf32>,
        %add3A_411 = arith.constant 2016 : i32
        %add3A_412 = vector.broadcast %add3A_411 : i32 to vector<16xi32>
        %add3A_413 = arith.addi %add3A_412, %add3A_162 : vector<16xi32>
        %gather3A_414 = tpu.vector_load_idx %arg15[%add3A_413] : memref<2688xf32, #tpu.memory_space<vmem>>[vector<16xi32>], vector<16xf32>,
        %broadcast_in_dim3A_415 = arith.constant 14 : i32
        %broadcast_in_dim3A_416 = vector.broadcast %broadcast_in_dim3A_415 : i32 to vector<16xi32>
        %gather3A_417 = tpu.vector_load_idx %arg24[%add3A_141, %broadcast_in_dim3A_416] : memref<512x32xf32, #tpu.memory_space<vmem>>[vector<16xi32>, vector<16xi32>], vector<16xf32>,
        %add3A_418 = arith.constant 6 : i32
        %add3A_419 = vector.broadcast %add3A_418 : i32 to vector<16xi32>
        %add3A_420 = arith.addi %mul3A_168, %add3A_419 : vector<16xi32>
        %gather3A_421 = tpu.vector_load_idx %arg14[%add3A_420] : memref<80xf32, #tpu.memory_space<vmem>>[vector<16xi32>], vector<16xf32>,
        %slice3A_422 = vector.extract_strided_slice %get3A_36 {offsets = [6], sizes = [1], strides = [1]} : vector<16xf32> to vector<1xf32>
        %squeeze3A_423 = vector.extract %slice3A_422[0] : f32 from vector<1xf32>
        %slice3A_424 = vector.extract_strided_slice %get3A_36 {offsets = [14], sizes = [1], strides = [1]} : vector<16xf32> to vector<1xf32>
        %squeeze3A_425 = vector.extract %slice3A_424[0] : f32 from vector<1xf32>
        %broadcast_in_dim3A_426 = vector.broadcast %squeeze3A_423 : f32 to vector<16xf32>
        %broadcast_in_dim3A_427 = vector.broadcast %squeeze3A_425 : f32 to vector<16xf32>
        %select_n3A_428 = arith.select %ge3A_165, %broadcast_in_dim3A_426, %broadcast_in_dim3A_427 : vector<16xi1>, vector<16xf32>
        %add3A_429 = arith.addf %gather3A_414, %gather3A_417 : vector<16xf32>
        %add3A_430 = arith.addf %add3A_429, %gather3A_421 : vector<16xf32>
        %mul3A_431 = arith.mulf %get3A_153, %select_n3A_428 : vector<16xf32>
        %add3A_432 = arith.addf %add3A_430, %mul3A_431 : vector<16xf32>
        %ge3A_433 = arith.constant 0.000000e+00 : f32
        %ge3A_434 = vector.broadcast %ge3A_433 : f32 to vector<16xf32>
        %ge3A_435 = arith.cmpf oge, %add3A_432, %ge3A_434 : vector<16xf32>
        %mul3A_436 = arith.constant 2.000000e-01 : f32
        %mul3A_437 = vector.broadcast %mul3A_436 : f32 to vector<16xf32>
        %mul3A_438 = arith.mulf %mul3A_437, %add3A_432 : vector<16xf32>
        %select_n3A_439 = arith.select %ge3A_435, %add3A_432, %mul3A_438 : vector<16xi1>, vector<16xf32>
        %add3A_440 = arith.constant 2016 : i32
        %add3A_441 = vector.broadcast %add3A_440 : i32 to vector<16xi32>
        %add3A_442 = arith.addi %add3A_441, %add3A_162 : vector<16xi32>
        %gather3A_443 = tpu.vector_load_idx %arg16[%add3A_442] : memref<2704xf32, #tpu.memory_space<vmem>>[vector<16xi32>], vector<16xf32>,
        %sub3A_444 = arith.subf %select_n3A_439, %gather3A_443 : vector<16xf32>
        %exp3A_445 = math.exp %sub3A_444 : vector<16xf32>
        %jit3A_446 = arith.constant 0.000000e+00 : f32
        %broadcast_in_dim3A_447 = vector.broadcast %jit3A_446 : f32 to vector<16xf32>
        %select_n3A_448 = arith.select %lt3A_137, %exp3A_445, %broadcast_in_dim3A_447 : vector<16xi1>, vector<16xf32>
        %add3A_449 = arith.constant 2016 : i32
        %add3A_450 = vector.broadcast %add3A_449 : i32 to vector<16xi32>
        %add3A_451 = arith.addi %add3A_450, %add3A_162 : vector<16xi32>
        tpu.vector_store_idx %arg17[%add3A_451], %select_n3A_448 {add = true} : memref<2704xf32, #tpu.memory_space<vmem>>[vector<16xi32>], vector<16xf32>,
        %add3A_452 = arith.constant 2352 : i32
        %add3A_453 = vector.broadcast %add3A_452 : i32 to vector<16xi32>
        %add3A_454 = arith.addi %add3A_453, %add3A_162 : vector<16xi32>
        %gather3A_455 = tpu.vector_load_idx %arg15[%add3A_454] : memref<2688xf32, #tpu.memory_space<vmem>>[vector<16xi32>], vector<16xf32>,
        %broadcast_in_dim3A_456 = arith.constant 15 : i32
        %broadcast_in_dim3A_457 = vector.broadcast %broadcast_in_dim3A_456 : i32 to vector<16xi32>
        %gather3A_458 = tpu.vector_load_idx %arg24[%add3A_141, %broadcast_in_dim3A_457] : memref<512x32xf32, #tpu.memory_space<vmem>>[vector<16xi32>, vector<16xi32>], vector<16xf32>,
        %add3A_459 = arith.constant 7 : i32
        %add3A_460 = vector.broadcast %add3A_459 : i32 to vector<16xi32>
        %add3A_461 = arith.addi %mul3A_168, %add3A_460 : vector<16xi32>
        %gather3A_462 = tpu.vector_load_idx %arg14[%add3A_461] : memref<80xf32, #tpu.memory_space<vmem>>[vector<16xi32>], vector<16xf32>,
        %slice3A_463 = vector.extract_strided_slice %get3A_36 {offsets = [7], sizes = [1], strides = [1]} : vector<16xf32> to vector<1xf32>
        %squeeze3A_464 = vector.extract %slice3A_463[0] : f32 from vector<1xf32>
        %slice3A_465 = vector.extract_strided_slice %get3A_36 {offsets = [15], sizes = [1], strides = [1]} : vector<16xf32> to vector<1xf32>
        %squeeze3A_466 = vector.extract %slice3A_465[0] : f32 from vector<1xf32>
        %broadcast_in_dim3A_467 = vector.broadcast %squeeze3A_464 : f32 to vector<16xf32>
        %broadcast_in_dim3A_468 = vector.broadcast %squeeze3A_466 : f32 to vector<16xf32>
        %select_n3A_469 = arith.select %ge3A_165, %broadcast_in_dim3A_467, %broadcast_in_dim3A_468 : vector<16xi1>, vector<16xf32>
        %add3A_470 = arith.addf %gather3A_455, %gather3A_458 : vector<16xf32>
        %add3A_471 = arith.addf %add3A_470, %gather3A_462 : vector<16xf32>
        %mul3A_472 = arith.mulf %get3A_153, %select_n3A_469 : vector<16xf32>
        %add3A_473 = arith.addf %add3A_471, %mul3A_472 : vector<16xf32>
        %ge3A_474 = arith.constant 0.000000e+00 : f32
        %ge3A_475 = vector.broadcast %ge3A_474 : f32 to vector<16xf32>
        %ge3A_476 = arith.cmpf oge, %add3A_473, %ge3A_475 : vector<16xf32>
        %mul3A_477 = arith.constant 2.000000e-01 : f32
        %mul3A_478 = vector.broadcast %mul3A_477 : f32 to vector<16xf32>
        %mul3A_479 = arith.mulf %mul3A_478, %add3A_473 : vector<16xf32>
        %select_n3A_480 = arith.select %ge3A_476, %add3A_473, %mul3A_479 : vector<16xi1>, vector<16xf32>
        %add3A_481 = arith.constant 2352 : i32
        %add3A_482 = vector.broadcast %add3A_481 : i32 to vector<16xi32>
        %add3A_483 = arith.addi %add3A_482, %add3A_162 : vector<16xi32>
        %gather3A_484 = tpu.vector_load_idx %arg16[%add3A_483] : memref<2704xf32, #tpu.memory_space<vmem>>[vector<16xi32>], vector<16xf32>,
        %sub3A_485 = arith.subf %select_n3A_480, %gather3A_484 : vector<16xf32>
        %exp3A_486 = math.exp %sub3A_485 : vector<16xf32>
        %jit3A_487 = arith.constant 0.000000e+00 : f32
        %broadcast_in_dim3A_488 = vector.broadcast %jit3A_487 : f32 to vector<16xf32>
        %select_n3A_489 = arith.select %lt3A_137, %exp3A_486, %broadcast_in_dim3A_488 : vector<16xi1>, vector<16xf32>
        %add3A_490 = arith.constant 2352 : i32
        %add3A_491 = vector.broadcast %add3A_490 : i32 to vector<16xi32>
        %add3A_492 = arith.addi %add3A_491, %add3A_162 : vector<16xi32>
        tpu.vector_store_idx %arg17[%add3A_492], %select_n3A_489 {add = true} : memref<2704xf32, #tpu.memory_space<vmem>>[vector<16xi32>], vector<16xf32>,
        %broadcast_in_dim3A_493 = arith.constant 16 : i32
        %broadcast_in_dim3A_494 = vector.broadcast %broadcast_in_dim3A_493 : i32 to vector<16xi32>
        %gather3A_495 = tpu.vector_load_idx %arg24[%add3A_141, %broadcast_in_dim3A_494] : memref<512x32xf32, #tpu.memory_space<vmem>>[vector<16xi32>, vector<16xi32>], vector<16xf32>,
        %slice3A_496 = vector.extract_strided_slice %get3A_38 {offsets = [0], sizes = [1], strides = [1]} : vector<16xf32> to vector<1xf32>
        %squeeze3A_497 = vector.extract %slice3A_496[0] : f32 from vector<1xf32>
        %slice3A_498 = vector.extract_strided_slice %get3A_40 {offsets = [0], sizes = [1], strides = [1]} : vector<16xf32> to vector<1xf32>
        %squeeze3A_499 = vector.extract %slice3A_498[0] : f32 from vector<1xf32>
        %broadcast_in_dim3A_500 = vector.broadcast %squeeze3A_497 : f32 to vector<16xf32>
        %broadcast_in_dim3A_501 = vector.broadcast %squeeze3A_499 : f32 to vector<16xf32>
        %select_n3A_502 = arith.select %ge3A_165, %broadcast_in_dim3A_500, %broadcast_in_dim3A_501 : vector<16xi1>, vector<16xf32>
        %mul3A_503 = arith.mulf %get3A_153, %select_n3A_502 : vector<16xf32>
        %add3A_504 = arith.addf %gather3A_495, %mul3A_503 : vector<16xf32>
        %add3A_505 = arith.constant 0 : i32
        %add3A_506 = vector.broadcast %add3A_505 : i32 to vector<16xi32>
        %add3A_507 = arith.addi %add3A_162, %add3A_506 : vector<16xi32>
        %mul3A_508 = arith.mulf %select_n3A_202, %add3A_504 : vector<16xf32>
        tpu.vector_store_idx %arg18[%add3A_507], %mul3A_508 {add = true} : memref<43008xf32, #tpu.memory_space<vmem>>[vector<16xi32>], vector<16xf32>,
        %add3A_509 = arith.constant 5376 : i32
        %add3A_510 = vector.broadcast %add3A_509 : i32 to vector<16xi32>
        %add3A_511 = arith.addi %add3A_162, %add3A_510 : vector<16xi32>
        %mul3A_512 = arith.mulf %select_n3A_243, %add3A_504 : vector<16xf32>
        tpu.vector_store_idx %arg18[%add3A_511], %mul3A_512 {add = true} : memref<43008xf32, #tpu.memory_space<vmem>>[vector<16xi32>], vector<16xf32>,
        %add3A_513 = arith.constant 10752 : i32
        %add3A_514 = vector.broadcast %add3A_513 : i32 to vector<16xi32>
        %add3A_515 = arith.addi %add3A_162, %add3A_514 : vector<16xi32>
        %mul3A_516 = arith.mulf %select_n3A_284, %add3A_504 : vector<16xf32>
        tpu.vector_store_idx %arg18[%add3A_515], %mul3A_516 {add = true} : memref<43008xf32, #tpu.memory_space<vmem>>[vector<16xi32>], vector<16xf32>,
        %add3A_517 = arith.constant 16128 : i32
        %add3A_518 = vector.broadcast %add3A_517 : i32 to vector<16xi32>
        %add3A_519 = arith.addi %add3A_162, %add3A_518 : vector<16xi32>
        %mul3A_520 = arith.mulf %select_n3A_325, %add3A_504 : vector<16xf32>
        tpu.vector_store_idx %arg18[%add3A_519], %mul3A_520 {add = true} : memref<43008xf32, #tpu.memory_space<vmem>>[vector<16xi32>], vector<16xf32>,
        %add3A_521 = arith.constant 21504 : i32
        %add3A_522 = vector.broadcast %add3A_521 : i32 to vector<16xi32>
        %add3A_523 = arith.addi %add3A_162, %add3A_522 : vector<16xi32>
        %mul3A_524 = arith.mulf %select_n3A_366, %add3A_504 : vector<16xf32>
        tpu.vector_store_idx %arg18[%add3A_523], %mul3A_524 {add = true} : memref<43008xf32, #tpu.memory_space<vmem>>[vector<16xi32>], vector<16xf32>,
        %add3A_525 = arith.constant 26880 : i32
        %add3A_526 = vector.broadcast %add3A_525 : i32 to vector<16xi32>
        %add3A_527 = arith.addi %add3A_162, %add3A_526 : vector<16xi32>
        %mul3A_528 = arith.mulf %select_n3A_407, %add3A_504 : vector<16xf32>
        tpu.vector_store_idx %arg18[%add3A_527], %mul3A_528 {add = true} : memref<43008xf32, #tpu.memory_space<vmem>>[vector<16xi32>], vector<16xf32>,
        %add3A_529 = arith.constant 32256 : i32
        %add3A_530 = vector.broadcast %add3A_529 : i32 to vector<16xi32>
        %add3A_531 = arith.addi %add3A_162, %add3A_530 : vector<16xi32>
        %mul3A_532 = arith.mulf %select_n3A_448, %add3A_504 : vector<16xf32>
        tpu.vector_store_idx %arg18[%add3A_531], %mul3A_532 {add = true} : memref<43008xf32, #tpu.memory_space<vmem>>[vector<16xi32>], vector<16xf32>,
        %add3A_533 = arith.constant 37632 : i32
        %add3A_534 = vector.broadcast %add3A_533 : i32 to vector<16xi32>
        %add3A_535 = arith.addi %add3A_162, %add3A_534 : vector<16xi32>
        %mul3A_536 = arith.mulf %select_n3A_489, %add3A_504 : vector<16xf32>
        tpu.vector_store_idx %arg18[%add3A_535], %mul3A_536 {add = true} : memref<43008xf32, #tpu.memory_space<vmem>>[vector<16xi32>], vector<16xf32>,
        %broadcast_in_dim3A_537 = arith.constant 17 : i32
        %broadcast_in_dim3A_538 = vector.broadcast %broadcast_in_dim3A_537 : i32 to vector<16xi32>
        %gather3A_539 = tpu.vector_load_idx %arg24[%add3A_141, %broadcast_in_dim3A_538] : memref<512x32xf32, #tpu.memory_space<vmem>>[vector<16xi32>, vector<16xi32>], vector<16xf32>,
        %slice3A_540 = vector.extract_strided_slice %get3A_38 {offsets = [1], sizes = [1], strides = [1]} : vector<16xf32> to vector<1xf32>
        %squeeze3A_541 = vector.extract %slice3A_540[0] : f32 from vector<1xf32>
        %slice3A_542 = vector.extract_strided_slice %get3A_40 {offsets = [1], sizes = [1], strides = [1]} : vector<16xf32> to vector<1xf32>
        %squeeze3A_543 = vector.extract %slice3A_542[0] : f32 from vector<1xf32>
        %broadcast_in_dim3A_544 = vector.broadcast %squeeze3A_541 : f32 to vector<16xf32>
        %broadcast_in_dim3A_545 = vector.broadcast %squeeze3A_543 : f32 to vector<16xf32>
        %select_n3A_546 = arith.select %ge3A_165, %broadcast_in_dim3A_544, %broadcast_in_dim3A_545 : vector<16xi1>, vector<16xf32>
        %mul3A_547 = arith.mulf %get3A_153, %select_n3A_546 : vector<16xf32>
        %add3A_548 = arith.addf %gather3A_539, %mul3A_547 : vector<16xf32>
        %add3A_549 = arith.constant 336 : i32
        %add3A_550 = vector.broadcast %add3A_549 : i32 to vector<16xi32>
        %add3A_551 = arith.addi %add3A_162, %add3A_550 : vector<16xi32>
        %mul3A_552 = arith.mulf %select_n3A_202, %add3A_548 : vector<16xf32>
        tpu.vector_store_idx %arg18[%add3A_551], %mul3A_552 {add = true} : memref<43008xf32, #tpu.memory_space<vmem>>[vector<16xi32>], vector<16xf32>,
        %add3A_553 = arith.constant 5712 : i32
        %add3A_554 = vector.broadcast %add3A_553 : i32 to vector<16xi32>
        %add3A_555 = arith.addi %add3A_162, %add3A_554 : vector<16xi32>
        %mul3A_556 = arith.mulf %select_n3A_243, %add3A_548 : vector<16xf32>
        tpu.vector_store_idx %arg18[%add3A_555], %mul3A_556 {add = true} : memref<43008xf32, #tpu.memory_space<vmem>>[vector<16xi32>], vector<16xf32>,
        %add3A_557 = arith.constant 11088 : i32
        %add3A_558 = vector.broadcast %add3A_557 : i32 to vector<16xi32>
        %add3A_559 = arith.addi %add3A_162, %add3A_558 : vector<16xi32>
        %mul3A_560 = arith.mulf %select_n3A_284, %add3A_548 : vector<16xf32>
        tpu.vector_store_idx %arg18[%add3A_559], %mul3A_560 {add = true} : memref<43008xf32, #tpu.memory_space<vmem>>[vector<16xi32>], vector<16xf32>,
        %add3A_561 = arith.constant 16464 : i32
        %add3A_562 = vector.broadcast %add3A_561 : i32 to vector<16xi32>
        %add3A_563 = arith.addi %add3A_162, %add3A_562 : vector<16xi32>
        %mul3A_564 = arith.mulf %select_n3A_325, %add3A_548 : vector<16xf32>
        tpu.vector_store_idx %arg18[%add3A_563], %mul3A_564 {add = true} : memref<43008xf32, #tpu.memory_space<vmem>>[vector<16xi32>], vector<16xf32>,
        %add3A_565 = arith.constant 21840 : i32
        %add3A_566 = vector.broadcast %add3A_565 : i32 to vector<16xi32>
        %add3A_567 = arith.addi %add3A_162, %add3A_566 : vector<16xi32>
        %mul3A_568 = arith.mulf %select_n3A_366, %add3A_548 : vector<16xf32>
        tpu.vector_store_idx %arg18[%add3A_567], %mul3A_568 {add = true} : memref<43008xf32, #tpu.memory_space<vmem>>[vector<16xi32>], vector<16xf32>,
        %add3A_569 = arith.constant 27216 : i32
        %add3A_570 = vector.broadcast %add3A_569 : i32 to vector<16xi32>
        %add3A_571 = arith.addi %add3A_162, %add3A_570 : vector<16xi32>
        %mul3A_572 = arith.mulf %select_n3A_407, %add3A_548 : vector<16xf32>
        tpu.vector_store_idx %arg18[%add3A_571], %mul3A_572 {add = true} : memref<43008xf32, #tpu.memory_space<vmem>>[vector<16xi32>], vector<16xf32>,
        %add3A_573 = arith.constant 32592 : i32
        %add3A_574 = vector.broadcast %add3A_573 : i32 to vector<16xi32>
        %add3A_575 = arith.addi %add3A_162, %add3A_574 : vector<16xi32>
        %mul3A_576 = arith.mulf %select_n3A_448, %add3A_548 : vector<16xf32>
        tpu.vector_store_idx %arg18[%add3A_575], %mul3A_576 {add = true} : memref<43008xf32, #tpu.memory_space<vmem>>[vector<16xi32>], vector<16xf32>,
        %add3A_577 = arith.constant 37968 : i32
        %add3A_578 = vector.broadcast %add3A_577 : i32 to vector<16xi32>
        %add3A_579 = arith.addi %add3A_162, %add3A_578 : vector<16xi32>
        %mul3A_580 = arith.mulf %select_n3A_489, %add3A_548 : vector<16xf32>
        tpu.vector_store_idx %arg18[%add3A_579], %mul3A_580 {add = true} : memref<43008xf32, #tpu.memory_space<vmem>>[vector<16xi32>], vector<16xf32>,
        %broadcast_in_dim3A_581 = arith.constant 18 : i32
        %broadcast_in_dim3A_582 = vector.broadcast %broadcast_in_dim3A_581 : i32 to vector<16xi32>
        %gather3A_583 = tpu.vector_load_idx %arg24[%add3A_141, %broadcast_in_dim3A_582] : memref<512x32xf32, #tpu.memory_space<vmem>>[vector<16xi32>, vector<16xi32>], vector<16xf32>,
        %slice3A_584 = vector.extract_strided_slice %get3A_38 {offsets = [2], sizes = [1], strides = [1]} : vector<16xf32> to vector<1xf32>
        %squeeze3A_585 = vector.extract %slice3A_584[0] : f32 from vector<1xf32>
        %slice3A_586 = vector.extract_strided_slice %get3A_40 {offsets = [2], sizes = [1], strides = [1]} : vector<16xf32> to vector<1xf32>
        %squeeze3A_587 = vector.extract %slice3A_586[0] : f32 from vector<1xf32>
        %broadcast_in_dim3A_588 = vector.broadcast %squeeze3A_585 : f32 to vector<16xf32>
        %broadcast_in_dim3A_589 = vector.broadcast %squeeze3A_587 : f32 to vector<16xf32>
        %select_n3A_590 = arith.select %ge3A_165, %broadcast_in_dim3A_588, %broadcast_in_dim3A_589 : vector<16xi1>, vector<16xf32>
        %mul3A_591 = arith.mulf %get3A_153, %select_n3A_590 : vector<16xf32>
        %add3A_592 = arith.addf %gather3A_583, %mul3A_591 : vector<16xf32>
        %add3A_593 = arith.constant 672 : i32
        %add3A_594 = vector.broadcast %add3A_593 : i32 to vector<16xi32>
        %add3A_595 = arith.addi %add3A_162, %add3A_594 : vector<16xi32>
        %mul3A_596 = arith.mulf %select_n3A_202, %add3A_592 : vector<16xf32>
        tpu.vector_store_idx %arg18[%add3A_595], %mul3A_596 {add = true} : memref<43008xf32, #tpu.memory_space<vmem>>[vector<16xi32>], vector<16xf32>,
        %add3A_597 = arith.constant 6048 : i32
        %add3A_598 = vector.broadcast %add3A_597 : i32 to vector<16xi32>
        %add3A_599 = arith.addi %add3A_162, %add3A_598 : vector<16xi32>
        %mul3A_600 = arith.mulf %select_n3A_243, %add3A_592 : vector<16xf32>
        tpu.vector_store_idx %arg18[%add3A_599], %mul3A_600 {add = true} : memref<43008xf32, #tpu.memory_space<vmem>>[vector<16xi32>], vector<16xf32>,
        %add3A_601 = arith.constant 11424 : i32
        %add3A_602 = vector.broadcast %add3A_601 : i32 to vector<16xi32>
        %add3A_603 = arith.addi %add3A_162, %add3A_602 : vector<16xi32>
        %mul3A_604 = arith.mulf %select_n3A_284, %add3A_592 : vector<16xf32>
        tpu.vector_store_idx %arg18[%add3A_603], %mul3A_604 {add = true} : memref<43008xf32, #tpu.memory_space<vmem>>[vector<16xi32>], vector<16xf32>,
        %add3A_605 = arith.constant 16800 : i32
        %add3A_606 = vector.broadcast %add3A_605 : i32 to vector<16xi32>
        %add3A_607 = arith.addi %add3A_162, %add3A_606 : vector<16xi32>
        %mul3A_608 = arith.mulf %select_n3A_325, %add3A_592 : vector<16xf32>
        tpu.vector_store_idx %arg18[%add3A_607], %mul3A_608 {add = true} : memref<43008xf32, #tpu.memory_space<vmem>>[vector<16xi32>], vector<16xf32>,
        %add3A_609 = arith.constant 22176 : i32
        %add3A_610 = vector.broadcast %add3A_609 : i32 to vector<16xi32>
        %add3A_611 = arith.addi %add3A_162, %add3A_610 : vector<16xi32>
        %mul3A_612 = arith.mulf %select_n3A_366, %add3A_592 : vector<16xf32>
        tpu.vector_store_idx %arg18[%add3A_611], %mul3A_612 {add = true} : memref<43008xf32, #tpu.memory_space<vmem>>[vector<16xi32>], vector<16xf32>,
        %add3A_613 = arith.constant 27552 : i32
        %add3A_614 = vector.broadcast %add3A_613 : i32 to vector<16xi32>
        %add3A_615 = arith.addi %add3A_162, %add3A_614 : vector<16xi32>
        %mul3A_616 = arith.mulf %select_n3A_407, %add3A_592 : vector<16xf32>
        tpu.vector_store_idx %arg18[%add3A_615], %mul3A_616 {add = true} : memref<43008xf32, #tpu.memory_space<vmem>>[vector<16xi32>], vector<16xf32>,
        %add3A_617 = arith.constant 32928 : i32
        %add3A_618 = vector.broadcast %add3A_617 : i32 to vector<16xi32>
        %add3A_619 = arith.addi %add3A_162, %add3A_618 : vector<16xi32>
        %mul3A_620 = arith.mulf %select_n3A_448, %add3A_592 : vector<16xf32>
        tpu.vector_store_idx %arg18[%add3A_619], %mul3A_620 {add = true} : memref<43008xf32, #tpu.memory_space<vmem>>[vector<16xi32>], vector<16xf32>,
        %add3A_621 = arith.constant 38304 : i32
        %add3A_622 = vector.broadcast %add3A_621 : i32 to vector<16xi32>
        %add3A_623 = arith.addi %add3A_162, %add3A_622 : vector<16xi32>
        %mul3A_624 = arith.mulf %select_n3A_489, %add3A_592 : vector<16xf32>
        tpu.vector_store_idx %arg18[%add3A_623], %mul3A_624 {add = true} : memref<43008xf32, #tpu.memory_space<vmem>>[vector<16xi32>], vector<16xf32>,
        %broadcast_in_dim3A_625 = arith.constant 19 : i32
        %broadcast_in_dim3A_626 = vector.broadcast %broadcast_in_dim3A_625 : i32 to vector<16xi32>
        %gather3A_627 = tpu.vector_load_idx %arg24[%add3A_141, %broadcast_in_dim3A_626] : memref<512x32xf32, #tpu.memory_space<vmem>>[vector<16xi32>, vector<16xi32>], vector<16xf32>,
        %slice3A_628 = vector.extract_strided_slice %get3A_38 {offsets = [3], sizes = [1], strides = [1]} : vector<16xf32> to vector<1xf32>
        %squeeze3A_629 = vector.extract %slice3A_628[0] : f32 from vector<1xf32>
        %slice3A_630 = vector.extract_strided_slice %get3A_40 {offsets = [3], sizes = [1], strides = [1]} : vector<16xf32> to vector<1xf32>
        %squeeze3A_631 = vector.extract %slice3A_630[0] : f32 from vector<1xf32>
        %broadcast_in_dim3A_632 = vector.broadcast %squeeze3A_629 : f32 to vector<16xf32>
        %broadcast_in_dim3A_633 = vector.broadcast %squeeze3A_631 : f32 to vector<16xf32>
        %select_n3A_634 = arith.select %ge3A_165, %broadcast_in_dim3A_632, %broadcast_in_dim3A_633 : vector<16xi1>, vector<16xf32>
        %mul3A_635 = arith.mulf %get3A_153, %select_n3A_634 : vector<16xf32>
        %add3A_636 = arith.addf %gather3A_627, %mul3A_635 : vector<16xf32>
        %add3A_637 = arith.constant 1008 : i32
        %add3A_638 = vector.broadcast %add3A_637 : i32 to vector<16xi32>
        %add3A_639 = arith.addi %add3A_162, %add3A_638 : vector<16xi32>
        %mul3A_640 = arith.mulf %select_n3A_202, %add3A_636 : vector<16xf32>
        tpu.vector_store_idx %arg18[%add3A_639], %mul3A_640 {add = true} : memref<43008xf32, #tpu.memory_space<vmem>>[vector<16xi32>], vector<16xf32>,
        %add3A_641 = arith.constant 6384 : i32
        %add3A_642 = vector.broadcast %add3A_641 : i32 to vector<16xi32>
        %add3A_643 = arith.addi %add3A_162, %add3A_642 : vector<16xi32>
        %mul3A_644 = arith.mulf %select_n3A_243, %add3A_636 : vector<16xf32>
        tpu.vector_store_idx %arg18[%add3A_643], %mul3A_644 {add = true} : memref<43008xf32, #tpu.memory_space<vmem>>[vector<16xi32>], vector<16xf32>,
        %add3A_645 = arith.constant 11760 : i32
        %add3A_646 = vector.broadcast %add3A_645 : i32 to vector<16xi32>
        %add3A_647 = arith.addi %add3A_162, %add3A_646 : vector<16xi32>
        %mul3A_648 = arith.mulf %select_n3A_284, %add3A_636 : vector<16xf32>
        tpu.vector_store_idx %arg18[%add3A_647], %mul3A_648 {add = true} : memref<43008xf32, #tpu.memory_space<vmem>>[vector<16xi32>], vector<16xf32>,
        %add3A_649 = arith.constant 17136 : i32
        %add3A_650 = vector.broadcast %add3A_649 : i32 to vector<16xi32>
        %add3A_651 = arith.addi %add3A_162, %add3A_650 : vector<16xi32>
        %mul3A_652 = arith.mulf %select_n3A_325, %add3A_636 : vector<16xf32>
        tpu.vector_store_idx %arg18[%add3A_651], %mul3A_652 {add = true} : memref<43008xf32, #tpu.memory_space<vmem>>[vector<16xi32>], vector<16xf32>,
        %add3A_653 = arith.constant 22512 : i32
        %add3A_654 = vector.broadcast %add3A_653 : i32 to vector<16xi32>
        %add3A_655 = arith.addi %add3A_162, %add3A_654 : vector<16xi32>
        %mul3A_656 = arith.mulf %select_n3A_366, %add3A_636 : vector<16xf32>
        tpu.vector_store_idx %arg18[%add3A_655], %mul3A_656 {add = true} : memref<43008xf32, #tpu.memory_space<vmem>>[vector<16xi32>], vector<16xf32>,
        %add3A_657 = arith.constant 27888 : i32
        %add3A_658 = vector.broadcast %add3A_657 : i32 to vector<16xi32>
        %add3A_659 = arith.addi %add3A_162, %add3A_658 : vector<16xi32>
        %mul3A_660 = arith.mulf %select_n3A_407, %add3A_636 : vector<16xf32>
        tpu.vector_store_idx %arg18[%add3A_659], %mul3A_660 {add = true} : memref<43008xf32, #tpu.memory_space<vmem>>[vector<16xi32>], vector<16xf32>,
        %add3A_661 = arith.constant 33264 : i32
        %add3A_662 = vector.broadcast %add3A_661 : i32 to vector<16xi32>
        %add3A_663 = arith.addi %add3A_162, %add3A_662 : vector<16xi32>
        %mul3A_664 = arith.mulf %select_n3A_448, %add3A_636 : vector<16xf32>
        tpu.vector_store_idx %arg18[%add3A_663], %mul3A_664 {add = true} : memref<43008xf32, #tpu.memory_space<vmem>>[vector<16xi32>], vector<16xf32>,
        %add3A_665 = arith.constant 38640 : i32
        %add3A_666 = vector.broadcast %add3A_665 : i32 to vector<16xi32>
        %add3A_667 = arith.addi %add3A_162, %add3A_666 : vector<16xi32>
        %mul3A_668 = arith.mulf %select_n3A_489, %add3A_636 : vector<16xf32>
        tpu.vector_store_idx %arg18[%add3A_667], %mul3A_668 {add = true} : memref<43008xf32, #tpu.memory_space<vmem>>[vector<16xi32>], vector<16xf32>,
        %broadcast_in_dim3A_669 = arith.constant 20 : i32
        %broadcast_in_dim3A_670 = vector.broadcast %broadcast_in_dim3A_669 : i32 to vector<16xi32>
        %gather3A_671 = tpu.vector_load_idx %arg24[%add3A_141, %broadcast_in_dim3A_670] : memref<512x32xf32, #tpu.memory_space<vmem>>[vector<16xi32>, vector<16xi32>], vector<16xf32>,
        %slice3A_672 = vector.extract_strided_slice %get3A_38 {offsets = [4], sizes = [1], strides = [1]} : vector<16xf32> to vector<1xf32>
        %squeeze3A_673 = vector.extract %slice3A_672[0] : f32 from vector<1xf32>
        %slice3A_674 = vector.extract_strided_slice %get3A_40 {offsets = [4], sizes = [1], strides = [1]} : vector<16xf32> to vector<1xf32>
        %squeeze3A_675 = vector.extract %slice3A_674[0] : f32 from vector<1xf32>
        %broadcast_in_dim3A_676 = vector.broadcast %squeeze3A_673 : f32 to vector<16xf32>
        %broadcast_in_dim3A_677 = vector.broadcast %squeeze3A_675 : f32 to vector<16xf32>
        %select_n3A_678 = arith.select %ge3A_165, %broadcast_in_dim3A_676, %broadcast_in_dim3A_677 : vector<16xi1>, vector<16xf32>
        %mul3A_679 = arith.mulf %get3A_153, %select_n3A_678 : vector<16xf32>
        %add3A_680 = arith.addf %gather3A_671, %mul3A_679 : vector<16xf32>
        %add3A_681 = arith.constant 1344 : i32
        %add3A_682 = vector.broadcast %add3A_681 : i32 to vector<16xi32>
        %add3A_683 = arith.addi %add3A_162, %add3A_682 : vector<16xi32>
        %mul3A_684 = arith.mulf %select_n3A_202, %add3A_680 : vector<16xf32>
        tpu.vector_store_idx %arg18[%add3A_683], %mul3A_684 {add = true} : memref<43008xf32, #tpu.memory_space<vmem>>[vector<16xi32>], vector<16xf32>,
        %add3A_685 = arith.constant 6720 : i32
        %add3A_686 = vector.broadcast %add3A_685 : i32 to vector<16xi32>
        %add3A_687 = arith.addi %add3A_162, %add3A_686 : vector<16xi32>
        %mul3A_688 = arith.mulf %select_n3A_243, %add3A_680 : vector<16xf32>
        tpu.vector_store_idx %arg18[%add3A_687], %mul3A_688 {add = true} : memref<43008xf32, #tpu.memory_space<vmem>>[vector<16xi32>], vector<16xf32>,
        %add3A_689 = arith.constant 12096 : i32
        %add3A_690 = vector.broadcast %add3A_689 : i32 to vector<16xi32>
        %add3A_691 = arith.addi %add3A_162, %add3A_690 : vector<16xi32>
        %mul3A_692 = arith.mulf %select_n3A_284, %add3A_680 : vector<16xf32>
        tpu.vector_store_idx %arg18[%add3A_691], %mul3A_692 {add = true} : memref<43008xf32, #tpu.memory_space<vmem>>[vector<16xi32>], vector<16xf32>,
        %add3A_693 = arith.constant 17472 : i32
        %add3A_694 = vector.broadcast %add3A_693 : i32 to vector<16xi32>
        %add3A_695 = arith.addi %add3A_162, %add3A_694 : vector<16xi32>
        %mul3A_696 = arith.mulf %select_n3A_325, %add3A_680 : vector<16xf32>
        tpu.vector_store_idx %arg18[%add3A_695], %mul3A_696 {add = true} : memref<43008xf32, #tpu.memory_space<vmem>>[vector<16xi32>], vector<16xf32>,
        %add3A_697 = arith.constant 22848 : i32
        %add3A_698 = vector.broadcast %add3A_697 : i32 to vector<16xi32>
        %add3A_699 = arith.addi %add3A_162, %add3A_698 : vector<16xi32>
        %mul3A_700 = arith.mulf %select_n3A_366, %add3A_680 : vector<16xf32>
        tpu.vector_store_idx %arg18[%add3A_699], %mul3A_700 {add = true} : memref<43008xf32, #tpu.memory_space<vmem>>[vector<16xi32>], vector<16xf32>,
        %add3A_701 = arith.constant 28224 : i32
        %add3A_702 = vector.broadcast %add3A_701 : i32 to vector<16xi32>
        %add3A_703 = arith.addi %add3A_162, %add3A_702 : vector<16xi32>
        %mul3A_704 = arith.mulf %select_n3A_407, %add3A_680 : vector<16xf32>
        tpu.vector_store_idx %arg18[%add3A_703], %mul3A_704 {add = true} : memref<43008xf32, #tpu.memory_space<vmem>>[vector<16xi32>], vector<16xf32>,
        %add3A_705 = arith.constant 33600 : i32
        %add3A_706 = vector.broadcast %add3A_705 : i32 to vector<16xi32>
        %add3A_707 = arith.addi %add3A_162, %add3A_706 : vector<16xi32>
        %mul3A_708 = arith.mulf %select_n3A_448, %add3A_680 : vector<16xf32>
        tpu.vector_store_idx %arg18[%add3A_707], %mul3A_708 {add = true} : memref<43008xf32, #tpu.memory_space<vmem>>[vector<16xi32>], vector<16xf32>,
        %add3A_709 = arith.constant 38976 : i32
        %add3A_710 = vector.broadcast %add3A_709 : i32 to vector<16xi32>
        %add3A_711 = arith.addi %add3A_162, %add3A_710 : vector<16xi32>
        %mul3A_712 = arith.mulf %select_n3A_489, %add3A_680 : vector<16xf32>
        tpu.vector_store_idx %arg18[%add3A_711], %mul3A_712 {add = true} : memref<43008xf32, #tpu.memory_space<vmem>>[vector<16xi32>], vector<16xf32>,
        %broadcast_in_dim3A_713 = arith.constant 21 : i32
        %broadcast_in_dim3A_714 = vector.broadcast %broadcast_in_dim3A_713 : i32 to vector<16xi32>
        %gather3A_715 = tpu.vector_load_idx %arg24[%add3A_141, %broadcast_in_dim3A_714] : memref<512x32xf32, #tpu.memory_space<vmem>>[vector<16xi32>, vector<16xi32>], vector<16xf32>,
        %slice3A_716 = vector.extract_strided_slice %get3A_38 {offsets = [5], sizes = [1], strides = [1]} : vector<16xf32> to vector<1xf32>
        %squeeze3A_717 = vector.extract %slice3A_716[0] : f32 from vector<1xf32>
        %slice3A_718 = vector.extract_strided_slice %get3A_40 {offsets = [5], sizes = [1], strides = [1]} : vector<16xf32> to vector<1xf32>
        %squeeze3A_719 = vector.extract %slice3A_718[0] : f32 from vector<1xf32>
        %broadcast_in_dim3A_720 = vector.broadcast %squeeze3A_717 : f32 to vector<16xf32>
        %broadcast_in_dim3A_721 = vector.broadcast %squeeze3A_719 : f32 to vector<16xf32>
        %select_n3A_722 = arith.select %ge3A_165, %broadcast_in_dim3A_720, %broadcast_in_dim3A_721 : vector<16xi1>, vector<16xf32>
        %mul3A_723 = arith.mulf %get3A_153, %select_n3A_722 : vector<16xf32>
        %add3A_724 = arith.addf %gather3A_715, %mul3A_723 : vector<16xf32>
        %add3A_725 = arith.constant 1680 : i32
        %add3A_726 = vector.broadcast %add3A_725 : i32 to vector<16xi32>
        %add3A_727 = arith.addi %add3A_162, %add3A_726 : vector<16xi32>
        %mul3A_728 = arith.mulf %select_n3A_202, %add3A_724 : vector<16xf32>
        tpu.vector_store_idx %arg18[%add3A_727], %mul3A_728 {add = true} : memref<43008xf32, #tpu.memory_space<vmem>>[vector<16xi32>], vector<16xf32>,
        %add3A_729 = arith.constant 7056 : i32
        %add3A_730 = vector.broadcast %add3A_729 : i32 to vector<16xi32>
        %add3A_731 = arith.addi %add3A_162, %add3A_730 : vector<16xi32>
        %mul3A_732 = arith.mulf %select_n3A_243, %add3A_724 : vector<16xf32>
        tpu.vector_store_idx %arg18[%add3A_731], %mul3A_732 {add = true} : memref<43008xf32, #tpu.memory_space<vmem>>[vector<16xi32>], vector<16xf32>,
        %add3A_733 = arith.constant 12432 : i32
        %add3A_734 = vector.broadcast %add3A_733 : i32 to vector<16xi32>
        %add3A_735 = arith.addi %add3A_162, %add3A_734 : vector<16xi32>
        %mul3A_736 = arith.mulf %select_n3A_284, %add3A_724 : vector<16xf32>
        tpu.vector_store_idx %arg18[%add3A_735], %mul3A_736 {add = true} : memref<43008xf32, #tpu.memory_space<vmem>>[vector<16xi32>], vector<16xf32>,
        %add3A_737 = arith.constant 17808 : i32
        %add3A_738 = vector.broadcast %add3A_737 : i32 to vector<16xi32>
        %add3A_739 = arith.addi %add3A_162, %add3A_738 : vector<16xi32>
        %mul3A_740 = arith.mulf %select_n3A_325, %add3A_724 : vector<16xf32>
        tpu.vector_store_idx %arg18[%add3A_739], %mul3A_740 {add = true} : memref<43008xf32, #tpu.memory_space<vmem>>[vector<16xi32>], vector<16xf32>,
        %add3A_741 = arith.constant 23184 : i32
        %add3A_742 = vector.broadcast %add3A_741 : i32 to vector<16xi32>
        %add3A_743 = arith.addi %add3A_162, %add3A_742 : vector<16xi32>
        %mul3A_744 = arith.mulf %select_n3A_366, %add3A_724 : vector<16xf32>
        tpu.vector_store_idx %arg18[%add3A_743], %mul3A_744 {add = true} : memref<43008xf32, #tpu.memory_space<vmem>>[vector<16xi32>], vector<16xf32>,
        %add3A_745 = arith.constant 28560 : i32
        %add3A_746 = vector.broadcast %add3A_745 : i32 to vector<16xi32>
        %add3A_747 = arith.addi %add3A_162, %add3A_746 : vector<16xi32>
        %mul3A_748 = arith.mulf %select_n3A_407, %add3A_724 : vector<16xf32>
        tpu.vector_store_idx %arg18[%add3A_747], %mul3A_748 {add = true} : memref<43008xf32, #tpu.memory_space<vmem>>[vector<16xi32>], vector<16xf32>,
        %add3A_749 = arith.constant 33936 : i32
        %add3A_750 = vector.broadcast %add3A_749 : i32 to vector<16xi32>
        %add3A_751 = arith.addi %add3A_162, %add3A_750 : vector<16xi32>
        %mul3A_752 = arith.mulf %select_n3A_448, %add3A_724 : vector<16xf32>
        tpu.vector_store_idx %arg18[%add3A_751], %mul3A_752 {add = true} : memref<43008xf32, #tpu.memory_space<vmem>>[vector<16xi32>], vector<16xf32>,
        %add3A_753 = arith.constant 39312 : i32
        %add3A_754 = vector.broadcast %add3A_753 : i32 to vector<16xi32>
        %add3A_755 = arith.addi %add3A_162, %add3A_754 : vector<16xi32>
        %mul3A_756 = arith.mulf %select_n3A_489, %add3A_724 : vector<16xf32>
        tpu.vector_store_idx %arg18[%add3A_755], %mul3A_756 {add = true} : memref<43008xf32, #tpu.memory_space<vmem>>[vector<16xi32>], vector<16xf32>,
        %broadcast_in_dim3A_757 = arith.constant 22 : i32
        %broadcast_in_dim3A_758 = vector.broadcast %broadcast_in_dim3A_757 : i32 to vector<16xi32>
        %gather3A_759 = tpu.vector_load_idx %arg24[%add3A_141, %broadcast_in_dim3A_758] : memref<512x32xf32, #tpu.memory_space<vmem>>[vector<16xi32>, vector<16xi32>], vector<16xf32>,
        %slice3A_760 = vector.extract_strided_slice %get3A_38 {offsets = [6], sizes = [1], strides = [1]} : vector<16xf32> to vector<1xf32>
        %squeeze3A_761 = vector.extract %slice3A_760[0] : f32 from vector<1xf32>
        %slice3A_762 = vector.extract_strided_slice %get3A_40 {offsets = [6], sizes = [1], strides = [1]} : vector<16xf32> to vector<1xf32>
        %squeeze3A_763 = vector.extract %slice3A_762[0] : f32 from vector<1xf32>
        %broadcast_in_dim3A_764 = vector.broadcast %squeeze3A_761 : f32 to vector<16xf32>
        %broadcast_in_dim3A_765 = vector.broadcast %squeeze3A_763 : f32 to vector<16xf32>
        %select_n3A_766 = arith.select %ge3A_165, %broadcast_in_dim3A_764, %broadcast_in_dim3A_765 : vector<16xi1>, vector<16xf32>
        %mul3A_767 = arith.mulf %get3A_153, %select_n3A_766 : vector<16xf32>
        %add3A_768 = arith.addf %gather3A_759, %mul3A_767 : vector<16xf32>
        %add3A_769 = arith.constant 2016 : i32
        %add3A_770 = vector.broadcast %add3A_769 : i32 to vector<16xi32>
        %add3A_771 = arith.addi %add3A_162, %add3A_770 : vector<16xi32>
        %mul3A_772 = arith.mulf %select_n3A_202, %add3A_768 : vector<16xf32>
        tpu.vector_store_idx %arg18[%add3A_771], %mul3A_772 {add = true} : memref<43008xf32, #tpu.memory_space<vmem>>[vector<16xi32>], vector<16xf32>,
        %add3A_773 = arith.constant 7392 : i32
        %add3A_774 = vector.broadcast %add3A_773 : i32 to vector<16xi32>
        %add3A_775 = arith.addi %add3A_162, %add3A_774 : vector<16xi32>
        %mul3A_776 = arith.mulf %select_n3A_243, %add3A_768 : vector<16xf32>
        tpu.vector_store_idx %arg18[%add3A_775], %mul3A_776 {add = true} : memref<43008xf32, #tpu.memory_space<vmem>>[vector<16xi32>], vector<16xf32>,
        %add3A_777 = arith.constant 12768 : i32
        %add3A_778 = vector.broadcast %add3A_777 : i32 to vector<16xi32>
        %add3A_779 = arith.addi %add3A_162, %add3A_778 : vector<16xi32>
        %mul3A_780 = arith.mulf %select_n3A_284, %add3A_768 : vector<16xf32>
        tpu.vector_store_idx %arg18[%add3A_779], %mul3A_780 {add = true} : memref<43008xf32, #tpu.memory_space<vmem>>[vector<16xi32>], vector<16xf32>,
        %add3A_781 = arith.constant 18144 : i32
        %add3A_782 = vector.broadcast %add3A_781 : i32 to vector<16xi32>
        %add3A_783 = arith.addi %add3A_162, %add3A_782 : vector<16xi32>
        %mul3A_784 = arith.mulf %select_n3A_325, %add3A_768 : vector<16xf32>
        tpu.vector_store_idx %arg18[%add3A_783], %mul3A_784 {add = true} : memref<43008xf32, #tpu.memory_space<vmem>>[vector<16xi32>], vector<16xf32>,
        %add3A_785 = arith.constant 23520 : i32
        %add3A_786 = vector.broadcast %add3A_785 : i32 to vector<16xi32>
        %add3A_787 = arith.addi %add3A_162, %add3A_786 : vector<16xi32>
        %mul3A_788 = arith.mulf %select_n3A_366, %add3A_768 : vector<16xf32>
        tpu.vector_store_idx %arg18[%add3A_787], %mul3A_788 {add = true} : memref<43008xf32, #tpu.memory_space<vmem>>[vector<16xi32>], vector<16xf32>,
        %add3A_789 = arith.constant 28896 : i32
        %add3A_790 = vector.broadcast %add3A_789 : i32 to vector<16xi32>
        %add3A_791 = arith.addi %add3A_162, %add3A_790 : vector<16xi32>
        %mul3A_792 = arith.mulf %select_n3A_407, %add3A_768 : vector<16xf32>
        tpu.vector_store_idx %arg18[%add3A_791], %mul3A_792 {add = true} : memref<43008xf32, #tpu.memory_space<vmem>>[vector<16xi32>], vector<16xf32>,
        %add3A_793 = arith.constant 34272 : i32
        %add3A_794 = vector.broadcast %add3A_793 : i32 to vector<16xi32>
        %add3A_795 = arith.addi %add3A_162, %add3A_794 : vector<16xi32>
        %mul3A_796 = arith.mulf %select_n3A_448, %add3A_768 : vector<16xf32>
        tpu.vector_store_idx %arg18[%add3A_795], %mul3A_796 {add = true} : memref<43008xf32, #tpu.memory_space<vmem>>[vector<16xi32>], vector<16xf32>,
        %add3A_797 = arith.constant 39648 : i32
        %add3A_798 = vector.broadcast %add3A_797 : i32 to vector<16xi32>
        %add3A_799 = arith.addi %add3A_162, %add3A_798 : vector<16xi32>
        %mul3A_800 = arith.mulf %select_n3A_489, %add3A_768 : vector<16xf32>
        tpu.vector_store_idx %arg18[%add3A_799], %mul3A_800 {add = true} : memref<43008xf32, #tpu.memory_space<vmem>>[vector<16xi32>], vector<16xf32>,
        %broadcast_in_dim3A_801 = arith.constant 23 : i32
        %broadcast_in_dim3A_802 = vector.broadcast %broadcast_in_dim3A_801 : i32 to vector<16xi32>
        %gather3A_803 = tpu.vector_load_idx %arg24[%add3A_141, %broadcast_in_dim3A_802] : memref<512x32xf32, #tpu.memory_space<vmem>>[vector<16xi32>, vector<16xi32>], vector<16xf32>,
        %slice3A_804 = vector.extract_strided_slice %get3A_38 {offsets = [7], sizes = [1], strides = [1]} : vector<16xf32> to vector<1xf32>
        %squeeze3A_805 = vector.extract %slice3A_804[0] : f32 from vector<1xf32>
        %slice3A_806 = vector.extract_strided_slice %get3A_40 {offsets = [7], sizes = [1], strides = [1]} : vector<16xf32> to vector<1xf32>
        %squeeze3A_807 = vector.extract %slice3A_806[0] : f32 from vector<1xf32>
        %broadcast_in_dim3A_808 = vector.broadcast %squeeze3A_805 : f32 to vector<16xf32>
        %broadcast_in_dim3A_809 = vector.broadcast %squeeze3A_807 : f32 to vector<16xf32>
        %select_n3A_810 = arith.select %ge3A_165, %broadcast_in_dim3A_808, %broadcast_in_dim3A_809 : vector<16xi1>, vector<16xf32>
        %mul3A_811 = arith.mulf %get3A_153, %select_n3A_810 : vector<16xf32>
        %add3A_812 = arith.addf %gather3A_803, %mul3A_811 : vector<16xf32>
        %add3A_813 = arith.constant 2352 : i32
        %add3A_814 = vector.broadcast %add3A_813 : i32 to vector<16xi32>
        %add3A_815 = arith.addi %add3A_162, %add3A_814 : vector<16xi32>
        %mul3A_816 = arith.mulf %select_n3A_202, %add3A_812 : vector<16xf32>
        tpu.vector_store_idx %arg18[%add3A_815], %mul3A_816 {add = true} : memref<43008xf32, #tpu.memory_space<vmem>>[vector<16xi32>], vector<16xf32>,
        %add3A_817 = arith.constant 7728 : i32
        %add3A_818 = vector.broadcast %add3A_817 : i32 to vector<16xi32>
        %add3A_819 = arith.addi %add3A_162, %add3A_818 : vector<16xi32>
        %mul3A_820 = arith.mulf %select_n3A_243, %add3A_812 : vector<16xf32>
        tpu.vector_store_idx %arg18[%add3A_819], %mul3A_820 {add = true} : memref<43008xf32, #tpu.memory_space<vmem>>[vector<16xi32>], vector<16xf32>,
        %add3A_821 = arith.constant 13104 : i32
        %add3A_822 = vector.broadcast %add3A_821 : i32 to vector<16xi32>
        %add3A_823 = arith.addi %add3A_162, %add3A_822 : vector<16xi32>
        %mul3A_824 = arith.mulf %select_n3A_284, %add3A_812 : vector<16xf32>
        tpu.vector_store_idx %arg18[%add3A_823], %mul3A_824 {add = true} : memref<43008xf32, #tpu.memory_space<vmem>>[vector<16xi32>], vector<16xf32>,
        %add3A_825 = arith.constant 18480 : i32
        %add3A_826 = vector.broadcast %add3A_825 : i32 to vector<16xi32>
        %add3A_827 = arith.addi %add3A_162, %add3A_826 : vector<16xi32>
        %mul3A_828 = arith.mulf %select_n3A_325, %add3A_812 : vector<16xf32>
        tpu.vector_store_idx %arg18[%add3A_827], %mul3A_828 {add = true} : memref<43008xf32, #tpu.memory_space<vmem>>[vector<16xi32>], vector<16xf32>,
        %add3A_829 = arith.constant 23856 : i32
        %add3A_830 = vector.broadcast %add3A_829 : i32 to vector<16xi32>
        %add3A_831 = arith.addi %add3A_162, %add3A_830 : vector<16xi32>
        %mul3A_832 = arith.mulf %select_n3A_366, %add3A_812 : vector<16xf32>
        tpu.vector_store_idx %arg18[%add3A_831], %mul3A_832 {add = true} : memref<43008xf32, #tpu.memory_space<vmem>>[vector<16xi32>], vector<16xf32>,
        %add3A_833 = arith.constant 29232 : i32
        %add3A_834 = vector.broadcast %add3A_833 : i32 to vector<16xi32>
        %add3A_835 = arith.addi %add3A_162, %add3A_834 : vector<16xi32>
        %mul3A_836 = arith.mulf %select_n3A_407, %add3A_812 : vector<16xf32>
        tpu.vector_store_idx %arg18[%add3A_835], %mul3A_836 {add = true} : memref<43008xf32, #tpu.memory_space<vmem>>[vector<16xi32>], vector<16xf32>,
        %add3A_837 = arith.constant 34608 : i32
        %add3A_838 = vector.broadcast %add3A_837 : i32 to vector<16xi32>
        %add3A_839 = arith.addi %add3A_162, %add3A_838 : vector<16xi32>
        %mul3A_840 = arith.mulf %select_n3A_448, %add3A_812 : vector<16xf32>
        tpu.vector_store_idx %arg18[%add3A_839], %mul3A_840 {add = true} : memref<43008xf32, #tpu.memory_space<vmem>>[vector<16xi32>], vector<16xf32>,
        %add3A_841 = arith.constant 39984 : i32
        %add3A_842 = vector.broadcast %add3A_841 : i32 to vector<16xi32>
        %add3A_843 = arith.addi %add3A_162, %add3A_842 : vector<16xi32>
        %mul3A_844 = arith.mulf %select_n3A_489, %add3A_812 : vector<16xf32>
        tpu.vector_store_idx %arg18[%add3A_843], %mul3A_844 {add = true} : memref<43008xf32, #tpu.memory_space<vmem>>[vector<16xi32>], vector<16xf32>,
        %broadcast_in_dim3A_845 = arith.constant 24 : i32
        %broadcast_in_dim3A_846 = vector.broadcast %broadcast_in_dim3A_845 : i32 to vector<16xi32>
        %gather3A_847 = tpu.vector_load_idx %arg24[%add3A_141, %broadcast_in_dim3A_846] : memref<512x32xf32, #tpu.memory_space<vmem>>[vector<16xi32>, vector<16xi32>], vector<16xf32>,
        %slice3A_848 = vector.extract_strided_slice %get3A_38 {offsets = [8], sizes = [1], strides = [1]} : vector<16xf32> to vector<1xf32>
        %squeeze3A_849 = vector.extract %slice3A_848[0] : f32 from vector<1xf32>
        %slice3A_850 = vector.extract_strided_slice %get3A_40 {offsets = [8], sizes = [1], strides = [1]} : vector<16xf32> to vector<1xf32>
        %squeeze3A_851 = vector.extract %slice3A_850[0] : f32 from vector<1xf32>
        %broadcast_in_dim3A_852 = vector.broadcast %squeeze3A_849 : f32 to vector<16xf32>
        %broadcast_in_dim3A_853 = vector.broadcast %squeeze3A_851 : f32 to vector<16xf32>
        %select_n3A_854 = arith.select %ge3A_165, %broadcast_in_dim3A_852, %broadcast_in_dim3A_853 : vector<16xi1>, vector<16xf32>
        %mul3A_855 = arith.mulf %get3A_153, %select_n3A_854 : vector<16xf32>
        %add3A_856 = arith.addf %gather3A_847, %mul3A_855 : vector<16xf32>
        %add3A_857 = arith.constant 2688 : i32
        %add3A_858 = vector.broadcast %add3A_857 : i32 to vector<16xi32>
        %add3A_859 = arith.addi %add3A_162, %add3A_858 : vector<16xi32>
        %mul3A_860 = arith.mulf %select_n3A_202, %add3A_856 : vector<16xf32>
        tpu.vector_store_idx %arg18[%add3A_859], %mul3A_860 {add = true} : memref<43008xf32, #tpu.memory_space<vmem>>[vector<16xi32>], vector<16xf32>,
        %add3A_861 = arith.constant 8064 : i32
        %add3A_862 = vector.broadcast %add3A_861 : i32 to vector<16xi32>
        %add3A_863 = arith.addi %add3A_162, %add3A_862 : vector<16xi32>
        %mul3A_864 = arith.mulf %select_n3A_243, %add3A_856 : vector<16xf32>
        tpu.vector_store_idx %arg18[%add3A_863], %mul3A_864 {add = true} : memref<43008xf32, #tpu.memory_space<vmem>>[vector<16xi32>], vector<16xf32>,
        %add3A_865 = arith.constant 13440 : i32
        %add3A_866 = vector.broadcast %add3A_865 : i32 to vector<16xi32>
        %add3A_867 = arith.addi %add3A_162, %add3A_866 : vector<16xi32>
        %mul3A_868 = arith.mulf %select_n3A_284, %add3A_856 : vector<16xf32>
        tpu.vector_store_idx %arg18[%add3A_867], %mul3A_868 {add = true} : memref<43008xf32, #tpu.memory_space<vmem>>[vector<16xi32>], vector<16xf32>,
        %add3A_869 = arith.constant 18816 : i32
        %add3A_870 = vector.broadcast %add3A_869 : i32 to vector<16xi32>
        %add3A_871 = arith.addi %add3A_162, %add3A_870 : vector<16xi32>
        %mul3A_872 = arith.mulf %select_n3A_325, %add3A_856 : vector<16xf32>
        tpu.vector_store_idx %arg18[%add3A_871], %mul3A_872 {add = true} : memref<43008xf32, #tpu.memory_space<vmem>>[vector<16xi32>], vector<16xf32>,
        %add3A_873 = arith.constant 24192 : i32
        %add3A_874 = vector.broadcast %add3A_873 : i32 to vector<16xi32>
        %add3A_875 = arith.addi %add3A_162, %add3A_874 : vector<16xi32>
        %mul3A_876 = arith.mulf %select_n3A_366, %add3A_856 : vector<16xf32>
        tpu.vector_store_idx %arg18[%add3A_875], %mul3A_876 {add = true} : memref<43008xf32, #tpu.memory_space<vmem>>[vector<16xi32>], vector<16xf32>,
        %add3A_877 = arith.constant 29568 : i32
        %add3A_878 = vector.broadcast %add3A_877 : i32 to vector<16xi32>
        %add3A_879 = arith.addi %add3A_162, %add3A_878 : vector<16xi32>
        %mul3A_880 = arith.mulf %select_n3A_407, %add3A_856 : vector<16xf32>
        tpu.vector_store_idx %arg18[%add3A_879], %mul3A_880 {add = true} : memref<43008xf32, #tpu.memory_space<vmem>>[vector<16xi32>], vector<16xf32>,
        %add3A_881 = arith.constant 34944 : i32
        %add3A_882 = vector.broadcast %add3A_881 : i32 to vector<16xi32>
        %add3A_883 = arith.addi %add3A_162, %add3A_882 : vector<16xi32>
        %mul3A_884 = arith.mulf %select_n3A_448, %add3A_856 : vector<16xf32>
        tpu.vector_store_idx %arg18[%add3A_883], %mul3A_884 {add = true} : memref<43008xf32, #tpu.memory_space<vmem>>[vector<16xi32>], vector<16xf32>,
        %add3A_885 = arith.constant 40320 : i32
        %add3A_886 = vector.broadcast %add3A_885 : i32 to vector<16xi32>
        %add3A_887 = arith.addi %add3A_162, %add3A_886 : vector<16xi32>
        %mul3A_888 = arith.mulf %select_n3A_489, %add3A_856 : vector<16xf32>
        tpu.vector_store_idx %arg18[%add3A_887], %mul3A_888 {add = true} : memref<43008xf32, #tpu.memory_space<vmem>>[vector<16xi32>], vector<16xf32>,
        %broadcast_in_dim3A_889 = arith.constant 25 : i32
        %broadcast_in_dim3A_890 = vector.broadcast %broadcast_in_dim3A_889 : i32 to vector<16xi32>
        %gather3A_891 = tpu.vector_load_idx %arg24[%add3A_141, %broadcast_in_dim3A_890] : memref<512x32xf32, #tpu.memory_space<vmem>>[vector<16xi32>, vector<16xi32>], vector<16xf32>,
        %slice3A_892 = vector.extract_strided_slice %get3A_38 {offsets = [9], sizes = [1], strides = [1]} : vector<16xf32> to vector<1xf32>
        %squeeze3A_893 = vector.extract %slice3A_892[0] : f32 from vector<1xf32>
        %slice3A_894 = vector.extract_strided_slice %get3A_40 {offsets = [9], sizes = [1], strides = [1]} : vector<16xf32> to vector<1xf32>
        %squeeze3A_895 = vector.extract %slice3A_894[0] : f32 from vector<1xf32>
        %broadcast_in_dim3A_896 = vector.broadcast %squeeze3A_893 : f32 to vector<16xf32>
        %broadcast_in_dim3A_897 = vector.broadcast %squeeze3A_895 : f32 to vector<16xf32>
        %select_n3A_898 = arith.select %ge3A_165, %broadcast_in_dim3A_896, %broadcast_in_dim3A_897 : vector<16xi1>, vector<16xf32>
        %mul3A_899 = arith.mulf %get3A_153, %select_n3A_898 : vector<16xf32>
        %add3A_900 = arith.addf %gather3A_891, %mul3A_899 : vector<16xf32>
        %add3A_901 = arith.constant 3024 : i32
        %add3A_902 = vector.broadcast %add3A_901 : i32 to vector<16xi32>
        %add3A_903 = arith.addi %add3A_162, %add3A_902 : vector<16xi32>
        %mul3A_904 = arith.mulf %select_n3A_202, %add3A_900 : vector<16xf32>
        tpu.vector_store_idx %arg18[%add3A_903], %mul3A_904 {add = true} : memref<43008xf32, #tpu.memory_space<vmem>>[vector<16xi32>], vector<16xf32>,
        %add3A_905 = arith.constant 8400 : i32
        %add3A_906 = vector.broadcast %add3A_905 : i32 to vector<16xi32>
        %add3A_907 = arith.addi %add3A_162, %add3A_906 : vector<16xi32>
        %mul3A_908 = arith.mulf %select_n3A_243, %add3A_900 : vector<16xf32>
        tpu.vector_store_idx %arg18[%add3A_907], %mul3A_908 {add = true} : memref<43008xf32, #tpu.memory_space<vmem>>[vector<16xi32>], vector<16xf32>,
        %add3A_909 = arith.constant 13776 : i32
        %add3A_910 = vector.broadcast %add3A_909 : i32 to vector<16xi32>
        %add3A_911 = arith.addi %add3A_162, %add3A_910 : vector<16xi32>
        %mul3A_912 = arith.mulf %select_n3A_284, %add3A_900 : vector<16xf32>
        tpu.vector_store_idx %arg18[%add3A_911], %mul3A_912 {add = true} : memref<43008xf32, #tpu.memory_space<vmem>>[vector<16xi32>], vector<16xf32>,
        %add3A_913 = arith.constant 19152 : i32
        %add3A_914 = vector.broadcast %add3A_913 : i32 to vector<16xi32>
        %add3A_915 = arith.addi %add3A_162, %add3A_914 : vector<16xi32>
        %mul3A_916 = arith.mulf %select_n3A_325, %add3A_900 : vector<16xf32>
        tpu.vector_store_idx %arg18[%add3A_915], %mul3A_916 {add = true} : memref<43008xf32, #tpu.memory_space<vmem>>[vector<16xi32>], vector<16xf32>,
        %add3A_917 = arith.constant 24528 : i32
        %add3A_918 = vector.broadcast %add3A_917 : i32 to vector<16xi32>
        %add3A_919 = arith.addi %add3A_162, %add3A_918 : vector<16xi32>
        %mul3A_920 = arith.mulf %select_n3A_366, %add3A_900 : vector<16xf32>
        tpu.vector_store_idx %arg18[%add3A_919], %mul3A_920 {add = true} : memref<43008xf32, #tpu.memory_space<vmem>>[vector<16xi32>], vector<16xf32>,
        %add3A_921 = arith.constant 29904 : i32
        %add3A_922 = vector.broadcast %add3A_921 : i32 to vector<16xi32>
        %add3A_923 = arith.addi %add3A_162, %add3A_922 : vector<16xi32>
        %mul3A_924 = arith.mulf %select_n3A_407, %add3A_900 : vector<16xf32>
        tpu.vector_store_idx %arg18[%add3A_923], %mul3A_924 {add = true} : memref<43008xf32, #tpu.memory_space<vmem>>[vector<16xi32>], vector<16xf32>,
        %add3A_925 = arith.constant 35280 : i32
        %add3A_926 = vector.broadcast %add3A_925 : i32 to vector<16xi32>
        %add3A_927 = arith.addi %add3A_162, %add3A_926 : vector<16xi32>
        %mul3A_928 = arith.mulf %select_n3A_448, %add3A_900 : vector<16xf32>
        tpu.vector_store_idx %arg18[%add3A_927], %mul3A_928 {add = true} : memref<43008xf32, #tpu.memory_space<vmem>>[vector<16xi32>], vector<16xf32>,
        %add3A_929 = arith.constant 40656 : i32
        %add3A_930 = vector.broadcast %add3A_929 : i32 to vector<16xi32>
        %add3A_931 = arith.addi %add3A_162, %add3A_930 : vector<16xi32>
        %mul3A_932 = arith.mulf %select_n3A_489, %add3A_900 : vector<16xf32>
        tpu.vector_store_idx %arg18[%add3A_931], %mul3A_932 {add = true} : memref<43008xf32, #tpu.memory_space<vmem>>[vector<16xi32>], vector<16xf32>,
        %broadcast_in_dim3A_933 = arith.constant 26 : i32
        %broadcast_in_dim3A_934 = vector.broadcast %broadcast_in_dim3A_933 : i32 to vector<16xi32>
        %gather3A_935 = tpu.vector_load_idx %arg24[%add3A_141, %broadcast_in_dim3A_934] : memref<512x32xf32, #tpu.memory_space<vmem>>[vector<16xi32>, vector<16xi32>], vector<16xf32>,
        %slice3A_936 = vector.extract_strided_slice %get3A_38 {offsets = [10], sizes = [1], strides = [1]} : vector<16xf32> to vector<1xf32>
        %squeeze3A_937 = vector.extract %slice3A_936[0] : f32 from vector<1xf32>
        %slice3A_938 = vector.extract_strided_slice %get3A_40 {offsets = [10], sizes = [1], strides = [1]} : vector<16xf32> to vector<1xf32>
        %squeeze3A_939 = vector.extract %slice3A_938[0] : f32 from vector<1xf32>
        %broadcast_in_dim3A_940 = vector.broadcast %squeeze3A_937 : f32 to vector<16xf32>
        %broadcast_in_dim3A_941 = vector.broadcast %squeeze3A_939 : f32 to vector<16xf32>
        %select_n3A_942 = arith.select %ge3A_165, %broadcast_in_dim3A_940, %broadcast_in_dim3A_941 : vector<16xi1>, vector<16xf32>
        %mul3A_943 = arith.mulf %get3A_153, %select_n3A_942 : vector<16xf32>
        %add3A_944 = arith.addf %gather3A_935, %mul3A_943 : vector<16xf32>
        %add3A_945 = arith.constant 3360 : i32
        %add3A_946 = vector.broadcast %add3A_945 : i32 to vector<16xi32>
        %add3A_947 = arith.addi %add3A_162, %add3A_946 : vector<16xi32>
        %mul3A_948 = arith.mulf %select_n3A_202, %add3A_944 : vector<16xf32>
        tpu.vector_store_idx %arg18[%add3A_947], %mul3A_948 {add = true} : memref<43008xf32, #tpu.memory_space<vmem>>[vector<16xi32>], vector<16xf32>,
        %add3A_949 = arith.constant 8736 : i32
        %add3A_950 = vector.broadcast %add3A_949 : i32 to vector<16xi32>
        %add3A_951 = arith.addi %add3A_162, %add3A_950 : vector<16xi32>
        %mul3A_952 = arith.mulf %select_n3A_243, %add3A_944 : vector<16xf32>
        tpu.vector_store_idx %arg18[%add3A_951], %mul3A_952 {add = true} : memref<43008xf32, #tpu.memory_space<vmem>>[vector<16xi32>], vector<16xf32>,
        %add3A_953 = arith.constant 14112 : i32
        %add3A_954 = vector.broadcast %add3A_953 : i32 to vector<16xi32>
        %add3A_955 = arith.addi %add3A_162, %add3A_954 : vector<16xi32>
        %mul3A_956 = arith.mulf %select_n3A_284, %add3A_944 : vector<16xf32>
        tpu.vector_store_idx %arg18[%add3A_955], %mul3A_956 {add = true} : memref<43008xf32, #tpu.memory_space<vmem>>[vector<16xi32>], vector<16xf32>,
        %add3A_957 = arith.constant 19488 : i32
        %add3A_958 = vector.broadcast %add3A_957 : i32 to vector<16xi32>
        %add3A_959 = arith.addi %add3A_162, %add3A_958 : vector<16xi32>
        %mul3A_960 = arith.mulf %select_n3A_325, %add3A_944 : vector<16xf32>
        tpu.vector_store_idx %arg18[%add3A_959], %mul3A_960 {add = true} : memref<43008xf32, #tpu.memory_space<vmem>>[vector<16xi32>], vector<16xf32>,
        %add3A_961 = arith.constant 24864 : i32
        %add3A_962 = vector.broadcast %add3A_961 : i32 to vector<16xi32>
        %add3A_963 = arith.addi %add3A_162, %add3A_962 : vector<16xi32>
        %mul3A_964 = arith.mulf %select_n3A_366, %add3A_944 : vector<16xf32>
        tpu.vector_store_idx %arg18[%add3A_963], %mul3A_964 {add = true} : memref<43008xf32, #tpu.memory_space<vmem>>[vector<16xi32>], vector<16xf32>,
        %add3A_965 = arith.constant 30240 : i32
        %add3A_966 = vector.broadcast %add3A_965 : i32 to vector<16xi32>
        %add3A_967 = arith.addi %add3A_162, %add3A_966 : vector<16xi32>
        %mul3A_968 = arith.mulf %select_n3A_407, %add3A_944 : vector<16xf32>
        tpu.vector_store_idx %arg18[%add3A_967], %mul3A_968 {add = true} : memref<43008xf32, #tpu.memory_space<vmem>>[vector<16xi32>], vector<16xf32>,
        %add3A_969 = arith.constant 35616 : i32
        %add3A_970 = vector.broadcast %add3A_969 : i32 to vector<16xi32>
        %add3A_971 = arith.addi %add3A_162, %add3A_970 : vector<16xi32>
        %mul3A_972 = arith.mulf %select_n3A_448, %add3A_944 : vector<16xf32>
        tpu.vector_store_idx %arg18[%add3A_971], %mul3A_972 {add = true} : memref<43008xf32, #tpu.memory_space<vmem>>[vector<16xi32>], vector<16xf32>,
        %add3A_973 = arith.constant 40992 : i32
        %add3A_974 = vector.broadcast %add3A_973 : i32 to vector<16xi32>
        %add3A_975 = arith.addi %add3A_162, %add3A_974 : vector<16xi32>
        %mul3A_976 = arith.mulf %select_n3A_489, %add3A_944 : vector<16xf32>
        tpu.vector_store_idx %arg18[%add3A_975], %mul3A_976 {add = true} : memref<43008xf32, #tpu.memory_space<vmem>>[vector<16xi32>], vector<16xf32>,
        %broadcast_in_dim3A_977 = arith.constant 27 : i32
        %broadcast_in_dim3A_978 = vector.broadcast %broadcast_in_dim3A_977 : i32 to vector<16xi32>
        %gather3A_979 = tpu.vector_load_idx %arg24[%add3A_141, %broadcast_in_dim3A_978] : memref<512x32xf32, #tpu.memory_space<vmem>>[vector<16xi32>, vector<16xi32>], vector<16xf32>,
        %slice3A_980 = vector.extract_strided_slice %get3A_38 {offsets = [11], sizes = [1], strides = [1]} : vector<16xf32> to vector<1xf32>
        %squeeze3A_981 = vector.extract %slice3A_980[0] : f32 from vector<1xf32>
        %slice3A_982 = vector.extract_strided_slice %get3A_40 {offsets = [11], sizes = [1], strides = [1]} : vector<16xf32> to vector<1xf32>
        %squeeze3A_983 = vector.extract %slice3A_982[0] : f32 from vector<1xf32>
        %broadcast_in_dim3A_984 = vector.broadcast %squeeze3A_981 : f32 to vector<16xf32>
        %broadcast_in_dim3A_985 = vector.broadcast %squeeze3A_983 : f32 to vector<16xf32>
        %select_n3A_986 = arith.select %ge3A_165, %broadcast_in_dim3A_984, %broadcast_in_dim3A_985 : vector<16xi1>, vector<16xf32>
        %mul3A_987 = arith.mulf %get3A_153, %select_n3A_986 : vector<16xf32>
        %add3A_988 = arith.addf %gather3A_979, %mul3A_987 : vector<16xf32>
        %add3A_989 = arith.constant 3696 : i32
        %add3A_990 = vector.broadcast %add3A_989 : i32 to vector<16xi32>
        %add3A_991 = arith.addi %add3A_162, %add3A_990 : vector<16xi32>
        %mul3A_992 = arith.mulf %select_n3A_202, %add3A_988 : vector<16xf32>
        tpu.vector_store_idx %arg18[%add3A_991], %mul3A_992 {add = true} : memref<43008xf32, #tpu.memory_space<vmem>>[vector<16xi32>], vector<16xf32>,
        %add3A_993 = arith.constant 9072 : i32
        %add3A_994 = vector.broadcast %add3A_993 : i32 to vector<16xi32>
        %add3A_995 = arith.addi %add3A_162, %add3A_994 : vector<16xi32>
        %mul3A_996 = arith.mulf %select_n3A_243, %add3A_988 : vector<16xf32>
        tpu.vector_store_idx %arg18[%add3A_995], %mul3A_996 {add = true} : memref<43008xf32, #tpu.memory_space<vmem>>[vector<16xi32>], vector<16xf32>,
        %add3A_997 = arith.constant 14448 : i32
        %add3A_998 = vector.broadcast %add3A_997 : i32 to vector<16xi32>
        %add3A_999 = arith.addi %add3A_162, %add3A_998 : vector<16xi32>
        %mul3A_1000 = arith.mulf %select_n3A_284, %add3A_988 : vector<16xf32>
        tpu.vector_store_idx %arg18[%add3A_999], %mul3A_1000 {add = true} : memref<43008xf32, #tpu.memory_space<vmem>>[vector<16xi32>], vector<16xf32>,
        %add3A_1001 = arith.constant 19824 : i32
        %add3A_1002 = vector.broadcast %add3A_1001 : i32 to vector<16xi32>
        %add3A_1003 = arith.addi %add3A_162, %add3A_1002 : vector<16xi32>
        %mul3A_1004 = arith.mulf %select_n3A_325, %add3A_988 : vector<16xf32>
        tpu.vector_store_idx %arg18[%add3A_1003], %mul3A_1004 {add = true} : memref<43008xf32, #tpu.memory_space<vmem>>[vector<16xi32>], vector<16xf32>,
        %add3A_1005 = arith.constant 25200 : i32
        %add3A_1006 = vector.broadcast %add3A_1005 : i32 to vector<16xi32>
        %add3A_1007 = arith.addi %add3A_162, %add3A_1006 : vector<16xi32>
        %mul3A_1008 = arith.mulf %select_n3A_366, %add3A_988 : vector<16xf32>
        tpu.vector_store_idx %arg18[%add3A_1007], %mul3A_1008 {add = true} : memref<43008xf32, #tpu.memory_space<vmem>>[vector<16xi32>], vector<16xf32>,
        %add3A_1009 = arith.constant 30576 : i32
        %add3A_1010 = vector.broadcast %add3A_1009 : i32 to vector<16xi32>
        %add3A_1011 = arith.addi %add3A_162, %add3A_1010 : vector<16xi32>
        %mul3A_1012 = arith.mulf %select_n3A_407, %add3A_988 : vector<16xf32>
        tpu.vector_store_idx %arg18[%add3A_1011], %mul3A_1012 {add = true} : memref<43008xf32, #tpu.memory_space<vmem>>[vector<16xi32>], vector<16xf32>,
        %add3A_1013 = arith.constant 35952 : i32
        %add3A_1014 = vector.broadcast %add3A_1013 : i32 to vector<16xi32>
        %add3A_1015 = arith.addi %add3A_162, %add3A_1014 : vector<16xi32>
        %mul3A_1016 = arith.mulf %select_n3A_448, %add3A_988 : vector<16xf32>
        tpu.vector_store_idx %arg18[%add3A_1015], %mul3A_1016 {add = true} : memref<43008xf32, #tpu.memory_space<vmem>>[vector<16xi32>], vector<16xf32>,
        %add3A_1017 = arith.constant 41328 : i32
        %add3A_1018 = vector.broadcast %add3A_1017 : i32 to vector<16xi32>
        %add3A_1019 = arith.addi %add3A_162, %add3A_1018 : vector<16xi32>
        %mul3A_1020 = arith.mulf %select_n3A_489, %add3A_988 : vector<16xf32>
        tpu.vector_store_idx %arg18[%add3A_1019], %mul3A_1020 {add = true} : memref<43008xf32, #tpu.memory_space<vmem>>[vector<16xi32>], vector<16xf32>,
        %broadcast_in_dim3A_1021 = arith.constant 28 : i32
        %broadcast_in_dim3A_1022 = vector.broadcast %broadcast_in_dim3A_1021 : i32 to vector<16xi32>
        %gather3A_1023 = tpu.vector_load_idx %arg24[%add3A_141, %broadcast_in_dim3A_1022] : memref<512x32xf32, #tpu.memory_space<vmem>>[vector<16xi32>, vector<16xi32>], vector<16xf32>,
        %slice3A_1024 = vector.extract_strided_slice %get3A_38 {offsets = [12], sizes = [1], strides = [1]} : vector<16xf32> to vector<1xf32>
        %squeeze3A_1025 = vector.extract %slice3A_1024[0] : f32 from vector<1xf32>
        %slice3A_1026 = vector.extract_strided_slice %get3A_40 {offsets = [12], sizes = [1], strides = [1]} : vector<16xf32> to vector<1xf32>
        %squeeze3A_1027 = vector.extract %slice3A_1026[0] : f32 from vector<1xf32>
        %broadcast_in_dim3A_1028 = vector.broadcast %squeeze3A_1025 : f32 to vector<16xf32>
        %broadcast_in_dim3A_1029 = vector.broadcast %squeeze3A_1027 : f32 to vector<16xf32>
        %select_n3A_1030 = arith.select %ge3A_165, %broadcast_in_dim3A_1028, %broadcast_in_dim3A_1029 : vector<16xi1>, vector<16xf32>
        %mul3A_1031 = arith.mulf %get3A_153, %select_n3A_1030 : vector<16xf32>
        %add3A_1032 = arith.addf %gather3A_1023, %mul3A_1031 : vector<16xf32>
        %add3A_1033 = arith.constant 4032 : i32
        %add3A_1034 = vector.broadcast %add3A_1033 : i32 to vector<16xi32>
        %add3A_1035 = arith.addi %add3A_162, %add3A_1034 : vector<16xi32>
        %mul3A_1036 = arith.mulf %select_n3A_202, %add3A_1032 : vector<16xf32>
        tpu.vector_store_idx %arg18[%add3A_1035], %mul3A_1036 {add = true} : memref<43008xf32, #tpu.memory_space<vmem>>[vector<16xi32>], vector<16xf32>,
        %add3A_1037 = arith.constant 9408 : i32
        %add3A_1038 = vector.broadcast %add3A_1037 : i32 to vector<16xi32>
        %add3A_1039 = arith.addi %add3A_162, %add3A_1038 : vector<16xi32>
        %mul3A_1040 = arith.mulf %select_n3A_243, %add3A_1032 : vector<16xf32>
        tpu.vector_store_idx %arg18[%add3A_1039], %mul3A_1040 {add = true} : memref<43008xf32, #tpu.memory_space<vmem>>[vector<16xi32>], vector<16xf32>,
        %add3A_1041 = arith.constant 14784 : i32
        %add3A_1042 = vector.broadcast %add3A_1041 : i32 to vector<16xi32>
        %add3A_1043 = arith.addi %add3A_162, %add3A_1042 : vector<16xi32>
        %mul3A_1044 = arith.mulf %select_n3A_284, %add3A_1032 : vector<16xf32>
        tpu.vector_store_idx %arg18[%add3A_1043], %mul3A_1044 {add = true} : memref<43008xf32, #tpu.memory_space<vmem>>[vector<16xi32>], vector<16xf32>,
        %add3A_1045 = arith.constant 20160 : i32
        %add3A_1046 = vector.broadcast %add3A_1045 : i32 to vector<16xi32>
        %add3A_1047 = arith.addi %add3A_162, %add3A_1046 : vector<16xi32>
        %mul3A_1048 = arith.mulf %select_n3A_325, %add3A_1032 : vector<16xf32>
        tpu.vector_store_idx %arg18[%add3A_1047], %mul3A_1048 {add = true} : memref<43008xf32, #tpu.memory_space<vmem>>[vector<16xi32>], vector<16xf32>,
        %add3A_1049 = arith.constant 25536 : i32
        %add3A_1050 = vector.broadcast %add3A_1049 : i32 to vector<16xi32>
        %add3A_1051 = arith.addi %add3A_162, %add3A_1050 : vector<16xi32>
        %mul3A_1052 = arith.mulf %select_n3A_366, %add3A_1032 : vector<16xf32>
        tpu.vector_store_idx %arg18[%add3A_1051], %mul3A_1052 {add = true} : memref<43008xf32, #tpu.memory_space<vmem>>[vector<16xi32>], vector<16xf32>,
        %add3A_1053 = arith.constant 30912 : i32
        %add3A_1054 = vector.broadcast %add3A_1053 : i32 to vector<16xi32>
        %add3A_1055 = arith.addi %add3A_162, %add3A_1054 : vector<16xi32>
        %mul3A_1056 = arith.mulf %select_n3A_407, %add3A_1032 : vector<16xf32>
        tpu.vector_store_idx %arg18[%add3A_1055], %mul3A_1056 {add = true} : memref<43008xf32, #tpu.memory_space<vmem>>[vector<16xi32>], vector<16xf32>,
        %add3A_1057 = arith.constant 36288 : i32
        %add3A_1058 = vector.broadcast %add3A_1057 : i32 to vector<16xi32>
        %add3A_1059 = arith.addi %add3A_162, %add3A_1058 : vector<16xi32>
        %mul3A_1060 = arith.mulf %select_n3A_448, %add3A_1032 : vector<16xf32>
        tpu.vector_store_idx %arg18[%add3A_1059], %mul3A_1060 {add = true} : memref<43008xf32, #tpu.memory_space<vmem>>[vector<16xi32>], vector<16xf32>,
        %add3A_1061 = arith.constant 41664 : i32
        %add3A_1062 = vector.broadcast %add3A_1061 : i32 to vector<16xi32>
        %add3A_1063 = arith.addi %add3A_162, %add3A_1062 : vector<16xi32>
        %mul3A_1064 = arith.mulf %select_n3A_489, %add3A_1032 : vector<16xf32>
        tpu.vector_store_idx %arg18[%add3A_1063], %mul3A_1064 {add = true} : memref<43008xf32, #tpu.memory_space<vmem>>[vector<16xi32>], vector<16xf32>,
        %broadcast_in_dim3A_1065 = arith.constant 29 : i32
        %broadcast_in_dim3A_1066 = vector.broadcast %broadcast_in_dim3A_1065 : i32 to vector<16xi32>
        %gather3A_1067 = tpu.vector_load_idx %arg24[%add3A_141, %broadcast_in_dim3A_1066] : memref<512x32xf32, #tpu.memory_space<vmem>>[vector<16xi32>, vector<16xi32>], vector<16xf32>,
        %slice3A_1068 = vector.extract_strided_slice %get3A_38 {offsets = [13], sizes = [1], strides = [1]} : vector<16xf32> to vector<1xf32>
        %squeeze3A_1069 = vector.extract %slice3A_1068[0] : f32 from vector<1xf32>
        %slice3A_1070 = vector.extract_strided_slice %get3A_40 {offsets = [13], sizes = [1], strides = [1]} : vector<16xf32> to vector<1xf32>
        %squeeze3A_1071 = vector.extract %slice3A_1070[0] : f32 from vector<1xf32>
        %broadcast_in_dim3A_1072 = vector.broadcast %squeeze3A_1069 : f32 to vector<16xf32>
        %broadcast_in_dim3A_1073 = vector.broadcast %squeeze3A_1071 : f32 to vector<16xf32>
        %select_n3A_1074 = arith.select %ge3A_165, %broadcast_in_dim3A_1072, %broadcast_in_dim3A_1073 : vector<16xi1>, vector<16xf32>
        %mul3A_1075 = arith.mulf %get3A_153, %select_n3A_1074 : vector<16xf32>
        %add3A_1076 = arith.addf %gather3A_1067, %mul3A_1075 : vector<16xf32>
        %add3A_1077 = arith.constant 4368 : i32
        %add3A_1078 = vector.broadcast %add3A_1077 : i32 to vector<16xi32>
        %add3A_1079 = arith.addi %add3A_162, %add3A_1078 : vector<16xi32>
        %mul3A_1080 = arith.mulf %select_n3A_202, %add3A_1076 : vector<16xf32>
        tpu.vector_store_idx %arg18[%add3A_1079], %mul3A_1080 {add = true} : memref<43008xf32, #tpu.memory_space<vmem>>[vector<16xi32>], vector<16xf32>,
        %add3A_1081 = arith.constant 9744 : i32
        %add3A_1082 = vector.broadcast %add3A_1081 : i32 to vector<16xi32>
        %add3A_1083 = arith.addi %add3A_162, %add3A_1082 : vector<16xi32>
        %mul3A_1084 = arith.mulf %select_n3A_243, %add3A_1076 : vector<16xf32>
        tpu.vector_store_idx %arg18[%add3A_1083], %mul3A_1084 {add = true} : memref<43008xf32, #tpu.memory_space<vmem>>[vector<16xi32>], vector<16xf32>,
        %add3A_1085 = arith.constant 15120 : i32
        %add3A_1086 = vector.broadcast %add3A_1085 : i32 to vector<16xi32>
        %add3A_1087 = arith.addi %add3A_162, %add3A_1086 : vector<16xi32>
        %mul3A_1088 = arith.mulf %select_n3A_284, %add3A_1076 : vector<16xf32>
        tpu.vector_store_idx %arg18[%add3A_1087], %mul3A_1088 {add = true} : memref<43008xf32, #tpu.memory_space<vmem>>[vector<16xi32>], vector<16xf32>,
        %add3A_1089 = arith.constant 20496 : i32
        %add3A_1090 = vector.broadcast %add3A_1089 : i32 to vector<16xi32>
        %add3A_1091 = arith.addi %add3A_162, %add3A_1090 : vector<16xi32>
        %mul3A_1092 = arith.mulf %select_n3A_325, %add3A_1076 : vector<16xf32>
        tpu.vector_store_idx %arg18[%add3A_1091], %mul3A_1092 {add = true} : memref<43008xf32, #tpu.memory_space<vmem>>[vector<16xi32>], vector<16xf32>,
        %add3A_1093 = arith.constant 25872 : i32
        %add3A_1094 = vector.broadcast %add3A_1093 : i32 to vector<16xi32>
        %add3A_1095 = arith.addi %add3A_162, %add3A_1094 : vector<16xi32>
        %mul3A_1096 = arith.mulf %select_n3A_366, %add3A_1076 : vector<16xf32>
        tpu.vector_store_idx %arg18[%add3A_1095], %mul3A_1096 {add = true} : memref<43008xf32, #tpu.memory_space<vmem>>[vector<16xi32>], vector<16xf32>,
        %add3A_1097 = arith.constant 31248 : i32
        %add3A_1098 = vector.broadcast %add3A_1097 : i32 to vector<16xi32>
        %add3A_1099 = arith.addi %add3A_162, %add3A_1098 : vector<16xi32>
        %mul3A_1100 = arith.mulf %select_n3A_407, %add3A_1076 : vector<16xf32>
        tpu.vector_store_idx %arg18[%add3A_1099], %mul3A_1100 {add = true} : memref<43008xf32, #tpu.memory_space<vmem>>[vector<16xi32>], vector<16xf32>,
        %add3A_1101 = arith.constant 36624 : i32
        %add3A_1102 = vector.broadcast %add3A_1101 : i32 to vector<16xi32>
        %add3A_1103 = arith.addi %add3A_162, %add3A_1102 : vector<16xi32>
        %mul3A_1104 = arith.mulf %select_n3A_448, %add3A_1076 : vector<16xf32>
        tpu.vector_store_idx %arg18[%add3A_1103], %mul3A_1104 {add = true} : memref<43008xf32, #tpu.memory_space<vmem>>[vector<16xi32>], vector<16xf32>,
        %add3A_1105 = arith.constant 42000 : i32
        %add3A_1106 = vector.broadcast %add3A_1105 : i32 to vector<16xi32>
        %add3A_1107 = arith.addi %add3A_162, %add3A_1106 : vector<16xi32>
        %mul3A_1108 = arith.mulf %select_n3A_489, %add3A_1076 : vector<16xf32>
        tpu.vector_store_idx %arg18[%add3A_1107], %mul3A_1108 {add = true} : memref<43008xf32, #tpu.memory_space<vmem>>[vector<16xi32>], vector<16xf32>,
        %broadcast_in_dim3A_1109 = arith.constant 30 : i32
        %broadcast_in_dim3A_1110 = vector.broadcast %broadcast_in_dim3A_1109 : i32 to vector<16xi32>
        %gather3A_1111 = tpu.vector_load_idx %arg24[%add3A_141, %broadcast_in_dim3A_1110] : memref<512x32xf32, #tpu.memory_space<vmem>>[vector<16xi32>, vector<16xi32>], vector<16xf32>,
        %slice3A_1112 = vector.extract_strided_slice %get3A_38 {offsets = [14], sizes = [1], strides = [1]} : vector<16xf32> to vector<1xf32>
        %squeeze3A_1113 = vector.extract %slice3A_1112[0] : f32 from vector<1xf32>
        %slice3A_1114 = vector.extract_strided_slice %get3A_40 {offsets = [14], sizes = [1], strides = [1]} : vector<16xf32> to vector<1xf32>
        %squeeze3A_1115 = vector.extract %slice3A_1114[0] : f32 from vector<1xf32>
        %broadcast_in_dim3A_1116 = vector.broadcast %squeeze3A_1113 : f32 to vector<16xf32>
        %broadcast_in_dim3A_1117 = vector.broadcast %squeeze3A_1115 : f32 to vector<16xf32>
        %select_n3A_1118 = arith.select %ge3A_165, %broadcast_in_dim3A_1116, %broadcast_in_dim3A_1117 : vector<16xi1>, vector<16xf32>
        %mul3A_1119 = arith.mulf %get3A_153, %select_n3A_1118 : vector<16xf32>
        %add3A_1120 = arith.addf %gather3A_1111, %mul3A_1119 : vector<16xf32>
        %add3A_1121 = arith.constant 4704 : i32
        %add3A_1122 = vector.broadcast %add3A_1121 : i32 to vector<16xi32>
        %add3A_1123 = arith.addi %add3A_162, %add3A_1122 : vector<16xi32>
        %mul3A_1124 = arith.mulf %select_n3A_202, %add3A_1120 : vector<16xf32>
        tpu.vector_store_idx %arg18[%add3A_1123], %mul3A_1124 {add = true} : memref<43008xf32, #tpu.memory_space<vmem>>[vector<16xi32>], vector<16xf32>,
        %add3A_1125 = arith.constant 10080 : i32
        %add3A_1126 = vector.broadcast %add3A_1125 : i32 to vector<16xi32>
        %add3A_1127 = arith.addi %add3A_162, %add3A_1126 : vector<16xi32>
        %mul3A_1128 = arith.mulf %select_n3A_243, %add3A_1120 : vector<16xf32>
        tpu.vector_store_idx %arg18[%add3A_1127], %mul3A_1128 {add = true} : memref<43008xf32, #tpu.memory_space<vmem>>[vector<16xi32>], vector<16xf32>,
        %add3A_1129 = arith.constant 15456 : i32
        %add3A_1130 = vector.broadcast %add3A_1129 : i32 to vector<16xi32>
        %add3A_1131 = arith.addi %add3A_162, %add3A_1130 : vector<16xi32>
        %mul3A_1132 = arith.mulf %select_n3A_284, %add3A_1120 : vector<16xf32>
        tpu.vector_store_idx %arg18[%add3A_1131], %mul3A_1132 {add = true} : memref<43008xf32, #tpu.memory_space<vmem>>[vector<16xi32>], vector<16xf32>,
        %add3A_1133 = arith.constant 20832 : i32
        %add3A_1134 = vector.broadcast %add3A_1133 : i32 to vector<16xi32>
        %add3A_1135 = arith.addi %add3A_162, %add3A_1134 : vector<16xi32>
        %mul3A_1136 = arith.mulf %select_n3A_325, %add3A_1120 : vector<16xf32>
        tpu.vector_store_idx %arg18[%add3A_1135], %mul3A_1136 {add = true} : memref<43008xf32, #tpu.memory_space<vmem>>[vector<16xi32>], vector<16xf32>,
        %add3A_1137 = arith.constant 26208 : i32
        %add3A_1138 = vector.broadcast %add3A_1137 : i32 to vector<16xi32>
        %add3A_1139 = arith.addi %add3A_162, %add3A_1138 : vector<16xi32>
        %mul3A_1140 = arith.mulf %select_n3A_366, %add3A_1120 : vector<16xf32>
        tpu.vector_store_idx %arg18[%add3A_1139], %mul3A_1140 {add = true} : memref<43008xf32, #tpu.memory_space<vmem>>[vector<16xi32>], vector<16xf32>,
        %add3A_1141 = arith.constant 31584 : i32
        %add3A_1142 = vector.broadcast %add3A_1141 : i32 to vector<16xi32>
        %add3A_1143 = arith.addi %add3A_162, %add3A_1142 : vector<16xi32>
        %mul3A_1144 = arith.mulf %select_n3A_407, %add3A_1120 : vector<16xf32>
        tpu.vector_store_idx %arg18[%add3A_1143], %mul3A_1144 {add = true} : memref<43008xf32, #tpu.memory_space<vmem>>[vector<16xi32>], vector<16xf32>,
        %add3A_1145 = arith.constant 36960 : i32
        %add3A_1146 = vector.broadcast %add3A_1145 : i32 to vector<16xi32>
        %add3A_1147 = arith.addi %add3A_162, %add3A_1146 : vector<16xi32>
        %mul3A_1148 = arith.mulf %select_n3A_448, %add3A_1120 : vector<16xf32>
        tpu.vector_store_idx %arg18[%add3A_1147], %mul3A_1148 {add = true} : memref<43008xf32, #tpu.memory_space<vmem>>[vector<16xi32>], vector<16xf32>,
        %add3A_1149 = arith.constant 42336 : i32
        %add3A_1150 = vector.broadcast %add3A_1149 : i32 to vector<16xi32>
        %add3A_1151 = arith.addi %add3A_162, %add3A_1150 : vector<16xi32>
        %mul3A_1152 = arith.mulf %select_n3A_489, %add3A_1120 : vector<16xf32>
        tpu.vector_store_idx %arg18[%add3A_1151], %mul3A_1152 {add = true} : memref<43008xf32, #tpu.memory_space<vmem>>[vector<16xi32>], vector<16xf32>,
        %broadcast_in_dim3A_1153 = arith.constant 31 : i32
        %broadcast_in_dim3A_1154 = vector.broadcast %broadcast_in_dim3A_1153 : i32 to vector<16xi32>
        %gather3A_1155 = tpu.vector_load_idx %arg24[%add3A_141, %broadcast_in_dim3A_1154] : memref<512x32xf32, #tpu.memory_space<vmem>>[vector<16xi32>, vector<16xi32>], vector<16xf32>,
        %slice3A_1156 = vector.extract_strided_slice %get3A_38 {offsets = [15], sizes = [1], strides = [1]} : vector<16xf32> to vector<1xf32>
        %squeeze3A_1157 = vector.extract %slice3A_1156[0] : f32 from vector<1xf32>
        %slice3A_1158 = vector.extract_strided_slice %get3A_40 {offsets = [15], sizes = [1], strides = [1]} : vector<16xf32> to vector<1xf32>
        %squeeze3A_1159 = vector.extract %slice3A_1158[0] : f32 from vector<1xf32>
        %broadcast_in_dim3A_1160 = vector.broadcast %squeeze3A_1157 : f32 to vector<16xf32>
        %broadcast_in_dim3A_1161 = vector.broadcast %squeeze3A_1159 : f32 to vector<16xf32>
        %select_n3A_1162 = arith.select %ge3A_165, %broadcast_in_dim3A_1160, %broadcast_in_dim3A_1161 : vector<16xi1>, vector<16xf32>
        %mul3A_1163 = arith.mulf %get3A_153, %select_n3A_1162 : vector<16xf32>
        %add3A_1164 = arith.addf %gather3A_1155, %mul3A_1163 : vector<16xf32>
        %add3A_1165 = arith.constant 5040 : i32
        %add3A_1166 = vector.broadcast %add3A_1165 : i32 to vector<16xi32>
        %add3A_1167 = arith.addi %add3A_162, %add3A_1166 : vector<16xi32>
        %mul3A_1168 = arith.mulf %select_n3A_202, %add3A_1164 : vector<16xf32>
        tpu.vector_store_idx %arg18[%add3A_1167], %mul3A_1168 {add = true} : memref<43008xf32, #tpu.memory_space<vmem>>[vector<16xi32>], vector<16xf32>,
        %add3A_1169 = arith.constant 10416 : i32
        %add3A_1170 = vector.broadcast %add3A_1169 : i32 to vector<16xi32>
        %add3A_1171 = arith.addi %add3A_162, %add3A_1170 : vector<16xi32>
        %mul3A_1172 = arith.mulf %select_n3A_243, %add3A_1164 : vector<16xf32>
        tpu.vector_store_idx %arg18[%add3A_1171], %mul3A_1172 {add = true} : memref<43008xf32, #tpu.memory_space<vmem>>[vector<16xi32>], vector<16xf32>,
        %add3A_1173 = arith.constant 15792 : i32
        %add3A_1174 = vector.broadcast %add3A_1173 : i32 to vector<16xi32>
        %add3A_1175 = arith.addi %add3A_162, %add3A_1174 : vector<16xi32>
        %mul3A_1176 = arith.mulf %select_n3A_284, %add3A_1164 : vector<16xf32>
        tpu.vector_store_idx %arg18[%add3A_1175], %mul3A_1176 {add = true} : memref<43008xf32, #tpu.memory_space<vmem>>[vector<16xi32>], vector<16xf32>,
        %add3A_1177 = arith.constant 21168 : i32
        %add3A_1178 = vector.broadcast %add3A_1177 : i32 to vector<16xi32>
        %add3A_1179 = arith.addi %add3A_162, %add3A_1178 : vector<16xi32>
        %mul3A_1180 = arith.mulf %select_n3A_325, %add3A_1164 : vector<16xf32>
        tpu.vector_store_idx %arg18[%add3A_1179], %mul3A_1180 {add = true} : memref<43008xf32, #tpu.memory_space<vmem>>[vector<16xi32>], vector<16xf32>,
        %add3A_1181 = arith.constant 26544 : i32
        %add3A_1182 = vector.broadcast %add3A_1181 : i32 to vector<16xi32>
        %add3A_1183 = arith.addi %add3A_162, %add3A_1182 : vector<16xi32>
        %mul3A_1184 = arith.mulf %select_n3A_366, %add3A_1164 : vector<16xf32>
        tpu.vector_store_idx %arg18[%add3A_1183], %mul3A_1184 {add = true} : memref<43008xf32, #tpu.memory_space<vmem>>[vector<16xi32>], vector<16xf32>,
        %add3A_1185 = arith.constant 31920 : i32
        %add3A_1186 = vector.broadcast %add3A_1185 : i32 to vector<16xi32>
        %add3A_1187 = arith.addi %add3A_162, %add3A_1186 : vector<16xi32>
        %mul3A_1188 = arith.mulf %select_n3A_407, %add3A_1164 : vector<16xf32>
        tpu.vector_store_idx %arg18[%add3A_1187], %mul3A_1188 {add = true} : memref<43008xf32, #tpu.memory_space<vmem>>[vector<16xi32>], vector<16xf32>,
        %add3A_1189 = arith.constant 37296 : i32
        %add3A_1190 = vector.broadcast %add3A_1189 : i32 to vector<16xi32>
        %add3A_1191 = arith.addi %add3A_162, %add3A_1190 : vector<16xi32>
        %mul3A_1192 = arith.mulf %select_n3A_448, %add3A_1164 : vector<16xf32>
        tpu.vector_store_idx %arg18[%add3A_1191], %mul3A_1192 {add = true} : memref<43008xf32, #tpu.memory_space<vmem>>[vector<16xi32>], vector<16xf32>,
        %add3A_1193 = arith.constant 42672 : i32
        %add3A_1194 = vector.broadcast %add3A_1193 : i32 to vector<16xi32>
        %add3A_1195 = arith.addi %add3A_162, %add3A_1194 : vector<16xi32>
        %mul3A_1196 = arith.mulf %select_n3A_489, %add3A_1164 : vector<16xf32>
        tpu.vector_store_idx %arg18[%add3A_1195], %mul3A_1196 {add = true} : memref<43008xf32, #tpu.memory_space<vmem>>[vector<16xi32>], vector<16xf32>,
      }
      %scan3A_132 = arith.constant 32 : i32
    }
    %scan3A_110 = arith.constant 0 : i32
    %scan3A_111 = arith.constant 168 : i32
    %scan3A_112 = arith.addi %scan3A_110, %scan3A_111 : i32
    %scan3A_113 = arith.constant 1 : i32
    scf.for %scan3A_122 = %scan3A_110 to %scan3A_112 step %scan3A_113  : i32 {
      %mul3A_123 = arith.constant 1 : i32
      %mul3A_124 = arith.muli %scan3A_122, %mul3A_123 : i32
      %add3A_125 = arith.constant 0 : i32
      %add3A_126 = arith.addi %add3A_125, %mul3A_124 : i32
      %mul3A_127 = arith.constant 16 : i32
      %mul3A_128 = arith.muli %add3A_126, %mul3A_127 : i32
      %get3A_129 = arith.index_cast %mul3A_128 : i32 to index
      %get3A_130 = tpu.vector_load %arg17[%get3A_129] {strides = array<i32>} : memref<2704xf32, #tpu.memory_space<vmem>>, vector<16xf32>,
      %add3A_131 = arith.constant 1.000000e-16 : f32
      %add3A_132 = vector.broadcast %add3A_131 : f32 to vector<16xf32>
      %add3A_133 = arith.addf %get3A_130, %add3A_132 : vector<16xf32>
      %div3A_134 = arith.constant 1.000000e+00 : f32
      %div3A_135 = vector.broadcast %div3A_134 : f32 to vector<16xf32>
      %div3A_136 = arith.divf %div3A_135, %add3A_133 : vector<16xf32>
      %mul3A_137 = arith.constant 16 : i32
      %mul3A_138 = arith.muli %add3A_126, %mul3A_137 : i32
      %swap3A = arith.index_cast %mul3A_138 : i32 to index
      %swap3A_139 = tpu.vector_load %arg17[%swap3A] {strides = array<i32>} : memref<2704xf32, #tpu.memory_space<vmem>>, vector<16xf32>,
      tpu.vector_store %arg17[%swap3A], %div3A_136 {strides = array<i32>} : memref<2704xf32, #tpu.memory_space<vmem>>, vector<16xf32>,
    }
    %scan3A_114 = arith.constant 168 : i32
    %scan3A_115 = arith.constant 0 : i32
    %scan3A_116 = arith.constant 128 : i32
    %scan3A_117 = arith.addi %scan3A_115, %scan3A_116 : i32
    %scan3A_118 = arith.constant 1 : i32
    scf.for %scan3A_122 = %scan3A_115 to %scan3A_117 step %scan3A_118  : i32 {
      %mul3A_123 = arith.constant 1 : i32
      %mul3A_124 = arith.muli %scan3A_122, %mul3A_123 : i32
      %add3A_125 = arith.constant 0 : i32
      %add3A_126 = arith.addi %add3A_125, %mul3A_124 : i32
      %jit3A_127 = arith.constant 16 : i32
      %div3A_128 = arith.divsi %add3A_126, %jit3A_127 : i32
      %sign3A_129 = arith.constant 0 : i32
      %sign3A_130 = arith.cmpi sgt, %add3A_126, %sign3A_129 : i32
      %sign3A_131 = arith.extui %sign3A_130 : i1 to i32
      %sign3A_132 = arith.constant 0 : i32
      %sign3A_133 = arith.cmpi slt, %add3A_126, %sign3A_132 : i32
      %sign3A_134 = arith.extui %sign3A_133 : i1 to i32
      %sign3A_135 = arith.subi %sign3A_131, %sign3A_134 : i32
      %sign3A_136 = arith.constant 0 : i32
      %sign3A_137 = arith.cmpi sgt, %jit3A_127, %sign3A_136 : i32
      %sign3A_138 = arith.extui %sign3A_137 : i1 to i32
      %sign3A_139 = arith.constant 0 : i32
      %sign3A_140 = arith.cmpi slt, %jit3A_127, %sign3A_139 : i32
      %sign3A_141 = arith.extui %sign3A_140 : i1 to i32
      %sign3A_142 = arith.subi %sign3A_138, %sign3A_141 : i32
      %ne3A_143 = arith.cmpi ne, %sign3A_135, %sign3A_142 : i32
      %rem3A_144 = arith.remsi %add3A_126, %jit3A_127 : i32
      %ne3A_145 = arith.constant 0 : i32
      %ne3A_146 = arith.cmpi ne, %rem3A_144, %ne3A_145 : i32
      %and3A_147 = arith.andi %ne3A_143, %ne3A_146 : i1
      %sub3A_148 = arith.constant 1 : i32
      %sub3A_149 = arith.subi %div3A_128, %sub3A_148 : i32
      %select_n3A_150 = arith.select %and3A_147, %sub3A_149, %div3A_128 : i32
      %mul3A_151 = arith.constant 336 : i32
      %mul3A_152 = arith.muli %add3A_126, %mul3A_151 : i32
      %add3A_153 = arith.constant 0 : i32
      %add3A_154 = arith.addi %mul3A_152, %add3A_153 : i32
      %mul3A_155 = arith.constant 336 : i32
      %mul3A_156 = arith.muli %select_n3A_150, %mul3A_155 : i32
      %add3A_157 = arith.constant 0 : i32
      %add3A_158 = arith.addi %mul3A_156, %add3A_157 : i32
      %get3A_159 = arith.index_cast %add3A_154 : i32 to index
      %get3A_160 = tpu.vector_load %arg18[%get3A_159] {strides = array<i32>} : memref<43008xf32, #tpu.memory_space<vmem>>, vector<16xf32>,
      %get3A_161 = arith.index_cast %add3A_158 : i32 to index
      %get3A_162 = tpu.vector_load %arg17[%get3A_161] {strides = array<i32>} : memref<2704xf32, #tpu.memory_space<vmem>>, vector<16xf32>,
      %mul3A_163 = arith.mulf %get3A_160, %get3A_162 : vector<16xf32>
      %swap3A = arith.index_cast %add3A_154 : i32 to index
      %swap3A_164 = tpu.vector_load %arg18[%swap3A] {strides = array<i32>} : memref<43008xf32, #tpu.memory_space<vmem>>, vector<16xf32>,
      tpu.vector_store %arg18[%swap3A], %mul3A_163 {strides = array<i32>} : memref<43008xf32, #tpu.memory_space<vmem>>, vector<16xf32>,
      %mul3A_165 = arith.constant 336 : i32
      %mul3A_166 = arith.muli %add3A_126, %mul3A_165 : i32
      %add3A_167 = arith.constant 16 : i32
      %add3A_168 = arith.addi %mul3A_166, %add3A_167 : i32
      %mul3A_169 = arith.constant 336 : i32
      %mul3A_170 = arith.muli %select_n3A_150, %mul3A_169 : i32
      %add3A_171 = arith.constant 16 : i32
      %add3A_172 = arith.addi %mul3A_170, %add3A_171 : i32
      %get3A_173 = arith.index_cast %add3A_168 : i32 to index
      %get3A_174 = tpu.vector_load %arg18[%get3A_173] {strides = array<i32>} : memref<43008xf32, #tpu.memory_space<vmem>>, vector<16xf32>,
      %get3A_175 = arith.index_cast %add3A_172 : i32 to index
      %get3A_176 = tpu.vector_load %arg17[%get3A_175] {strides = array<i32>} : memref<2704xf32, #tpu.memory_space<vmem>>, vector<16xf32>,
      %mul3A_177 = arith.mulf %get3A_174, %get3A_176 : vector<16xf32>
      %swap3A_178 = arith.index_cast %add3A_168 : i32 to index
      %swap3A_179 = tpu.vector_load %arg18[%swap3A_178] {strides = array<i32>} : memref<43008xf32, #tpu.memory_space<vmem>>, vector<16xf32>,
      tpu.vector_store %arg18[%swap3A_178], %mul3A_177 {strides = array<i32>} : memref<43008xf32, #tpu.memory_space<vmem>>, vector<16xf32>,
      %mul3A_180 = arith.constant 336 : i32
      %mul3A_181 = arith.muli %add3A_126, %mul3A_180 : i32
      %add3A_182 = arith.constant 32 : i32
      %add3A_183 = arith.addi %mul3A_181, %add3A_182 : i32
      %mul3A_184 = arith.constant 336 : i32
      %mul3A_185 = arith.muli %select_n3A_150, %mul3A_184 : i32
      %add3A_186 = arith.constant 32 : i32
      %add3A_187 = arith.addi %mul3A_185, %add3A_186 : i32
      %get3A_188 = arith.index_cast %add3A_183 : i32 to index
      %get3A_189 = tpu.vector_load %arg18[%get3A_188] {strides = array<i32>} : memref<43008xf32, #tpu.memory_space<vmem>>, vector<16xf32>,
      %get3A_190 = arith.index_cast %add3A_187 : i32 to index
      %get3A_191 = tpu.vector_load %arg17[%get3A_190] {strides = array<i32>} : memref<2704xf32, #tpu.memory_space<vmem>>, vector<16xf32>,
      %mul3A_192 = arith.mulf %get3A_189, %get3A_191 : vector<16xf32>
      %swap3A_193 = arith.index_cast %add3A_183 : i32 to index
      %swap3A_194 = tpu.vector_load %arg18[%swap3A_193] {strides = array<i32>} : memref<43008xf32, #tpu.memory_space<vmem>>, vector<16xf32>,
      tpu.vector_store %arg18[%swap3A_193], %mul3A_192 {strides = array<i32>} : memref<43008xf32, #tpu.memory_space<vmem>>, vector<16xf32>,
      %mul3A_195 = arith.constant 336 : i32
      %mul3A_196 = arith.muli %add3A_126, %mul3A_195 : i32
      %add3A_197 = arith.constant 48 : i32
      %add3A_198 = arith.addi %mul3A_196, %add3A_197 : i32
      %mul3A_199 = arith.constant 336 : i32
      %mul3A_200 = arith.muli %select_n3A_150, %mul3A_199 : i32
      %add3A_201 = arith.constant 48 : i32
      %add3A_202 = arith.addi %mul3A_200, %add3A_201 : i32
      %get3A_203 = arith.index_cast %add3A_198 : i32 to index
      %get3A_204 = tpu.vector_load %arg18[%get3A_203] {strides = array<i32>} : memref<43008xf32, #tpu.memory_space<vmem>>, vector<16xf32>,
      %get3A_205 = arith.index_cast %add3A_202 : i32 to index
      %get3A_206 = tpu.vector_load %arg17[%get3A_205] {strides = array<i32>} : memref<2704xf32, #tpu.memory_space<vmem>>, vector<16xf32>,
      %mul3A_207 = arith.mulf %get3A_204, %get3A_206 : vector<16xf32>
      %swap3A_208 = arith.index_cast %add3A_198 : i32 to index
      %swap3A_209 = tpu.vector_load %arg18[%swap3A_208] {strides = array<i32>} : memref<43008xf32, #tpu.memory_space<vmem>>, vector<16xf32>,
      tpu.vector_store %arg18[%swap3A_208], %mul3A_207 {strides = array<i32>} : memref<43008xf32, #tpu.memory_space<vmem>>, vector<16xf32>,
      %mul3A_210 = arith.constant 336 : i32
      %mul3A_211 = arith.muli %add3A_126, %mul3A_210 : i32
      %add3A_212 = arith.constant 64 : i32
      %add3A_213 = arith.addi %mul3A_211, %add3A_212 : i32
      %mul3A_214 = arith.constant 336 : i32
      %mul3A_215 = arith.muli %select_n3A_150, %mul3A_214 : i32
      %add3A_216 = arith.constant 64 : i32
      %add3A_217 = arith.addi %mul3A_215, %add3A_216 : i32
      %get3A_218 = arith.index_cast %add3A_213 : i32 to index
      %get3A_219 = tpu.vector_load %arg18[%get3A_218] {strides = array<i32>} : memref<43008xf32, #tpu.memory_space<vmem>>, vector<16xf32>,
      %get3A_220 = arith.index_cast %add3A_217 : i32 to index
      %get3A_221 = tpu.vector_load %arg17[%get3A_220] {strides = array<i32>} : memref<2704xf32, #tpu.memory_space<vmem>>, vector<16xf32>,
      %mul3A_222 = arith.mulf %get3A_219, %get3A_221 : vector<16xf32>
      %swap3A_223 = arith.index_cast %add3A_213 : i32 to index
      %swap3A_224 = tpu.vector_load %arg18[%swap3A_223] {strides = array<i32>} : memref<43008xf32, #tpu.memory_space<vmem>>, vector<16xf32>,
      tpu.vector_store %arg18[%swap3A_223], %mul3A_222 {strides = array<i32>} : memref<43008xf32, #tpu.memory_space<vmem>>, vector<16xf32>,
      %mul3A_225 = arith.constant 336 : i32
      %mul3A_226 = arith.muli %add3A_126, %mul3A_225 : i32
      %add3A_227 = arith.constant 80 : i32
      %add3A_228 = arith.addi %mul3A_226, %add3A_227 : i32
      %mul3A_229 = arith.constant 336 : i32
      %mul3A_230 = arith.muli %select_n3A_150, %mul3A_229 : i32
      %add3A_231 = arith.constant 80 : i32
      %add3A_232 = arith.addi %mul3A_230, %add3A_231 : i32
      %get3A_233 = arith.index_cast %add3A_228 : i32 to index
      %get3A_234 = tpu.vector_load %arg18[%get3A_233] {strides = array<i32>} : memref<43008xf32, #tpu.memory_space<vmem>>, vector<16xf32>,
      %get3A_235 = arith.index_cast %add3A_232 : i32 to index
      %get3A_236 = tpu.vector_load %arg17[%get3A_235] {strides = array<i32>} : memref<2704xf32, #tpu.memory_space<vmem>>, vector<16xf32>,
      %mul3A_237 = arith.mulf %get3A_234, %get3A_236 : vector<16xf32>
      %swap3A_238 = arith.index_cast %add3A_228 : i32 to index
      %swap3A_239 = tpu.vector_load %arg18[%swap3A_238] {strides = array<i32>} : memref<43008xf32, #tpu.memory_space<vmem>>, vector<16xf32>,
      tpu.vector_store %arg18[%swap3A_238], %mul3A_237 {strides = array<i32>} : memref<43008xf32, #tpu.memory_space<vmem>>, vector<16xf32>,
      %mul3A_240 = arith.constant 336 : i32
      %mul3A_241 = arith.muli %add3A_126, %mul3A_240 : i32
      %add3A_242 = arith.constant 96 : i32
      %add3A_243 = arith.addi %mul3A_241, %add3A_242 : i32
      %mul3A_244 = arith.constant 336 : i32
      %mul3A_245 = arith.muli %select_n3A_150, %mul3A_244 : i32
      %add3A_246 = arith.constant 96 : i32
      %add3A_247 = arith.addi %mul3A_245, %add3A_246 : i32
      %get3A_248 = arith.index_cast %add3A_243 : i32 to index
      %get3A_249 = tpu.vector_load %arg18[%get3A_248] {strides = array<i32>} : memref<43008xf32, #tpu.memory_space<vmem>>, vector<16xf32>,
      %get3A_250 = arith.index_cast %add3A_247 : i32 to index
      %get3A_251 = tpu.vector_load %arg17[%get3A_250] {strides = array<i32>} : memref<2704xf32, #tpu.memory_space<vmem>>, vector<16xf32>,
      %mul3A_252 = arith.mulf %get3A_249, %get3A_251 : vector<16xf32>
      %swap3A_253 = arith.index_cast %add3A_243 : i32 to index
      %swap3A_254 = tpu.vector_load %arg18[%swap3A_253] {strides = array<i32>} : memref<43008xf32, #tpu.memory_space<vmem>>, vector<16xf32>,
      tpu.vector_store %arg18[%swap3A_253], %mul3A_252 {strides = array<i32>} : memref<43008xf32, #tpu.memory_space<vmem>>, vector<16xf32>,
      %mul3A_255 = arith.constant 336 : i32
      %mul3A_256 = arith.muli %add3A_126, %mul3A_255 : i32
      %add3A_257 = arith.constant 112 : i32
      %add3A_258 = arith.addi %mul3A_256, %add3A_257 : i32
      %mul3A_259 = arith.constant 336 : i32
      %mul3A_260 = arith.muli %select_n3A_150, %mul3A_259 : i32
      %add3A_261 = arith.constant 112 : i32
      %add3A_262 = arith.addi %mul3A_260, %add3A_261 : i32
      %get3A_263 = arith.index_cast %add3A_258 : i32 to index
      %get3A_264 = tpu.vector_load %arg18[%get3A_263] {strides = array<i32>} : memref<43008xf32, #tpu.memory_space<vmem>>, vector<16xf32>,
      %get3A_265 = arith.index_cast %add3A_262 : i32 to index
      %get3A_266 = tpu.vector_load %arg17[%get3A_265] {strides = array<i32>} : memref<2704xf32, #tpu.memory_space<vmem>>, vector<16xf32>,
      %mul3A_267 = arith.mulf %get3A_264, %get3A_266 : vector<16xf32>
      %swap3A_268 = arith.index_cast %add3A_258 : i32 to index
      %swap3A_269 = tpu.vector_load %arg18[%swap3A_268] {strides = array<i32>} : memref<43008xf32, #tpu.memory_space<vmem>>, vector<16xf32>,
      tpu.vector_store %arg18[%swap3A_268], %mul3A_267 {strides = array<i32>} : memref<43008xf32, #tpu.memory_space<vmem>>, vector<16xf32>,
      %mul3A_270 = arith.constant 336 : i32
      %mul3A_271 = arith.muli %add3A_126, %mul3A_270 : i32
      %add3A_272 = arith.constant 128 : i32
      %add3A_273 = arith.addi %mul3A_271, %add3A_272 : i32
      %mul3A_274 = arith.constant 336 : i32
      %mul3A_275 = arith.muli %select_n3A_150, %mul3A_274 : i32
      %add3A_276 = arith.constant 128 : i32
      %add3A_277 = arith.addi %mul3A_275, %add3A_276 : i32
      %get3A_278 = arith.index_cast %add3A_273 : i32 to index
      %get3A_279 = tpu.vector_load %arg18[%get3A_278] {strides = array<i32>} : memref<43008xf32, #tpu.memory_space<vmem>>, vector<16xf32>,
      %get3A_280 = arith.index_cast %add3A_277 : i32 to index
      %get3A_281 = tpu.vector_load %arg17[%get3A_280] {strides = array<i32>} : memref<2704xf32, #tpu.memory_space<vmem>>, vector<16xf32>,
      %mul3A_282 = arith.mulf %get3A_279, %get3A_281 : vector<16xf32>
      %swap3A_283 = arith.index_cast %add3A_273 : i32 to index
      %swap3A_284 = tpu.vector_load %arg18[%swap3A_283] {strides = array<i32>} : memref<43008xf32, #tpu.memory_space<vmem>>, vector<16xf32>,
      tpu.vector_store %arg18[%swap3A_283], %mul3A_282 {strides = array<i32>} : memref<43008xf32, #tpu.memory_space<vmem>>, vector<16xf32>,
      %mul3A_285 = arith.constant 336 : i32
      %mul3A_286 = arith.muli %add3A_126, %mul3A_285 : i32
      %add3A_287 = arith.constant 144 : i32
      %add3A_288 = arith.addi %mul3A_286, %add3A_287 : i32
      %mul3A_289 = arith.constant 336 : i32
      %mul3A_290 = arith.muli %select_n3A_150, %mul3A_289 : i32
      %add3A_291 = arith.constant 144 : i32
      %add3A_292 = arith.addi %mul3A_290, %add3A_291 : i32
      %get3A_293 = arith.index_cast %add3A_288 : i32 to index
      %get3A_294 = tpu.vector_load %arg18[%get3A_293] {strides = array<i32>} : memref<43008xf32, #tpu.memory_space<vmem>>, vector<16xf32>,
      %get3A_295 = arith.index_cast %add3A_292 : i32 to index
      %get3A_296 = tpu.vector_load %arg17[%get3A_295] {strides = array<i32>} : memref<2704xf32, #tpu.memory_space<vmem>>, vector<16xf32>,
      %mul3A_297 = arith.mulf %get3A_294, %get3A_296 : vector<16xf32>
      %swap3A_298 = arith.index_cast %add3A_288 : i32 to index
      %swap3A_299 = tpu.vector_load %arg18[%swap3A_298] {strides = array<i32>} : memref<43008xf32, #tpu.memory_space<vmem>>, vector<16xf32>,
      tpu.vector_store %arg18[%swap3A_298], %mul3A_297 {strides = array<i32>} : memref<43008xf32, #tpu.memory_space<vmem>>, vector<16xf32>,
      %mul3A_300 = arith.constant 336 : i32
      %mul3A_301 = arith.muli %add3A_126, %mul3A_300 : i32
      %add3A_302 = arith.constant 160 : i32
      %add3A_303 = arith.addi %mul3A_301, %add3A_302 : i32
      %mul3A_304 = arith.constant 336 : i32
      %mul3A_305 = arith.muli %select_n3A_150, %mul3A_304 : i32
      %add3A_306 = arith.constant 160 : i32
      %add3A_307 = arith.addi %mul3A_305, %add3A_306 : i32
      %get3A_308 = arith.index_cast %add3A_303 : i32 to index
      %get3A_309 = tpu.vector_load %arg18[%get3A_308] {strides = array<i32>} : memref<43008xf32, #tpu.memory_space<vmem>>, vector<16xf32>,
      %get3A_310 = arith.index_cast %add3A_307 : i32 to index
      %get3A_311 = tpu.vector_load %arg17[%get3A_310] {strides = array<i32>} : memref<2704xf32, #tpu.memory_space<vmem>>, vector<16xf32>,
      %mul3A_312 = arith.mulf %get3A_309, %get3A_311 : vector<16xf32>
      %swap3A_313 = arith.index_cast %add3A_303 : i32 to index
      %swap3A_314 = tpu.vector_load %arg18[%swap3A_313] {strides = array<i32>} : memref<43008xf32, #tpu.memory_space<vmem>>, vector<16xf32>,
      tpu.vector_store %arg18[%swap3A_313], %mul3A_312 {strides = array<i32>} : memref<43008xf32, #tpu.memory_space<vmem>>, vector<16xf32>,
      %mul3A_315 = arith.constant 336 : i32
      %mul3A_316 = arith.muli %add3A_126, %mul3A_315 : i32
      %add3A_317 = arith.constant 176 : i32
      %add3A_318 = arith.addi %mul3A_316, %add3A_317 : i32
      %mul3A_319 = arith.constant 336 : i32
      %mul3A_320 = arith.muli %select_n3A_150, %mul3A_319 : i32
      %add3A_321 = arith.constant 176 : i32
      %add3A_322 = arith.addi %mul3A_320, %add3A_321 : i32
      %get3A_323 = arith.index_cast %add3A_318 : i32 to index
      %get3A_324 = tpu.vector_load %arg18[%get3A_323] {strides = array<i32>} : memref<43008xf32, #tpu.memory_space<vmem>>, vector<16xf32>,
      %get3A_325 = arith.index_cast %add3A_322 : i32 to index
      %get3A_326 = tpu.vector_load %arg17[%get3A_325] {strides = array<i32>} : memref<2704xf32, #tpu.memory_space<vmem>>, vector<16xf32>,
      %mul3A_327 = arith.mulf %get3A_324, %get3A_326 : vector<16xf32>
      %swap3A_328 = arith.index_cast %add3A_318 : i32 to index
      %swap3A_329 = tpu.vector_load %arg18[%swap3A_328] {strides = array<i32>} : memref<43008xf32, #tpu.memory_space<vmem>>, vector<16xf32>,
      tpu.vector_store %arg18[%swap3A_328], %mul3A_327 {strides = array<i32>} : memref<43008xf32, #tpu.memory_space<vmem>>, vector<16xf32>,
      %mul3A_330 = arith.constant 336 : i32
      %mul3A_331 = arith.muli %add3A_126, %mul3A_330 : i32
      %add3A_332 = arith.constant 192 : i32
      %add3A_333 = arith.addi %mul3A_331, %add3A_332 : i32
      %mul3A_334 = arith.constant 336 : i32
      %mul3A_335 = arith.muli %select_n3A_150, %mul3A_334 : i32
      %add3A_336 = arith.constant 192 : i32
      %add3A_337 = arith.addi %mul3A_335, %add3A_336 : i32
      %get3A_338 = arith.index_cast %add3A_333 : i32 to index
      %get3A_339 = tpu.vector_load %arg18[%get3A_338] {strides = array<i32>} : memref<43008xf32, #tpu.memory_space<vmem>>, vector<16xf32>,
      %get3A_340 = arith.index_cast %add3A_337 : i32 to index
      %get3A_341 = tpu.vector_load %arg17[%get3A_340] {strides = array<i32>} : memref<2704xf32, #tpu.memory_space<vmem>>, vector<16xf32>,
      %mul3A_342 = arith.mulf %get3A_339, %get3A_341 : vector<16xf32>
      %swap3A_343 = arith.index_cast %add3A_333 : i32 to index
      %swap3A_344 = tpu.vector_load %arg18[%swap3A_343] {strides = array<i32>} : memref<43008xf32, #tpu.memory_space<vmem>>, vector<16xf32>,
      tpu.vector_store %arg18[%swap3A_343], %mul3A_342 {strides = array<i32>} : memref<43008xf32, #tpu.memory_space<vmem>>, vector<16xf32>,
      %mul3A_345 = arith.constant 336 : i32
      %mul3A_346 = arith.muli %add3A_126, %mul3A_345 : i32
      %add3A_347 = arith.constant 208 : i32
      %add3A_348 = arith.addi %mul3A_346, %add3A_347 : i32
      %mul3A_349 = arith.constant 336 : i32
      %mul3A_350 = arith.muli %select_n3A_150, %mul3A_349 : i32
      %add3A_351 = arith.constant 208 : i32
      %add3A_352 = arith.addi %mul3A_350, %add3A_351 : i32
      %get3A_353 = arith.index_cast %add3A_348 : i32 to index
      %get3A_354 = tpu.vector_load %arg18[%get3A_353] {strides = array<i32>} : memref<43008xf32, #tpu.memory_space<vmem>>, vector<16xf32>,
      %get3A_355 = arith.index_cast %add3A_352 : i32 to index
      %get3A_356 = tpu.vector_load %arg17[%get3A_355] {strides = array<i32>} : memref<2704xf32, #tpu.memory_space<vmem>>, vector<16xf32>,
      %mul3A_357 = arith.mulf %get3A_354, %get3A_356 : vector<16xf32>
      %swap3A_358 = arith.index_cast %add3A_348 : i32 to index
      %swap3A_359 = tpu.vector_load %arg18[%swap3A_358] {strides = array<i32>} : memref<43008xf32, #tpu.memory_space<vmem>>, vector<16xf32>,
      tpu.vector_store %arg18[%swap3A_358], %mul3A_357 {strides = array<i32>} : memref<43008xf32, #tpu.memory_space<vmem>>, vector<16xf32>,
      %mul3A_360 = arith.constant 336 : i32
      %mul3A_361 = arith.muli %add3A_126, %mul3A_360 : i32
      %add3A_362 = arith.constant 224 : i32
      %add3A_363 = arith.addi %mul3A_361, %add3A_362 : i32
      %mul3A_364 = arith.constant 336 : i32
      %mul3A_365 = arith.muli %select_n3A_150, %mul3A_364 : i32
      %add3A_366 = arith.constant 224 : i32
      %add3A_367 = arith.addi %mul3A_365, %add3A_366 : i32
      %get3A_368 = arith.index_cast %add3A_363 : i32 to index
      %get3A_369 = tpu.vector_load %arg18[%get3A_368] {strides = array<i32>} : memref<43008xf32, #tpu.memory_space<vmem>>, vector<16xf32>,
      %get3A_370 = arith.index_cast %add3A_367 : i32 to index
      %get3A_371 = tpu.vector_load %arg17[%get3A_370] {strides = array<i32>} : memref<2704xf32, #tpu.memory_space<vmem>>, vector<16xf32>,
      %mul3A_372 = arith.mulf %get3A_369, %get3A_371 : vector<16xf32>
      %swap3A_373 = arith.index_cast %add3A_363 : i32 to index
      %swap3A_374 = tpu.vector_load %arg18[%swap3A_373] {strides = array<i32>} : memref<43008xf32, #tpu.memory_space<vmem>>, vector<16xf32>,
      tpu.vector_store %arg18[%swap3A_373], %mul3A_372 {strides = array<i32>} : memref<43008xf32, #tpu.memory_space<vmem>>, vector<16xf32>,
      %mul3A_375 = arith.constant 336 : i32
      %mul3A_376 = arith.muli %add3A_126, %mul3A_375 : i32
      %add3A_377 = arith.constant 240 : i32
      %add3A_378 = arith.addi %mul3A_376, %add3A_377 : i32
      %mul3A_379 = arith.constant 336 : i32
      %mul3A_380 = arith.muli %select_n3A_150, %mul3A_379 : i32
      %add3A_381 = arith.constant 240 : i32
      %add3A_382 = arith.addi %mul3A_380, %add3A_381 : i32
      %get3A_383 = arith.index_cast %add3A_378 : i32 to index
      %get3A_384 = tpu.vector_load %arg18[%get3A_383] {strides = array<i32>} : memref<43008xf32, #tpu.memory_space<vmem>>, vector<16xf32>,
      %get3A_385 = arith.index_cast %add3A_382 : i32 to index
      %get3A_386 = tpu.vector_load %arg17[%get3A_385] {strides = array<i32>} : memref<2704xf32, #tpu.memory_space<vmem>>, vector<16xf32>,
      %mul3A_387 = arith.mulf %get3A_384, %get3A_386 : vector<16xf32>
      %swap3A_388 = arith.index_cast %add3A_378 : i32 to index
      %swap3A_389 = tpu.vector_load %arg18[%swap3A_388] {strides = array<i32>} : memref<43008xf32, #tpu.memory_space<vmem>>, vector<16xf32>,
      tpu.vector_store %arg18[%swap3A_388], %mul3A_387 {strides = array<i32>} : memref<43008xf32, #tpu.memory_space<vmem>>, vector<16xf32>,
      %mul3A_390 = arith.constant 336 : i32
      %mul3A_391 = arith.muli %add3A_126, %mul3A_390 : i32
      %add3A_392 = arith.constant 256 : i32
      %add3A_393 = arith.addi %mul3A_391, %add3A_392 : i32
      %mul3A_394 = arith.constant 336 : i32
      %mul3A_395 = arith.muli %select_n3A_150, %mul3A_394 : i32
      %add3A_396 = arith.constant 256 : i32
      %add3A_397 = arith.addi %mul3A_395, %add3A_396 : i32
      %get3A_398 = arith.index_cast %add3A_393 : i32 to index
      %get3A_399 = tpu.vector_load %arg18[%get3A_398] {strides = array<i32>} : memref<43008xf32, #tpu.memory_space<vmem>>, vector<16xf32>,
      %get3A_400 = arith.index_cast %add3A_397 : i32 to index
      %get3A_401 = tpu.vector_load %arg17[%get3A_400] {strides = array<i32>} : memref<2704xf32, #tpu.memory_space<vmem>>, vector<16xf32>,
      %mul3A_402 = arith.mulf %get3A_399, %get3A_401 : vector<16xf32>
      %swap3A_403 = arith.index_cast %add3A_393 : i32 to index
      %swap3A_404 = tpu.vector_load %arg18[%swap3A_403] {strides = array<i32>} : memref<43008xf32, #tpu.memory_space<vmem>>, vector<16xf32>,
      tpu.vector_store %arg18[%swap3A_403], %mul3A_402 {strides = array<i32>} : memref<43008xf32, #tpu.memory_space<vmem>>, vector<16xf32>,
      %mul3A_405 = arith.constant 336 : i32
      %mul3A_406 = arith.muli %add3A_126, %mul3A_405 : i32
      %add3A_407 = arith.constant 272 : i32
      %add3A_408 = arith.addi %mul3A_406, %add3A_407 : i32
      %mul3A_409 = arith.constant 336 : i32
      %mul3A_410 = arith.muli %select_n3A_150, %mul3A_409 : i32
      %add3A_411 = arith.constant 272 : i32
      %add3A_412 = arith.addi %mul3A_410, %add3A_411 : i32
      %get3A_413 = arith.index_cast %add3A_408 : i32 to index
      %get3A_414 = tpu.vector_load %arg18[%get3A_413] {strides = array<i32>} : memref<43008xf32, #tpu.memory_space<vmem>>, vector<16xf32>,
      %get3A_415 = arith.index_cast %add3A_412 : i32 to index
      %get3A_416 = tpu.vector_load %arg17[%get3A_415] {strides = array<i32>} : memref<2704xf32, #tpu.memory_space<vmem>>, vector<16xf32>,
      %mul3A_417 = arith.mulf %get3A_414, %get3A_416 : vector<16xf32>
      %swap3A_418 = arith.index_cast %add3A_408 : i32 to index
      %swap3A_419 = tpu.vector_load %arg18[%swap3A_418] {strides = array<i32>} : memref<43008xf32, #tpu.memory_space<vmem>>, vector<16xf32>,
      tpu.vector_store %arg18[%swap3A_418], %mul3A_417 {strides = array<i32>} : memref<43008xf32, #tpu.memory_space<vmem>>, vector<16xf32>,
      %mul3A_420 = arith.constant 336 : i32
      %mul3A_421 = arith.muli %add3A_126, %mul3A_420 : i32
      %add3A_422 = arith.constant 288 : i32
      %add3A_423 = arith.addi %mul3A_421, %add3A_422 : i32
      %mul3A_424 = arith.constant 336 : i32
      %mul3A_425 = arith.muli %select_n3A_150, %mul3A_424 : i32
      %add3A_426 = arith.constant 288 : i32
      %add3A_427 = arith.addi %mul3A_425, %add3A_426 : i32
      %get3A_428 = arith.index_cast %add3A_423 : i32 to index
      %get3A_429 = tpu.vector_load %arg18[%get3A_428] {strides = array<i32>} : memref<43008xf32, #tpu.memory_space<vmem>>, vector<16xf32>,
      %get3A_430 = arith.index_cast %add3A_427 : i32 to index
      %get3A_431 = tpu.vector_load %arg17[%get3A_430] {strides = array<i32>} : memref<2704xf32, #tpu.memory_space<vmem>>, vector<16xf32>,
      %mul3A_432 = arith.mulf %get3A_429, %get3A_431 : vector<16xf32>
      %swap3A_433 = arith.index_cast %add3A_423 : i32 to index
      %swap3A_434 = tpu.vector_load %arg18[%swap3A_433] {strides = array<i32>} : memref<43008xf32, #tpu.memory_space<vmem>>, vector<16xf32>,
      tpu.vector_store %arg18[%swap3A_433], %mul3A_432 {strides = array<i32>} : memref<43008xf32, #tpu.memory_space<vmem>>, vector<16xf32>,
      %mul3A_435 = arith.constant 336 : i32
      %mul3A_436 = arith.muli %add3A_126, %mul3A_435 : i32
      %add3A_437 = arith.constant 304 : i32
      %add3A_438 = arith.addi %mul3A_436, %add3A_437 : i32
      %mul3A_439 = arith.constant 336 : i32
      %mul3A_440 = arith.muli %select_n3A_150, %mul3A_439 : i32
      %add3A_441 = arith.constant 304 : i32
      %add3A_442 = arith.addi %mul3A_440, %add3A_441 : i32
      %get3A_443 = arith.index_cast %add3A_438 : i32 to index
      %get3A_444 = tpu.vector_load %arg18[%get3A_443] {strides = array<i32>} : memref<43008xf32, #tpu.memory_space<vmem>>, vector<16xf32>,
      %get3A_445 = arith.index_cast %add3A_442 : i32 to index
      %get3A_446 = tpu.vector_load %arg17[%get3A_445] {strides = array<i32>} : memref<2704xf32, #tpu.memory_space<vmem>>, vector<16xf32>,
      %mul3A_447 = arith.mulf %get3A_444, %get3A_446 : vector<16xf32>
      %swap3A_448 = arith.index_cast %add3A_438 : i32 to index
      %swap3A_449 = tpu.vector_load %arg18[%swap3A_448] {strides = array<i32>} : memref<43008xf32, #tpu.memory_space<vmem>>, vector<16xf32>,
      tpu.vector_store %arg18[%swap3A_448], %mul3A_447 {strides = array<i32>} : memref<43008xf32, #tpu.memory_space<vmem>>, vector<16xf32>,
      %mul3A_450 = arith.constant 336 : i32
      %mul3A_451 = arith.muli %add3A_126, %mul3A_450 : i32
      %add3A_452 = arith.constant 320 : i32
      %add3A_453 = arith.addi %mul3A_451, %add3A_452 : i32
      %mul3A_454 = arith.constant 336 : i32
      %mul3A_455 = arith.muli %select_n3A_150, %mul3A_454 : i32
      %add3A_456 = arith.constant 320 : i32
      %add3A_457 = arith.addi %mul3A_455, %add3A_456 : i32
      %get3A_458 = arith.index_cast %add3A_453 : i32 to index
      %get3A_459 = tpu.vector_load %arg18[%get3A_458] {strides = array<i32>} : memref<43008xf32, #tpu.memory_space<vmem>>, vector<16xf32>,
      %get3A_460 = arith.index_cast %add3A_457 : i32 to index
      %get3A_461 = tpu.vector_load %arg17[%get3A_460] {strides = array<i32>} : memref<2704xf32, #tpu.memory_space<vmem>>, vector<16xf32>,
      %mul3A_462 = arith.mulf %get3A_459, %get3A_461 : vector<16xf32>
      %swap3A_463 = arith.index_cast %add3A_453 : i32 to index
      %swap3A_464 = tpu.vector_load %arg18[%swap3A_463] {strides = array<i32>} : memref<43008xf32, #tpu.memory_space<vmem>>, vector<16xf32>,
      tpu.vector_store %arg18[%swap3A_463], %mul3A_462 {strides = array<i32>} : memref<43008xf32, #tpu.memory_space<vmem>>, vector<16xf32>,
    }
    %scan3A_119 = arith.constant 128 : i32
    %mul3A_120 = arith.constant 43008 : i32
    %mul3A_121 = arith.muli %add3A, %mul3A_120 : i32
    "tpu.region"() ({
      %run_scoped3A = tpu.sem_alloc : memref<!tpu.dma_semaphore, #tpu.memory_space<semaphore_mem>>
      %dma_start3A = tpu.memref_slice %arg11[%mul3A_121] : memref<1376256xf32, #tpu.memory_space<hbm>> -> memref<43008xf32, #tpu.memory_space<hbm>>
      %dma_start3A_122 = tpu.memref_slice %arg11[%mul3A_121] : memref<1376256xf32, #tpu.memory_space<hbm>> -> memref<43008xf32, #tpu.memory_space<hbm>>
      tpu.enqueue_dma source(%arg18 : memref<43008xf32, #tpu.memory_space<vmem>>) target(%dma_start3A_122 : memref<43008xf32, #tpu.memory_space<hbm>>) target_semaphore(%run_scoped3A : memref<!tpu.dma_semaphore, #tpu.memory_space<semaphore_mem>>)
      %dma_wait3A = tpu.memref_slice %arg11[%mul3A_121] : memref<1376256xf32, #tpu.memory_space<hbm>> -> memref<43008xf32, #tpu.memory_space<hbm>>
      %dma_wait3A_123 = tpu.memref_slice %arg11[%mul3A_121] : memref<1376256xf32, #tpu.memory_space<hbm>> -> memref<43008xf32, #tpu.memory_space<hbm>>
      tpu.wait_dma2 semaphore(%run_scoped3A : memref<!tpu.dma_semaphore, #tpu.memory_space<semaphore_mem>>) src(%arg18 : memref<43008xf32, #tpu.memory_space<vmem>>) dst(%dma_wait3A_123 : memref<43008xf32, #tpu.memory_space<hbm>>)
      tpu.yield
    }) : () -> ()
    return
  }
}

</mosaic_0001>

<sc_bundles>
// kernel: _edge_phase.3.cloned.1.call-start
scs
__scs_entry_jumppad:
0x0: {  	(pc) =	sbr.rel $0x88, $3  }
0x1: {  	(tag) =	ssettag $0x0;
	lr =	simm.s32 $0x1  }
0x2: {  	[smem:$0x3F98] =	sst lr;
	_ =	strace $0xD0000000  }
0x3: {  	_ = 	snop  }
0x4: {  	_ = 	snop  }
0x5: {  	_ = 	snop  }
0x6: {  	_ = 	snop  }
0x7: {  	_ = 	snop  }
__scs_overlays_trampoline_lowered:
0x8: {  	[smem:$0x3FA7] =	sst s0  }
0x9: {  	[smem:$0x3FA8] =	sst s1  }
0xa: {  	[smem:$0x3FA9] =	sst s2  }
0xb: {  	[smem:$0x3FAA] =	sst s3  }
0xc: {  	[smem:$0x3FAB] =	sst s4  }
0xd: {  	[smem:$0x3FAC] =	sst s5  }
0xe: {  	[smem:$0x3FAD] =	sst s6  }
0xf: {  	[smem:$0x3FAE] =	sst s7  }
0x10: {  	[smem:$0x3FAF] =	sst s8  }
0x11: {  	[smem:$0x3FB0] =	sst s9;
	s0 =	simm.s32 @!p0 $0x0  }
0x12: {  	s1 =	sld [smem:$0x3F96];
	s0 =	simm.s32 @p0 $0x1  }
0x13: {  	[smem:$0x3FB1] =	sst s0;
	s0 =	simm.s32 @!p1 $0x0  }
0x14: {  	s2 =	sld [smem:$0x3F95];
	s0 =	simm.s32 @p1 $0x1  }
0x15: {  	[smem:$0x3FB2] =	sst s0;
	s0 =	simm.s32 @!p2 $0x0  }
0x16: {  	s3 =	sld [smem:$0x3FDB];
	s0 =	simm.s32 @p2 $0x1  }
0x17: {  	s4 =	simm.s32 $0x1BF5;
	[smem:$0x3FB4] =	sst s0  }
0x18: {  	s0 =	sld [smem:$0x3F97];
	_ =	swait.ge [sflag:s4], $0x0  }
0x19: {  	s7 =	sld [smem:$0x3F98]  }
0x1a: {  	s8 =	sadd.s32 $0xFFFFE003, lr  }
0x1b: {  	s9 =	sadd.s32 $0xFFFFFEF7, lr;
	s5 =	simm.s32 $0xFFFFFFFF;
	p2 =	slt.u32 s8, $0xFFFFF086  }
0x1c: {  	p1 =	slt.u32 s9, $0xF7A;
	s5 =	simm.s32 @!p2 $0x0  }
0x1d: {  	s5 =	simm.s32 @p1 $0x1;
	p0 =	seq.s32 s7, s2  }
0x1e: {  	s7 =	smul.u32 @!p0 $0xF7A, s2;
	p2 =	seq.s32 @!p0 s5, $0x0  }
0x1f: {  	s9 =	smul.u32 $0xF7A, s1;
	s8 =	simm.s32 @!p0 $0x1BF5;
	p2 =	por !p2, p0  }
0x20: {  	[sflag:s8] =	ssyncset.s32 @!p0 $0xFFFFF086;
	s6 =	sadd.s32 @!p0 s3, s7;
	s7 =	simm.s32 @!p0 $0x108  }
0x21: {  	s3 =	sadd.s32 s3, s9;
	s6 =	sadd.s32 @!p0 $0x88, s6;
	s7 =	simm.s32 @p2 $0x1082  }
0x22: {  	[simem:s7], [sflag:s8] =	dma.local @!p0 [hbm:s6], $0xF7A  }
0x23: {  	s9 =	sor.u32 $0xD0000000, s2;
	s6 =	simm.s32 $0x108;
	_ =	swait.ge @!p0 [sflag:s8], $0x0  }
0x24: {  	s3 =	sadd.s32 $0x88, s3;
	s6 =	simm.s32 @!p1 $0x1082;
	[sflag:s4] =	ssyncset.s32 $0xFFFFF086  }
0x25: {  	[simem:s6], [sflag:s4] =	dma.local [hbm:s3], $0xF7A  }
0x26: {  	[smem:$0x3F98] =	sst s1;
	(tag) =	ssettag s2;
	_ =	strace s9  }
0x27: {  	s1 =	sld [smem:$0x3FA8]  }
0x28: {  	s2 =	sld [smem:$0x3FA9]  }
0x29: {  	s4 =	sld [smem:$0x3FAB]  }
0x2a: {  	p0 =	seq.s32 s5, $0x0;
	s5 =	sld [smem:$0x3FAC]  }
0x2b: {  	s6 =	sld [smem:$0x3FAD]  }
0x2c: {  	s7 =	sld [smem:$0x3FAE]  }
0x2d: {  	s3 =	simm.s32 $0x108;
	s8 =	sld [smem:$0x3FAF]  }
0x2e: {  	s3 =	simm.s32 @!p0 $0x1082;
	s9 =	sld [smem:$0x3FB0]  }
0x2f: {  	lr =	sadd.s32 s0, s3;
	s0 =	sld [smem:$0x3FA7]  }
0x30: {  	s3 =	sld [smem:$0x3FAA]  }
0x31: {  	[smem:$0x3FB3] =	sst s10  }
0x32: {  	s10 =	sld [smem:$0x3FB1];
	_ =	sdelay $0x3  }
0x33: {  	p0 =	seq.s32 s10, $0x1;
	s10 =	sld [smem:$0x3FB3];
	_ =	sdelay $0x3  }
0x34: {  	[smem:$0x3FB3] =	sst s10  }
0x35: {  	s10 =	sld [smem:$0x3FB2];
	_ =	sdelay $0x3  }
0x36: {  	p1 =	seq.s32 s10, $0x1;
	s10 =	sld [smem:$0x3FB3];
	_ =	sdelay $0x3  }
0x37: {  	[smem:$0x3FB3] =	sst s10  }
0x38: {  	s10 =	sld [smem:$0x3FB4]  }
0x39: {  	_ = 	snop;
	(pc) =	sbr.ind lr, $3  }
0x3a: {  	_ = 	snop  }
0x3b: {  	_ = 	snop  }
0x3c: {  	p2 =	seq.s32 s10, $0x1;
	s10 =	sld [smem:$0x3FB3]  }
0x3d: {  	_ =	shalt  }
0x3e: {  	_ =	shalt  }
0x3f: {  	_ =	shalt  }
0x40: {  	_ =	shalt  }
0x41: {  	_ =	shalt  }
0x42: {  	_ =	shalt  }
0x43: {  	_ =	shalt  }
0x44: {  	_ =	shalt  }
0x45: {  	_ =	shalt  }
0x46: {  	_ =	shalt  }
0x47: {  	_ =	shalt  }
0x48: {  	_ =	shalt  }
0x49: {  	_ =	shalt  }
0x4a: {  	_ =	shalt  }
0x4b: {  	_ =	shalt  }
0x4c: {  	_ =	shalt  }
0x4d: {  	_ =	shalt  }
0x4e: {  	_ =	shalt  }
0x4f: {  	_ =	shalt  }
0x50: {  	_ =	shalt  }
0x51: {  	_ =	shalt  }
0x52: {  	_ =	shalt  }
0x53: {  	_ =	shalt  }
0x54: {  	_ =	shalt  }
0x55: {  	_ =	shalt  }
0x56: {  	_ =	shalt  }
0x57: {  	_ =	shalt  }
0x58: {  	_ =	shalt  }
0x59: {  	_ =	shalt  }
0x5a: {  	_ =	shalt  }
0x5b: {  	_ =	shalt  }
0x5c: {  	_ =	shalt  }
0x5d: {  	_ =	shalt  }
0x5e: {  	_ =	shalt  }
0x5f: {  	_ =	shalt  }
0x60: {  	_ =	shalt  }
0x61: {  	_ =	shalt  }
0x62: {  	_ =	shalt  }
0x63: {  	_ =	shalt  }
0x64: {  	_ =	shalt  }
0x65: {  	_ =	shalt  }
0x66: {  	_ =	shalt  }
0x67: {  	_ =	shalt  }
0x68: {  	_ =	shalt  }
0x69: {  	_ =	shalt  }
0x6a: {  	_ =	shalt  }
0x6b: {  	_ =	shalt  }
0x6c: {  	_ =	shalt  }
0x6d: {  	_ =	shalt  }
0x6e: {  	_ =	shalt  }
0x6f: {  	_ =	shalt  }
0x70: {  	_ =	shalt  }
0x71: {  	_ =	shalt  }
0x72: {  	_ =	shalt  }
0x73: {  	_ =	shalt  }
0x74: {  	_ =	shalt  }
0x75: {  	_ =	shalt  }
0x76: {  	_ =	shalt  }
0x77: {  	_ =	shalt  }
0x78: {  	_ =	shalt  }
0x79: {  	_ =	shalt  }
0x7a: {  	_ =	shalt  }
0x7b: {  	_ =	shalt  }
0x7c: {  	_ =	shalt  }
0x7d: {  	_ =	shalt  }
0x7e: {  	_ =	shalt  }
0x7f: {  	_ =	shalt  }
0x80: {  	_ =	shalt  }
0x81: {  	_ =	shalt  }
0x82: {  	_ =	shalt  }
0x83: {  	_ =	shalt  }
0x84: {  	_ =	shalt  }
0x85: {  	_ =	shalt  }
0x86: {  	_ =	shalt  }
0x87: {  	_ =	shalt  }
.Lfunc_end0:
.L_simem_size_0:
called_computation_lowered:
.L_overlay_start_0:
0x88: {  	s2 =	sld [smem:$0x3FD9]  }
0x89: {  	s3 =	sld [smem:$0x3FFE];
	_ =	sdelay $0x1  }
0x8a: {  	s1 =	srdreg.scid  }
0x8b: {  	s0 =	sand.u32 $0x1, s1  }
0x8c: {  	s17 =	sshll.u32 s0, $0xA;
	s2 =	sadd.s32 s3, s2  }
0x8d: {  	s2 =	sadd.s32 s2, s17  }
0x8e: {  	[smem:$0x3FBF] =	sst s2  }
0x8f: {  	_ = 	snop  }
0x90: {  	s2 =	sld [smem:$0x3FC7]  }
0x91: {  	s18 =	sld [smem:$0x3FC6]  }
0x92: {  	s4 =	sld [smem:$0x3FC5]  }
0x93: {  	s5 =	sld [smem:$0x3FC4]  }
0x94: {  	s6 =	sld [smem:$0x3FC3]  }
0x95: {  	s7 =	sld [smem:$0x3FC2]  }
0x96: {  	s8 =	sld [smem:$0x3FC1]  }
0x97: {  	s9 =	sld [smem:$0x3FD0];
	(tm) =	ssettm $0x1  }
0x98: {  	s10 =	sld [smem:$0x3FFB];
	_ =	sdelay $0x3  }
0x99: {  	_ =	strace s10  }
0x9a: {  	s10 =	sld [smem:$0x3FFC];
	_ =	sdelay $0x3  }
0x9b: {  	_ =	strace s10  }
0x9c: {  	s10 =	sld [smem:$0x3FFD];
	_ =	sdelay $0x3  }
0x9d: {  	_ =	strace s10  }
0x9e: {  	_ =	strace $0x8FFFFFFF  }
0x9f: {  	s19 =	sld [smem:$0x3FDB];
	_ =	sdelay $0x1  }
0xa0: {  	s11 =	simm.s32 $_scs_section_size  }
0xa1: {  	s12 =	simm.s32 $_size__tile_overlayer_lowered;
	s13 =	simm.s32 $_tile_overlayer_lowered  }
0xa2: {  	s22 =	simm.s32 $0x1BFF;
	s21 =	sshll.u32 s13, $0x1;
	s10 =	sadd.s32 s11, s19  }
0xa3: {  	s14 =	simm.s32 $0x0;
	s20 =	sshll.u32 s12, $0x1;
	s12 =	sadd.s32 s21, s10  }
0xa4: {  	[timem:s14], [sflag:s22] =	dma.local [hbm:s12], s20  }
0xa5: {  	_ =	swait.ge [sflag:s22], s20  }
0xa6: {  	s11 =	ssub.s32 $0x0, s20;
	[sflag:s22] =	ssyncset.done $0x0  }
0xa7: {  	[sflag:s22] =	ssyncadd.s32 s11;
	_ =	sdelay $0x1  }
0xa8: {  	s23 =	simm.s32 $0x1B8B  }
0xa9: {  	_ =	swait.ge [sflag:s23], $0x1  }
0xaa: {  	[sflag:s23] =	ssyncset.done $0x0  }
0xab: {  	s25 =	simm.s32 $0x1B8E;
	s24 =	sld [smem:$0x3FFE];
	[sflag:s23] =	ssyncadd.s32 $0xFFFFFFFF  }
0xac: {  	s26 =	simm.s32 $execute0_lowered;
	[smem:$0x3FD2] =	sst s25  }
0xad: {  	s12 =	sshll.u32 s26, $0x1;
	_ =	strace $0x80000046;
	[dreg:$0x1] =	wrdreg $0xFFFFFFFF  }
0xae: {  	s28 =	simm.s32 $_size_execute0_lowered;
	s10 =	sadd.s32 s10, s12;
	[dreg:$0x0] =	wrdreg $0x0  }
0xaf: {  	s12 =	sshll.u32 s28, $0x1;
	[dreg:$0x2] =	wrdreg s10  }
0xb0: {  	[dreg:$0x3] =	wrdreg s12  }
0xb1: {  	[dreg:$0x4] =	wrdreg $0xC0  }
0xb2: {  	_ =	task [dreg:s14], $0x5FFFF  }
0xb3: {  	[dreg:$0x1] =	wrdreg $0xFFFFFFFF  }
0xb4: {  	[dreg:$0x0] =	wrdreg $0x60  }
0xb5: {  	[dreg:$0x2] =	wrdreg s24  }
0xb6: {  	[dreg:$0x3] =	wrdreg s2  }
0xb7: {  	[dreg:$0x4] =	wrdreg s18  }
0xb8: {  	[dreg:$0x5] =	wrdreg s4  }
0xb9: {  	[dreg:$0x6] =	wrdreg s5  }
0xba: {  	[dreg:$0x7] =	wrdreg s6  }
0xbb: {  	[dreg:$0x8] =	wrdreg s7  }
0xbc: {  	[dreg:$0x9] =	wrdreg s8  }
0xbd: {  	[dreg:$0xa] =	wrdreg s9  }
0xbe: {  	[dreg:$0xb] =	wrdreg $0x9  }
0xbf: {  	_ =	task.clear_ibuf [dreg:s14], $0xCFFFF;
	_ =	strace $0x90000046  }
0xc0: {  	s29 =	simm.s32 $0x9;
	_ =	strace $0x80000048  }
0xc1: {  	_ =	swait.ge [sflag:s29], $0x1  }
0xc2: {  	[sflag:s29] =	ssyncadd.s32 $0xFFFFFFFF  }
0xc3: {  	_ =	strace $0x90000048  }
0xc4: {  	_ =	sfence  }
0xc5: {  	s30 =	sld [smem:$0x0];
	_ =	sdelay $0x2  }
0xc6: {  	s31 =	sshll.u32 s1, $0xD;
	s1 =	sshrl.u32 s1, $0x2  }
0xc7: {  	s3 =	sand.u32 $0x4000, s31;
	s1 =	sadd.s32 s1, s30  }
0xc8: {  	s0 =	sor.u32 s3, s0;
	s1 =	sshll.u32 s1, $0x11  }
0xc9: {  	s0 =	sor.u32 s1, s0  }
0xca: {  	s0 =	sadd.s32 $0x8F2B, s0  }
0xcb: {  	[sflag:s0] =	ssyncadd.remote.s32 $0x1  }
0xcc: {  	_ =	sfence.sel $0xFFFF  }
0xcd: {  	[dreg:$0x0] =	wrdreg $0xFFFFFFFF;
	(pc) =	sbr.abs _section_cstart, $3  }
0xce: {  	[dreg:$0x1] =	wrdreg $0xFFFFFFFF  }
0xcf: {  	_ =	task.clear_ibuf [dreg:s14], $0x2FFFF;
	_ =	strace $0x9FFFFFFF  }
0xd0: {  	(tm) =	ssettm $0x7FFFFFFF  }
0xd1: {  	_ =	shalt  }
tec
execute0_lowered:
.L_overlay_start_1:
0x0: {  	(tag) =	ssettag $0x1  }
0x1: {  	s4 =	rddreg [dreg:$0x0]  }
0x2: {  	s0 =	rddreg [dreg:$0x1]  }
0x3: {  	s1 =	rddreg [dreg:$0x2]  }
0x4: {  	s2 =	rddreg [dreg:$0x3]  }
0x5: {  	s3 =	rddreg [dreg:$0x4];
	s5 =	srdreg.scid  }
0x6: {  	s7 =	stileid.u32;
	s6 =	rddreg [dreg:$0x8]  }
0x7: {  	s9 =	simm.s32 $0x0;
	s15 =	simm.s32 $0x1;
	s16 =	simm.s32 $0x210  }
0x8: {  	s17 =	simm.s32 $0x420;
	s18 =	simm.s32 $0x470;
	s19 =	simm.s32 $0x200  }
0x9: {  	s20 =	simm.s32 $0xCC10;
	s21 =	simm.s32 $0xD010;
	s22 =	simm.s32 $0xD610  }
0xa: {  	s23 =	simm.s32 $0xEF0;
	s5 =	sand.u32 $0x1, s5;
	s7 =	sshll.u32 s7, $0x1  }
0xb: {  	s24 =	simm.s32 $0x1980;
	s25 =	simm.s32 $0x2410;
	s7 =	sor.u32 s5, s7  }
0xc: {  	s26 =	simm.s32 $0x0;
	[smem:$0x7FF] =	sst s9;
	s8 =	smul.u32 $0x150, s7  }
0xd: {  	v1 =	vimm.f32 $-3.000000010e+38;
	v2 =	vlaneseq.u32;
	v3 =	vimm.f32 $0.0e+00;
	s10 =	sadd.s32 $0x2E00, s4;
	s5 =	ssub.s32 $0x2, s5;
	s13 =	smul.u32 $0x1500, s7  }
0xe: {  	v63 =	vmul.u32 $0x20, v2;
	v5 =	vor.u32 $0x150, v2;
	v6 =	vor.u32 $0x2A0, v2;
	s31 =	sshrl.u32 s5, $0x1;
	s11 =	sshll.u32 s7, $0x4;
	s7 =	smul.u32 $0x140, s7  }
0xf: {  	v7 =	vor.u32 $0x3F0, v2;
	v8 =	vor.u32 $0x540, v2;
	v9 =	vor.u32 $0x690, v2;
	_ =	strace $0x80000047;
	s5 =	ssub.s32 s5, s31;
	s4 =	sadd.s32 s8, s4  }
0x10: {  	v10 =	vor.u32 $0x7E0, v2;
	v11 =	vor.u32 $0x930, v2;
	[tilespmem:$0x1FFF0] =	vst v63;
	s13 =	sadd.s32 s6, s13;
	s14 =	smax.u32 s5, $0x1;
	v0 =	vmov s7;
	s12 =	sadd.s32 $0x400, s4  }
.LBB2_1:
0x11: {  	s4 =	rddreg [dreg:$0x5]  }
0x12: {  	[tilespmem:s9], [sflag:$0x1] =	stream.linear.gather [hbm4b:s4+s9], $0x210, $0x38;
	[tilespmem:$0x11610] =	vst v63  }
0x13: {  	_ =	swait.ge [sflag:s15], $0x210  }
0x14: {  	[sflag:s15] =	ssyncset.done $0x0  }
0x15: {  	[sflag:s15] =	ssyncadd.s32 $0xFFFFFDF0  }
0x16: {  	s30 =	rddreg [dreg:$0x6]  }
0x17: {  	[tilespmem:s16], [sflag:$0x1] =	stream.linear.gather [hbm4b:s30+s9], $0x210, $0x38;
	[tilespmem:$0x11610] =	vst v63  }
0x18: {  	_ =	swait.ge [sflag:s15], $0x210  }
0x19: {  	[sflag:s15] =	ssyncset.done $0x0  }
0x1a: {  	[sflag:s15] =	ssyncadd.s32 $0xFFFFFDF0  }
0x1b: {  	s31 =	rddreg [dreg:$0x7]  }
0x1c: {  	[tilespmem:s17], [sflag:$0x1] =	stream.linear.gather [hbm4b:s31+s9], $0x50, $0x38;
	[tilespmem:$0x11610] =	vst v63  }
0x1d: {  	_ =	swait.ge [sflag:s15], $0x50  }
0x1e: {  	[sflag:s15] =	ssyncset.done $0x0  }
0x1f: {  	[sflag:s15] =	ssyncadd.s32 $0xFFFFFFB0  }
0x20: {  	v4 =	vld [tilespmem:$0x448];
	_ =	sdelay $0x4  }
0x21: {  	[tilespmem:$0x1FFD0] =	vst v4;
	v4 =	vld [tilespmem:$0x458];
	_ =	sdelay $0x1  }
0x22: {  	v12 =	vld [tilespmem:s11+$0x0]  }
0x23: {  	v58 =	vld [tilespmem:s11+$0x210]  }
0x24: {  	v13 =	vld [tilespmem:$0x438];
	[tilespmem:s18], [sflag:$0x1] =	stream.linear.gather [hbm4b:s12+s9], $0xA80, $0x38  }
0x25: {  	[tilespmem:$0x1FFE0] =	vst v4  }
0x26: {  	_ =	swait.ge [sflag:s15], $0xA80  }
0x27: {  	[sflag:s15] =	ssyncset.done $0x0  }
0x28: {  	s4 =	simm.s32 $0x0;
	[sflag:s15] =	ssyncadd.s32 $0xFFFFF580  }
.LBB2_2:
0x29: {  	p0 =	seq.s32 s4, $0x29C0  }
.Ltmp0:
0x2a: {  	_ = 	snop;
	(pc) =	sbr.rel @!p0 .LBB2_2-.Ltmp0, $4  }
0x2b: {  	_ = 	snop  }
0x2c: {  	s5 =	sshra.s32 s4, $0x2  }
0x2d: {  	[tilespmem:s5+$0xEF0] =	vst v1  }
0x2e: {  	s4 =	sadd.s32 $0x40, s4;
	[tilespmem:s5+$0x1980] =	vst v3  }
0x2f: {  	s4 =	simm.s32 $0x40;
	s5 =	simm.s32 $0x0  }
.LBB2_4:
0x30: {  	p0 =	seq.s32 s4, $0x29FC0;
	[tilespmem:s5+$0x2410] =	vst v3;
	s5 =	smov.u32 s4;
	s4 =	sadd.s32 $0x40, s4  }
.Ltmp1:
0x31: {  	(pc) =	sbr.rel @!p0 .LBB2_4-.Ltmp1, $2  }
0x32: {  	_ =	sdelay $0x2  }
0x33: {  	s5 =	sshra.s32 s5, $0x2  }
0x34: {  	v14 =	vxor.u32 $0x80000000, v58  }
0x35: {  	(xrf0) =	vmax.scan.msk.u32 $0xffff, v14;
	_ =	sdelay $0x5  }
0x36: {  	v14, _, _ =	vpop (xrf0)  }
0x37: {  	(v2sf) =	vpush v14, $0xF;
	_ =	sdelay $0xe  }
0x38: {  	s4 =	spop (v2sf)  }
0x39: {  	s4 =	sadd.s32 $0x8000001F, s4  }
0x3a: {  	s30 =	sand.u32 $0x1F, s4  }
0x3b: {  	s31 =	sshra.s32 s4, $0x1F;
	p1 =	slt.s32 s4, $0x1;
	p0 =	sne.s32 s30, $0x0  }
0x3c: {  	[tilespmem:s5+$0x2410] =	vst v3;
	s5 =	sshrl.u32 s31, $0x1B;
	p0 =	por !p1, !p0  }
0x3d: {  	s4 =	sadd.s32 s5, s4;
	s5 =	simm.s32 $0x1;
	p0 =	por !p0, !p0  }
0x3e: {  	s4 =	sshra.s32 s4, $0x5;
	s5 =	simm.s32 @!p0 $0x0  }
0x3f: {  	s28 =	ssub.s32 s4, s5  }
0x40: {  	p0 =	slt.s32 s28, $0x1  }
.Ltmp2:
0x41: {  	v59 =	vbroadcast v13, $0x0;
	(pc) =	sbr.rel @p0 .LBB2_6-.Ltmp2, $4  }
0x42: {  	v15 =	vbroadcast v13, $0x8;
	v16 =	vbroadcast v13, $0x1  }
0x43: {  	v17 =	vbroadcast v13, $0x9;
	v18 =	vbroadcast v13, $0x2;
	[tilespmem:$0x1FFA0] =	vst v58  }
0x44: {  	v19 =	vbroadcast v13, $0xA;
	v20 =	vbroadcast v13, $0x3;
	[tilespmem:$0x1FFC0] =	vst v13  }
0x45: {  	v21 =	vbroadcast v13, $0xB;
	v22 =	vbroadcast v13, $0x4;
	[tilespmem:$0x1FFB0] =	vst v59  }
0x46: {  	v26 =	vbroadcast v13, $0xC  }
0x47: {  	v27 =	vbroadcast v13, $0x5;
	v28 =	vbroadcast v13, $0xD  }
0x48: {  	v29 =	vbroadcast v13, $0x6;
	v30 =	vbroadcast v13, $0xE  }
0x49: {  	v31 =	vbroadcast v13, $0x7;
	v32 =	vbroadcast v13, $0xF  }
0x4a: {  	v35 =	vimm.s32 $0xFFFFFFFF;
	v37 =	vimm.f32 $-3.000000010e+38;
	v39 =	vimm.f32 $-3.000000010e+38  }
0x4b: {  	v38 =	vimm.f32 $-3.000000010e+38;
	v36 =	vimm.f32 $-3.000000010e+38;
	v24 =	vimm.f32 $-3.000000010e+38  }
0x4c: {  	s4 =	simm.s32 $0x0;
	v25 =	vimm.f32 $-3.000000010e+38;
	v33 =	vimm.f32 $-3.000000010e+38;
	v34 =	vimm.f32 $-3.000000010e+38;
	s5 =	simm.s32 $0x0  }
.LBB2_8:
0x4d: {  	v40 =	vadd.s32 s4, v12  }
0x4e: {  	vm0 =	vgt.s32 v40, $0x0  }
0x4f: {  	v40 =	vnsel vm0, $0x0, v40  }
0x50: {  	s6 =	simm.s32 $0x40;
	s8 =	simm.s32 $0x0;
	s7 =	smov.u32 s4;
	v40 =	vmin.u32 v40, $0x4E1FF  }
.LBB2_9:
0x51: {  	p1 =	sne.s32 s6, $0x7C0  }
0x52: {  	[tilespmem:s8+$0xCC10] =	vst v40;
	s7 =	sadd.s32 $0x1, s7;
	s8 =	smov.u32 s6;
	s6 =	sadd.s32 $0x40, s6  }
.Ltmp3:
0x53: {  	(pc) =	sbr.rel @p1 .LBB2_9-.Ltmp3, $4  }
0x54: {  	v40 =	vadd.s32 s7, v12  }
0x55: {  	vm0 =	vgt.s32 v40, $0x0  }
0x56: {  	v40 =	vnsel vm0, $0x0, v40  }
0x57: {  	s8 =	sshra.s32 s8, $0x2;
	v40 =	vmin.u32 v40, $0x4E1FF  }
0x58: {  	[tilespmem:s8+$0xCC10] =	vst v40;
	s7 =	simm.s32 $0xCE10  }
0x59: {  	[tilespmem:s7], [sflag:$0x1] =	stream.indirect.gather [hbm4b:s0+s19], $0x1, s20, s19, $0xb8;
	[tilespmem:$0x11610] =	vst v63  }
0x5a: {  	_ =	swait.ge [sflag:s15], $0x200  }
0x5b: {  	[sflag:s15] =	ssyncset.done $0x0  }
0x5c: {  	[sflag:s15] =	ssyncadd.s32 $0xFFFFFE00  }
0x5d: {  	[tilespmem:s21], [sflag:$0x1] =	stream.indirect.gather [hbm4b:s1+s19], $0x1, s20, s19, $0xb8;
	[tilespmem:$0x11610] =	vst v63  }
0x5e: {  	_ =	swait.ge [sflag:s15], $0x200  }
0x5f: {  	[sflag:s15] =	ssyncset.done $0x0  }
0x60: {  	s8 =	simm.s32 $0xD210;
	[sflag:s15] =	ssyncadd.s32 $0xFFFFFE00  }
0x61: {  	[tilespmem:s8], [sflag:$0x1] =	stream.indirect.gather [hbm4b:s2+s19], $0x1, s20, s19, $0xb8;
	[tilespmem:$0x11610] =	vst v63  }
0x62: {  	_ =	swait.ge [sflag:s15], $0x200  }
0x63: {  	[sflag:s15] =	ssyncset.done $0x0  }
0x64: {  	s6 =	simm.s32 $0xD410;
	[sflag:s15] =	ssyncadd.s32 $0xFFFFFE00  }
0x65: {  	[tilespmem:s6], [sflag:$0x1] =	stream.indirect.gather [hbm4b:s3+s19], $0x1, s20, s19, $0xb8;
	[tilespmem:$0x11610] =	vst v63  }
0x66: {  	_ =	swait.ge [sflag:s15], $0x200  }
0x67: {  	[sflag:s15] =	ssyncset.done $0x0  }
0x68: {  	[sflag:s15] =	ssyncadd.s32 $0xFFFFFE00  }
0x69: {  	[tilespmem:s22], [sflag:$0x1] =	stream.indirect.gather [hbm4b:s10+s19], $0x20, s21, s19, $0xb8;
	[tilespmem:$0x11610] =	vst v63  }
0x6a: {  	_ =	swait.ge [sflag:s15], $0x4000  }
0x6b: {  	[sflag:s15] =	ssyncset.done $0x0  }
0x6c: {  	[sflag:s15] =	ssyncadd.s32 $0xFFFFC000  }
0x6d: {  	v54 =	vld [tilespmem:s7+$0x0];
	_ =	sdelay $0x2  }
0x6e: {  	v41 =	vmov s4  }
0x6f: {  	v42 =	vsub.s32 v35, v0;
	vm0 =	vlt.s32 v41, v58;
	v43 =	vld [tilespmem:s8+$0x0]  }
0x70: {  	vm2 =	vgt.s32 v35, $0xFFFFFFFF;
	vm1 =	vgt.s32 v42, $0x0;
	v41 =	vsel vm0, v54, v35  }
0x71: {  	v42 =	vnsel vm1, $0x0, v42;
	v40 =	vsub.s32 v54, v0;
	vm1 =	vne.s32 v41, v35  }
0x72: {  	s8 =	simm.s32 $0x0;
	v35 =	vmin.u32 v42, $0x13F;
	vm3 =	vgt.s32 v40, $0x0;
	vm2 =	vmand vm2, vm1  }
0x73: {  	v55 =	vmov s8;
	v44 =	vadd.s32 v2, v35;
	v40 =	vnsel vm3, $0x0, v40  }
0x74: {  	v43 =	vshll.u32 v43, $0x3;
	v42 =	vshll.u32 v55, $0x5;
	v45 =	vmin.u32 v40, $0x13F  }
0x75: {  	v42 =	vor.u32 v63, v42;
	v40 =	vadd.s32 v2, v45  }
0x76: {  	v48 =	vadd.s32 v5, v35;
	v46 =	vor.u32 $0x8, v42  }
0x77: {  	v56 =	vor.u32 $0x1, v43  }
0x78: {  	v47 =	vld [tilespmem:s6+$0x0];
	v49 =	vadd.s32 v5, v45;
	[tilespmem:v44+s23+$0x0] =	vst.idx.msk vm2, v34  }
0x79: {  	v52 =	vadd.s32 v6, v35;
	v51 =	vor.u32 $0x9, v42;
	v50 =	vld.idx.msk [tilespmem:v43+s17+$0x0], $0xffff  }
0x7a: {  	v57 =	vadd.s32 v6, v45;
	v40 =	vld.idx.msk [tilespmem:v40+s18+$0x0], $0xffff  }
0x7b: {  	v53 =	vor.u32 $0xA, v42;
	v46 =	vld.idx.msk [tilespmem:v46+s22+$0x0], $0xffff;
	[tilespmem:v48+s23+$0x0] =	vst.idx.msk vm2, v33  }
0x7c: {  	v44 =	vld.idx.msk [tilespmem:v56+s17+$0x0], $0xffff  }
0x7d: {  	v49 =	vld.idx.msk [tilespmem:v49+s18+$0x0], $0xffff  }
0x7e: {  	v54 =	vor.u32 $0x2, v43;
	v51 =	vld.idx.msk [tilespmem:v51+s22+$0x0], $0xffff;
	[tilespmem:v52+s23+$0x0] =	vst.idx.msk vm2, v25  }
0x7f: {  	v48 =	vld.idx.msk [tilespmem:v57+s18+$0x0], $0xffff  }
0x80: {  	vm3 =	vge.f32 v47, $0.0e+00;
	v52 =	vld.idx.msk [tilespmem:v53+s22+$0x0], $0xffff  }
0x81: {  	vm0 =	vmmov vm0;
	v60 =	vsel vm3, v59, v15;
	v57 =	vadd.s32 v7, v35  }
0x82: {  	v55 =	vsel vm3, v16, v17;
	v61 =	vmul.f32 v60, v47;
	v62 =	vadd.s32 v7, v45  }
0x83: {  	v60 =	vmul.f32 v55, v47;
	v55 =	vor.u32 $0xD, v42;
	v54 =	vld.idx.msk [tilespmem:v54+s17+$0x0], $0xffff;
	v40 =	vadd.f32 v46, v40  }
0x84: {  	v56 =	vsel vm3, v18, v19;
	v49 =	vadd.f32 v51, v49;
	v51 =	vor.u32 $0xB, v42  }
0x85: {  	v25 =	vsel vm1, $0xFF61B1E6, v25;
	v40 =	vadd.f32 v50, v40;
	v48 =	vadd.f32 v52, v48  }
0x86: {  	v50 =	vor.u32 $0x3, v43;
	[tilespmem:v57+s23+$0x0] =	vst.idx.msk vm2, v24;
	v24 =	vsel vm1, $0xFF61B1E6, v24;
	v44 =	vadd.f32 v44, v49  }
0x87: {  	v49 =	vadd.s32 v8, v35;
	v52 =	vld.idx.msk [tilespmem:v62+s18+$0x0], $0xffff;
	v62 =	vadd.s32 v8, v45;
	v40 =	vadd.f32 v40, v61  }
0x88: {  	v61 =	vmul.f32 v56, v47;
	v48 =	vadd.f32 v54, v48;
	v56 =	vor.u32 $0x4, v43  }
0x89: {  	v54 =	vadd.s32 v9, v35;
	v44 =	vadd.f32 v44, v60;
	v57 =	vmul.f32 $2.000000030e-01, v40;
	v51 =	vld.idx.msk [tilespmem:v51+s22+$0x0], $0xffff  }
0x8a: {  	v46 =	vadd.f32 v48, v61;
	v48 =	vor.u32 $0xC, v42;
	vm4 =	vge.f32 v40, $0.0e+00  }
0x8b: {  	v60 =	vmul.f32 $2.000000030e-01, v44;
	vm14 =	vge.f32 v44, $0.0e+00;
	v50 =	vld.idx.msk [tilespmem:v50+s17+$0x0], $0xffff;
	v40 =	vsel vm4, v40, v57  }
0x8c: {  	v61 =	vmul.f32 $2.000000030e-01, v46;
	vm15 =	vge.f32 v46, $0.0e+00;
	[tilespmem:v49+s23+$0x0] =	vst.idx.msk vm2, v36;
	v49 =	vadd.s32 v9, v45  }
0x8d: {  	v57 =	vor.u32 $0x5, v43;
	v44 =	vsel vm14, v44, v60;
	v53 =	vld.idx.msk [tilespmem:v62+s18+$0x0], $0xffff;
	v40 =	vnsel vm0, $0xFF61B1E6, v40  }
0x8e: {  	v62 =	vsel vm1, $0xFF61B1E6, v34;
	v60 =	vsel vm3, v20, v21;
	v56 =	vld.idx.msk [tilespmem:v56+s17+$0x0], $0xffff;
	v51 =	vadd.f32 v51, v52  }
0x8f: {  	v46 =	vsel vm15, v46, v61;
	v34 =	vmax.f32 v62, v40;
	v61 =	vsel vm3, v22, v26;
	v48 =	vld.idx.msk [tilespmem:v48+s22+$0x0], $0xffff  }
0x90: {  	v44 =	vnsel vm0, $0xFF61B1E6, v44;
	[tilespmem:v54+s23+$0x0] =	vst.idx.msk vm2, v38;
	v50 =	vadd.f32 v50, v51;
	v51 =	vadd.s32 v10, v35  }
0x91: {  	v62 =	vsel vm1, $0xFF61B1E6, v33;
	v52 =	vmul.f32 v60, v47;
	v54 =	vmul.f32 v61, v47;
	v55 =	vld.idx.msk [tilespmem:v55+s22+$0x0], $0xffff  }
0x92: {  	v33 =	vmax.f32 v62, v44;
	v44 =	vadd.s32 v10, v45;
	v61 =	vsel vm3, v27, v28;
	v49 =	vld.idx.msk [tilespmem:v49+s18+$0x0], $0xffff  }
0x93: {  	v46 =	vnsel vm0, $0xFF61B1E6, v46;
	v50 =	vadd.f32 v50, v52;
	v52 =	vor.u32 $0xE, v42  }
0x94: {  	v45 =	vadd.s32 v11, v45;
	v25 =	vmax.f32 v25, v46;
	v60 =	vadd.f32 v48, v53  }
0x95: {  	v35 =	vadd.s32 v11, v35;
	v42 =	vor.u32 $0xF, v42;
	v53 =	vld.idx.msk [tilespmem:v57+s17+$0x0], $0xffff;
	[tilespmem:v51+s23+$0x0] =	vst.idx.msk vm2, v39;
	v51 =	vor.u32 $0x6, v43  }
0x96: {  	v48 =	vmul.f32 v61, v47;
	v57 =	vsel vm3, v29, v30;
	v62 =	vadd.f32 v56, v60  }
0x97: {  	v61 =	vmul.f32 $2.000000030e-01, v50;
	v60 =	vadd.f32 v55, v49;
	v55 =	vor.u32 $0x7, v43;
	v56 =	vld.idx.msk [tilespmem:v44+s18+$0x0], $0xffff  }
0x98: {  	v52 =	vld.idx.msk [tilespmem:v52+s22+$0x0], $0xffff;
	v54 =	vadd.f32 v62, v54;
	v62 =	vsel vm3, v31, v32;
	vm3 =	vge.f32 v50, $0.0e+00  }
0x99: {  	v40 =	vmul.f32 v57, v47;
	v46 =	vmul.f32 v62, v47;
	v57 =	vsel vm3, v50, v61  }
0x9a: {  	v36 =	vsel vm1, $0xFF61B1E6, v36;
	v60 =	vadd.f32 v53, v60;
	v62 =	vmul.f32 $2.000000030e-01, v54;
	v44 =	vld.idx.msk [tilespmem:v51+s17+$0x0], $0xffff;
	[tilespmem:v35+s23+$0x0] =	vst.idx.msk vm2, v37  }
0x9b: {  	v38 =	vsel vm1, $0xFF61B1E6, v38;
	v61 =	vnsel vm0, $0xFF61B1E6, v57;
	vm2 =	vge.f32 v54, $0.0e+00;
	v43 =	vld.idx.msk [tilespmem:v45+s18+$0x0], $0xffff  }
0x9c: {  	s31 =	simm.s32 $0x10;
	v24 =	vmax.f32 v24, v61;
	v49 =	vadd.f32 v60, v48;
	v47 =	vsel vm2, v54, v62;
	v48 =	vld.idx.msk [tilespmem:v42+s22+$0x0], $0xffff  }
0x9d: {  	s29 =	simm.s32 $0xD220;
	s30 =	smov.u32 s4;
	s7 =	simm.s32 $0xCE20;
	v35 =	vmovc v41;
	v42 =	vsel vm1, $0xFF61B1E6, v39;
	v39 =	vld.idx.msk [tilespmem:v55+s17+$0x0], $0xffff;
	v45 =	vsel vm1, $0xFF61B1E6, v37;
	v50 =	vadd.f32 v52, v56  }
.LBB2_11:
0x9e: {  	v37 =	vmov s31;
	v51 =	vsub.s32 v35, v0;
	vm2 =	vgt.s32 v35, $0xFFFFFFFF  }
0x9f: {  	v50 =	vadd.f32 v44, v50;
	vm1 =	vgt.s32 v51, $0x0;
	v53 =	vmul.f32 $2.000000030e-01, v49  }
0xa0: {  	v41 =	vld [tilespmem:s7+$0x0];
	s30 =	sadd.s32 $0x1, s30;
	v37 =	vshll.u32 v37, $0x5;
	v51 =	vnsel vm1, $0x0, v51;
	vm1 =	vge.f32 v49, $0.0e+00  }
0xa1: {  	v52 =	vld [tilespmem:s29+$0x0];
	v54 =	vmov s30;
	v51 =	vmin.u32 v51, $0x13F;
	v49 =	vsel vm1, v49, v53  }
0xa2: {  	v40 =	vadd.f32 v50, v40;
	v37 =	vor.u32 v63, v37;
	vm3 =	vlt.s32 v54, v58  }
0xa3: {  	v57 =	vadd.s32 v2, v51;
	v63 =	vadd.f32 v48, v43;
	v48 =	vnsel vm0, $0xFF61B1E6, v47  }
0xa4: {  	v56 =	vnsel vm0, $0xFF61B1E6, v49;
	v54 =	vadd.s32 v6, v51;
	v3 =	vadd.s32 v11, v51  }
0xa5: {  	v61 =	vmovc v35;
	v23 =	vadd.s32 v10, v51;
	v62 =	vsub.s32 v41, v0;
	v35 =	vsel vm3, v41, v35  }
0xa6: {  	v36 =	vmax.f32 v36, v48;
	v43 =	vshll.u32 v52, $0x3;
	vm13 =	vge.f32 v40, $0.0e+00  }
0xa7: {  	v58 =	vmul.f32 $2.000000030e-01, v40;
	vm4 =	vgt.s32 v62, $0x0;
	vm1 =	vne.s32 v35, v61  }
0xa8: {  	v39 =	vadd.f32 v39, v63;
	v55 =	vnsel vm4, $0x0, v62;
	vm2 =	vmand vm2, vm1  }
0xa9: {  	s6 =	sadd.s32 $0x10, s6;
	v60 =	vor.u32 $0x8, v37;
	v38 =	vmax.f32 v38, v56;
	v44 =	vmin.u32 v55, $0x13F  }
0xaa: {  	v47 =	vor.u32 $0x9, v37;
	v46 =	vadd.f32 v39, v46;
	v39 =	vld [tilespmem:s6+$0x0];
	v41 =	vadd.s32 v2, v44  }
0xab: {  	v4 =	vor.u32 $0xE, v37;
	v61 =	vadd.s32 v5, v51;
	v40 =	vsel vm13, v40, v58  }
0xac: {  	v56 =	vor.u32 $0x2, v43;
	v40 =	vnsel vm0, $0xFF61B1E6, v40;
	v62 =	vmul.f32 $2.000000030e-01, v46  }
0xad: {  	v63 =	vadd.s32 v5, v44;
	v42 =	vmax.f32 v42, v40;
	vm14 =	vge.f32 v46, $0.0e+00  }
0xae: {  	v14 =	vor.u32 $0x5, v43;
	v50 =	vadd.s32 v6, v44;
	v46 =	vsel vm14, v46, v62;
	[tilespmem:v57+s23+$0x0] =	vst.idx.msk vm2, v34  }
0xaf: {  	v57 =	vor.u32 $0x1, v43;
	v58 =	vnsel vm0, $0xFF61B1E6, v46;
	vm15 =	vge.f32 v39, $0.0e+00;
	v46 =	vld.idx.msk [tilespmem:v41+s18+$0x0], $0xffff  }
0xb0: {  	vm0 =	vmmov vm3;
	v41 =	vmax.f32 v45, v58;
	v40 =	vld.idx.msk [tilespmem:v60+s22+$0x0], $0xffff;
	v45 =	vsel vm15, v59, v15  }
0xb1: {  	v52 =	vld.idx.msk [tilespmem:v43+s17+$0x0], $0xffff;
	v49 =	vsel vm15, v16, v17;
	[tilespmem:v61+s23+$0x0] =	vst.idx.msk vm2, v33;
	v55 =	vsel vm15, v18, v19  }
0xb2: {  	v60 =	vsel vm15, v22, v26;
	v59 =	vor.u32 $0xA, v37;
	v61 =	vadd.s32 v7, v51;
	v53 =	vld.idx.msk [tilespmem:v63+s18+$0x0], $0xffff  }
0xb3: {  	v62 =	vsel vm15, v29, v30;
	v1 =	vsel vm15, v31, v32;
	v58 =	vmul.f32 v60, v39;
	v47 =	vld.idx.msk [tilespmem:v47+s22+$0x0], $0xffff  }
0xb4: {  	v60 =	vsel vm15, v27, v28;
	v48 =	vld.idx.msk [tilespmem:v57+s17+$0x0], $0xffff;
	[tilespmem:v54+s23+$0x0] =	vst.idx.msk vm2, v25;
	v54 =	vadd.s32 v7, v44  }
0xb5: {  	v45 =	vmul.f32 v45, v39;
	v63 =	vor.u32 $0x3, v43;
	v46 =	vadd.f32 v40, v46  }
0xb6: {  	v49 =	vmul.f32 v49, v39;
	v50 =	vld.idx.msk [tilespmem:v50+s18+$0x0], $0xffff;
	v40 =	vmul.f32 v62, v39;
	v62 =	vor.u32 $0xB, v37  }
0xb7: {  	v60 =	vmul.f32 v60, v39;
	v46 =	vadd.f32 v52, v46;
	v52 =	vld.idx.msk [tilespmem:v59+s22+$0x0], $0xffff;
	v59 =	vadd.s32 v8, v51  }
0xb8: {  	v34 =	vsel vm1, $0xFF61B1E6, v34;
	v57 =	vsel vm15, v20, v21;
	v56 =	vld.idx.msk [tilespmem:v56+s17+$0x0], $0xffff;
	[tilespmem:v61+s23+$0x0] =	vst.idx.msk vm2, v24;
	v61 =	vor.u32 $0x4, v43  }
0xb9: {  	v45 =	vadd.f32 v46, v45;
	v46 =	vadd.f32 v47, v53;
	v47 =	vld.idx.msk [tilespmem:v54+s18+$0x0], $0xffff;
	v53 =	vadd.s32 v8, v44  }
0xba: {  	v25 =	vsel vm1, $0xFF61B1E6, v25;
	v51 =	vadd.s32 v9, v51;
	v54 =	vld.idx.msk [tilespmem:v63+s17+$0x0], $0xffff;
	v63 =	vor.u32 $0xC, v37  }
0xbb: {  	vm3 =	vge.f32 v45, $0.0e+00;
	v13 =	vmul.f32 $2.000000030e-01, v45;
	v46 =	vadd.f32 v48, v46;
	v48 =	vld.idx.msk [tilespmem:v62+s22+$0x0], $0xffff  }
0xbc: {  	v62 =	vor.u32 $0xD, v37;
	v37 =	vor.u32 $0xF, v37;
	[tilespmem:v59+s23+$0x0] =	vst.idx.msk vm2, v36;
	v59 =	vadd.s32 v9, v44  }
0xbd: {  	v13 =	vsel vm3, v45, v13;
	v45 =	vadd.f32 v46, v49;
	v46 =	vadd.f32 v52, v50;
	v49 =	vld.idx.msk [tilespmem:v61+s17+$0x0], $0xffff  }
0xbe: {  	v36 =	vsel vm1, $0xFF61B1E6, v36;
	v50 =	vmul.f32 v55, v39;
	v61 =	vsel vm1, $0xFF61B1E6, v33;
	v52 =	vld.idx.msk [tilespmem:v53+s18+$0x0], $0xffff  }
0xbf: {  	v13 =	vnsel vm0, $0xFF61B1E6, v13;
	v55 =	vld.idx.msk [tilespmem:v63+s22+$0x0], $0xffff;
	[tilespmem:v51+s23+$0x0] =	vst.idx.msk vm2, v38;
	v51 =	vor.u32 $0x6, v43;
	v46 =	vadd.f32 v56, v46  }
0xc0: {  	vm3 =	vge.f32 v45, $0.0e+00;
	v53 =	vmul.f32 $2.000000030e-01, v45;
	v47 =	vadd.f32 v48, v47  }
0xc1: {  	v34 =	vmax.f32 v34, v13;
	v13 =	vadd.s32 v10, v44;
	v14 =	vld.idx.msk [tilespmem:v14+s17+$0x0], $0xffff;
	v46 =	vadd.f32 v46, v50  }
0xc2: {  	v45 =	vsel vm3, v45, v53;
	v48 =	vld.idx.msk [tilespmem:v59+s18+$0x0], $0xffff;
	v50 =	vmul.f32 v57, v39;
	v47 =	vadd.f32 v54, v47  }
0xc3: {  	v45 =	vnsel vm0, $0xFF61B1E6, v45;
	v54 =	vld.idx.msk [tilespmem:v62+s22+$0x0], $0xffff;
	[tilespmem:v23+s23+$0x0] =	vst.idx.msk vm2, v42;
	v23 =	vadd.s32 v11, v44;
	v57 =	vmul.f32 $2.000000030e-01, v46  }
0xc4: {  	v63 =	vld [tilespmem:$0x1FFF0];
	vm3 =	vge.f32 v46, $0.0e+00;
	v52 =	vadd.f32 v55, v52;
	v62 =	vadd.f32 v47, v50  }
0xc5: {  	v38 =	vsel vm1, $0xFF61B1E6, v38;
	v33 =	vmax.f32 v61, v45;
	v44 =	vld.idx.msk [tilespmem:v51+s17+$0x0], $0xffff;
	v61 =	vsel vm3, v46, v57  }
0xc6: {  	v4 =	vld.idx.msk [tilespmem:v4+s22+$0x0], $0xffff;
	v53 =	vnsel vm0, $0xFF61B1E6, v61;
	v57 =	vmul.f32 $2.000000030e-01, v62;
	v61 =	vadd.f32 v49, v52  }
0xc7: {  	p1 =	sne.s32 s31, $0x1F0;
	v55 =	vor.u32 $0x7, v43;
	v13 =	vld.idx.msk [tilespmem:v13+s18+$0x0], $0xffff;
	[tilespmem:v3+s23+$0x0] =	vst.idx.msk vm2, v41;
	v46 =	vmul.f32 v1, v39;
	vm3 =	vge.f32 v62, $0.0e+00  }
.Ltmp4:
0xc8: {  	v59 =	vld [tilespmem:$0x1FFB0];
	v3 =	vadd.f32 v54, v48;
	v1 =	vsel vm3, v62, v57;
	v62 =	vadd.f32 v61, v58;
	(pc) =	sbr.rel @p1 .LBB2_11-.Ltmp4, $4  }
0xc9: {  	v42 =	vsel vm1, $0xFF61B1E6, v42;
	v43 =	vld.idx.msk [tilespmem:v23+s18+$0x0], $0xffff;
	v23 =	vsel vm1, $0xFF61B1E6, v24;
	v1 =	vnsel vm0, $0xFF61B1E6, v1  }
0xca: {  	s8 =	smov.u32 s31;
	v48 =	vld.idx.msk [tilespmem:v37+s22+$0x0], $0xffff;
	v24 =	vmax.f32 v23, v1;
	v1 =	vadd.f32 v14, v3;
	v3 =	vmul.f32 $2.000000030e-01, v62  }
0xcb: {  	s8 =	sadd.s32 $0x10, s31;
	v45 =	vsel vm1, $0xFF61B1E6, v41;
	v25 =	vmax.f32 v25, v53;
	v58 =	vld [tilespmem:$0x1FFA0];
	vm2 =	vge.f32 v62, $0.0e+00  }
0xcc: {  	s7 =	sadd.s32 $0x10, s7;
	s29 =	sadd.s32 $0x10, s29;
	s31 =	smov.u32 s8;
	v39 =	vld.idx.msk [tilespmem:v55+s17+$0x0], $0xffff;
	v50 =	vadd.f32 v4, v13;
	v49 =	vadd.f32 v1, v60;
	v47 =	vsel vm2, v62, v3  }
0xcd: {  	_ =	sdelay $0x1  }
0xce: {  	v1 =	vadd.f32 v48, v43;
	_ =	sdelay $0x1  }
0xcf: {  	v3 =	vadd.f32 v44, v50;
	v1 =	vadd.f32 v39, v1;
	_ =	sdelay $0x1  }
0xd0: {  	s5 =	sadd.s32 $0x1, s5;
	v3 =	vadd.f32 v3, v40;
	v1 =	vadd.f32 v1, v46  }
0xd1: {  	v23 =	vnsel vm0, $0xFF61B1E6, v47;
	v4 =	vmul.f32 $2.000000030e-01, v49;
	p1 =	sne.s32 s5, s28  }
.Ltmp5:
0xd2: {  	vm1 =	vge.f32 v49, $0.0e+00;
	v13 =	vmul.f32 $2.000000030e-01, v3;
	v14 =	vmul.f32 $2.000000030e-01, v1;
	(pc) =	sbr.rel @p1 .LBB2_8-.Ltmp5, $4  }
.Ltmp6:
0xd3: {  	v36 =	vmax.f32 v36, v23;
	vm15 =	vge.f32 v3, $0.0e+00;
	vm2 =	vge.f32 v1, $0.0e+00;
	(pc) =	sbr.rel @!p1 .LBB2_13-.Ltmp6, $4  }
0xd4: {  	v4 =	vsel vm1, v49, v4;
	v3 =	vsel vm15, v3, v13;
	v1 =	vsel vm2, v1, v14  }
0xd5: {  	v4 =	vnsel vm0, $0xFF61B1E6, v4;
	v3 =	vnsel vm0, $0xFF61B1E6, v3;
	v1 =	vnsel vm0, $0xFF61B1E6, v1  }
0xd6: {  	s4 =	sadd.s32 $0x20, s4;
	v38 =	vmax.f32 v38, v4;
	v39 =	vmax.f32 v42, v3;
	v37 =	vmax.f32 v45, v1  }
0xd7: {  	_ = 	snop  }
.LBB2_6:
0xd8: {  	v34 =	vimm.f32 $-3.000000010e+38;
	v35 =	vimm.s32 $0xFFFFFFFF;
	v33 =	vimm.f32 $-3.000000010e+38  }
0xd9: {  	v25 =	vimm.f32 $-3.000000010e+38;
	v24 =	vimm.f32 $-3.000000010e+38;
	v36 =	vimm.f32 $-3.000000010e+38  }
0xda: {  	v38 =	vimm.f32 $-3.000000010e+38;
	v39 =	vimm.f32 $-3.000000010e+38;
	v37 =	vimm.f32 $-3.000000010e+38  }
.LBB2_13:
0xdb: {  	v1 =	vsub.s32 v35, v0  }
0xdc: {  	vm0 =	vgt.s32 v1, $0x0  }
0xdd: {  	v1 =	vnsel vm0, $0x0, v1  }
0xde: {  	vm15 =	vgt.s32 v35, $0xFFFFFFFF;
	v1 =	vmin.u32 v1, $0x13F  }
0xdf: {  	v3 =	vadd.s32 v2, v1  }
0xe0: {  	v4 =	vadd.s32 v5, v1  }
0xe1: {  	v13 =	vadd.s32 v6, v1  }
0xe2: {  	v14 =	vadd.s32 v7, v1  }
0xe3: {  	v23 =	vadd.s32 v8, v1  }
0xe4: {  	[tilespmem:v3+s23+$0x0] =	vst.idx.msk vm15, v34;
	v3 =	vadd.s32 v9, v1  }
0xe5: {  	[tilespmem:v4+s23+$0x0] =	vst.idx.msk vm15, v33;
	v4 =	vadd.s32 v10, v1  }
0xe6: {  	v1 =	vadd.s32 v11, v1;
	[tilespmem:v13+s23+$0x0] =	vst.idx.msk vm15, v25  }
.Ltmp7:
0xe7: {  	[tilespmem:v14+s23+$0x0] =	vst.idx.msk vm15, v24;
	(pc) =	sbr.rel @p0 .LBB2_20-.Ltmp7, $4  }
0xe8: {  	[tilespmem:v23+s23+$0x0] =	vst.idx.msk vm15, v36  }
0xe9: {  	[tilespmem:v3+s23+$0x0] =	vst.idx.msk vm15, v38  }
0xea: {  	[tilespmem:v4+s23+$0x0] =	vst.idx.msk vm15, v39  }
0xeb: {  	[tilespmem:v1+s23+$0x0] =	vst.idx.msk vm15, v37  }
0xec: {  	v1 =	vld [tilespmem:$0x1FFC0];
	_ =	sdelay $0x2  }
0xed: {  	v3 =	vld [tilespmem:$0x1FFD0];
	_ =	sdelay $0x1  }
0xee: {  	v26 =	vbroadcast v1, $0xC;
	v27 =	vbroadcast v1, $0x5  }
0xef: {  	v30 =	vbroadcast v1, $0xD;
	v28 =	vbroadcast v1, $0x6  }
0xf0: {  	v49 =	vbroadcast v1, $0xE;
	v38 =	vbroadcast v1, $0x7  }
0xf1: {  	v39 =	vbroadcast v1, $0xF;
	v1 =	vbroadcast v3, $0x1  }
0xf2: {  	v37 =	vbroadcast v3, $0x6  }
0xf3: {  	[tilespmem:$0x1FE50] =	vst v1  }
0xf4: {  	v4 =	vld [tilespmem:$0x1FFE0];
	v36 =	vbroadcast v3, $0x7;
	[tilespmem:$0x1FED0] =	vst v37  }
0xf5: {  	[tilespmem:$0x1FEE0] =	vst v26  }
0xf6: {  	[tilespmem:$0x1FEF0] =	vst v36  }
0xf7: {  	[tilespmem:$0x1FF00] =	vst v27  }
0xf8: {  	[tilespmem:$0x1FF10] =	vst v30  }
0xf9: {  	v1 =	vbroadcast v4, $0x1;
	[tilespmem:$0x1FF20] =	vst v28  }
0xfa: {  	v40 =	vbroadcast v3, $0x0;
	v48 =	vbroadcast v3, $0x9;
	[tilespmem:$0x1FF30] =	vst v49  }
0xfb: {  	v41 =	vbroadcast v4, $0x0;
	[tilespmem:$0x1FE60] =	vst v1;
	v1 =	vbroadcast v3, $0xC  }
0xfc: {  	v53 =	vbroadcast v3, $0x2;
	v42 =	vbroadcast v3, $0xA;
	[tilespmem:$0x1FF40] =	vst v48  }
0xfd: {  	v55 =	vbroadcast v4, $0x2;
	[tilespmem:$0x1FE70] =	vst v1;
	v1 =	vbroadcast v4, $0xC  }
0xfe: {  	v52 =	vbroadcast v3, $0x3;
	v47 =	vbroadcast v4, $0x8;
	[tilespmem:$0x1FF50] =	vst v42  }
0xff: {  	v56 =	vbroadcast v4, $0x3;
	[tilespmem:$0x1FE80] =	vst v1;
	v1 =	vbroadcast v3, $0xD  }
0x100: {  	v51 =	vbroadcast v3, $0x4;
	v54 =	vbroadcast v4, $0xB;
	[tilespmem:$0x1FF60] =	vst v47  }
0x101: {  	v57 =	vbroadcast v4, $0x4;
	[tilespmem:$0x1FE90] =	vst v1;
	v1 =	vbroadcast v4, $0xD  }
0x102: {  	v50 =	vbroadcast v3, $0x5;
	v33 =	vbroadcast v3, $0xF;
	[tilespmem:$0x1FF70] =	vst v54  }
0x103: {  	v59 =	vbroadcast v4, $0x5;
	[tilespmem:$0x1FEA0] =	vst v1;
	v1 =	vbroadcast v3, $0xE  }
0x104: {  	v44 =	vbroadcast v4, $0x6;
	v34 =	vbroadcast v4, $0xF;
	[tilespmem:$0x1FF80] =	vst v33  }
0x105: {  	v45 =	vbroadcast v4, $0x7;
	[tilespmem:$0x1FEB0] =	vst v1;
	v1 =	vbroadcast v4, $0xE  }
0x106: {  	v46 =	vbroadcast v3, $0x8;
	v58 =	vbroadcast v4, $0x9;
	[tilespmem:$0x1FF90] =	vst v34  }
0x107: {  	s6 =	simm.s32 $0x0;
	s30 =	simm.s32 $0x0;
	v60 =	vbroadcast v4, $0xA;
	v61 =	vbroadcast v3, $0xB;
	[tilespmem:$0x1FEC0] =	vst v1  }
.LBB2_15:
0x108: {  	v1 =	vadd.s32 s6, v12  }
0x109: {  	vm0 =	vgt.s32 v1, $0x0  }
0x10a: {  	v1 =	vnsel vm0, $0x0, v1  }
0x10b: {  	s4 =	simm.s32 $0x40;
	s7 =	simm.s32 $0x0;
	s5 =	smov.u32 s6;
	v1 =	vmin.u32 v1, $0x4E1FF  }
.LBB2_16:
0x10c: {  	p0 =	sne.s32 s4, $0x7C0  }
0x10d: {  	[tilespmem:s7+$0xCC10] =	vst v1;
	s5 =	sadd.s32 $0x1, s5;
	s7 =	smov.u32 s4;
	s4 =	sadd.s32 $0x40, s4  }
.Ltmp8:
0x10e: {  	(pc) =	sbr.rel @p0 .LBB2_16-.Ltmp8, $4  }
0x10f: {  	v1 =	vadd.s32 s5, v12  }
0x110: {  	vm0 =	vgt.s32 v1, $0x0  }
0x111: {  	v1 =	vnsel vm0, $0x0, v1  }
0x112: {  	s7 =	sshra.s32 s7, $0x2;
	v1 =	vmin.u32 v1, $0x4E1FF  }
0x113: {  	[tilespmem:s7+$0xCC10] =	vst v1;
	s31 =	simm.s32 $0xCE10  }
0x114: {  	[tilespmem:s31], [sflag:$0x1] =	stream.indirect.gather [hbm4b:s0+s19], $0x1, s20, s19, $0xb8;
	[tilespmem:$0x11610] =	vst v63  }
0x115: {  	_ =	swait.ge [sflag:s15], $0x200  }
0x116: {  	[sflag:s15] =	ssyncset.done $0x0  }
0x117: {  	[sflag:s15] =	ssyncadd.s32 $0xFFFFFE00  }
0x118: {  	[tilespmem:s21], [sflag:$0x1] =	stream.indirect.gather [hbm4b:s1+s19], $0x1, s20, s19, $0xb8;
	[tilespmem:$0x11610] =	vst v63  }
0x119: {  	_ =	swait.ge [sflag:s15], $0x200  }
0x11a: {  	[sflag:s15] =	ssyncset.done $0x0  }
0x11b: {  	s7 =	simm.s32 $0xD210;
	[sflag:s15] =	ssyncadd.s32 $0xFFFFFE00  }
0x11c: {  	[tilespmem:s7], [sflag:$0x1] =	stream.indirect.gather [hbm4b:s2+s19], $0x1, s20, s19, $0xb8;
	[tilespmem:$0x11610] =	vst v63  }
0x11d: {  	_ =	swait.ge [sflag:s15], $0x200  }
0x11e: {  	[sflag:s15] =	ssyncset.done $0x0  }
0x11f: {  	s4 =	simm.s32 $0xD410;
	[sflag:s15] =	ssyncadd.s32 $0xFFFFFE00  }
0x120: {  	[tilespmem:s4], [sflag:$0x1] =	stream.indirect.gather [hbm4b:s3+s19], $0x1, s20, s19, $0xb8;
	[tilespmem:$0x11610] =	vst v63  }
0x121: {  	_ =	swait.ge [sflag:s15], $0x200  }
0x122: {  	[sflag:s15] =	ssyncset.done $0x0  }
0x123: {  	[sflag:s15] =	ssyncadd.s32 $0xFFFFFE00  }
0x124: {  	[tilespmem:s22], [sflag:$0x1] =	stream.indirect.gather [hbm4b:s10+s19], $0x20, s21, s19, $0xb8;
	[tilespmem:$0x11610] =	vst v63  }
0x125: {  	_ =	swait.ge [sflag:s15], $0x4000  }
0x126: {  	[sflag:s15] =	ssyncset.done $0x0  }
0x127: {  	s5 =	simm.s32 $0x0;
	s29 =	smov.u32 s6;
	[sflag:s15] =	ssyncadd.s32 $0xFFFFC000  }
.LBB2_18:
0x128: {  	v1 =	vld [tilespmem:s31+$0x0];
	_ =	sdelay $0x4  }
0x129: {  	v3 =	vmov s5;
	v1 =	vsub.s32 v1, v0  }
0x12a: {  	v4 =	vld [tilespmem:s7+$0x0];
	v3 =	vshll.u32 v3, $0x5;
	vm0 =	vgt.s32 v1, $0x0  }
0x12b: {  	v23 =	vor.u32 v63, v3;
	v1 =	vnsel vm0, $0x0, v1  }
0x12c: {  	v3 =	vor.u32 $0x8, v23;
	v62 =	vmin.u32 v1, $0x13F  }
0x12d: {  	v37 =	vadd.s32 v2, v62;
	_ =	sdelay $0x1  }
0x12e: {  	v29 =	vshll.u32 v4, $0x3  }
0x12f: {  	v63 =	vld [tilespmem:s4+$0x0]  }
0x130: {  	v3 =	vld.idx.msk [tilespmem:v3+s22+$0x0], $0xffff  }
0x131: {  	v4 =	vld.idx.msk [tilespmem:v37+s18+$0x0], $0xffff  }
0x132: {  	v1 =	vld [tilespmem:$0x1FFB0]  }
0x133: {  	v13 =	vld.idx.msk [tilespmem:v29+s17+$0x0], $0xffff;
	_ =	sdelay $0x2  }
0x134: {  	vm8 =	vge.f32 v63, $0.0e+00;
	v3 =	vadd.f32 v3, v4  }
0x135: {  	v4 =	vsel vm8, v1, v15  }
0x136: {  	v4 =	vmul.f32 v4, v63;
	v3 =	vadd.f32 v13, v3;
	_ =	sdelay $0x1  }
0x137: {  	v3 =	vadd.f32 v3, v4;
	v4 =	vld.idx.msk [tilespmem:v37+s23+$0x0], $0xffff;
	_ =	sdelay $0x1  }
0x138: {  	v13 =	vmul.f32 $2.000000030e-01, v3  }
0x139: {  	vm1 =	vge.f32 v3, $0.0e+00  }
0x13a: {  	v3 =	vsel vm1, v3, v13  }
0x13b: {  	v3 =	vsub.f32 v3, v4;
	_ =	sdelay $0x1  }
0x13c: {  	v3 =	vmul.f32 $1.442695020e+00, v3;
	_ =	sdelay $0x1  }
0x13d: {  	(erf) = vpow2.f32 v3;
	_ =	sdelay $0x3  }
0x13e: {  	v1 =	vld [tilespmem:$0x1FFA0];
	_ =	sdelay $0x1  }
0x13f: {  	v3 =	vmov s29  }
0x140: {  	v36 =	vadd.s32 v5, v62  }
0x141: {  	v4 =	vor.u32 $0x9, v23  }
0x142: {  	vm9 =	vlt.s32 v3, v1;
	v3 =	vpop (erf)  }
0x143: {  	v13 =	vor.u32 $0x1, v29;
	v3 =	vnsel vm9, $0x0, v3  }
0x144: {  	[tilespmem:v37+s24+$0x0] =	vst.idx.add.f32.msk $0xffff, v3  }
0x145: {  	v14 =	vld.idx.msk [tilespmem:v36+s18+$0x0], $0xffff  }
0x146: {  	v4 =	vld.idx.msk [tilespmem:v4+s22+$0x0], $0xffff;
	_ =	sdelay $0x1  }
0x147: {  	v13 =	vld.idx.msk [tilespmem:v13+s17+$0x0], $0xffff;
	_ =	sdelay $0x2  }
0x148: {  	v4 =	vadd.f32 v4, v14  }
0x149: {  	v14 =	vsel vm8, v16, v17  }
0x14a: {  	v4 =	vadd.f32 v13, v4;
	v13 =	vmul.f32 v14, v63;
	_ =	sdelay $0x1  }
0x14b: {  	v4 =	vadd.f32 v4, v13;
	v13 =	vld.idx.msk [tilespmem:v36+s23+$0x0], $0xffff;
	_ =	sdelay $0x1  }
0x14c: {  	v14 =	vmul.f32 $2.000000030e-01, v4  }
0x14d: {  	vm2 =	vge.f32 v4, $0.0e+00  }
0x14e: {  	v4 =	vsel vm2, v4, v14  }
0x14f: {  	v4 =	vsub.f32 v4, v13;
	_ =	sdelay $0x1  }
0x150: {  	v4 =	vmul.f32 $1.442695020e+00, v4;
	_ =	sdelay $0x1  }
0x151: {  	(erf) = vpow2.f32 v4;
	_ =	sdelay $0x6  }
0x152: {  	v35 =	vadd.s32 v6, v62  }
0x153: {  	v4 =	vor.u32 $0xA, v23  }
0x154: {  	v13 =	vpop (erf)  }
0x155: {  	v43 =	vnsel vm9, $0x0, v13;
	v13 =	vor.u32 $0x2, v29  }
0x156: {  	[tilespmem:v36+s24+$0x0] =	vst.idx.add.f32.msk $0xffff, v43  }
0x157: {  	v14 =	vld.idx.msk [tilespmem:v35+s18+$0x0], $0xffff  }
0x158: {  	v4 =	vld.idx.msk [tilespmem:v4+s22+$0x0], $0xffff;
	_ =	sdelay $0x1  }
0x159: {  	v13 =	vld.idx.msk [tilespmem:v13+s17+$0x0], $0xffff;
	_ =	sdelay $0x2  }
0x15a: {  	v4 =	vadd.f32 v4, v14  }
0x15b: {  	v14 =	vsel vm8, v18, v19  }
0x15c: {  	v4 =	vadd.f32 v13, v4;
	v13 =	vmul.f32 v14, v63;
	_ =	sdelay $0x1  }
0x15d: {  	v4 =	vadd.f32 v4, v13;
	v13 =	vld.idx.msk [tilespmem:v35+s23+$0x0], $0xffff;
	_ =	sdelay $0x1  }
0x15e: {  	v14 =	vmul.f32 $2.000000030e-01, v4  }
0x15f: {  	vm10 =	vge.f32 v4, $0.0e+00  }
0x160: {  	v4 =	vsel vm10, v4, v14  }
0x161: {  	v4 =	vsub.f32 v4, v13;
	_ =	sdelay $0x1  }
0x162: {  	v4 =	vmul.f32 $1.442695020e+00, v4;
	_ =	sdelay $0x1  }
0x163: {  	(erf) = vpow2.f32 v4;
	_ =	sdelay $0x6  }
0x164: {  	v34 =	vadd.s32 v7, v62  }
0x165: {  	v4 =	vor.u32 $0xB, v23  }
0x166: {  	v13 =	vpop (erf)  }
0x167: {  	v24 =	vnsel vm9, $0x0, v13;
	v13 =	vor.u32 $0x3, v29  }
0x168: {  	[tilespmem:v35+s24+$0x0] =	vst.idx.add.f32.msk $0xffff, v24  }
0x169: {  	v14 =	vld.idx.msk [tilespmem:v34+s18+$0x0], $0xffff  }
0x16a: {  	v4 =	vld.idx.msk [tilespmem:v4+s22+$0x0], $0xffff;
	_ =	sdelay $0x1  }
0x16b: {  	v13 =	vld.idx.msk [tilespmem:v13+s17+$0x0], $0xffff;
	_ =	sdelay $0x2  }
0x16c: {  	v4 =	vadd.f32 v4, v14  }
0x16d: {  	v14 =	vsel vm8, v20, v21  }
0x16e: {  	v4 =	vadd.f32 v13, v4;
	v13 =	vmul.f32 v14, v63;
	_ =	sdelay $0x1  }
0x16f: {  	v4 =	vadd.f32 v4, v13;
	v13 =	vld.idx.msk [tilespmem:v34+s23+$0x0], $0xffff;
	_ =	sdelay $0x1  }
0x170: {  	v14 =	vmul.f32 $2.000000030e-01, v4  }
0x171: {  	vm11 =	vge.f32 v4, $0.0e+00  }
0x172: {  	v4 =	vsel vm11, v4, v14  }
0x173: {  	v4 =	vsub.f32 v4, v13;
	_ =	sdelay $0x1  }
0x174: {  	v4 =	vmul.f32 $1.442695020e+00, v4;
	_ =	sdelay $0x1  }
0x175: {  	(erf) = vpow2.f32 v4;
	_ =	sdelay $0x6  }
0x176: {  	v33 =	vadd.s32 v8, v62  }
0x177: {  	v4 =	vor.u32 $0xC, v23  }
0x178: {  	v13 =	vpop (erf)  }
0x179: {  	v25 =	vnsel vm9, $0x0, v13;
	v13 =	vor.u32 $0x4, v29  }
0x17a: {  	[tilespmem:v34+s24+$0x0] =	vst.idx.add.f32.msk $0xffff, v25  }
0x17b: {  	v14 =	vld.idx.msk [tilespmem:v33+s18+$0x0], $0xffff  }
0x17c: {  	v4 =	vld.idx.msk [tilespmem:v4+s22+$0x0], $0xffff;
	_ =	sdelay $0x1  }
0x17d: {  	v13 =	vld.idx.msk [tilespmem:v13+s17+$0x0], $0xffff;
	_ =	sdelay $0x2  }
0x17e: {  	v4 =	vadd.f32 v4, v14  }
0x17f: {  	v14 =	vsel vm8, v22, v26  }
0x180: {  	v4 =	vadd.f32 v13, v4;
	v13 =	vmul.f32 v14, v63;
	_ =	sdelay $0x1  }
0x181: {  	v4 =	vadd.f32 v4, v13;
	v13 =	vld.idx.msk [tilespmem:v33+s23+$0x0], $0xffff;
	_ =	sdelay $0x1  }
0x182: {  	v14 =	vmul.f32 $2.000000030e-01, v4  }
0x183: {  	vm12 =	vge.f32 v4, $0.0e+00  }
0x184: {  	v4 =	vsel vm12, v4, v14  }
0x185: {  	v4 =	vsub.f32 v4, v13;
	_ =	sdelay $0x1  }
0x186: {  	v4 =	vmul.f32 $1.442695020e+00, v4;
	_ =	sdelay $0x1  }
0x187: {  	(erf) = vpow2.f32 v4;
	_ =	sdelay $0x6  }
0x188: {  	v32 =	vadd.s32 v9, v62  }
0x189: {  	v4 =	vor.u32 $0xD, v23  }
0x18a: {  	v13 =	vpop (erf)  }
0x18b: {  	v26 =	vnsel vm9, $0x0, v13;
	v13 =	vor.u32 $0x5, v29  }
0x18c: {  	[tilespmem:v33+s24+$0x0] =	vst.idx.add.f32.msk $0xffff, v26  }
0x18d: {  	v14 =	vld.idx.msk [tilespmem:v32+s18+$0x0], $0xffff  }
0x18e: {  	v4 =	vld.idx.msk [tilespmem:v4+s22+$0x0], $0xffff;
	_ =	sdelay $0x1  }
0x18f: {  	v13 =	vld.idx.msk [tilespmem:v13+s17+$0x0], $0xffff;
	_ =	sdelay $0x2  }
0x190: {  	v4 =	vadd.f32 v4, v14  }
0x191: {  	v14 =	vsel vm8, v27, v30  }
0x192: {  	v4 =	vadd.f32 v13, v4;
	v13 =	vmul.f32 v14, v63;
	_ =	sdelay $0x1  }
0x193: {  	v4 =	vadd.f32 v4, v13;
	v13 =	vld.idx.msk [tilespmem:v32+s23+$0x0], $0xffff;
	_ =	sdelay $0x1  }
0x194: {  	v14 =	vmul.f32 $2.000000030e-01, v4  }
0x195: {  	vm13 =	vge.f32 v4, $0.0e+00  }
0x196: {  	v4 =	vsel vm13, v4, v14  }
0x197: {  	v4 =	vsub.f32 v4, v13;
	_ =	sdelay $0x1  }
0x198: {  	v4 =	vmul.f32 $1.442695020e+00, v4;
	_ =	sdelay $0x1  }
0x199: {  	(erf) = vpow2.f32 v4;
	_ =	sdelay $0x6  }
0x19a: {  	v31 =	vadd.s32 v10, v62  }
0x19b: {  	v4 =	vor.u32 $0xE, v23  }
0x19c: {  	v13 =	vpop (erf)  }
0x19d: {  	v27 =	vnsel vm9, $0x0, v13;
	v13 =	vor.u32 $0x6, v29  }
0x19e: {  	[tilespmem:v32+s24+$0x0] =	vst.idx.add.f32.msk $0xffff, v27  }
0x19f: {  	v14 =	vld.idx.msk [tilespmem:v31+s18+$0x0], $0xffff  }
0x1a0: {  	v4 =	vld.idx.msk [tilespmem:v4+s22+$0x0], $0xffff;
	_ =	sdelay $0x1  }
0x1a1: {  	v13 =	vld.idx.msk [tilespmem:v13+s17+$0x0], $0xffff;
	_ =	sdelay $0x2  }
0x1a2: {  	v4 =	vadd.f32 v4, v14  }
0x1a3: {  	v14 =	vsel vm8, v28, v49  }
0x1a4: {  	v4 =	vadd.f32 v13, v4;
	v13 =	vmul.f32 v14, v63;
	_ =	sdelay $0x1  }
0x1a5: {  	v4 =	vadd.f32 v4, v13;
	v13 =	vld.idx.msk [tilespmem:v31+s23+$0x0], $0xffff;
	_ =	sdelay $0x1  }
0x1a6: {  	v14 =	vmul.f32 $2.000000030e-01, v4  }
0x1a7: {  	vm14 =	vge.f32 v4, $0.0e+00  }
0x1a8: {  	v4 =	vsel vm14, v4, v14  }
0x1a9: {  	v4 =	vsub.f32 v4, v13;
	_ =	sdelay $0x1  }
0x1aa: {  	v4 =	vmul.f32 $1.442695020e+00, v4;
	_ =	sdelay $0x1  }
0x1ab: {  	(erf) = vpow2.f32 v4;
	_ =	sdelay $0x6  }
0x1ac: {  	v54 =	vadd.s32 v11, v62  }
0x1ad: {  	v4 =	vor.u32 $0xF, v23  }
0x1ae: {  	v13 =	vpop (erf)  }
0x1af: {  	v28 =	vnsel vm9, $0x0, v13;
	v13 =	vor.u32 $0x7, v29  }
0x1b0: {  	[tilespmem:v31+s24+$0x0] =	vst.idx.add.f32.msk $0xffff, v28  }
0x1b1: {  	v14 =	vld.idx.msk [tilespmem:v54+s18+$0x0], $0xffff  }
0x1b2: {  	v4 =	vld.idx.msk [tilespmem:v4+s22+$0x0], $0xffff;
	_ =	sdelay $0x1  }
0x1b3: {  	v13 =	vld.idx.msk [tilespmem:v13+s17+$0x0], $0xffff;
	_ =	sdelay $0x2  }
0x1b4: {  	v4 =	vadd.f32 v4, v14  }
0x1b5: {  	v14 =	vsel vm8, v38, v39  }
0x1b6: {  	v4 =	vadd.f32 v13, v4;
	v13 =	vmul.f32 v14, v63;
	_ =	sdelay $0x1  }
0x1b7: {  	v4 =	vadd.f32 v4, v13;
	v13 =	vld.idx.msk [tilespmem:v54+s23+$0x0], $0xffff;
	_ =	sdelay $0x1  }
0x1b8: {  	v14 =	vmul.f32 $2.000000030e-01, v4  }
0x1b9: {  	vm15 =	vge.f32 v4, $0.0e+00  }
0x1ba: {  	v4 =	vsel vm15, v4, v14  }
0x1bb: {  	v4 =	vsub.f32 v4, v13;
	_ =	sdelay $0x1  }
0x1bc: {  	v4 =	vmul.f32 $1.442695020e+00, v4;
	_ =	sdelay $0x1  }
0x1bd: {  	(erf) = vpow2.f32 v4;
	_ =	sdelay $0x6  }
0x1be: {  	v4 =	vor.u32 $0x10, v23;
	_ =	sdelay $0x1  }
0x1bf: {  	v13 =	vpop (erf)  }
0x1c0: {  	v29 =	vnsel vm9, $0x0, v13  }
0x1c1: {  	[tilespmem:v54+s24+$0x0] =	vst.idx.add.f32.msk $0xffff, v29  }
0x1c2: {  	v4 =	vld.idx.msk [tilespmem:v4+s22+$0x0], $0xffff;
	_ =	sdelay $0x1  }
0x1c3: {  	v13 =	vsel vm8, v40, v41  }
0x1c4: {  	v13 =	vmul.f32 v13, v63;
	_ =	sdelay $0x1  }
0x1c5: {  	v49 =	vmovc v46;
	v46 =	vmovc v59;
	v59 =	vor.u32 $0x3F00, v2;
	v14 =	vor.u32 $0x1500, v2;
	v4 =	vadd.f32 v4, v13  }
0x1c6: {  	v48 =	vmovc v45;
	v47 =	vmovc v44;
	v45 =	vmov v50;
	v13 =	vadd.s32 v14, v62;
	v14 =	vor.u32 $0x2A00, v2  }
0x1c7: {  	v50 =	vmovc v38;
	v44 =	vmovc v51;
	v51 =	vmov v39;
	v14 =	vadd.s32 v14, v62;
	v39 =	vmul.f32 v4, v3  }
0x1c8: {  	v42 =	vor.u32 $0x6900, v2;
	v30 =	vmovc v52;
	v52 =	vmovc v40;
	v38 =	vadd.s32 v59, v62;
	v59 =	vmov v56  }
0x1c9: {  	v56 =	vmovc v53;
	v53 =	vmov v41;
	v40 =	vor.u32 $0x5400, v2;
	v41 =	vmul.f32 v4, v43;
	[tilespmem:v37+s25+$0x0] =	vst.idx.add.f32.msk $0xffff, v39  }
0x1ca: {  	v40 =	vadd.s32 v40, v62;
	v37 =	vmul.f32 v4, v24;
	v39 =	vadd.s32 v42, v62;
	v42 =	vld [tilespmem:$0x1FE50]  }
0x1cb: {  	v1 =	vmov v57;
	v57 =	vmov v55;
	v55 =	vor.u32 $0x7E00, v2;
	[tilespmem:v13+s25+$0x0] =	vst.idx.add.f32.msk $0xffff, v41  }
0x1cc: {  	v13 =	vmul.f32 v4, v25;
	v41 =	vadd.s32 v55, v62;
	v55 =	vor.u32 $0x9300, v2;
	[tilespmem:v14+s25+$0x0] =	vst.idx.add.f32.msk $0xffff, v37  }
0x1cd: {  	v14 =	vmul.f32 v4, v26;
	v37 =	vadd.s32 v55, v62;
	v55 =	vld [tilespmem:$0x1FE60]  }
0x1ce: {  	[tilespmem:v38+s25+$0x0] =	vst.idx.add.f32.msk $0xffff, v13;
	v13 =	vmul.f32 v4, v27;
	v38 =	vor.u32 $0x11, v23  }
0x1cf: {  	[tilespmem:v40+s25+$0x0] =	vst.idx.add.f32.msk $0xffff, v14;
	v14 =	vmul.f32 v4, v28  }
0x1d0: {  	v4 =	vmul.f32 v29, v4;
	[tilespmem:v39+s25+$0x0] =	vst.idx.add.f32.msk $0xffff, v13  }
0x1d1: {  	[tilespmem:v41+s25+$0x0] =	vst.idx.add.f32.msk $0xffff, v14  }
0x1d2: {  	[tilespmem:v37+s25+$0x0] =	vst.idx.add.f32.msk $0xffff, v4  }
0x1d3: {  	v4 =	vld.idx.msk [tilespmem:v38+s22+$0x0], $0xffff;
	_ =	sdelay $0x1  }
0x1d4: {  	v13 =	vsel vm8, v42, v55  }
0x1d5: {  	v13 =	vmul.f32 v13, v63  }
0x1d6: {  	v14 =	vor.u32 $0x1650, v2  }
0x1d7: {  	v4 =	vadd.f32 v4, v13;
	v13 =	vadd.s32 v14, v62;
	v14 =	vor.u32 $0x2B50, v2  }
0x1d8: {  	v42 =	vor.u32 $0x4050, v2;
	v14 =	vadd.s32 v14, v62  }
0x1d9: {  	v55 =	vor.u32 $0x5550, v2;
	v37 =	vadd.s32 v42, v62;
	v38 =	vmul.f32 v4, v3  }
0x1da: {  	v39 =	vadd.s32 v55, v62;
	v55 =	vor.u32 $0x6A50, v2;
	v40 =	vmul.f32 v4, v43  }
0x1db: {  	[tilespmem:v36+s25+$0x0] =	vst.idx.add.f32.msk $0xffff, v38;
	v36 =	vmul.f32 v4, v24;
	v38 =	vadd.s32 v55, v62;
	v55 =	vor.u32 $0x7F50, v2  }
0x1dc: {  	[tilespmem:v13+s25+$0x0] =	vst.idx.add.f32.msk $0xffff, v40;
	v13 =	vmul.f32 v4, v25;
	v40 =	vadd.s32 v55, v62;
	v55 =	vor.u32 $0x9450, v2  }
0x1dd: {  	[tilespmem:v14+s25+$0x0] =	vst.idx.add.f32.msk $0xffff, v36;
	v14 =	vmul.f32 v4, v26;
	v36 =	vadd.s32 v55, v62  }
0x1de: {  	v55 =	vor.u32 $0x12, v23;
	[tilespmem:v37+s25+$0x0] =	vst.idx.add.f32.msk $0xffff, v13;
	v13 =	vmul.f32 v4, v27  }
0x1df: {  	[tilespmem:v39+s25+$0x0] =	vst.idx.add.f32.msk $0xffff, v14;
	v14 =	vmul.f32 v4, v28  }
0x1e0: {  	v4 =	vmul.f32 v4, v29;
	[tilespmem:v38+s25+$0x0] =	vst.idx.add.f32.msk $0xffff, v13  }
0x1e1: {  	[tilespmem:v40+s25+$0x0] =	vst.idx.add.f32.msk $0xffff, v14  }
0x1e2: {  	[tilespmem:v36+s25+$0x0] =	vst.idx.add.f32.msk $0xffff, v4  }
0x1e3: {  	v4 =	vld.idx.msk [tilespmem:v55+s22+$0x0], $0xffff  }
0x1e4: {  	v41 =	vmov v53;
	v53 =	vmov v56  }
0x1e5: {  	v13 =	vsel vm8, v53, v57  }
0x1e6: {  	v13 =	vmul.f32 v13, v63  }
0x1e7: {  	v14 =	vor.u32 $0x17A0, v2  }
0x1e8: {  	v4 =	vadd.f32 v4, v13;
	v13 =	vadd.s32 v14, v62;
	v14 =	vor.u32 $0x2CA0, v2  }
0x1e9: {  	v40 =	vor.u32 $0x41A0, v2;
	v14 =	vadd.s32 v14, v62  }
0x1ea: {  	v42 =	vor.u32 $0x56A0, v2;
	v36 =	vadd.s32 v40, v62;
	v37 =	vmul.f32 v4, v3  }
0x1eb: {  	v38 =	vadd.s32 v42, v62;
	v55 =	vmovc v57;
	v57 =	vor.u32 $0x6BA0, v2;
	v39 =	vmul.f32 v4, v43  }
0x1ec: {  	[tilespmem:v35+s25+$0x0] =	vst.idx.add.f32.msk $0xffff, v37;
	v35 =	vmul.f32 v4, v24;
	v37 =	vadd.s32 v57, v62;
	v57 =	vor.u32 $0x80A0, v2  }
0x1ed: {  	[tilespmem:v13+s25+$0x0] =	vst.idx.add.f32.msk $0xffff, v39;
	v13 =	vmul.f32 v4, v25;
	v39 =	vadd.s32 v57, v62;
	v57 =	vor.u32 $0x95A0, v2  }
0x1ee: {  	[tilespmem:v14+s25+$0x0] =	vst.idx.add.f32.msk $0xffff, v35;
	v14 =	vmul.f32 v4, v26;
	v35 =	vadd.s32 v57, v62  }
0x1ef: {  	v57 =	vor.u32 $0x13, v23;
	[tilespmem:v36+s25+$0x0] =	vst.idx.add.f32.msk $0xffff, v13;
	v13 =	vmul.f32 v4, v27  }
0x1f0: {  	[tilespmem:v38+s25+$0x0] =	vst.idx.add.f32.msk $0xffff, v14;
	v14 =	vmul.f32 v4, v28  }
0x1f1: {  	v4 =	vmul.f32 v4, v29;
	[tilespmem:v37+s25+$0x0] =	vst.idx.add.f32.msk $0xffff, v13  }
0x1f2: {  	[tilespmem:v39+s25+$0x0] =	vst.idx.add.f32.msk $0xffff, v14  }
0x1f3: {  	[tilespmem:v35+s25+$0x0] =	vst.idx.add.f32.msk $0xffff, v4  }
0x1f4: {  	v4 =	vld.idx.msk [tilespmem:v57+s22+$0x0], $0xffff;
	_ =	sdelay $0x1  }
0x1f5: {  	v13 =	vsel vm8, v30, v59  }
0x1f6: {  	v13 =	vmul.f32 v13, v63  }
0x1f7: {  	v14 =	vor.u32 $0x18F0, v2  }
0x1f8: {  	v4 =	vadd.f32 v4, v13;
	v13 =	vadd.s32 v14, v62;
	v14 =	vor.u32 $0x2DF0, v2  }
0x1f9: {  	v42 =	vor.u32 $0x42F0, v2;
	v14 =	vadd.s32 v14, v62  }
0x1fa: {  	v56 =	vmovc v59;
	v59 =	vor.u32 $0x57F0, v2;
	v35 =	vadd.s32 v42, v62;
	v57 =	vmul.f32 v4, v3  }
0x1fb: {  	v37 =	vadd.s32 v59, v62;
	v42 =	vor.u32 $0x6CF0, v2;
	v38 =	vmul.f32 v4, v43  }
0x1fc: {  	v59 =	vor.u32 $0x81F0, v2;
	v36 =	vadd.s32 v42, v62;
	[tilespmem:v34+s25+$0x0] =	vst.idx.add.f32.msk $0xffff, v57;
	v57 =	vmul.f32 v4, v24  }
0x1fd: {  	v42 =	vor.u32 $0x96F0, v2;
	[tilespmem:v13+s25+$0x0] =	vst.idx.add.f32.msk $0xffff, v38;
	v13 =	vmul.f32 v4, v25;
	v38 =	vadd.s32 v59, v62  }
0x1fe: {  	[tilespmem:v14+s25+$0x0] =	vst.idx.add.f32.msk $0xffff, v57;
	v14 =	vmul.f32 v4, v26;
	v57 =	vadd.s32 v42, v62  }
0x1ff: {  	v59 =	vor.u32 $0x14, v23;
	[tilespmem:v35+s25+$0x0] =	vst.idx.add.f32.msk $0xffff, v13;
	v13 =	vmul.f32 v4, v27  }
0x200: {  	[tilespmem:v37+s25+$0x0] =	vst.idx.add.f32.msk $0xffff, v14;
	v14 =	vmul.f32 v4, v28  }
0x201: {  	v4 =	vmul.f32 v4, v29;
	[tilespmem:v36+s25+$0x0] =	vst.idx.add.f32.msk $0xffff, v13  }
0x202: {  	[tilespmem:v38+s25+$0x0] =	vst.idx.add.f32.msk $0xffff, v14  }
0x203: {  	[tilespmem:v57+s25+$0x0] =	vst.idx.add.f32.msk $0xffff, v4  }
0x204: {  	v4 =	vld.idx.msk [tilespmem:v59+s22+$0x0], $0xffff;
	_ =	sdelay $0x1  }
0x205: {  	v13 =	vsel vm8, v44, v1  }
0x206: {  	v13 =	vmul.f32 v13, v63  }
0x207: {  	v14 =	vor.u32 $0x1A40, v2  }
0x208: {  	v4 =	vadd.f32 v4, v13;
	v13 =	vadd.s32 v14, v62;
	v14 =	vor.u32 $0x2F40, v2  }
0x209: {  	v38 =	vor.u32 $0x4440, v2;
	v14 =	vadd.s32 v14, v62  }
0x20a: {  	v39 =	vmovc v51;
	v51 =	vmovc v44;
	v44 =	vor.u32 $0x5940, v2;
	v34 =	vadd.s32 v38, v62;
	v42 =	vmul.f32 v4, v3  }
0x20b: {  	v36 =	vadd.s32 v44, v62;
	v59 =	vor.u32 $0x6E40, v2;
	v37 =	vmul.f32 v4, v43  }
0x20c: {  	v44 =	vor.u32 $0x8340, v2;
	v35 =	vadd.s32 v59, v62;
	[tilespmem:v33+s25+$0x0] =	vst.idx.add.f32.msk $0xffff, v42;
	v42 =	vmul.f32 v4, v24  }
0x20d: {  	v59 =	vor.u32 $0x9840, v2;
	[tilespmem:v13+s25+$0x0] =	vst.idx.add.f32.msk $0xffff, v37;
	v13 =	vmul.f32 v4, v25;
	v37 =	vadd.s32 v44, v62  }
0x20e: {  	v33 =	vadd.s32 v59, v62;
	[tilespmem:v14+s25+$0x0] =	vst.idx.add.f32.msk $0xffff, v42;
	v14 =	vmul.f32 v4, v26  }
0x20f: {  	v42 =	vor.u32 $0x15, v23;
	[tilespmem:v34+s25+$0x0] =	vst.idx.add.f32.msk $0xffff, v13;
	v13 =	vmul.f32 v4, v27  }
0x210: {  	[tilespmem:v36+s25+$0x0] =	vst.idx.add.f32.msk $0xffff, v14;
	v14 =	vmul.f32 v4, v28  }
0x211: {  	v4 =	vmul.f32 v4, v29;
	[tilespmem:v35+s25+$0x0] =	vst.idx.add.f32.msk $0xffff, v13  }
0x212: {  	[tilespmem:v37+s25+$0x0] =	vst.idx.add.f32.msk $0xffff, v14  }
0x213: {  	[tilespmem:v33+s25+$0x0] =	vst.idx.add.f32.msk $0xffff, v4  }
0x214: {  	v4 =	vld.idx.msk [tilespmem:v42+s22+$0x0], $0xffff  }
0x215: {  	v38 =	vmov v50;
	v50 =	vmov v45;
	v59 =	vmov v46  }
0x216: {  	v13 =	vsel vm8, v50, v59  }
0x217: {  	v13 =	vmul.f32 v13, v63  }
0x218: {  	v14 =	vor.u32 $0x1B90, v2  }
0x219: {  	v4 =	vadd.f32 v4, v13;
	v13 =	vadd.s32 v14, v62;
	v14 =	vor.u32 $0x3090, v2  }
0x21a: {  	v37 =	vor.u32 $0x4590, v2;
	v14 =	vadd.s32 v14, v62  }
0x21b: {  	v33 =	vadd.s32 v37, v62;
	v42 =	vor.u32 $0x5A90, v2;
	v34 =	vmul.f32 v4, v3  }
0x21c: {  	v37 =	vld [tilespmem:$0x1FED0];
	v35 =	vadd.s32 v42, v62;
	v42 =	vor.u32 $0x6F90, v2;
	v36 =	vmul.f32 v4, v43  }
0x21d: {  	[tilespmem:v32+s25+$0x0] =	vst.idx.add.f32.msk $0xffff, v34;
	v32 =	vmul.f32 v4, v24;
	v34 =	vadd.s32 v42, v62;
	v42 =	vor.u32 $0x8490, v2  }
0x21e: {  	[tilespmem:v13+s25+$0x0] =	vst.idx.add.f32.msk $0xffff, v36;
	v13 =	vmul.f32 v4, v25;
	v36 =	vadd.s32 v42, v62;
	v42 =	vor.u32 $0x9990, v2  }
0x21f: {  	[tilespmem:v14+s25+$0x0] =	vst.idx.add.f32.msk $0xffff, v32;
	v14 =	vmul.f32 v4, v26;
	v32 =	vadd.s32 v42, v62  }
0x220: {  	v42 =	vor.u32 $0x16, v23;
	[tilespmem:v33+s25+$0x0] =	vst.idx.add.f32.msk $0xffff, v13;
	v13 =	vmul.f32 v4, v27  }
0x221: {  	[tilespmem:v35+s25+$0x0] =	vst.idx.add.f32.msk $0xffff, v14;
	v14 =	vmul.f32 v4, v28  }
0x222: {  	v4 =	vmul.f32 v4, v29;
	[tilespmem:v34+s25+$0x0] =	vst.idx.add.f32.msk $0xffff, v13  }
0x223: {  	[tilespmem:v36+s25+$0x0] =	vst.idx.add.f32.msk $0xffff, v14  }
0x224: {  	[tilespmem:v32+s25+$0x0] =	vst.idx.add.f32.msk $0xffff, v4  }
0x225: {  	v4 =	vld.idx.msk [tilespmem:v42+s22+$0x0], $0xffff  }
0x226: {  	v44 =	vmov v47  }
0x227: {  	v13 =	vsel vm8, v37, v44  }
0x228: {  	v13 =	vmul.f32 v13, v63  }
0x229: {  	v14 =	vor.u32 $0x1CE0, v2  }
0x22a: {  	v4 =	vadd.f32 v4, v13;
	v13 =	vadd.s32 v14, v62;
	v14 =	vor.u32 $0x31E0, v2  }
0x22b: {  	v36 =	vor.u32 $0x46E0, v2;
	v14 =	vadd.s32 v14, v62  }
0x22c: {  	v37 =	vor.u32 $0x5BE0, v2;
	v32 =	vadd.s32 v36, v62;
	v33 =	vmul.f32 v4, v3  }
0x22d: {  	v34 =	vadd.s32 v37, v62;
	v36 =	vld [tilespmem:$0x1FEF0];
	v42 =	vor.u32 $0x70E0, v2;
	v35 =	vmul.f32 v4, v43  }
0x22e: {  	[tilespmem:v31+s25+$0x0] =	vst.idx.add.f32.msk $0xffff, v33;
	v31 =	vmul.f32 v4, v24;
	v33 =	vadd.s32 v42, v62;
	v42 =	vor.u32 $0x85E0, v2  }
0x22f: {  	[tilespmem:v13+s25+$0x0] =	vst.idx.add.f32.msk $0xffff, v35;
	v13 =	vmul.f32 v4, v25;
	v35 =	vadd.s32 v42, v62;
	v42 =	vor.u32 $0x9AE0, v2  }
0x230: {  	[tilespmem:v14+s25+$0x0] =	vst.idx.add.f32.msk $0xffff, v31;
	v14 =	vmul.f32 v4, v26;
	v31 =	vadd.s32 v42, v62  }
0x231: {  	v42 =	vor.u32 $0x17, v23;
	[tilespmem:v32+s25+$0x0] =	vst.idx.add.f32.msk $0xffff, v13;
	v13 =	vmul.f32 v4, v27  }
0x232: {  	[tilespmem:v34+s25+$0x0] =	vst.idx.add.f32.msk $0xffff, v14;
	v14 =	vmul.f32 v4, v28  }
0x233: {  	v4 =	vmul.f32 v4, v29;
	[tilespmem:v33+s25+$0x0] =	vst.idx.add.f32.msk $0xffff, v13  }
0x234: {  	[tilespmem:v35+s25+$0x0] =	vst.idx.add.f32.msk $0xffff, v14  }
0x235: {  	[tilespmem:v31+s25+$0x0] =	vst.idx.add.f32.msk $0xffff, v4  }
0x236: {  	v4 =	vld.idx.msk [tilespmem:v42+s22+$0x0], $0xffff  }
0x237: {  	v45 =	vmov v48  }
0x238: {  	v13 =	vsel vm8, v36, v45  }
0x239: {  	v13 =	vmul.f32 v13, v63  }
0x23a: {  	v14 =	vor.u32 $0x1E30, v2  }
0x23b: {  	v4 =	vadd.f32 v4, v13;
	v13 =	vadd.s32 v14, v62;
	v14 =	vor.u32 $0x3330, v2  }
0x23c: {  	v31 =	vor.u32 $0x4830, v2;
	v14 =	vadd.s32 v14, v62  }
0x23d: {  	v31 =	vadd.s32 v31, v62;
	v42 =	vor.u32 $0x5D30, v2;
	v37 =	vmul.f32 v4, v3  }
0x23e: {  	v40 =	vmovc v52;
	v52 =	vmovc v30;
	v47 =	vld [tilespmem:$0x1FF60];
	v36 =	vor.u32 $0x7230, v2;
	v33 =	vadd.s32 v42, v62;
	v34 =	vmul.f32 v4, v43  }
0x23f: {  	v32 =	vadd.s32 v36, v62;
	v30 =	vmul.f32 v4, v24;
	[tilespmem:v54+s25+$0x0] =	vst.idx.add.f32.msk $0xffff, v37;
	v37 =	vor.u32 $0x8730, v2  }
0x240: {  	[tilespmem:v13+s25+$0x0] =	vst.idx.add.f32.msk $0xffff, v34;
	v13 =	vmul.f32 v4, v25;
	v36 =	vadd.s32 v37, v62;
	v37 =	vor.u32 $0x9C30, v2  }
0x241: {  	[tilespmem:v14+s25+$0x0] =	vst.idx.add.f32.msk $0xffff, v30;
	v14 =	vmul.f32 v4, v26;
	v30 =	vadd.s32 v37, v62  }
0x242: {  	[tilespmem:v31+s25+$0x0] =	vst.idx.add.f32.msk $0xffff, v13;
	v13 =	vmul.f32 v4, v27;
	v31 =	vor.u32 $0x18, v23  }
0x243: {  	[tilespmem:v33+s25+$0x0] =	vst.idx.add.f32.msk $0xffff, v14;
	v14 =	vmul.f32 v4, v28  }
0x244: {  	v4 =	vmul.f32 v4, v29;
	[tilespmem:v32+s25+$0x0] =	vst.idx.add.f32.msk $0xffff, v13  }
0x245: {  	[tilespmem:v36+s25+$0x0] =	vst.idx.add.f32.msk $0xffff, v14  }
0x246: {  	[tilespmem:v30+s25+$0x0] =	vst.idx.add.f32.msk $0xffff, v4  }
0x247: {  	v4 =	vld.idx.msk [tilespmem:v31+s22+$0x0], $0xffff;
	_ =	sdelay $0x1  }
0x248: {  	v13 =	vsel vm8, v49, v47  }
0x249: {  	v13 =	vmul.f32 v13, v63;
	v14 =	vor.u32 $0xA80, v2  }
0x24a: {  	v14 =	vadd.s32 v14, v62;
	v30 =	vor.u32 $0x1F80, v2  }
0x24b: {  	v4 =	vadd.f32 v4, v13;
	v13 =	vadd.s32 v30, v62;
	v30 =	vor.u32 $0x3480, v2  }
0x24c: {  	v31 =	vor.u32 $0x4980, v2;
	v30 =	vadd.s32 v30, v62  }
0x24d: {  	v37 =	vor.u32 $0x5E80, v2;
	v31 =	vadd.s32 v31, v62;
	v36 =	vmul.f32 v4, v3  }
0x24e: {  	v48 =	vld [tilespmem:$0x1FF40];
	v46 =	vmovc v49;
	v33 =	vadd.s32 v37, v62;
	v49 =	vor.u32 $0x7380, v2;
	v47 =	vmul.f32 v4, v43  }
0x24f: {  	v37 =	vor.u32 $0x8880, v2;
	[tilespmem:v14+s25+$0x0] =	vst.idx.add.f32.msk $0xffff, v36;
	v14 =	vmul.f32 v4, v24;
	v36 =	vadd.s32 v49, v62  }
0x250: {  	v49 =	vor.u32 $0x9D80, v2;
	[tilespmem:v13+s25+$0x0] =	vst.idx.add.f32.msk $0xffff, v47;
	v13 =	vmul.f32 v4, v25;
	v47 =	vadd.s32 v37, v62  }
0x251: {  	[tilespmem:v30+s25+$0x0] =	vst.idx.add.f32.msk $0xffff, v14;
	v14 =	vmul.f32 v4, v26;
	v30 =	vadd.s32 v49, v62  }
0x252: {  	[tilespmem:v31+s25+$0x0] =	vst.idx.add.f32.msk $0xffff, v13;
	v13 =	vmul.f32 v4, v27;
	v31 =	vor.u32 $0x19, v23  }
0x253: {  	[tilespmem:v33+s25+$0x0] =	vst.idx.add.f32.msk $0xffff, v14;
	v14 =	vmul.f32 v4, v28  }
0x254: {  	v4 =	vmul.f32 v4, v29;
	[tilespmem:v36+s25+$0x0] =	vst.idx.add.f32.msk $0xffff, v13  }
0x255: {  	[tilespmem:v47+s25+$0x0] =	vst.idx.add.f32.msk $0xffff, v14  }
0x256: {  	[tilespmem:v30+s25+$0x0] =	vst.idx.add.f32.msk $0xffff, v4  }
0x257: {  	v4 =	vld.idx.msk [tilespmem:v31+s22+$0x0], $0xffff;
	_ =	sdelay $0x1  }
0x258: {  	v13 =	vsel vm8, v48, v58  }
0x259: {  	v13 =	vmul.f32 v13, v63;
	v14 =	vor.u32 $0xBD0, v2  }
0x25a: {  	v14 =	vadd.s32 v14, v62;
	v30 =	vor.u32 $0x20D0, v2  }
0x25b: {  	v4 =	vadd.f32 v4, v13;
	v13 =	vadd.s32 v30, v62;
	v30 =	vor.u32 $0x35D0, v2  }
0x25c: {  	v31 =	vor.u32 $0x4AD0, v2;
	v30 =	vadd.s32 v30, v62  }
0x25d: {  	v37 =	vor.u32 $0x5FD0, v2;
	v31 =	vadd.s32 v31, v62;
	v36 =	vmul.f32 v4, v3  }
0x25e: {  	v42 =	vld [tilespmem:$0x1FF50];
	v33 =	vadd.s32 v37, v62;
	v48 =	vor.u32 $0x74D0, v2;
	v47 =	vmul.f32 v4, v43  }
0x25f: {  	v49 =	vadd.s32 v48, v62;
	[tilespmem:v14+s25+$0x0] =	vst.idx.add.f32.msk $0xffff, v36;
	v14 =	vmul.f32 v4, v24;
	v36 =	vor.u32 $0x89D0, v2  }
0x260: {  	[tilespmem:v13+s25+$0x0] =	vst.idx.add.f32.msk $0xffff, v47;
	v13 =	vmul.f32 v4, v25;
	v37 =	vadd.s32 v36, v62;
	v47 =	vor.u32 $0x9ED0, v2  }
0x261: {  	[tilespmem:v30+s25+$0x0] =	vst.idx.add.f32.msk $0xffff, v14;
	v14 =	vmul.f32 v4, v26;
	v30 =	vadd.s32 v47, v62  }
0x262: {  	[tilespmem:v31+s25+$0x0] =	vst.idx.add.f32.msk $0xffff, v13;
	v13 =	vmul.f32 v4, v27;
	v31 =	vor.u32 $0x1A, v23  }
0x263: {  	[tilespmem:v33+s25+$0x0] =	vst.idx.add.f32.msk $0xffff, v14;
	v14 =	vmul.f32 v4, v28  }
0x264: {  	v4 =	vmul.f32 v4, v29;
	[tilespmem:v49+s25+$0x0] =	vst.idx.add.f32.msk $0xffff, v13  }
0x265: {  	[tilespmem:v37+s25+$0x0] =	vst.idx.add.f32.msk $0xffff, v14  }
0x266: {  	[tilespmem:v30+s25+$0x0] =	vst.idx.add.f32.msk $0xffff, v4  }
0x267: {  	v4 =	vld.idx.msk [tilespmem:v31+s22+$0x0], $0xffff;
	_ =	sdelay $0x1  }
0x268: {  	v13 =	vsel vm8, v42, v60  }
0x269: {  	v13 =	vmul.f32 v13, v63;
	v14 =	vor.u32 $0xD20, v2  }
0x26a: {  	v14 =	vadd.s32 v14, v62;
	v30 =	vor.u32 $0x2220, v2  }
0x26b: {  	v4 =	vadd.f32 v4, v13;
	v13 =	vadd.s32 v30, v62;
	v30 =	vor.u32 $0x3720, v2  }
0x26c: {  	v31 =	vor.u32 $0x4C20, v2;
	v30 =	vadd.s32 v30, v62  }
0x26d: {  	v49 =	vor.u32 $0x6120, v2;
	v31 =	vadd.s32 v31, v62;
	v48 =	vmul.f32 v4, v3  }
0x26e: {  	v54 =	vld [tilespmem:$0x1FF70];
	v33 =	vadd.s32 v49, v62;
	v37 =	vor.u32 $0x7620, v2;
	v36 =	vmul.f32 v4, v43  }
0x26f: {  	v47 =	vor.u32 $0x8B20, v2;
	v42 =	vadd.s32 v37, v62;
	[tilespmem:v14+s25+$0x0] =	vst.idx.add.f32.msk $0xffff, v48;
	v14 =	vmul.f32 v4, v24  }
0x270: {  	v49 =	vor.u32 $0xA020, v2;
	v48 =	vadd.s32 v47, v62;
	[tilespmem:v13+s25+$0x0] =	vst.idx.add.f32.msk $0xffff, v36;
	v13 =	vmul.f32 v4, v25  }
0x271: {  	[tilespmem:v30+s25+$0x0] =	vst.idx.add.f32.msk $0xffff, v14;
	v14 =	vmul.f32 v4, v26;
	v30 =	vadd.s32 v49, v62  }
0x272: {  	[tilespmem:v31+s25+$0x0] =	vst.idx.add.f32.msk $0xffff, v13;
	v13 =	vmul.f32 v4, v27;
	v31 =	vor.u32 $0x1B, v23  }
0x273: {  	[tilespmem:v33+s25+$0x0] =	vst.idx.add.f32.msk $0xffff, v14;
	v14 =	vmul.f32 v4, v28  }
0x274: {  	v4 =	vmul.f32 v4, v29;
	[tilespmem:v42+s25+$0x0] =	vst.idx.add.f32.msk $0xffff, v13  }
0x275: {  	[tilespmem:v48+s25+$0x0] =	vst.idx.add.f32.msk $0xffff, v14  }
0x276: {  	[tilespmem:v30+s25+$0x0] =	vst.idx.add.f32.msk $0xffff, v4  }
0x277: {  	v4 =	vld.idx.msk [tilespmem:v31+s22+$0x0], $0xffff;
	_ =	sdelay $0x1  }
0x278: {  	v13 =	vsel vm8, v61, v54  }
0x279: {  	v13 =	vmul.f32 v13, v63;
	v14 =	vor.u32 $0xE70, v2  }
0x27a: {  	v14 =	vadd.s32 v14, v62;
	v30 =	vor.u32 $0x2370, v2  }
0x27b: {  	v4 =	vadd.f32 v4, v13;
	v13 =	vadd.s32 v30, v62;
	v30 =	vor.u32 $0x3870, v2  }
0x27c: {  	v31 =	vor.u32 $0x4D70, v2;
	v30 =	vadd.s32 v30, v62  }
0x27d: {  	v37 =	vor.u32 $0x6270, v2;
	v31 =	vadd.s32 v31, v62;
	v36 =	vmul.f32 v4, v3  }
0x27e: {  	v57 =	vmovc v1;
	v1 =	vld [tilespmem:$0x1FE70];
	v47 =	vor.u32 $0x7770, v2;
	v33 =	vadd.s32 v37, v62;
	v42 =	vmul.f32 v4, v43  }
0x27f: {  	v48 =	vadd.s32 v47, v62;
	[tilespmem:v14+s25+$0x0] =	vst.idx.add.f32.msk $0xffff, v36;
	v14 =	vmul.f32 v4, v24  }
0x280: {  	v49 =	vor.u32 $0x8C70, v2;
	[tilespmem:v13+s25+$0x0] =	vst.idx.add.f32.msk $0xffff, v42;
	v13 =	vmul.f32 v4, v25  }
0x281: {  	v54 =	vadd.s32 v49, v62;
	v36 =	vor.u32 $0xA170, v2;
	[tilespmem:v30+s25+$0x0] =	vst.idx.add.f32.msk $0xffff, v14;
	v14 =	vmul.f32 v4, v26  }
0x282: {  	v30 =	vadd.s32 v36, v62;
	[tilespmem:v31+s25+$0x0] =	vst.idx.add.f32.msk $0xffff, v13;
	v13 =	vmul.f32 v4, v27  }
0x283: {  	v31 =	vor.u32 $0x1C, v23;
	[tilespmem:v33+s25+$0x0] =	vst.idx.add.f32.msk $0xffff, v14  }
0x284: {  	v14 =	vmul.f32 v4, v28;
	[tilespmem:v48+s25+$0x0] =	vst.idx.add.f32.msk $0xffff, v13  }
0x285: {  	v4 =	vmul.f32 v4, v29;
	v13 =	vld [tilespmem:$0x1FE80]  }
0x286: {  	[tilespmem:v54+s25+$0x0] =	vst.idx.add.f32.msk $0xffff, v14  }
0x287: {  	[tilespmem:v30+s25+$0x0] =	vst.idx.add.f32.msk $0xffff, v4  }
0x288: {  	v4 =	vld.idx.msk [tilespmem:v31+s22+$0x0], $0xffff;
	_ =	sdelay $0x1  }
0x289: {  	v13 =	vsel vm8, v1, v13  }
0x28a: {  	v14 =	vor.u32 $0xFC0, v2;
	v13 =	vmul.f32 v13, v63  }
0x28b: {  	v14 =	vadd.s32 v14, v62;
	v30 =	vor.u32 $0x24C0, v2  }
0x28c: {  	v4 =	vadd.f32 v4, v13;
	v13 =	vadd.s32 v30, v62;
	v30 =	vor.u32 $0x39C0, v2  }
0x28d: {  	v31 =	vor.u32 $0x4EC0, v2;
	v30 =	vadd.s32 v30, v62  }
0x28e: {  	v42 =	vor.u32 $0x63C0, v2;
	v31 =	vadd.s32 v31, v62;
	v37 =	vmul.f32 v4, v3  }
0x28f: {  	v33 =	vadd.s32 v42, v62;
	v48 =	vor.u32 $0x78C0, v2;
	v1 =	vld [tilespmem:$0x1FE90];
	v47 =	vmul.f32 v4, v43  }
0x290: {  	v49 =	vadd.s32 v48, v62;
	[tilespmem:v14+s25+$0x0] =	vst.idx.add.f32.msk $0xffff, v37;
	v14 =	vmul.f32 v4, v24  }
0x291: {  	v54 =	vor.u32 $0x8DC0, v2;
	[tilespmem:v13+s25+$0x0] =	vst.idx.add.f32.msk $0xffff, v47;
	v13 =	vmul.f32 v4, v25  }
0x292: {  	v36 =	vadd.s32 v54, v62;
	v37 =	vor.u32 $0xA2C0, v2;
	[tilespmem:v30+s25+$0x0] =	vst.idx.add.f32.msk $0xffff, v14;
	v14 =	vmul.f32 v4, v26  }
0x293: {  	v30 =	vadd.s32 v37, v62;
	[tilespmem:v31+s25+$0x0] =	vst.idx.add.f32.msk $0xffff, v13;
	v13 =	vmul.f32 v4, v27  }
0x294: {  	v31 =	vor.u32 $0x1D, v23;
	[tilespmem:v33+s25+$0x0] =	vst.idx.add.f32.msk $0xffff, v14  }
0x295: {  	v14 =	vmul.f32 v4, v28;
	[tilespmem:v49+s25+$0x0] =	vst.idx.add.f32.msk $0xffff, v13  }
0x296: {  	v4 =	vmul.f32 v4, v29;
	v13 =	vld [tilespmem:$0x1FEA0]  }
0x297: {  	[tilespmem:v36+s25+$0x0] =	vst.idx.add.f32.msk $0xffff, v14  }
0x298: {  	[tilespmem:v30+s25+$0x0] =	vst.idx.add.f32.msk $0xffff, v4  }
0x299: {  	v4 =	vld.idx.msk [tilespmem:v31+s22+$0x0], $0xffff;
	_ =	sdelay $0x1  }
0x29a: {  	v13 =	vsel vm8, v1, v13  }
0x29b: {  	v14 =	vor.u32 $0x1110, v2;
	v13 =	vmul.f32 v13, v63  }
0x29c: {  	v14 =	vadd.s32 v14, v62;
	v30 =	vor.u32 $0x2610, v2  }
0x29d: {  	v4 =	vadd.f32 v4, v13;
	v13 =	vadd.s32 v30, v62;
	v30 =	vor.u32 $0x3B10, v2  }
0x29e: {  	v31 =	vor.u32 $0x5010, v2;
	v30 =	vadd.s32 v30, v62  }
0x29f: {  	v47 =	vor.u32 $0x6510, v2;
	v31 =	vadd.s32 v31, v62;
	v42 =	vmul.f32 v4, v3  }
0x2a0: {  	v33 =	vadd.s32 v47, v62;
	v49 =	vor.u32 $0x7A10, v2;
	v1 =	vld [tilespmem:$0x1FEB0];
	v48 =	vmul.f32 v4, v43  }
0x2a1: {  	v54 =	vadd.s32 v49, v62;
	[tilespmem:v14+s25+$0x0] =	vst.idx.add.f32.msk $0xffff, v42;
	v14 =	vmul.f32 v4, v24  }
0x2a2: {  	v36 =	vor.u32 $0x8F10, v2;
	[tilespmem:v13+s25+$0x0] =	vst.idx.add.f32.msk $0xffff, v48;
	v13 =	vmul.f32 v4, v25  }
0x2a3: {  	v37 =	vadd.s32 v36, v62;
	v42 =	vor.u32 $0xA410, v2;
	[tilespmem:v30+s25+$0x0] =	vst.idx.add.f32.msk $0xffff, v14;
	v14 =	vmul.f32 v4, v26  }
0x2a4: {  	v30 =	vadd.s32 v42, v62;
	[tilespmem:v31+s25+$0x0] =	vst.idx.add.f32.msk $0xffff, v13;
	v13 =	vmul.f32 v4, v27  }
0x2a5: {  	v31 =	vor.u32 $0x1E, v23;
	[tilespmem:v33+s25+$0x0] =	vst.idx.add.f32.msk $0xffff, v14  }
0x2a6: {  	v14 =	vmul.f32 v4, v28;
	[tilespmem:v54+s25+$0x0] =	vst.idx.add.f32.msk $0xffff, v13  }
0x2a7: {  	v4 =	vmul.f32 v4, v29;
	v13 =	vld [tilespmem:$0x1FEC0]  }
0x2a8: {  	[tilespmem:v37+s25+$0x0] =	vst.idx.add.f32.msk $0xffff, v14  }
0x2a9: {  	[tilespmem:v30+s25+$0x0] =	vst.idx.add.f32.msk $0xffff, v4  }
0x2aa: {  	v4 =	vld.idx.msk [tilespmem:v31+s22+$0x0], $0xffff;
	_ =	sdelay $0x1  }
0x2ab: {  	v13 =	vsel vm8, v1, v13  }
0x2ac: {  	v14 =	vor.u32 $0x1260, v2;
	v13 =	vmul.f32 v13, v63  }
0x2ad: {  	v14 =	vadd.s32 v14, v62;
	v30 =	vor.u32 $0x2760, v2  }
0x2ae: {  	v4 =	vadd.f32 v4, v13;
	v13 =	vadd.s32 v30, v62  }
0x2af: {  	v48 =	vor.u32 $0x6660, v2;
	v30 =	vor.u32 $0x3C60, v2  }
0x2b0: {  	v31 =	vor.u32 $0x5160, v2;
	v30 =	vadd.s32 v30, v62;
	v47 =	vmul.f32 v4, v3  }
0x2b1: {  	v33 =	vadd.s32 v48, v62;
	v48 =	vld [tilespmem:$0x1FF80];
	v31 =	vadd.s32 v31, v62;
	v49 =	vmul.f32 v4, v43  }
0x2b2: {  	v54 =	vor.u32 $0x7B60, v2;
	[tilespmem:v14+s25+$0x0] =	vst.idx.add.f32.msk $0xffff, v47  }
0x2b3: {  	v36 =	vadd.s32 v54, v62;
	v37 =	vor.u32 $0x9060, v2;
	v14 =	vmul.f32 v4, v24;
	[tilespmem:v13+s25+$0x0] =	vst.idx.add.f32.msk $0xffff, v49  }
0x2b4: {  	v42 =	vadd.s32 v37, v62;
	v47 =	vor.u32 $0xA560, v2;
	v13 =	vmul.f32 v4, v25;
	v49 =	vld [tilespmem:$0x1FF90]  }
0x2b5: {  	[tilespmem:v30+s25+$0x0] =	vst.idx.add.f32.msk $0xffff, v14;
	v14 =	vmul.f32 v4, v26;
	v30 =	vadd.s32 v47, v62  }
0x2b6: {  	v1 =	vor.u32 $0x1F, v23;
	[tilespmem:v31+s25+$0x0] =	vst.idx.add.f32.msk $0xffff, v13;
	v13 =	vmul.f32 v4, v27  }
0x2b7: {  	[tilespmem:v33+s25+$0x0] =	vst.idx.add.f32.msk $0xffff, v14;
	v14 =	vmul.f32 v4, v28  }
0x2b8: {  	v4 =	vmul.f32 v4, v29;
	[tilespmem:v36+s25+$0x0] =	vst.idx.add.f32.msk $0xffff, v13  }
0x2b9: {  	[tilespmem:v42+s25+$0x0] =	vst.idx.add.f32.msk $0xffff, v14  }
0x2ba: {  	[tilespmem:v30+s25+$0x0] =	vst.idx.add.f32.msk $0xffff, v4  }
0x2bb: {  	v1 =	vld.idx.msk [tilespmem:v1+s22+$0x0], $0xffff;
	_ =	sdelay $0x1  }
0x2bc: {  	v4 =	vsel vm8, v48, v49  }
0x2bd: {  	v13 =	vor.u32 $0x13B0, v2;
	v4 =	vmul.f32 v4, v63  }
0x2be: {  	v13 =	vadd.s32 v13, v62;
	v14 =	vor.u32 $0x28B0, v2  }
0x2bf: {  	v1 =	vadd.f32 v1, v4;
	v4 =	vadd.s32 v14, v62;
	v14 =	vor.u32 $0x3DB0, v2  }
0x2c0: {  	v14 =	vadd.s32 v14, v62  }
0x2c1: {  	v30 =	vor.u32 $0x52B0, v2;
	v49 =	vld [tilespmem:$0x1FF30];
	v3 =	vmul.f32 v1, v3  }
0x2c2: {  	v63 =	vld [tilespmem:$0x1FFF0];
	v30 =	vadd.s32 v30, v62;
	v23 =	vmul.f32 v1, v43  }
0x2c3: {  	[tilespmem:v13+s25+$0x0] =	vst.idx.add.f32.msk $0xffff, v3;
	v3 =	vmul.f32 v1, v24  }
0x2c4: {  	v31 =	vor.u32 $0x67B0, v2;
	[tilespmem:v4+s25+$0x0] =	vst.idx.add.f32.msk $0xffff, v23  }
0x2c5: {  	v31 =	vadd.s32 v31, v62;
	v4 =	vmul.f32 v1, v25;
	[tilespmem:v14+s25+$0x0] =	vst.idx.add.f32.msk $0xffff, v3  }
0x2c6: {  	v54 =	vor.u32 $0x7CB0, v2;
	v14 =	vmul.f32 v1, v26;
	v26 =	vld [tilespmem:$0x1FEE0]  }
0x2c7: {  	v13 =	vadd.s32 v54, v62;
	v24 =	vor.u32 $0x91B0, v2;
	[tilespmem:v30+s25+$0x0] =	vst.idx.add.f32.msk $0xffff, v4  }
0x2c8: {  	v23 =	vadd.s32 v24, v62;
	v24 =	vor.u32 $0xA6B0, v2;
	v30 =	vld [tilespmem:$0x1FF10]  }
0x2c9: {  	p0 =	sne.s32 s5, $0x1F0;
	v3 =	vadd.s32 v24, v62;
	v4 =	vmul.f32 v1, v27;
	v27 =	vld [tilespmem:$0x1FF00]  }
.Ltmp9:
0x2ca: {  	[tilespmem:v31+s25+$0x0] =	vst.idx.add.f32.msk $0xffff, v14;
	(pc) =	sbr.rel @p0 .LBB2_18-.Ltmp9, $4  }
0x2cb: {  	v14 =	vmul.f32 v1, v28;
	v28 =	vld [tilespmem:$0x1FF20]  }
0x2cc: {  	v1 =	vmul.f32 v1, v29;
	[tilespmem:v13+s25+$0x0] =	vst.idx.add.f32.msk $0xffff, v4  }
0x2cd: {  	s31 =	sadd.s32 $0x10, s31;
	s7 =	sadd.s32 $0x10, s7;
	[tilespmem:v23+s25+$0x0] =	vst.idx.add.f32.msk $0xffff, v14  }
0x2ce: {  	s5 =	sadd.s32 $0x10, s5;
	s4 =	sadd.s32 $0x10, s4;
	s29 =	sadd.s32 $0x1, s29;
	[tilespmem:v3+s25+$0x0] =	vst.idx.add.f32.msk $0xffff, v1  }
0x2cf: {  	s30 =	sadd.s32 $0x1, s30  }
0x2d0: {  	p0 =	sne.s32 s30, s28  }
.Ltmp10:
0x2d1: {  	_ = 	snop;
	(pc) =	sbr.rel @p0 .LBB2_15-.Ltmp10, $2  }
0x2d2: {  	_ =	sdelay $0x2  }
0x2d3: {  	s6 =	sadd.s32 $0x20, s6  }
.LBB2_20:
0x2d4: {  	s4 =	simm.s32 $0x0;
	s5 =	simm.s32 $0x40  }
.LBB2_21:
0x2d5: {  	p0 =	sne.s32 s5, $0x29C0;
	v1 =	vld [tilespmem:s4+$0x1980];
	_ =	sdelay $0x4  }
0x2d6: {  	v1 =	vadd.f32 $1.000000020e-16, v1;
	_ =	sdelay $0x1  }
0x2d7: {  	(erf) = vrcp.f32 v1;
	_ =	sdelay $0x5  }
.Ltmp11:
0x2d8: {  	(pc) =	sbr.rel @p0 .LBB2_21-.Ltmp11, $3  }
0x2d9: {  	_ =	sdelay $0x1  }
0x2da: {  	v1 =	vpop (erf)  }
0x2db: {  	[tilespmem:s4+$0x1980] =	vst v1;
	s4 =	sshra.s32 s5, $0x2;
	s5 =	sadd.s32 $0x40, s5  }
0x2dc: {  	v1 =	vld [tilespmem:s4+$0x1980];
	_ =	sdelay $0x4  }
0x2dd: {  	v1 =	vadd.f32 $1.000000020e-16, v1;
	_ =	sdelay $0x1  }
0x2de: {  	(erf) = vrcp.f32 v1;
	_ =	sdelay $0x7  }
0x2df: {  	s5 =	simm.s32 $0x0  }
0x2e0: {  	s5 =	smul.u32 $0x540, s5;
	v1 =	vpop (erf)  }
0x2e1: {  	[tilespmem:s4+$0x1980] =	vst v1;
	s4 =	simm.s32 $0x24B0  }
0x2e2: {  	s5 =	sshra.s32 s5, $0x2;
	v1 =	vld [tilespmem:s4+$0xFFFFFF60]  }
0x2e3: {  	v3 =	vld [tilespmem:s5+$0x1980];
	_ =	sdelay $0x4  }
0x2e4: {  	v1 =	vmul.f32 v3, v1;
	_ =	sdelay $0x1  }
0x2e5: {  	[tilespmem:s4+$0xFFFFFF60] =	vst v1;
	v1 =	vld [tilespmem:s4+$0xFFFFFF70]  }
0x2e6: {  	v3 =	vld [tilespmem:s5+$0x1990];
	_ =	sdelay $0x4  }
0x2e7: {  	v1 =	vmul.f32 v3, v1;
	_ =	sdelay $0x1  }
0x2e8: {  	[tilespmem:s4+$0xFFFFFF70] =	vst v1;
	v1 =	vld [tilespmem:s4+$0xFFFFFF80]  }
0x2e9: {  	v3 =	vld [tilespmem:s5+$0x19A0];
	_ =	sdelay $0x4  }
0x2ea: {  	v1 =	vmul.f32 v3, v1;
	_ =	sdelay $0x1  }
0x2eb: {  	[tilespmem:s4+$0xFFFFFF80] =	vst v1;
	v1 =	vld [tilespmem:s4+$0xFFFFFF90]  }
0x2ec: {  	v3 =	vld [tilespmem:s5+$0x19B0];
	_ =	sdelay $0x4  }
0x2ed: {  	v1 =	vmul.f32 v3, v1;
	_ =	sdelay $0x1  }
0x2ee: {  	[tilespmem:s4+$0xFFFFFF90] =	vst v1;
	v1 =	vld [tilespmem:s4+$0xFFFFFFA0]  }
0x2ef: {  	v3 =	vld [tilespmem:s5+$0x19C0];
	_ =	sdelay $0x4  }
0x2f0: {  	v1 =	vmul.f32 v3, v1;
	_ =	sdelay $0x1  }
0x2f1: {  	[tilespmem:s4+$0xFFFFFFA0] =	vst v1;
	v1 =	vld [tilespmem:s4+$0xFFFFFFB0]  }
0x2f2: {  	v3 =	vld [tilespmem:s5+$0x19D0];
	_ =	sdelay $0x4  }
0x2f3: {  	v1 =	vmul.f32 v3, v1;
	_ =	sdelay $0x1  }
0x2f4: {  	[tilespmem:s4+$0xFFFFFFB0] =	vst v1;
	v1 =	vld [tilespmem:s4+$0xFFFFFFC0]  }
0x2f5: {  	v3 =	vld [tilespmem:s5+$0x19E0];
	_ =	sdelay $0x4  }
0x2f6: {  	v1 =	vmul.f32 v3, v1;
	_ =	sdelay $0x1  }
0x2f7: {  	[tilespmem:s4+$0xFFFFFFC0] =	vst v1;
	v1 =	vld [tilespmem:s4+$0xFFFFFFD0]  }
0x2f8: {  	v3 =	vld [tilespmem:s5+$0x19F0];
	_ =	sdelay $0x4  }
0x2f9: {  	v1 =	vmul.f32 v3, v1;
	_ =	sdelay $0x1  }
0x2fa: {  	[tilespmem:s4+$0xFFFFFFD0] =	vst v1;
	v1 =	vld [tilespmem:s4+$0xFFFFFFE0]  }
0x2fb: {  	v3 =	vld [tilespmem:s5+$0x1A00];
	_ =	sdelay $0x4  }
0x2fc: {  	v1 =	vmul.f32 v3, v1;
	_ =	sdelay $0x1  }
0x2fd: {  	[tilespmem:s4+$0xFFFFFFE0] =	vst v1;
	v1 =	vld [tilespmem:s4+$0xFFFFFFF0]  }
0x2fe: {  	v3 =	vld [tilespmem:s5+$0x1A10];
	_ =	sdelay $0x4  }
0x2ff: {  	v1 =	vmul.f32 v3, v1;
	_ =	sdelay $0x1  }
0x300: {  	[tilespmem:s4+$0xFFFFFFF0] =	vst v1;
	v1 =	vld [tilespmem:s4+$0x0]  }
0x301: {  	v3 =	vld [tilespmem:s5+$0x1A20];
	_ =	sdelay $0x4  }
0x302: {  	v1 =	vmul.f32 v3, v1;
	_ =	sdelay $0x1  }
0x303: {  	[tilespmem:s4+$0x0] =	vst v1;
	v1 =	vld [tilespmem:s4+$0x10]  }
0x304: {  	v3 =	vld [tilespmem:s5+$0x1A30];
	_ =	sdelay $0x4  }
0x305: {  	v1 =	vmul.f32 v3, v1;
	_ =	sdelay $0x1  }
0x306: {  	[tilespmem:s4+$0x10] =	vst v1;
	v1 =	vld [tilespmem:s4+$0x20]  }
0x307: {  	v3 =	vld [tilespmem:s5+$0x1A40];
	_ =	sdelay $0x4  }
0x308: {  	v1 =	vmul.f32 v3, v1;
	_ =	sdelay $0x1  }
0x309: {  	[tilespmem:s4+$0x20] =	vst v1;
	v1 =	vld [tilespmem:s4+$0x30]  }
0x30a: {  	v3 =	vld [tilespmem:s5+$0x1A50];
	_ =	sdelay $0x4  }
0x30b: {  	v1 =	vmul.f32 v3, v1;
	_ =	sdelay $0x1  }
0x30c: {  	[tilespmem:s4+$0x30] =	vst v1;
	v1 =	vld [tilespmem:s4+$0x40]  }
0x30d: {  	v3 =	vld [tilespmem:s5+$0x1A60];
	_ =	sdelay $0x4  }
0x30e: {  	v1 =	vmul.f32 v3, v1;
	_ =	sdelay $0x1  }
0x30f: {  	[tilespmem:s4+$0x40] =	vst v1;
	v1 =	vld [tilespmem:s4+$0x50]  }
0x310: {  	v3 =	vld [tilespmem:s5+$0x1A70];
	_ =	sdelay $0x4  }
0x311: {  	v1 =	vmul.f32 v3, v1;
	_ =	sdelay $0x1  }
0x312: {  	[tilespmem:s4+$0x50] =	vst v1;
	v1 =	vld [tilespmem:s4+$0x60]  }
0x313: {  	v3 =	vld [tilespmem:s5+$0x1A80];
	_ =	sdelay $0x4  }
0x314: {  	v1 =	vmul.f32 v3, v1;
	_ =	sdelay $0x1  }
0x315: {  	[tilespmem:s4+$0x60] =	vst v1;
	v1 =	vld [tilespmem:s4+$0x70]  }
0x316: {  	v3 =	vld [tilespmem:s5+$0x1A90];
	_ =	sdelay $0x4  }
0x317: {  	v1 =	vmul.f32 v3, v1;
	_ =	sdelay $0x1  }
0x318: {  	[tilespmem:s4+$0x70] =	vst v1;
	v1 =	vld [tilespmem:s4+$0x80]  }
0x319: {  	v3 =	vld [tilespmem:s5+$0x1AA0];
	_ =	sdelay $0x4  }
0x31a: {  	v1 =	vmul.f32 v3, v1;
	_ =	sdelay $0x1  }
0x31b: {  	[tilespmem:s4+$0x80] =	vst v1;
	v1 =	vld [tilespmem:s4+$0x90]  }
0x31c: {  	v3 =	vld [tilespmem:s5+$0x1AB0];
	_ =	sdelay $0x4  }
0x31d: {  	v1 =	vmul.f32 v3, v1;
	_ =	sdelay $0x1  }
0x31e: {  	[tilespmem:s4+$0x90] =	vst v1;
	v1 =	vld [tilespmem:s4+$0xA0]  }
0x31f: {  	v3 =	vld [tilespmem:s5+$0x1AC0];
	_ =	sdelay $0x3  }
0x320: {  	s7 =	simm.s32 $0x0;
	s6 =	simm.s32 $0x2;
	s5 =	simm.s32 $0x24B0  }
.LBB2_23:
0x321: {  	p0 =	sne.s32 s6, $0x7F;
	s7 =	smul.u32 $0x540, s7;
	v1 =	vmul.f32 v3, v1  }
0x322: {  	s4 =	sadd.s32 $0x150, s4  }
0x323: {  	v3 =	vld [tilespmem:s4+$0xFFFFFF60];
	s7 =	sshra.s32 s7, $0x2;
	[tilespmem:s5+$0xA0] =	vst v1;
	s5 =	smov.u32 s4  }
0x324: {  	v1 =	vld [tilespmem:s7+$0x1980];
	_ =	sdelay $0x4  }
0x325: {  	v1 =	vmul.f32 v1, v3;
	_ =	sdelay $0x1  }
0x326: {  	[tilespmem:s4+$0xFFFFFF60] =	vst v1;
	v1 =	vld [tilespmem:s4+$0xFFFFFF70]  }
0x327: {  	v3 =	vld [tilespmem:s7+$0x1990];
	_ =	sdelay $0x4  }
0x328: {  	v1 =	vmul.f32 v3, v1;
	_ =	sdelay $0x1  }
0x329: {  	[tilespmem:s4+$0xFFFFFF70] =	vst v1;
	v1 =	vld [tilespmem:s4+$0xFFFFFF80]  }
0x32a: {  	v3 =	vld [tilespmem:s7+$0x19A0];
	_ =	sdelay $0x4  }
0x32b: {  	v1 =	vmul.f32 v3, v1;
	_ =	sdelay $0x1  }
0x32c: {  	[tilespmem:s4+$0xFFFFFF80] =	vst v1;
	v1 =	vld [tilespmem:s4+$0xFFFFFF90]  }
0x32d: {  	v3 =	vld [tilespmem:s7+$0x19B0];
	_ =	sdelay $0x4  }
0x32e: {  	v1 =	vmul.f32 v3, v1;
	_ =	sdelay $0x1  }
0x32f: {  	[tilespmem:s4+$0xFFFFFF90] =	vst v1;
	v1 =	vld [tilespmem:s4+$0xFFFFFFA0]  }
0x330: {  	v3 =	vld [tilespmem:s7+$0x19C0];
	_ =	sdelay $0x4  }
0x331: {  	v1 =	vmul.f32 v3, v1;
	_ =	sdelay $0x1  }
0x332: {  	[tilespmem:s4+$0xFFFFFFA0] =	vst v1;
	v1 =	vld [tilespmem:s4+$0xFFFFFFB0]  }
0x333: {  	v3 =	vld [tilespmem:s7+$0x19D0];
	_ =	sdelay $0x4  }
0x334: {  	v1 =	vmul.f32 v3, v1;
	_ =	sdelay $0x1  }
0x335: {  	[tilespmem:s4+$0xFFFFFFB0] =	vst v1;
	v1 =	vld [tilespmem:s4+$0xFFFFFFC0]  }
0x336: {  	v3 =	vld [tilespmem:s7+$0x19E0];
	_ =	sdelay $0x4  }
0x337: {  	v1 =	vmul.f32 v3, v1;
	_ =	sdelay $0x1  }
0x338: {  	[tilespmem:s4+$0xFFFFFFC0] =	vst v1;
	v1 =	vld [tilespmem:s4+$0xFFFFFFD0]  }
0x339: {  	v3 =	vld [tilespmem:s7+$0x19F0];
	_ =	sdelay $0x4  }
0x33a: {  	v1 =	vmul.f32 v3, v1;
	_ =	sdelay $0x1  }
0x33b: {  	[tilespmem:s4+$0xFFFFFFD0] =	vst v1;
	v1 =	vld [tilespmem:s4+$0xFFFFFFE0]  }
0x33c: {  	v3 =	vld [tilespmem:s7+$0x1A00];
	_ =	sdelay $0x4  }
0x33d: {  	v1 =	vmul.f32 v3, v1;
	_ =	sdelay $0x1  }
0x33e: {  	[tilespmem:s4+$0xFFFFFFE0] =	vst v1;
	v1 =	vld [tilespmem:s4+$0xFFFFFFF0]  }
0x33f: {  	v3 =	vld [tilespmem:s7+$0x1A10];
	_ =	sdelay $0x4  }
0x340: {  	v1 =	vmul.f32 v3, v1;
	_ =	sdelay $0x1  }
0x341: {  	[tilespmem:s4+$0xFFFFFFF0] =	vst v1;
	v1 =	vld [tilespmem:s4+$0x0]  }
0x342: {  	v3 =	vld [tilespmem:s7+$0x1A20];
	_ =	sdelay $0x4  }
0x343: {  	v1 =	vmul.f32 v3, v1;
	_ =	sdelay $0x1  }
0x344: {  	[tilespmem:s4+$0x0] =	vst v1;
	v1 =	vld [tilespmem:s4+$0x10]  }
0x345: {  	v3 =	vld [tilespmem:s7+$0x1A30];
	_ =	sdelay $0x4  }
0x346: {  	v1 =	vmul.f32 v3, v1;
	_ =	sdelay $0x1  }
0x347: {  	[tilespmem:s4+$0x10] =	vst v1;
	v1 =	vld [tilespmem:s4+$0x20]  }
0x348: {  	v3 =	vld [tilespmem:s7+$0x1A40];
	_ =	sdelay $0x4  }
0x349: {  	v1 =	vmul.f32 v3, v1;
	_ =	sdelay $0x1  }
0x34a: {  	[tilespmem:s4+$0x20] =	vst v1;
	v1 =	vld [tilespmem:s4+$0x30]  }
0x34b: {  	v3 =	vld [tilespmem:s7+$0x1A50];
	_ =	sdelay $0x4  }
0x34c: {  	v1 =	vmul.f32 v3, v1;
	_ =	sdelay $0x1  }
0x34d: {  	[tilespmem:s4+$0x30] =	vst v1;
	v1 =	vld [tilespmem:s4+$0x40]  }
0x34e: {  	v3 =	vld [tilespmem:s7+$0x1A60];
	_ =	sdelay $0x4  }
0x34f: {  	v1 =	vmul.f32 v3, v1;
	_ =	sdelay $0x1  }
0x350: {  	[tilespmem:s4+$0x40] =	vst v1;
	v1 =	vld [tilespmem:s4+$0x50]  }
0x351: {  	v3 =	vld [tilespmem:s7+$0x1A70];
	_ =	sdelay $0x4  }
0x352: {  	v1 =	vmul.f32 v3, v1;
	_ =	sdelay $0x1  }
0x353: {  	[tilespmem:s4+$0x50] =	vst v1;
	v1 =	vld [tilespmem:s4+$0x60]  }
0x354: {  	v3 =	vld [tilespmem:s7+$0x1A80];
	_ =	sdelay $0x4  }
0x355: {  	v1 =	vmul.f32 v3, v1;
	_ =	sdelay $0x1  }
0x356: {  	[tilespmem:s4+$0x60] =	vst v1;
	v1 =	vld [tilespmem:s4+$0x70]  }
0x357: {  	v3 =	vld [tilespmem:s7+$0x1A90];
	_ =	sdelay $0x4  }
0x358: {  	v1 =	vmul.f32 v3, v1;
	_ =	sdelay $0x1  }
0x359: {  	[tilespmem:s4+$0x70] =	vst v1;
	v1 =	vld [tilespmem:s4+$0x80]  }
0x35a: {  	v3 =	vld [tilespmem:s7+$0x1AA0];
	_ =	sdelay $0x4  }
0x35b: {  	v1 =	vmul.f32 v3, v1;
	_ =	sdelay $0x1  }
0x35c: {  	[tilespmem:s4+$0x80] =	vst v1;
	v1 =	vld [tilespmem:s4+$0x90]  }
0x35d: {  	v3 =	vld [tilespmem:s7+$0x1AB0];
	_ =	sdelay $0x4  }
0x35e: {  	v1 =	vmul.f32 v3, v1;
	_ =	sdelay $0x1  }
0x35f: {  	[tilespmem:s4+$0x90] =	vst v1;
	v1 =	vld [tilespmem:s4+$0xA0]  }
.Ltmp12:
0x360: {  	v3 =	vld [tilespmem:s7+$0x1AC0];
	(pc) =	sbr.rel @p0 .LBB2_23-.Ltmp12, $2  }
0x361: {  	_ =	sdelay $0x2  }
0x362: {  	s7 =	sshrl.u32 s6, $0x4;
	s6 =	sadd.s32 $0x1, s6  }
0x363: {  	s6 =	smul.u32 $0x540, s7;
	v1 =	vmul.f32 v3, v1  }
0x364: {  	s4 =	sadd.s32 $0x150, s4  }
0x365: {  	v3 =	vld [tilespmem:s4+$0xFFFFFF60];
	s6 =	sshra.s32 s6, $0x2;
	[tilespmem:s5+$0xA0] =	vst v1  }
0x366: {  	v1 =	vld [tilespmem:s6+$0x1980];
	_ =	sdelay $0x4  }
0x367: {  	v1 =	vmul.f32 v1, v3;
	_ =	sdelay $0x1  }
0x368: {  	[tilespmem:s4+$0xFFFFFF60] =	vst v1;
	v1 =	vld [tilespmem:s4+$0xFFFFFF70]  }
0x369: {  	v3 =	vld [tilespmem:s6+$0x1990];
	_ =	sdelay $0x4  }
0x36a: {  	v1 =	vmul.f32 v3, v1;
	_ =	sdelay $0x1  }
0x36b: {  	[tilespmem:s4+$0xFFFFFF70] =	vst v1;
	v1 =	vld [tilespmem:s4+$0xFFFFFF80]  }
0x36c: {  	v3 =	vld [tilespmem:s6+$0x19A0];
	_ =	sdelay $0x4  }
0x36d: {  	v1 =	vmul.f32 v3, v1;
	_ =	sdelay $0x1  }
0x36e: {  	[tilespmem:s4+$0xFFFFFF80] =	vst v1;
	v1 =	vld [tilespmem:s4+$0xFFFFFF90]  }
0x36f: {  	v3 =	vld [tilespmem:s6+$0x19B0];
	_ =	sdelay $0x4  }
0x370: {  	v1 =	vmul.f32 v3, v1;
	_ =	sdelay $0x1  }
0x371: {  	[tilespmem:s4+$0xFFFFFF90] =	vst v1;
	v1 =	vld [tilespmem:s4+$0xFFFFFFA0]  }
0x372: {  	v3 =	vld [tilespmem:s6+$0x19C0];
	_ =	sdelay $0x4  }
0x373: {  	v1 =	vmul.f32 v3, v1;
	_ =	sdelay $0x1  }
0x374: {  	[tilespmem:s4+$0xFFFFFFA0] =	vst v1;
	v1 =	vld [tilespmem:s4+$0xFFFFFFB0]  }
0x375: {  	v3 =	vld [tilespmem:s6+$0x19D0];
	_ =	sdelay $0x4  }
0x376: {  	v1 =	vmul.f32 v3, v1;
	_ =	sdelay $0x1  }
0x377: {  	[tilespmem:s4+$0xFFFFFFB0] =	vst v1;
	v1 =	vld [tilespmem:s4+$0xFFFFFFC0]  }
0x378: {  	v3 =	vld [tilespmem:s6+$0x19E0];
	_ =	sdelay $0x4  }
0x379: {  	v1 =	vmul.f32 v3, v1;
	_ =	sdelay $0x1  }
0x37a: {  	[tilespmem:s4+$0xFFFFFFC0] =	vst v1;
	v1 =	vld [tilespmem:s4+$0xFFFFFFD0]  }
0x37b: {  	v3 =	vld [tilespmem:s6+$0x19F0];
	_ =	sdelay $0x4  }
0x37c: {  	v1 =	vmul.f32 v3, v1;
	_ =	sdelay $0x1  }
0x37d: {  	[tilespmem:s4+$0xFFFFFFD0] =	vst v1;
	v1 =	vld [tilespmem:s4+$0xFFFFFFE0]  }
0x37e: {  	v3 =	vld [tilespmem:s6+$0x1A00];
	_ =	sdelay $0x4  }
0x37f: {  	v1 =	vmul.f32 v3, v1;
	_ =	sdelay $0x1  }
0x380: {  	[tilespmem:s4+$0xFFFFFFE0] =	vst v1;
	v1 =	vld [tilespmem:s4+$0xFFFFFFF0]  }
0x381: {  	v3 =	vld [tilespmem:s6+$0x1A10];
	_ =	sdelay $0x4  }
0x382: {  	v1 =	vmul.f32 v3, v1;
	_ =	sdelay $0x1  }
0x383: {  	[tilespmem:s4+$0xFFFFFFF0] =	vst v1;
	v1 =	vld [tilespmem:s4+$0x0]  }
0x384: {  	v3 =	vld [tilespmem:s6+$0x1A20];
	_ =	sdelay $0x4  }
0x385: {  	v1 =	vmul.f32 v3, v1;
	_ =	sdelay $0x1  }
0x386: {  	[tilespmem:s4+$0x0] =	vst v1;
	v1 =	vld [tilespmem:s4+$0x10]  }
0x387: {  	v3 =	vld [tilespmem:s6+$0x1A30];
	_ =	sdelay $0x4  }
0x388: {  	v1 =	vmul.f32 v3, v1;
	_ =	sdelay $0x1  }
0x389: {  	[tilespmem:s4+$0x10] =	vst v1;
	v1 =	vld [tilespmem:s4+$0x20]  }
0x38a: {  	v3 =	vld [tilespmem:s6+$0x1A40];
	_ =	sdelay $0x4  }
0x38b: {  	v1 =	vmul.f32 v3, v1;
	_ =	sdelay $0x1  }
0x38c: {  	[tilespmem:s4+$0x20] =	vst v1;
	v1 =	vld [tilespmem:s4+$0x30]  }
0x38d: {  	v3 =	vld [tilespmem:s6+$0x1A50];
	_ =	sdelay $0x4  }
0x38e: {  	v1 =	vmul.f32 v3, v1;
	_ =	sdelay $0x1  }
0x38f: {  	[tilespmem:s4+$0x30] =	vst v1;
	v1 =	vld [tilespmem:s4+$0x40]  }
0x390: {  	v3 =	vld [tilespmem:s6+$0x1A60];
	_ =	sdelay $0x4  }
0x391: {  	v1 =	vmul.f32 v3, v1;
	_ =	sdelay $0x1  }
0x392: {  	[tilespmem:s4+$0x40] =	vst v1;
	v1 =	vld [tilespmem:s4+$0x50]  }
0x393: {  	v3 =	vld [tilespmem:s6+$0x1A70];
	_ =	sdelay $0x4  }
0x394: {  	v1 =	vmul.f32 v3, v1;
	_ =	sdelay $0x1  }
0x395: {  	[tilespmem:s4+$0x50] =	vst v1;
	v1 =	vld [tilespmem:s4+$0x60]  }
0x396: {  	v3 =	vld [tilespmem:s6+$0x1A80];
	_ =	sdelay $0x4  }
0x397: {  	v1 =	vmul.f32 v3, v1;
	_ =	sdelay $0x1  }
0x398: {  	[tilespmem:s4+$0x60] =	vst v1;
	v1 =	vld [tilespmem:s4+$0x70]  }
0x399: {  	v3 =	vld [tilespmem:s6+$0x1A90];
	_ =	sdelay $0x4  }
0x39a: {  	v1 =	vmul.f32 v3, v1;
	_ =	sdelay $0x1  }
0x39b: {  	[tilespmem:s4+$0x70] =	vst v1;
	v1 =	vld [tilespmem:s4+$0x80]  }
0x39c: {  	v3 =	vld [tilespmem:s6+$0x1AA0];
	_ =	sdelay $0x4  }
0x39d: {  	v1 =	vmul.f32 v3, v1;
	_ =	sdelay $0x1  }
0x39e: {  	[tilespmem:s4+$0x80] =	vst v1;
	v1 =	vld [tilespmem:s4+$0x90]  }
0x39f: {  	v3 =	vld [tilespmem:s6+$0x1AB0];
	_ =	sdelay $0x4  }
0x3a0: {  	v1 =	vmul.f32 v3, v1;
	_ =	sdelay $0x1  }
0x3a1: {  	[tilespmem:s4+$0x90] =	vst v1;
	v1 =	vld [tilespmem:s4+$0xA0]  }
0x3a2: {  	v3 =	vld [tilespmem:s6+$0x1AC0];
	_ =	sdelay $0x4  }
0x3a3: {  	s26 =	sadd.s32 $0x1, s26;
	v1 =	vmul.f32 v3, v1  }
0x3a4: {  	p0 =	sne.s32 s26, s14  }
.Ltmp13:
0x3a5: {  	[tilespmem:s4+$0xA0] =	vst v1;
	(pc) =	sbr.rel @p0 .LBB2_1-.Ltmp13, $4  }
0x3a6: {  	[hbm4b:s13+s9] =	stream.linear.scatter [tilespmem:s25], [sflag:$0x1], $0xA800, $0x38;
	[tilespmem:$0x11610] =	vst v63  }
0x3a7: {  	_ =	swait.ge [sflag:s15], $0xA800  }
0x3a8: {  	[sflag:s15] =	ssyncset.done $0x0  }
0x3a9: {  	v3 =	vimm.f32 $0.0e+00;
	v1 =	vimm.f32 $-3.000000010e+38;
	[sflag:s15] =	ssyncadd.s32 $0xFFFF5800  }
0x3aa: {  	_ =	sfence.sel $0x180000  }
0x3ab: {  	[bflag:$0x0] =	sbarrier.arrive $0xFFFF  }
0x3ac: {  	_ =	strace $0x90000047  }
0x3ad: {  	s0 =	stileid.u32;
	[bflag:$0x2] =	sbarrier.arrive $0xFFFF  }
0x3ae: {  	p0 =	sne.s32 s0, $0x0;
	s0 =	rddreg [dreg:$0x9]  }
0x3af: {  	s0 =	sadd.s32 @!p0 $0x100000, s0  }
0x3b0: {  	[sflag:s0] =	ssyncadd.tile.s32 @!p0 $0x1;
	_ =	shalt  }
.Lfunc_end2:
_tile_overlayer_lowered:
.L_overlay_start_2:
0x3b1: {  	(tag) =	ssettag $0x2  }
0x3b2: {  	s0 =	rddreg [dreg:$0x0];
	s2 =	stileid.u32  }
0x3b3: {  	s1 =	rddreg [dreg:$0x1];
	p0 =	sne.s32 s2, $0x0  }
0x3b4: {  	s3 =	rddreg [dreg:$0x2];
	[bflag:$0x3] =	sbarrier.arrive $0xFFFF;
	s2 =	simm.s32 @!p0 $0x1C01  }
0x3b5: {  	[timem:s3], [sflag:s2] =	dma.local @!p0 [hbm:s0], s1  }
0x3b6: {  	s0 =	simm.s32 @!p0 $0x1  }
0x3b7: {  	_ =	swait.ge @!p0 [sflag:s0], s1  }
0x3b8: {  	s1 =	ssub.s32 @!p0 $0x0, s1;
	[sflag:s0] =	ssyncset.done @!p0 $0x0  }
0x3b9: {  	[sflag:s0] =	ssyncadd.s32 @!p0 s1  }
0x3ba: {  	[bflag:$0x3] =	sbarrier.arrive $0xFFFF  }
0x3bb: {  	_ =	shalt  }

</sc_bundles>
